<compile_context>
chip_gen: v7x
topology: tpu7x:2x2x1
jax: 0.10.2.dev20260603
libtpu: 0.0.44.dev20260713+nightly
codegen_flags: <defaults>
</compile_context>

<pallas_src>
import jax
import jax.numpy as jnp
from jax import lax
from jax.experimental import pallas as pl
from jax.experimental.pallas import tpu as pltpu
from jax.experimental.pallas import tpu_sc as plsc

N = 10000
E = 640000
H = 128
G = 128
FP_DIM = 2048

NC = 2
NS = 16
CHUNK = 128
EDGE_ROWS = 5120
E_PAD = EDGE_ROWS * CHUNK
IDX_BLK = 8

R0 = 160
R1 = 160

N_PAD = 10240
ZROWS = N_PAD // NS
BR = 1280
NB = N_PAD // BR


def _prelu(v, a):
    return jnp.where(v >= 0, v, a * v)



def _pre_body(x_ref, w_ref, b_ref, a_ref, o_ref):
    i = pl.program_id(0)
    v = jnp.dot(x_ref[...], w_ref[...], preferred_element_type=jnp.float32)
    v = _prelu(v + b_ref[...], a_ref[...])
    rows = lax.broadcasted_iota(jnp.int32, v.shape, 0) + i * BR
    o_ref[...] = jnp.where(rows < N, v, 0.0)


def _tc_pre(x_pad, W, b, a):
    return pl.pallas_call(
        _pre_body,
        grid=(NB,),
        in_specs=[
            pl.BlockSpec((BR, H), lambda i: (i, 0)),
            pl.BlockSpec((H, H), lambda i: (0, 0)),
            pl.BlockSpec((1, H), lambda i: (0, 0)),
            pl.BlockSpec((1, H), lambda i: (0, 0)),
        ],
        out_specs=pl.BlockSpec((BR, H), lambda i: (i, 0)),
        out_shape=jax.ShapeDtypeStruct((N_PAD, H), jnp.float32),
    )(x_pad, W, b, a)


def _combine_body(p_ref, h_ref, wl_ref, bl_ref, wr_ref, a_ref, o_ref):
    i = pl.program_id(0)
    agg = p_ref[0] + p_ref[1]
    v = jnp.dot(agg, wl_ref[...], preferred_element_type=jnp.float32)
    v += jnp.dot(h_ref[...], wr_ref[...], preferred_element_type=jnp.float32)
    v = _prelu(v + bl_ref[...], a_ref[...])
    rows = lax.broadcasted_iota(jnp.int32, v.shape, 0) + i * BR
    o_ref[...] = jnp.where(rows < N, v, 0.0)


def _tc_combine(P, h, Wl, bl, Wr, a):
    return pl.pallas_call(
        _combine_body,
        grid=(NB,),
        in_specs=[
            pl.BlockSpec((2, BR, H), lambda i: (0, i, 0)),
            pl.BlockSpec((BR, H), lambda i: (i, 0)),
            pl.BlockSpec((H, H), lambda i: (0, 0)),
            pl.BlockSpec((1, H), lambda i: (0, 0)),
            pl.BlockSpec((H, H), lambda i: (0, 0)),
            pl.BlockSpec((1, H), lambda i: (0, 0)),
        ],
        out_specs=pl.BlockSpec((BR, H), lambda i: (i, 0)),
        out_shape=jax.ShapeDtypeStruct((N_PAD, H), jnp.float32),
    )(P, h, Wl, bl, Wr, a)


def _tail_body(h_ref, b_ref, fp_ref, wfp_ref, bfp_ref, afp_ref,
               wpa_ref, wpb_ref, bp_ref, o_ref, acc, cnt):
    i = pl.program_id(0)

    @pl.when(i == 0)
    def _init():
        acc[...] = jnp.zeros((G, H), jnp.float32)
        cnt[...] = jnp.zeros((G, H), jnp.float32)

    bb = b_ref[0]
    oh = (bb[None, :] == lax.broadcasted_iota(jnp.int32, (G, BR), 0)
          ).astype(jnp.float32)
    acc[...] += jnp.dot(oh, h_ref[...], preferred_element_type=jnp.float32)
    cnt[...] += jnp.dot(oh, jnp.ones((BR, H), jnp.float32),
                        preferred_element_type=jnp.float32)

    @pl.when(i == NB - 1)
    def _fin():
        pooled = acc[...] / jnp.maximum(cnt[...], 1.0)
        fpe = jnp.dot(fp_ref[...], wfp_ref[...],
                      preferred_element_type=jnp.float32)
        fpe = _prelu(fpe + bfp_ref[...], afp_ref[...])
        out = jnp.dot(pooled, wpa_ref[...], preferred_element_type=jnp.float32)
        out += jnp.dot(fpe, wpb_ref[...], preferred_element_type=jnp.float32)
        o_ref[...] = out + bp_ref[...]


def _tc_tail(h2, batch2d, fp, W_fp, b_fp, a_fp, Wp_a, Wp_b, b_post):
    return pl.pallas_call(
        _tail_body,
        grid=(NB,),
        in_specs=[
            pl.BlockSpec((BR, H), lambda i: (i, 0)),
            pl.BlockSpec((1, BR), lambda i: (0, i)),
            pl.BlockSpec((G, FP_DIM), lambda i: (0, 0)),
            pl.BlockSpec((FP_DIM, H), lambda i: (0, 0)),
            pl.BlockSpec((1, H), lambda i: (0, 0)),
            pl.BlockSpec((1, H), lambda i: (0, 0)),
            pl.BlockSpec((H, H), lambda i: (0, 0)),
            pl.BlockSpec((H, H), lambda i: (0, 0)),
            pl.BlockSpec((1, H), lambda i: (0, 0)),
        ],
        out_specs=pl.BlockSpec((G, H), lambda i: (0, 0)),
        out_shape=jax.ShapeDtypeStruct((G, H), jnp.float32),
        scratch_shapes=[
            pltpu.VMEM((G, H), jnp.float32),
            pltpu.VMEM((G, H), jnp.float32),
        ],
    )(h2, batch2d, fp, W_fp, b_fp, a_fp, Wp_a, Wp_b, b_post)



def _sc_agg_body(h_hbm, srcdst_hbm, out_hbm, ib_a, ib_b, rows0, rows1, acc,
                 sem_g0, sem_g1, sem_ia, sem_ib, sem_s0, sem_s1):
    c = lax.axis_index("c")
    s = lax.axis_index("s")
    nrows = jnp.where(c == 0, R0, R1)
    start = pl.multiple_of(c * (NS * R0) + s * nrows, 8)

    pltpu.async_copy(srcdst_hbm.at[:, pl.ds(start, IDX_BLK)], ib_a, sem_ia)

    zero16 = jnp.zeros((16,), jnp.float32)

    def _zrow(i, _):
        def _zcol(j, _):
            rows0[i, pl.ds(j * 16, 16)] = zero16
            rows1[i, pl.ds(j * 16, 16)] = zero16
            return 0
        return lax.fori_loop(0, H // 16, _zcol, 0)

    lax.fori_loop(0, CHUNK, _zrow, 0)
    base = s * ZROWS
    for k in range(ZROWS // CHUNK):
        pltpu.sync_copy(rows0, acc.at[pl.ds(base + k * CHUNK, CHUNK)])
    plsc.subcore_barrier()

    pltpu.make_async_copy(srcdst_hbm.at[:, pl.ds(0, IDX_BLK)], ib_a, sem_ia).wait()
    pltpu.async_copy(rows0, acc.at[ib_a.at[1, 0]], sem_s0, add=True)
    pltpu.async_copy(rows1, acc.at[ib_a.at[1, 0]], sem_s1, add=True)

    gbuf = [(rows0, sem_g0, sem_s0), (rows1, sem_g1, sem_s1)]

    def _wait_scat(rbuf, sem):
        pltpu.make_async_copy(rbuf, acc.at[ib_a.at[1, 0]], sem).wait()

    def _run_block(ib):
        r0, g0, s0 = gbuf[0]
        _wait_scat(r0, s0)
        pltpu.async_copy(h_hbm.at[ib.at[0, 0]], r0, g0)
        for j in range(IDX_BLK):
            rp, gp, sp = gbuf[j % 2]
            if j + 1 < IDX_BLK:
                rq, gq, sq = gbuf[(j + 1) % 2]
                _wait_scat(rq, sq)
                pltpu.async_copy(h_hbm.at[ib.at[0, j + 1]], rq, gq)
            pltpu.make_async_copy(h_hbm.at[ib.at[0, j]], rp, gp).wait()
            pltpu.async_copy(rp, acc.at[ib.at[1, j]], sp, add=True)

    npairs = nrows // (2 * IDX_BLK)

    def _pair(p, _):
        off_b = pl.multiple_of(start + (2 * p + 1) * IDX_BLK, 8)
        off_n = pl.multiple_of(
            jnp.where(p + 1 < npairs, start + (2 * p + 2) * IDX_BLK, start), 8)
        pltpu.async_copy(srcdst_hbm.at[:, pl.ds(off_b, IDX_BLK)], ib_b, sem_ib)
        _run_block(ib_a)
        pltpu.make_async_copy(srcdst_hbm.at[:, pl.ds(0, IDX_BLK)], ib_b, sem_ib).wait()
        pltpu.async_copy(srcdst_hbm.at[:, pl.ds(off_n, IDX_BLK)], ib_a, sem_ia)
        _run_block(ib_b)
        pltpu.make_async_copy(srcdst_hbm.at[:, pl.ds(0, IDX_BLK)], ib_a, sem_ia).wait()
        return 0

    lax.fori_loop(0, npairs, _pair, 0)
    _wait_scat(rows0, sem_s0)
    _wait_scat(rows1, sem_s1)
    plsc.subcore_barrier()

    for k in range(ZROWS // CHUNK):
        off = base + k * CHUNK
        pltpu.sync_copy(acc.at[pl.ds(off, CHUNK)],
                        out_hbm.at[c, pl.ds(off, CHUNK)])


def _sc_agg(h_pad, srcdst):
    mesh = plsc.VectorSubcoreMesh(core_axis_name="c", subcore_axis_name="s",
                                  num_cores=NC, num_subcores=NS)
    f = pl.kernel(
        _sc_agg_body,
        jax.ShapeDtypeStruct((NC, N_PAD, H), jnp.float32),
        mesh=mesh,
        scratch_types=[
            pltpu.VMEM((2, IDX_BLK, CHUNK), jnp.int32),
            pltpu.VMEM((2, IDX_BLK, CHUNK), jnp.int32),
            pltpu.VMEM((CHUNK, H), jnp.float32),
            pltpu.VMEM((CHUNK, H), jnp.float32),
            pltpu.VMEM_SHARED((N_PAD, H), jnp.float32),
            pltpu.SemaphoreType.DMA,
            pltpu.SemaphoreType.DMA,
            pltpu.SemaphoreType.DMA,
            pltpu.SemaphoreType.DMA,
            pltpu.SemaphoreType.DMA,
            pltpu.SemaphoreType.DMA,
        ],
    )
    return f(h_pad, srcdst)



def kernel(x, fp, edge_index, batch, W_pre, b_pre, a_pre, Wl1, bl1, Wr1, a1,
           Wl2, bl2, Wr2, a2, W_fp, b_fp, a_fp, W_post, b_post):
    f32 = jnp.float32
    ar = jnp.arange(E_PAD - E, dtype=jnp.int32)
    pad_sd = jnp.stack([N + ar % (N_PAD - N), ar % N_PAD])
    srcdst = jnp.concatenate([edge_index, pad_sd], axis=1).reshape(
        2, EDGE_ROWS, CHUNK)
    x_pad = jnp.pad(x, ((0, N_PAD - N), (0, 0)))
    batch2d = jnp.pad(batch, (0, N_PAD - N), constant_values=G).reshape(1, N_PAD)
    b_pre2 = b_pre.reshape(1, H)
    a_pre2 = a_pre.reshape(1, H)
    bl1_2, a1_2 = bl1.reshape(1, H), a1.reshape(1, H)
    bl2_2, a2_2 = bl2.reshape(1, H), a2.reshape(1, H)
    b_fp2, a_fp2 = b_fp.reshape(1, H), a_fp.reshape(1, H)
    b_post2 = b_post.reshape(1, H)
    Wp_a, Wp_b = W_post[:H], W_post[H:]

    h0 = _tc_pre(x_pad.astype(f32), W_pre, b_pre2, a_pre2)
    P1 = _sc_agg(h0, srcdst)
    h1 = _tc_combine(P1, h0, Wl1, bl1_2, Wr1, a1_2)
    P2 = _sc_agg(h1, srcdst)
    h2 = _tc_combine(P2, h1, Wl2, bl2_2, Wr2, a2_2)
    return _tc_tail(h2, batch2d, fp, W_fp, b_fp2, a_fp2, Wp_a, Wp_b, b_post2)

# --- scband reference (transcript-rebuilt; emitter-appended) ---
"""Pipeline reference for scband-graph-sage-56994216017995 (READ-ONLY COPY).

The authoritative reference and input builder live on the scoring server;
editing this copy changes nothing except your own understanding.
"""

import jax, jax.numpy as jnp
import numpy as np

N = 10000
E = 640000
D_IN = 128
H = 128
OUT = 128
G = 128
FP_DIM = 2048


def prelu(x, a):
    return jnp.where(x >= 0, x, a * x)


def sage_conv(x, src, dst, Wl, bl, Wr):
    # PyG SAGEConv(aggr='sum'): out = lin_l(sum_{j in N(i)} x_j) + lin_r(x_i)
    agg = jax.ops.segment_sum(x[src], dst, num_segments=x.shape[0])
    return agg @ Wl + bl + x @ Wr


def setup_inputs(seed: int = 0) -> dict:
    key = jax.random.key(seed)
    ks = jax.random.split(key, 24)
    s = 0.05
    inp = {}
    inp['x'] = jax.random.normal(ks[0], (N, D_IN), jnp.float32)
    inp['fp'] = jax.random.normal(ks[1], (G, FP_DIM), jnp.float32)
    inp['edge_index'] = jax.random.randint(ks[2], (2, E), 0, N, dtype=jnp.int32)
    inp['batch'] = jnp.sort(jax.random.randint(ks[3], (N,), 0, G, dtype=jnp.int32))
    # pre_mp
    inp['W_pre'] = jax.random.normal(ks[4], (D_IN, H), jnp.float32) * s
    inp['b_pre'] = jnp.zeros((H,), jnp.float32)
    inp['a_pre'] = jnp.full((H,), 0.25, jnp.float32)
    # SAGEConv 1
    inp['Wl1'] = jax.random.normal(ks[5], (H, H), jnp.float32) * s
    inp['bl1'] = jnp.zeros((H,), jnp.float32)
    inp['Wr1'] = jax.random.normal(ks[6], (H, H), jnp.float32) * s
    inp['a1'] = jnp.full((H,), 0.25, jnp.float32)
    # SAGEConv 2
    inp['Wl2'] = jax.random.normal(ks[7], (H, H), jnp.float32) * s
    inp['bl2'] = jnp.zeros((H,), jnp.float32)
    inp['Wr2'] = jax.random.normal(ks[8], (H, H), jnp.float32) * s
    inp['a2'] = jnp.full((H,), 0.25, jnp.float32)
    # fingerprint mlp
    inp['W_fp'] = jax.random.normal(ks[9], (FP_DIM, H), jnp.float32) * s
    inp['b_fp'] = jnp.zeros((H,), jnp.float32)
    inp['a_fp'] = jnp.full((H,), 0.25, jnp.float32)
    # post_mp
    inp['W_post'] = jax.random.normal(ks[10], (2 * H, OUT), jnp.float32) * s
    inp['b_post'] = jnp.zeros((OUT,), jnp.float32)
    return inp


def reference(x, fp, edge_index, batch, W_pre, b_pre, a_pre, Wl1, bl1, Wr1, a1,
              Wl2, bl2, Wr2, a2, W_fp, b_fp, a_fp, W_post, b_post):
    src, dst = edge_index[0], edge_index[1]
    # pre_mp (Dropout is identity in eval)
    h = prelu(x @ W_pre + b_pre, a_pre)
    # mp: SAGEConv -> PReLU -> SAGEConv -> PReLU -> Dropout(identity)
    h = prelu(sage_conv(h, src, dst, Wl1, bl1, Wr1), a1)
    h = prelu(sage_conv(h, src, dst, Wl2, bl2, Wr2), a2)
    # global_mean_pool over batch segments
    sums = jax.ops.segment_sum(h, batch, num_segments=G)
    counts = jax.ops.segment_sum(jnp.ones((h.shape[0], 1), jnp.float32), batch, num_segments=G)
    pooled = sums / jnp.maximum(counts, 1.0)
    # fingerprint branch
    fp_emb = prelu(fp @ W_fp + b_fp, a_fp)
    z = jnp.concatenate([pooled, fp_emb], axis=1)
    return z @ W_post + b_post

if __name__ == "__main__":
    import jax
    _d = setup_inputs()
    print(jax.jit(kernel)(*tuple(_d.values())))

</pallas_src>

<mosaic_0001>
#map = affine_map<(d0, d1) -> (0, 0)>
#map1 = affine_map<(d0, d1) -> (0, 0, 0)>
module attributes {stable_mosaic.version = 14 : i64} {
  func.func @_sc_agg_body(%arg0: i32, %arg1: i32, %arg2: memref<10240x128xf32, #tpu.memory_space<hbm>>, %arg3: memref<2x5120x128xi32, #tpu.memory_space<hbm>>, %arg4: memref<2x10240x128xf32, #tpu.memory_space<hbm>>, %arg5: memref<2x8x128xi32, #tpu.memory_space<vmem>>, %arg6: memref<2x8x128xi32, #tpu.memory_space<vmem>>, %arg7: memref<128x128xf32, #tpu.memory_space<vmem>>, %arg8: memref<128x128xf32, #tpu.memory_space<vmem>>, %arg9: memref<10240x128xf32, #tpu.memory_space<vmem_shared>>, %arg10: memref<!tpu.dma_semaphore, #tpu.memory_space<semaphore_mem>>, %arg11: memref<!tpu.dma_semaphore, #tpu.memory_space<semaphore_mem>>, %arg12: memref<!tpu.dma_semaphore, #tpu.memory_space<semaphore_mem>>, %arg13: memref<!tpu.dma_semaphore, #tpu.memory_space<semaphore_mem>>, %arg14: memref<!tpu.dma_semaphore, #tpu.memory_space<semaphore_mem>>, %arg15: memref<!tpu.dma_semaphore, #tpu.memory_space<semaphore_mem>>) attributes {dimension_semantics = [#tpu.dimension_semantics<core_parallel>, #tpu.dimension_semantics<subcore_parallel>], iteration_bounds = array<i64: 2, 16>, scalar_prefetch = 0 : i64, scratch_operands = 11 : i64, tpu.core_type = #tpu.core_type<sc_vector_subcore>, window_params = [{transform_indices = #map}, {transform_indices = #map1}, {transform_indices = #map1}]} {
    %eq3A = arith.constant 0 : i32
    %eq3A_0 = arith.cmpi eq, %arg0, %eq3A : i32
    %jit3A = arith.constant 160 : i32
    %jit3A_1 = arith.constant 160 : i32
    %select_n3A = arith.select %eq3A_0, %jit3A, %jit3A_1 : i32
    %mul3A = arith.constant 2560 : i32
    %mul3A_2 = arith.muli %arg0, %mul3A : i32
    %mul3A_3 = arith.muli %arg1, %select_n3A : i32
    %add3A = arith.addi %mul3A_2, %mul3A_3 : i32
    %multiple_of3A = tpu.assume_multiple %add3A, 8 : i32
    %dma_start3A = arith.constant 0 : i32
    %dma_start3A_4 = arith.constant 0 : i32
    %dma_start3A_5 = tpu.memref_slice %arg3[%dma_start3A, %multiple_of3A, %dma_start3A_4] : memref<2x5120x128xi32, #tpu.memory_space<hbm>> -> memref<2x8x128xi32, #tpu.memory_space<hbm>>
    %dma_start3A_6 = arith.constant 0 : i32
    %dma_start3A_7 = arith.constant 0 : i32
    %dma_start3A_8 = tpu.memref_slice %arg3[%dma_start3A_6, %multiple_of3A, %dma_start3A_7] : memref<2x5120x128xi32, #tpu.memory_space<hbm>> -> memref<2x8x128xi32, #tpu.memory_space<hbm>>
    tpu.enqueue_dma source(%dma_start3A_8 : memref<2x8x128xi32, #tpu.memory_space<hbm>>) target(%arg5 : memref<2x8x128xi32, #tpu.memory_space<vmem>>) target_semaphore(%arg12 : memref<!tpu.dma_semaphore, #tpu.memory_space<semaphore_mem>>)
    %broadcast_in_dim3A = arith.constant 0.000000e+00 : f32
    %broadcast_in_dim3A_9 = vector.broadcast %broadcast_in_dim3A : f32 to vector<16xf32>
    %scan3A = arith.constant 0 : i32
    %scan3A_10 = arith.constant 0 : i32
    %scan3A_11 = arith.constant 128 : i32
    %scan3A_12 = arith.addi %scan3A_10, %scan3A_11 : i32
    %scan3A_13 = arith.constant 1 : i32
    %scan3A_14 = scf.for %scan3A_107 = %scan3A_10 to %scan3A_12 step %scan3A_13 iter_args(%scan3A_108 = %scan3A) -> (i32)  : i32 {
      %scan3A_109 = arith.constant 0 : i32
      %scan3A_110 = arith.constant 0 : i32
      %scan3A_111 = arith.constant 8 : i32
      %scan3A_112 = arith.addi %scan3A_110, %scan3A_111 : i32
      %scan3A_113 = arith.constant 1 : i32
      %scan3A_114 = scf.for %scan3A_116 = %scan3A_110 to %scan3A_112 step %scan3A_113 iter_args(%scan3A_117 = %scan3A_109) -> (i32)  : i32 {
        %mul3A_118 = arith.constant 16 : i32
        %mul3A_119 = arith.muli %scan3A_116, %mul3A_118 : i32
        %swap3A = arith.index_cast %scan3A_107 : i32 to index
        %swap3A_120 = arith.index_cast %mul3A_119 : i32 to index
        %swap3A_121 = tpu.vector_load %arg7[%swap3A, %swap3A_120] {strides = array<i32>} : memref<128x128xf32, #tpu.memory_space<vmem>>, vector<1x16xf32>,
        %swap3A_122 = vector.shape_cast %swap3A_121 : vector<1x16xf32> to vector<16xf32>
        %swap3A_123 = vector.shape_cast %broadcast_in_dim3A_9 : vector<16xf32> to vector<1x16xf32>
        tpu.vector_store %arg7[%swap3A, %swap3A_120], %swap3A_123 {strides = array<i32>} : memref<128x128xf32, #tpu.memory_space<vmem>>, vector<1x16xf32>,
        %mul3A_124 = arith.constant 16 : i32
        %mul3A_125 = arith.muli %scan3A_116, %mul3A_124 : i32
        %swap3A_126 = arith.index_cast %scan3A_107 : i32 to index
        %swap3A_127 = arith.index_cast %mul3A_125 : i32 to index
        %swap3A_128 = tpu.vector_load %arg8[%swap3A_126, %swap3A_127] {strides = array<i32>} : memref<128x128xf32, #tpu.memory_space<vmem>>, vector<1x16xf32>,
        %swap3A_129 = vector.shape_cast %swap3A_128 : vector<1x16xf32> to vector<16xf32>
        %swap3A_130 = vector.shape_cast %broadcast_in_dim3A_9 : vector<16xf32> to vector<1x16xf32>
        tpu.vector_store %arg8[%swap3A_126, %swap3A_127], %swap3A_130 {strides = array<i32>} : memref<128x128xf32, #tpu.memory_space<vmem>>, vector<1x16xf32>,
        %scan3A_131 = arith.constant 0 : i32
        scf.yield %scan3A_131 : i32
      }
      %scan3A_115 = arith.constant 8 : i32
      scf.yield %scan3A_114 : i32
    }
    %scan3A_15 = arith.constant 128 : i32
    %mul3A_16 = arith.constant 640 : i32
    %mul3A_17 = arith.muli %arg1, %mul3A_16 : i32
    %add3A_18 = arith.constant 0 : i32
    %add3A_19 = arith.addi %mul3A_17, %add3A_18 : i32
    "tpu.region"() ({
      %run_scoped3A = tpu.sem_alloc : memref<!tpu.dma_semaphore, #tpu.memory_space<semaphore_mem>>
      %dma_start3A_107 = arith.constant 0 : i32
      %dma_start3A_108 = tpu.memref_slice %arg9[%add3A_19, %dma_start3A_107] : memref<10240x128xf32, #tpu.memory_space<vmem_shared>> -> memref<128x128xf32, #tpu.memory_space<vmem_shared>>
      %dma_start3A_109 = arith.constant 0 : i32
      %dma_start3A_110 = tpu.memref_slice %arg9[%add3A_19, %dma_start3A_109] : memref<10240x128xf32, #tpu.memory_space<vmem_shared>> -> memref<128x128xf32, #tpu.memory_space<vmem_shared>>
      tpu.enqueue_dma source(%arg7 : memref<128x128xf32, #tpu.memory_space<vmem>>) target(%dma_start3A_110 : memref<128x128xf32, #tpu.memory_space<vmem_shared>>) target_semaphore(%run_scoped3A : memref<!tpu.dma_semaphore, #tpu.memory_space<semaphore_mem>>)
      %dma_wait3A_111 = arith.constant 0 : i32
      %dma_wait3A_112 = tpu.memref_slice %arg9[%add3A_19, %dma_wait3A_111] : memref<10240x128xf32, #tpu.memory_space<vmem_shared>> -> memref<128x128xf32, #tpu.memory_space<vmem_shared>>
      %dma_wait3A_113 = arith.constant 0 : i32
      %dma_wait3A_114 = tpu.memref_slice %arg9[%add3A_19, %dma_wait3A_113] : memref<10240x128xf32, #tpu.memory_space<vmem_shared>> -> memref<128x128xf32, #tpu.memory_space<vmem_shared>>
      tpu.wait_dma2 semaphore(%run_scoped3A : memref<!tpu.dma_semaphore, #tpu.memory_space<semaphore_mem>>) src(%arg7 : memref<128x128xf32, #tpu.memory_space<vmem>>) dst(%dma_wait3A_114 : memref<128x128xf32, #tpu.memory_space<vmem_shared>>)
      tpu.yield
    }) : () -> ()
    %add3A_20 = arith.constant 128 : i32
    %add3A_21 = arith.addi %mul3A_17, %add3A_20 : i32
    "tpu.region"() ({
      %run_scoped3A = tpu.sem_alloc : memref<!tpu.dma_semaphore, #tpu.memory_space<semaphore_mem>>
      %dma_start3A_107 = arith.constant 0 : i32
      %dma_start3A_108 = tpu.memref_slice %arg9[%add3A_21, %dma_start3A_107] : memref<10240x128xf32, #tpu.memory_space<vmem_shared>> -> memref<128x128xf32, #tpu.memory_space<vmem_shared>>
      %dma_start3A_109 = arith.constant 0 : i32
      %dma_start3A_110 = tpu.memref_slice %arg9[%add3A_21, %dma_start3A_109] : memref<10240x128xf32, #tpu.memory_space<vmem_shared>> -> memref<128x128xf32, #tpu.memory_space<vmem_shared>>
      tpu.enqueue_dma source(%arg7 : memref<128x128xf32, #tpu.memory_space<vmem>>) target(%dma_start3A_110 : memref<128x128xf32, #tpu.memory_space<vmem_shared>>) target_semaphore(%run_scoped3A : memref<!tpu.dma_semaphore, #tpu.memory_space<semaphore_mem>>)
      %dma_wait3A_111 = arith.constant 0 : i32
      %dma_wait3A_112 = tpu.memref_slice %arg9[%add3A_21, %dma_wait3A_111] : memref<10240x128xf32, #tpu.memory_space<vmem_shared>> -> memref<128x128xf32, #tpu.memory_space<vmem_shared>>
      %dma_wait3A_113 = arith.constant 0 : i32
      %dma_wait3A_114 = tpu.memref_slice %arg9[%add3A_21, %dma_wait3A_113] : memref<10240x128xf32, #tpu.memory_space<vmem_shared>> -> memref<128x128xf32, #tpu.memory_space<vmem_shared>>
      tpu.wait_dma2 semaphore(%run_scoped3A : memref<!tpu.dma_semaphore, #tpu.memory_space<semaphore_mem>>) src(%arg7 : memref<128x128xf32, #tpu.memory_space<vmem>>) dst(%dma_wait3A_114 : memref<128x128xf32, #tpu.memory_space<vmem_shared>>)
      tpu.yield
    }) : () -> ()
    %add3A_22 = arith.constant 256 : i32
    %add3A_23 = arith.addi %mul3A_17, %add3A_22 : i32
    "tpu.region"() ({
      %run_scoped3A = tpu.sem_alloc : memref<!tpu.dma_semaphore, #tpu.memory_space<semaphore_mem>>
      %dma_start3A_107 = arith.constant 0 : i32
      %dma_start3A_108 = tpu.memref_slice %arg9[%add3A_23, %dma_start3A_107] : memref<10240x128xf32, #tpu.memory_space<vmem_shared>> -> memref<128x128xf32, #tpu.memory_space<vmem_shared>>
      %dma_start3A_109 = arith.constant 0 : i32
      %dma_start3A_110 = tpu.memref_slice %arg9[%add3A_23, %dma_start3A_109] : memref<10240x128xf32, #tpu.memory_space<vmem_shared>> -> memref<128x128xf32, #tpu.memory_space<vmem_shared>>
      tpu.enqueue_dma source(%arg7 : memref<128x128xf32, #tpu.memory_space<vmem>>) target(%dma_start3A_110 : memref<128x128xf32, #tpu.memory_space<vmem_shared>>) target_semaphore(%run_scoped3A : memref<!tpu.dma_semaphore, #tpu.memory_space<semaphore_mem>>)
      %dma_wait3A_111 = arith.constant 0 : i32
      %dma_wait3A_112 = tpu.memref_slice %arg9[%add3A_23, %dma_wait3A_111] : memref<10240x128xf32, #tpu.memory_space<vmem_shared>> -> memref<128x128xf32, #tpu.memory_space<vmem_shared>>
      %dma_wait3A_113 = arith.constant 0 : i32
      %dma_wait3A_114 = tpu.memref_slice %arg9[%add3A_23, %dma_wait3A_113] : memref<10240x128xf32, #tpu.memory_space<vmem_shared>> -> memref<128x128xf32, #tpu.memory_space<vmem_shared>>
      tpu.wait_dma2 semaphore(%run_scoped3A : memref<!tpu.dma_semaphore, #tpu.memory_space<semaphore_mem>>) src(%arg7 : memref<128x128xf32, #tpu.memory_space<vmem>>) dst(%dma_wait3A_114 : memref<128x128xf32, #tpu.memory_space<vmem_shared>>)
      tpu.yield
    }) : () -> ()
    %add3A_24 = arith.constant 384 : i32
    %add3A_25 = arith.addi %mul3A_17, %add3A_24 : i32
    "tpu.region"() ({
      %run_scoped3A = tpu.sem_alloc : memref<!tpu.dma_semaphore, #tpu.memory_space<semaphore_mem>>
      %dma_start3A_107 = arith.constant 0 : i32
      %dma_start3A_108 = tpu.memref_slice %arg9[%add3A_25, %dma_start3A_107] : memref<10240x128xf32, #tpu.memory_space<vmem_shared>> -> memref<128x128xf32, #tpu.memory_space<vmem_shared>>
      %dma_start3A_109 = arith.constant 0 : i32
      %dma_start3A_110 = tpu.memref_slice %arg9[%add3A_25, %dma_start3A_109] : memref<10240x128xf32, #tpu.memory_space<vmem_shared>> -> memref<128x128xf32, #tpu.memory_space<vmem_shared>>
      tpu.enqueue_dma source(%arg7 : memref<128x128xf32, #tpu.memory_space<vmem>>) target(%dma_start3A_110 : memref<128x128xf32, #tpu.memory_space<vmem_shared>>) target_semaphore(%run_scoped3A : memref<!tpu.dma_semaphore, #tpu.memory_space<semaphore_mem>>)
      %dma_wait3A_111 = arith.constant 0 : i32
      %dma_wait3A_112 = tpu.memref_slice %arg9[%add3A_25, %dma_wait3A_111] : memref<10240x128xf32, #tpu.memory_space<vmem_shared>> -> memref<128x128xf32, #tpu.memory_space<vmem_shared>>
      %dma_wait3A_113 = arith.constant 0 : i32
      %dma_wait3A_114 = tpu.memref_slice %arg9[%add3A_25, %dma_wait3A_113] : memref<10240x128xf32, #tpu.memory_space<vmem_shared>> -> memref<128x128xf32, #tpu.memory_space<vmem_shared>>
      tpu.wait_dma2 semaphore(%run_scoped3A : memref<!tpu.dma_semaphore, #tpu.memory_space<semaphore_mem>>) src(%arg7 : memref<128x128xf32, #tpu.memory_space<vmem>>) dst(%dma_wait3A_114 : memref<128x128xf32, #tpu.memory_space<vmem_shared>>)
      tpu.yield
    }) : () -> ()
    %add3A_26 = arith.constant 512 : i32
    %add3A_27 = arith.addi %mul3A_17, %add3A_26 : i32
    "tpu.region"() ({
      %run_scoped3A = tpu.sem_alloc : memref<!tpu.dma_semaphore, #tpu.memory_space<semaphore_mem>>
      %dma_start3A_107 = arith.constant 0 : i32
      %dma_start3A_108 = tpu.memref_slice %arg9[%add3A_27, %dma_start3A_107] : memref<10240x128xf32, #tpu.memory_space<vmem_shared>> -> memref<128x128xf32, #tpu.memory_space<vmem_shared>>
      %dma_start3A_109 = arith.constant 0 : i32
      %dma_start3A_110 = tpu.memref_slice %arg9[%add3A_27, %dma_start3A_109] : memref<10240x128xf32, #tpu.memory_space<vmem_shared>> -> memref<128x128xf32, #tpu.memory_space<vmem_shared>>
      tpu.enqueue_dma source(%arg7 : memref<128x128xf32, #tpu.memory_space<vmem>>) target(%dma_start3A_110 : memref<128x128xf32, #tpu.memory_space<vmem_shared>>) target_semaphore(%run_scoped3A : memref<!tpu.dma_semaphore, #tpu.memory_space<semaphore_mem>>)
      %dma_wait3A_111 = arith.constant 0 : i32
      %dma_wait3A_112 = tpu.memref_slice %arg9[%add3A_27, %dma_wait3A_111] : memref<10240x128xf32, #tpu.memory_space<vmem_shared>> -> memref<128x128xf32, #tpu.memory_space<vmem_shared>>
      %dma_wait3A_113 = arith.constant 0 : i32
      %dma_wait3A_114 = tpu.memref_slice %arg9[%add3A_27, %dma_wait3A_113] : memref<10240x128xf32, #tpu.memory_space<vmem_shared>> -> memref<128x128xf32, #tpu.memory_space<vmem_shared>>
      tpu.wait_dma2 semaphore(%run_scoped3A : memref<!tpu.dma_semaphore, #tpu.memory_space<semaphore_mem>>) src(%arg7 : memref<128x128xf32, #tpu.memory_space<vmem>>) dst(%dma_wait3A_114 : memref<128x128xf32, #tpu.memory_space<vmem_shared>>)
      tpu.yield
    }) : () -> ()
    %barrier3A = arith.constant 0 : index
    tpu.barrier barrier_id(%barrier3A)
    %dma_wait3A = arith.constant 0 : i32
    %dma_wait3A_28 = arith.constant 0 : i32
    %dma_wait3A_29 = arith.constant 0 : i32
    %dma_wait3A_30 = tpu.memref_slice %arg3[%dma_wait3A, %dma_wait3A_28, %dma_wait3A_29] : memref<2x5120x128xi32, #tpu.memory_space<hbm>> -> memref<2x8x128xi32, #tpu.memory_space<hbm>>
    %dma_wait3A_31 = arith.constant 0 : i32
    %dma_wait3A_32 = arith.constant 0 : i32
    %dma_wait3A_33 = arith.constant 0 : i32
    %dma_wait3A_34 = tpu.memref_slice %arg3[%dma_wait3A_31, %dma_wait3A_32, %dma_wait3A_33] : memref<2x5120x128xi32, #tpu.memory_space<hbm>> -> memref<2x8x128xi32, #tpu.memory_space<hbm>>
    tpu.wait_dma2 semaphore(%arg12 : memref<!tpu.dma_semaphore, #tpu.memory_space<semaphore_mem>>) src(%dma_wait3A_34 : memref<2x8x128xi32, #tpu.memory_space<hbm>>) dst(%arg5 : memref<2x8x128xi32, #tpu.memory_space<vmem>>)
    %dma_start3A_35 = arith.constant 1 : i32
    %dma_start3A_36 = arith.constant 0 : i32
    %dma_start3A_37 = arith.constant 0 : i32
    %dma_start3A_38 = tpu.memref_slice %arg5[%dma_start3A_35, %dma_start3A_36, %dma_start3A_37] : memref<2x8x128xi32, #tpu.memory_space<vmem>> -> memref<1x1x128xi32, #tpu.memory_space<vmem>>
    %dma_start3A_39 = tpu.memref_squeeze %dma_start3A_38 : memref<1x1x128xi32, #tpu.memory_space<vmem>> -> memref<128xi32, #tpu.memory_space<vmem>>
    %dma_start3A_40 = arith.constant 0 : i32
    %dma_start3A_41 = arith.constant 0 : i32
    %dma_start3A_42 = tpu.memref_slice %arg9[%dma_start3A_40, %dma_start3A_41] : memref<10240x128xf32, #tpu.memory_space<vmem_shared>> -> memref<10240x128xf32, #tpu.memory_space<vmem_shared>>
    tpu.enqueue_indirect_dma source(%arg7 : memref<128x128xf32, #tpu.memory_space<vmem>>) target(%dma_start3A_42 : memref<10240x128xf32, #tpu.memory_space<vmem_shared>>) offsets(%dma_start3A_39 : memref<128xi32, #tpu.memory_space<vmem>>) semaphore(%arg14 : memref<!tpu.dma_semaphore, #tpu.memory_space<semaphore_mem>>) {add = true}
    %dma_start3A_43 = arith.constant 1 : i32
    %dma_start3A_44 = arith.constant 0 : i32
    %dma_start3A_45 = arith.constant 0 : i32
    %dma_start3A_46 = tpu.memref_slice %arg5[%dma_start3A_43, %dma_start3A_44, %dma_start3A_45] : memref<2x8x128xi32, #tpu.memory_space<vmem>> -> memref<1x1x128xi32, #tpu.memory_space<vmem>>
    %dma_start3A_47 = tpu.memref_squeeze %dma_start3A_46 : memref<1x1x128xi32, #tpu.memory_space<vmem>> -> memref<128xi32, #tpu.memory_space<vmem>>
    %dma_start3A_48 = arith.constant 0 : i32
    %dma_start3A_49 = arith.constant 0 : i32
    %dma_start3A_50 = tpu.memref_slice %arg9[%dma_start3A_48, %dma_start3A_49] : memref<10240x128xf32, #tpu.memory_space<vmem_shared>> -> memref<10240x128xf32, #tpu.memory_space<vmem_shared>>
    tpu.enqueue_indirect_dma source(%arg8 : memref<128x128xf32, #tpu.memory_space<vmem>>) target(%dma_start3A_50 : memref<10240x128xf32, #tpu.memory_space<vmem_shared>>) offsets(%dma_start3A_47 : memref<128xi32, #tpu.memory_space<vmem>>) semaphore(%arg15 : memref<!tpu.dma_semaphore, #tpu.memory_space<semaphore_mem>>) {add = true}
    %jit3A_51 = arith.constant 16 : i32
    %div3A = arith.divsi %select_n3A, %jit3A_51 : i32
    %sign3A = arith.constant 0 : i32
    %sign3A_52 = arith.cmpi sgt, %select_n3A, %sign3A : i32
    %sign3A_53 = arith.extui %sign3A_52 : i1 to i32
    %sign3A_54 = arith.constant 0 : i32
    %sign3A_55 = arith.cmpi slt, %select_n3A, %sign3A_54 : i32
    %sign3A_56 = arith.extui %sign3A_55 : i1 to i32
    %sign3A_57 = arith.subi %sign3A_53, %sign3A_56 : i32
    %sign3A_58 = arith.constant 0 : i32
    %sign3A_59 = arith.cmpi sgt, %jit3A_51, %sign3A_58 : i32
    %sign3A_60 = arith.extui %sign3A_59 : i1 to i32
    %sign3A_61 = arith.constant 0 : i32
    %sign3A_62 = arith.cmpi slt, %jit3A_51, %sign3A_61 : i32
    %sign3A_63 = arith.extui %sign3A_62 : i1 to i32
    %sign3A_64 = arith.subi %sign3A_60, %sign3A_63 : i32
    %ne3A = arith.cmpi ne, %sign3A_57, %sign3A_64 : i32
    %rem3A = arith.remsi %select_n3A, %jit3A_51 : i32
    %ne3A_65 = arith.constant 0 : i32
    %ne3A_66 = arith.cmpi ne, %rem3A, %ne3A_65 : i32
    %and3A = arith.andi %ne3A, %ne3A_66 : i1
    %sub3A = arith.constant 1 : i32
    %sub3A_67 = arith.subi %div3A, %sub3A : i32
    %select_n3A_68 = arith.select %and3A, %sub3A_67, %div3A : i32
    %while3A = arith.constant 0 : i32
    %while3A_69 = arith.constant 0 : i32
    %while3A_70 = arith.subi %select_n3A_68, %while3A : i32
    %while3A_71 = arith.addi %while3A, %while3A_70 : i32
    %while3A_72 = arith.constant 1 : i32
    %while3A_73 = arith.divsi %while3A_70, %while3A_72 : i32
    %while3A_74 = arith.muli %while3A_73, %while3A_72 : i32
    %while3A_75 = arith.addi %while3A, %while3A_74 : i32
    %while3A_76 = arith.constant 1 : i32
    %while3A_77 = scf.for %while3A_107 = %while3A to %while3A_75 step %while3A_76 iter_args(%while3A_108 = %while3A_69) -> (i32)  : i32 {
      %mul3A_109 = arith.constant 2 : i32
      %mul3A_110 = arith.muli %mul3A_109, %while3A_107 : i32
      %add3A_111 = arith.constant 1 : i32
      %add3A_112 = arith.addi %mul3A_110, %add3A_111 : i32
      %mul3A_113 = arith.constant 8 : i32
      %mul3A_114 = arith.muli %add3A_112, %mul3A_113 : i32
      %add3A_115 = arith.addi %multiple_of3A, %mul3A_114 : i32
      %multiple_of3A_116 = tpu.assume_multiple %add3A_115, 8 : i32
      %add3A_117 = arith.constant 1 : i32
      %add3A_118 = arith.addi %while3A_107, %add3A_117 : i32
      %lt3A = arith.cmpi slt, %add3A_118, %select_n3A_68 : i32
      %mul3A_119 = arith.constant 2 : i32
      %mul3A_120 = arith.muli %mul3A_119, %while3A_107 : i32
      %add3A_121 = arith.constant 2 : i32
      %add3A_122 = arith.addi %mul3A_120, %add3A_121 : i32
      %mul3A_123 = arith.constant 8 : i32
      %mul3A_124 = arith.muli %add3A_122, %mul3A_123 : i32
      %add3A_125 = arith.addi %multiple_of3A, %mul3A_124 : i32
      %select_n3A_126 = arith.select %lt3A, %add3A_125, %multiple_of3A : i32
      %multiple_of3A_127 = tpu.assume_multiple %select_n3A_126, 8 : i32
      %dma_start3A_128 = arith.constant 0 : i32
      %dma_start3A_129 = arith.constant 0 : i32
      %dma_start3A_130 = tpu.memref_slice %arg3[%dma_start3A_128, %multiple_of3A_116, %dma_start3A_129] : memref<2x5120x128xi32, #tpu.memory_space<hbm>> -> memref<2x8x128xi32, #tpu.memory_space<hbm>>
      %dma_start3A_131 = arith.constant 0 : i32
      %dma_start3A_132 = arith.constant 0 : i32
      %dma_start3A_133 = tpu.memref_slice %arg3[%dma_start3A_131, %multiple_of3A_116, %dma_start3A_132] : memref<2x5120x128xi32, #tpu.memory_space<hbm>> -> memref<2x8x128xi32, #tpu.memory_space<hbm>>
      tpu.enqueue_dma source(%dma_start3A_133 : memref<2x8x128xi32, #tpu.memory_space<hbm>>) target(%arg6 : memref<2x8x128xi32, #tpu.memory_space<vmem>>) target_semaphore(%arg13 : memref<!tpu.dma_semaphore, #tpu.memory_space<semaphore_mem>>)
      %dma_wait3A_134 = arith.constant 1 : i32
      %dma_wait3A_135 = arith.constant 0 : i32
      %dma_wait3A_136 = arith.constant 0 : i32
      %dma_wait3A_137 = tpu.memref_slice %arg5[%dma_wait3A_134, %dma_wait3A_135, %dma_wait3A_136] : memref<2x8x128xi32, #tpu.memory_space<vmem>> -> memref<1x1x128xi32, #tpu.memory_space<vmem>>
      %dma_wait3A_138 = tpu.memref_squeeze %dma_wait3A_137 : memref<1x1x128xi32, #tpu.memory_space<vmem>> -> memref<128xi32, #tpu.memory_space<vmem>>
      %dma_wait3A_139 = arith.constant 0 : i32
      %dma_wait3A_140 = arith.constant 0 : i32
      %dma_wait3A_141 = tpu.memref_slice %arg9[%dma_wait3A_139, %dma_wait3A_140] : memref<10240x128xf32, #tpu.memory_space<vmem_shared>> -> memref<10240x128xf32, #tpu.memory_space<vmem_shared>>
      tpu.wait_indirect_dma semaphore(%arg14 : memref<!tpu.dma_semaphore, #tpu.memory_space<semaphore_mem>>) src(%arg7 : memref<128x128xf32, #tpu.memory_space<vmem>>) dst(%dma_wait3A_141 : memref<10240x128xf32, #tpu.memory_space<vmem_shared>>)
      %dma_start3A_142 = arith.constant 0 : i32
      %dma_start3A_143 = arith.constant 0 : i32
      %dma_start3A_144 = arith.constant 0 : i32
      %dma_start3A_145 = tpu.memref_slice %arg5[%dma_start3A_142, %dma_start3A_143, %dma_start3A_144] : memref<2x8x128xi32, #tpu.memory_space<vmem>> -> memref<1x1x128xi32, #tpu.memory_space<vmem>>
      %dma_start3A_146 = tpu.memref_squeeze %dma_start3A_145 : memref<1x1x128xi32, #tpu.memory_space<vmem>> -> memref<128xi32, #tpu.memory_space<vmem>>
      %dma_start3A_147 = arith.constant 0 : i32
      %dma_start3A_148 = arith.constant 0 : i32
      %dma_start3A_149 = tpu.memref_slice %arg2[%dma_start3A_147, %dma_start3A_148] : memref<10240x128xf32, #tpu.memory_space<hbm>> -> memref<10240x128xf32, #tpu.memory_space<hbm>>
      tpu.enqueue_indirect_dma source(%dma_start3A_149 : memref<10240x128xf32, #tpu.memory_space<hbm>>) target(%arg7 : memref<128x128xf32, #tpu.memory_space<vmem>>) offsets(%dma_start3A_146 : memref<128xi32, #tpu.memory_space<vmem>>) semaphore(%arg10 : memref<!tpu.dma_semaphore, #tpu.memory_space<semaphore_mem>>)
      %dma_wait3A_150 = arith.constant 1 : i32
      %dma_wait3A_151 = arith.constant 0 : i32
      %dma_wait3A_152 = arith.constant 0 : i32
      %dma_wait3A_153 = tpu.memref_slice %arg5[%dma_wait3A_150, %dma_wait3A_151, %dma_wait3A_152] : memref<2x8x128xi32, #tpu.memory_space<vmem>> -> memref<1x1x128xi32, #tpu.memory_space<vmem>>
      %dma_wait3A_154 = tpu.memref_squeeze %dma_wait3A_153 : memref<1x1x128xi32, #tpu.memory_space<vmem>> -> memref<128xi32, #tpu.memory_space<vmem>>
      %dma_wait3A_155 = arith.constant 0 : i32
      %dma_wait3A_156 = arith.constant 0 : i32
      %dma_wait3A_157 = tpu.memref_slice %arg9[%dma_wait3A_155, %dma_wait3A_156] : memref<10240x128xf32, #tpu.memory_space<vmem_shared>> -> memref<10240x128xf32, #tpu.memory_space<vmem_shared>>
      tpu.wait_indirect_dma semaphore(%arg15 : memref<!tpu.dma_semaphore, #tpu.memory_space<semaphore_mem>>) src(%arg8 : memref<128x128xf32, #tpu.memory_space<vmem>>) dst(%dma_wait3A_157 : memref<10240x128xf32, #tpu.memory_space<vmem_shared>>)
      %dma_start3A_158 = arith.constant 0 : i32
      %dma_start3A_159 = arith.constant 1 : i32
      %dma_start3A_160 = arith.constant 0 : i32
      %dma_start3A_161 = tpu.memref_slice %arg5[%dma_start3A_158, %dma_start3A_159, %dma_start3A_160] : memref<2x8x128xi32, #tpu.memory_space<vmem>> -> memref<1x1x128xi32, #tpu.memory_space<vmem>>
      %dma_start3A_162 = tpu.memref_squeeze %dma_start3A_161 : memref<1x1x128xi32, #tpu.memory_space<vmem>> -> memref<128xi32, #tpu.memory_space<vmem>>
      %dma_start3A_163 = arith.constant 0 : i32
      %dma_start3A_164 = arith.constant 0 : i32
      %dma_start3A_165 = tpu.memref_slice %arg2[%dma_start3A_163, %dma_start3A_164] : memref<10240x128xf32, #tpu.memory_space<hbm>> -> memref<10240x128xf32, #tpu.memory_space<hbm>>
      tpu.enqueue_indirect_dma source(%dma_start3A_165 : memref<10240x128xf32, #tpu.memory_space<hbm>>) target(%arg8 : memref<128x128xf32, #tpu.memory_space<vmem>>) offsets(%dma_start3A_162 : memref<128xi32, #tpu.memory_space<vmem>>) semaphore(%arg11 : memref<!tpu.dma_semaphore, #tpu.memory_space<semaphore_mem>>)
      %dma_wait3A_166 = arith.constant 0 : i32
      %dma_wait3A_167 = arith.constant 0 : i32
      %dma_wait3A_168 = arith.constant 0 : i32
      %dma_wait3A_169 = tpu.memref_slice %arg5[%dma_wait3A_166, %dma_wait3A_167, %dma_wait3A_168] : memref<2x8x128xi32, #tpu.memory_space<vmem>> -> memref<1x1x128xi32, #tpu.memory_space<vmem>>
      %dma_wait3A_170 = tpu.memref_squeeze %dma_wait3A_169 : memref<1x1x128xi32, #tpu.memory_space<vmem>> -> memref<128xi32, #tpu.memory_space<vmem>>
      %dma_wait3A_171 = arith.constant 0 : i32
      %dma_wait3A_172 = arith.constant 0 : i32
      %dma_wait3A_173 = tpu.memref_slice %arg2[%dma_wait3A_171, %dma_wait3A_172] : memref<10240x128xf32, #tpu.memory_space<hbm>> -> memref<10240x128xf32, #tpu.memory_space<hbm>>
      tpu.wait_indirect_dma semaphore(%arg10 : memref<!tpu.dma_semaphore, #tpu.memory_space<semaphore_mem>>) src(%dma_wait3A_173 : memref<10240x128xf32, #tpu.memory_space<hbm>>) dst(%arg7 : memref<128x128xf32, #tpu.memory_space<vmem>>)
      %dma_start3A_174 = arith.constant 1 : i32
      %dma_start3A_175 = arith.constant 0 : i32
      %dma_start3A_176 = arith.constant 0 : i32
      %dma_start3A_177 = tpu.memref_slice %arg5[%dma_start3A_174, %dma_start3A_175, %dma_start3A_176] : memref<2x8x128xi32, #tpu.memory_space<vmem>> -> memref<1x1x128xi32, #tpu.memory_space<vmem>>
      %dma_start3A_178 = tpu.memref_squeeze %dma_start3A_177 : memref<1x1x128xi32, #tpu.memory_space<vmem>> -> memref<128xi32, #tpu.memory_space<vmem>>
      %dma_start3A_179 = arith.constant 0 : i32
      %dma_start3A_180 = arith.constant 0 : i32
      %dma_start3A_181 = tpu.memref_slice %arg9[%dma_start3A_179, %dma_start3A_180] : memref<10240x128xf32, #tpu.memory_space<vmem_shared>> -> memref<10240x128xf32, #tpu.memory_space<vmem_shared>>
      tpu.enqueue_indirect_dma source(%arg7 : memref<128x128xf32, #tpu.memory_space<vmem>>) target(%dma_start3A_181 : memref<10240x128xf32, #tpu.memory_space<vmem_shared>>) offsets(%dma_start3A_178 : memref<128xi32, #tpu.memory_space<vmem>>) semaphore(%arg14 : memref<!tpu.dma_semaphore, #tpu.memory_space<semaphore_mem>>) {add = true}
      %dma_wait3A_182 = arith.constant 1 : i32
      %dma_wait3A_183 = arith.constant 0 : i32
      %dma_wait3A_184 = arith.constant 0 : i32
      %dma_wait3A_185 = tpu.memref_slice %arg5[%dma_wait3A_182, %dma_wait3A_183, %dma_wait3A_184] : memref<2x8x128xi32, #tpu.memory_space<vmem>> -> memref<1x1x128xi32, #tpu.memory_space<vmem>>
      %dma_wait3A_186 = tpu.memref_squeeze %dma_wait3A_185 : memref<1x1x128xi32, #tpu.memory_space<vmem>> -> memref<128xi32, #tpu.memory_space<vmem>>
      %dma_wait3A_187 = arith.constant 0 : i32
      %dma_wait3A_188 = arith.constant 0 : i32
      %dma_wait3A_189 = tpu.memref_slice %arg9[%dma_wait3A_187, %dma_wait3A_188] : memref<10240x128xf32, #tpu.memory_space<vmem_shared>> -> memref<10240x128xf32, #tpu.memory_space<vmem_shared>>
      tpu.wait_indirect_dma semaphore(%arg14 : memref<!tpu.dma_semaphore, #tpu.memory_space<semaphore_mem>>) src(%arg7 : memref<128x128xf32, #tpu.memory_space<vmem>>) dst(%dma_wait3A_189 : memref<10240x128xf32, #tpu.memory_space<vmem_shared>>)
      %dma_start3A_190 = arith.constant 0 : i32
      %dma_start3A_191 = arith.constant 2 : i32
      %dma_start3A_192 = arith.constant 0 : i32
      %dma_start3A_193 = tpu.memref_slice %arg5[%dma_start3A_190, %dma_start3A_191, %dma_start3A_192] : memref<2x8x128xi32, #tpu.memory_space<vmem>> -> memref<1x1x128xi32, #tpu.memory_space<vmem>>
      %dma_start3A_194 = tpu.memref_squeeze %dma_start3A_193 : memref<1x1x128xi32, #tpu.memory_space<vmem>> -> memref<128xi32, #tpu.memory_space<vmem>>
      %dma_start3A_195 = arith.constant 0 : i32
      %dma_start3A_196 = arith.constant 0 : i32
      %dma_start3A_197 = tpu.memref_slice %arg2[%dma_start3A_195, %dma_start3A_196] : memref<10240x128xf32, #tpu.memory_space<hbm>> -> memref<10240x128xf32, #tpu.memory_space<hbm>>
      tpu.enqueue_indirect_dma source(%dma_start3A_197 : memref<10240x128xf32, #tpu.memory_space<hbm>>) target(%arg7 : memref<128x128xf32, #tpu.memory_space<vmem>>) offsets(%dma_start3A_194 : memref<128xi32, #tpu.memory_space<vmem>>) semaphore(%arg10 : memref<!tpu.dma_semaphore, #tpu.memory_space<semaphore_mem>>)
      %dma_wait3A_198 = arith.constant 0 : i32
      %dma_wait3A_199 = arith.constant 1 : i32
      %dma_wait3A_200 = arith.constant 0 : i32
      %dma_wait3A_201 = tpu.memref_slice %arg5[%dma_wait3A_198, %dma_wait3A_199, %dma_wait3A_200] : memref<2x8x128xi32, #tpu.memory_space<vmem>> -> memref<1x1x128xi32, #tpu.memory_space<vmem>>
      %dma_wait3A_202 = tpu.memref_squeeze %dma_wait3A_201 : memref<1x1x128xi32, #tpu.memory_space<vmem>> -> memref<128xi32, #tpu.memory_space<vmem>>
      %dma_wait3A_203 = arith.constant 0 : i32
      %dma_wait3A_204 = arith.constant 0 : i32
      %dma_wait3A_205 = tpu.memref_slice %arg2[%dma_wait3A_203, %dma_wait3A_204] : memref<10240x128xf32, #tpu.memory_space<hbm>> -> memref<10240x128xf32, #tpu.memory_space<hbm>>
      tpu.wait_indirect_dma semaphore(%arg11 : memref<!tpu.dma_semaphore, #tpu.memory_space<semaphore_mem>>) src(%dma_wait3A_205 : memref<10240x128xf32, #tpu.memory_space<hbm>>) dst(%arg8 : memref<128x128xf32, #tpu.memory_space<vmem>>)
      %dma_start3A_206 = arith.constant 1 : i32
      %dma_start3A_207 = arith.constant 1 : i32
      %dma_start3A_208 = arith.constant 0 : i32
      %dma_start3A_209 = tpu.memref_slice %arg5[%dma_start3A_206, %dma_start3A_207, %dma_start3A_208] : memref<2x8x128xi32, #tpu.memory_space<vmem>> -> memref<1x1x128xi32, #tpu.memory_space<vmem>>
      %dma_start3A_210 = tpu.memref_squeeze %dma_start3A_209 : memref<1x1x128xi32, #tpu.memory_space<vmem>> -> memref<128xi32, #tpu.memory_space<vmem>>
      %dma_start3A_211 = arith.constant 0 : i32
      %dma_start3A_212 = arith.constant 0 : i32
      %dma_start3A_213 = tpu.memref_slice %arg9[%dma_start3A_211, %dma_start3A_212] : memref<10240x128xf32, #tpu.memory_space<vmem_shared>> -> memref<10240x128xf32, #tpu.memory_space<vmem_shared>>
      tpu.enqueue_indirect_dma source(%arg8 : memref<128x128xf32, #tpu.memory_space<vmem>>) target(%dma_start3A_213 : memref<10240x128xf32, #tpu.memory_space<vmem_shared>>) offsets(%dma_start3A_210 : memref<128xi32, #tpu.memory_space<vmem>>) semaphore(%arg15 : memref<!tpu.dma_semaphore, #tpu.memory_space<semaphore_mem>>) {add = true}
      %dma_wait3A_214 = arith.constant 1 : i32
      %dma_wait3A_215 = arith.constant 0 : i32
      %dma_wait3A_216 = arith.constant 0 : i32
      %dma_wait3A_217 = tpu.memref_slice %arg5[%dma_wait3A_214, %dma_wait3A_215, %dma_wait3A_216] : memref<2x8x128xi32, #tpu.memory_space<vmem>> -> memref<1x1x128xi32, #tpu.memory_space<vmem>>
      %dma_wait3A_218 = tpu.memref_squeeze %dma_wait3A_217 : memref<1x1x128xi32, #tpu.memory_space<vmem>> -> memref<128xi32, #tpu.memory_space<vmem>>
      %dma_wait3A_219 = arith.constant 0 : i32
      %dma_wait3A_220 = arith.constant 0 : i32
      %dma_wait3A_221 = tpu.memref_slice %arg9[%dma_wait3A_219, %dma_wait3A_220] : memref<10240x128xf32, #tpu.memory_space<vmem_shared>> -> memref<10240x128xf32, #tpu.memory_space<vmem_shared>>
      tpu.wait_indirect_dma semaphore(%arg15 : memref<!tpu.dma_semaphore, #tpu.memory_space<semaphore_mem>>) src(%arg8 : memref<128x128xf32, #tpu.memory_space<vmem>>) dst(%dma_wait3A_221 : memref<10240x128xf32, #tpu.memory_space<vmem_shared>>)
      %dma_start3A_222 = arith.constant 0 : i32
      %dma_start3A_223 = arith.constant 3 : i32
      %dma_start3A_224 = arith.constant 0 : i32
      %dma_start3A_225 = tpu.memref_slice %arg5[%dma_start3A_222, %dma_start3A_223, %dma_start3A_224] : memref<2x8x128xi32, #tpu.memory_space<vmem>> -> memref<1x1x128xi32, #tpu.memory_space<vmem>>
      %dma_start3A_226 = tpu.memref_squeeze %dma_start3A_225 : memref<1x1x128xi32, #tpu.memory_space<vmem>> -> memref<128xi32, #tpu.memory_space<vmem>>
      %dma_start3A_227 = arith.constant 0 : i32
      %dma_start3A_228 = arith.constant 0 : i32
      %dma_start3A_229 = tpu.memref_slice %arg2[%dma_start3A_227, %dma_start3A_228] : memref<10240x128xf32, #tpu.memory_space<hbm>> -> memref<10240x128xf32, #tpu.memory_space<hbm>>
      tpu.enqueue_indirect_dma source(%dma_start3A_229 : memref<10240x128xf32, #tpu.memory_space<hbm>>) target(%arg8 : memref<128x128xf32, #tpu.memory_space<vmem>>) offsets(%dma_start3A_226 : memref<128xi32, #tpu.memory_space<vmem>>) semaphore(%arg11 : memref<!tpu.dma_semaphore, #tpu.memory_space<semaphore_mem>>)
      %dma_wait3A_230 = arith.constant 0 : i32
      %dma_wait3A_231 = arith.constant 2 : i32
      %dma_wait3A_232 = arith.constant 0 : i32
      %dma_wait3A_233 = tpu.memref_slice %arg5[%dma_wait3A_230, %dma_wait3A_231, %dma_wait3A_232] : memref<2x8x128xi32, #tpu.memory_space<vmem>> -> memref<1x1x128xi32, #tpu.memory_space<vmem>>
      %dma_wait3A_234 = tpu.memref_squeeze %dma_wait3A_233 : memref<1x1x128xi32, #tpu.memory_space<vmem>> -> memref<128xi32, #tpu.memory_space<vmem>>
      %dma_wait3A_235 = arith.constant 0 : i32
      %dma_wait3A_236 = arith.constant 0 : i32
      %dma_wait3A_237 = tpu.memref_slice %arg2[%dma_wait3A_235, %dma_wait3A_236] : memref<10240x128xf32, #tpu.memory_space<hbm>> -> memref<10240x128xf32, #tpu.memory_space<hbm>>
      tpu.wait_indirect_dma semaphore(%arg10 : memref<!tpu.dma_semaphore, #tpu.memory_space<semaphore_mem>>) src(%dma_wait3A_237 : memref<10240x128xf32, #tpu.memory_space<hbm>>) dst(%arg7 : memref<128x128xf32, #tpu.memory_space<vmem>>)
      %dma_start3A_238 = arith.constant 1 : i32
      %dma_start3A_239 = arith.constant 2 : i32
      %dma_start3A_240 = arith.constant 0 : i32
      %dma_start3A_241 = tpu.memref_slice %arg5[%dma_start3A_238, %dma_start3A_239, %dma_start3A_240] : memref<2x8x128xi32, #tpu.memory_space<vmem>> -> memref<1x1x128xi32, #tpu.memory_space<vmem>>
      %dma_start3A_242 = tpu.memref_squeeze %dma_start3A_241 : memref<1x1x128xi32, #tpu.memory_space<vmem>> -> memref<128xi32, #tpu.memory_space<vmem>>
      %dma_start3A_243 = arith.constant 0 : i32
      %dma_start3A_244 = arith.constant 0 : i32
      %dma_start3A_245 = tpu.memref_slice %arg9[%dma_start3A_243, %dma_start3A_244] : memref<10240x128xf32, #tpu.memory_space<vmem_shared>> -> memref<10240x128xf32, #tpu.memory_space<vmem_shared>>
      tpu.enqueue_indirect_dma source(%arg7 : memref<128x128xf32, #tpu.memory_space<vmem>>) target(%dma_start3A_245 : memref<10240x128xf32, #tpu.memory_space<vmem_shared>>) offsets(%dma_start3A_242 : memref<128xi32, #tpu.memory_space<vmem>>) semaphore(%arg14 : memref<!tpu.dma_semaphore, #tpu.memory_space<semaphore_mem>>) {add = true}
      %dma_wait3A_246 = arith.constant 1 : i32
      %dma_wait3A_247 = arith.constant 0 : i32
      %dma_wait3A_248 = arith.constant 0 : i32
      %dma_wait3A_249 = tpu.memref_slice %arg5[%dma_wait3A_246, %dma_wait3A_247, %dma_wait3A_248] : memref<2x8x128xi32, #tpu.memory_space<vmem>> -> memref<1x1x128xi32, #tpu.memory_space<vmem>>
      %dma_wait3A_250 = tpu.memref_squeeze %dma_wait3A_249 : memref<1x1x128xi32, #tpu.memory_space<vmem>> -> memref<128xi32, #tpu.memory_space<vmem>>
      %dma_wait3A_251 = arith.constant 0 : i32
      %dma_wait3A_252 = arith.constant 0 : i32
      %dma_wait3A_253 = tpu.memref_slice %arg9[%dma_wait3A_251, %dma_wait3A_252] : memref<10240x128xf32, #tpu.memory_space<vmem_shared>> -> memref<10240x128xf32, #tpu.memory_space<vmem_shared>>
      tpu.wait_indirect_dma semaphore(%arg14 : memref<!tpu.dma_semaphore, #tpu.memory_space<semaphore_mem>>) src(%arg7 : memref<128x128xf32, #tpu.memory_space<vmem>>) dst(%dma_wait3A_253 : memref<10240x128xf32, #tpu.memory_space<vmem_shared>>)
      %dma_start3A_254 = arith.constant 0 : i32
      %dma_start3A_255 = arith.constant 4 : i32
      %dma_start3A_256 = arith.constant 0 : i32
      %dma_start3A_257 = tpu.memref_slice %arg5[%dma_start3A_254, %dma_start3A_255, %dma_start3A_256] : memref<2x8x128xi32, #tpu.memory_space<vmem>> -> memref<1x1x128xi32, #tpu.memory_space<vmem>>
      %dma_start3A_258 = tpu.memref_squeeze %dma_start3A_257 : memref<1x1x128xi32, #tpu.memory_space<vmem>> -> memref<128xi32, #tpu.memory_space<vmem>>
      %dma_start3A_259 = arith.constant 0 : i32
      %dma_start3A_260 = arith.constant 0 : i32
      %dma_start3A_261 = tpu.memref_slice %arg2[%dma_start3A_259, %dma_start3A_260] : memref<10240x128xf32, #tpu.memory_space<hbm>> -> memref<10240x128xf32, #tpu.memory_space<hbm>>
      tpu.enqueue_indirect_dma source(%dma_start3A_261 : memref<10240x128xf32, #tpu.memory_space<hbm>>) target(%arg7 : memref<128x128xf32, #tpu.memory_space<vmem>>) offsets(%dma_start3A_258 : memref<128xi32, #tpu.memory_space<vmem>>) semaphore(%arg10 : memref<!tpu.dma_semaphore, #tpu.memory_space<semaphore_mem>>)
      %dma_wait3A_262 = arith.constant 0 : i32
      %dma_wait3A_263 = arith.constant 3 : i32
      %dma_wait3A_264 = arith.constant 0 : i32
      %dma_wait3A_265 = tpu.memref_slice %arg5[%dma_wait3A_262, %dma_wait3A_263, %dma_wait3A_264] : memref<2x8x128xi32, #tpu.memory_space<vmem>> -> memref<1x1x128xi32, #tpu.memory_space<vmem>>
      %dma_wait3A_266 = tpu.memref_squeeze %dma_wait3A_265 : memref<1x1x128xi32, #tpu.memory_space<vmem>> -> memref<128xi32, #tpu.memory_space<vmem>>
      %dma_wait3A_267 = arith.constant 0 : i32
      %dma_wait3A_268 = arith.constant 0 : i32
      %dma_wait3A_269 = tpu.memref_slice %arg2[%dma_wait3A_267, %dma_wait3A_268] : memref<10240x128xf32, #tpu.memory_space<hbm>> -> memref<10240x128xf32, #tpu.memory_space<hbm>>
      tpu.wait_indirect_dma semaphore(%arg11 : memref<!tpu.dma_semaphore, #tpu.memory_space<semaphore_mem>>) src(%dma_wait3A_269 : memref<10240x128xf32, #tpu.memory_space<hbm>>) dst(%arg8 : memref<128x128xf32, #tpu.memory_space<vmem>>)
      %dma_start3A_270 = arith.constant 1 : i32
      %dma_start3A_271 = arith.constant 3 : i32
      %dma_start3A_272 = arith.constant 0 : i32
      %dma_start3A_273 = tpu.memref_slice %arg5[%dma_start3A_270, %dma_start3A_271, %dma_start3A_272] : memref<2x8x128xi32, #tpu.memory_space<vmem>> -> memref<1x1x128xi32, #tpu.memory_space<vmem>>
      %dma_start3A_274 = tpu.memref_squeeze %dma_start3A_273 : memref<1x1x128xi32, #tpu.memory_space<vmem>> -> memref<128xi32, #tpu.memory_space<vmem>>
      %dma_start3A_275 = arith.constant 0 : i32
      %dma_start3A_276 = arith.constant 0 : i32
      %dma_start3A_277 = tpu.memref_slice %arg9[%dma_start3A_275, %dma_start3A_276] : memref<10240x128xf32, #tpu.memory_space<vmem_shared>> -> memref<10240x128xf32, #tpu.memory_space<vmem_shared>>
      tpu.enqueue_indirect_dma source(%arg8 : memref<128x128xf32, #tpu.memory_space<vmem>>) target(%dma_start3A_277 : memref<10240x128xf32, #tpu.memory_space<vmem_shared>>) offsets(%dma_start3A_274 : memref<128xi32, #tpu.memory_space<vmem>>) semaphore(%arg15 : memref<!tpu.dma_semaphore, #tpu.memory_space<semaphore_mem>>) {add = true}
      %dma_wait3A_278 = arith.constant 1 : i32
      %dma_wait3A_279 = arith.constant 0 : i32
      %dma_wait3A_280 = arith.constant 0 : i32
      %dma_wait3A_281 = tpu.memref_slice %arg5[%dma_wait3A_278, %dma_wait3A_279, %dma_wait3A_280] : memref<2x8x128xi32, #tpu.memory_space<vmem>> -> memref<1x1x128xi32, #tpu.memory_space<vmem>>
      %dma_wait3A_282 = tpu.memref_squeeze %dma_wait3A_281 : memref<1x1x128xi32, #tpu.memory_space<vmem>> -> memref<128xi32, #tpu.memory_space<vmem>>
      %dma_wait3A_283 = arith.constant 0 : i32
      %dma_wait3A_284 = arith.constant 0 : i32
      %dma_wait3A_285 = tpu.memref_slice %arg9[%dma_wait3A_283, %dma_wait3A_284] : memref<10240x128xf32, #tpu.memory_space<vmem_shared>> -> memref<10240x128xf32, #tpu.memory_space<vmem_shared>>
      tpu.wait_indirect_dma semaphore(%arg15 : memref<!tpu.dma_semaphore, #tpu.memory_space<semaphore_mem>>) src(%arg8 : memref<128x128xf32, #tpu.memory_space<vmem>>) dst(%dma_wait3A_285 : memref<10240x128xf32, #tpu.memory_space<vmem_shared>>)
      %dma_start3A_286 = arith.constant 0 : i32
      %dma_start3A_287 = arith.constant 5 : i32
      %dma_start3A_288 = arith.constant 0 : i32
      %dma_start3A_289 = tpu.memref_slice %arg5[%dma_start3A_286, %dma_start3A_287, %dma_start3A_288] : memref<2x8x128xi32, #tpu.memory_space<vmem>> -> memref<1x1x128xi32, #tpu.memory_space<vmem>>
      %dma_start3A_290 = tpu.memref_squeeze %dma_start3A_289 : memref<1x1x128xi32, #tpu.memory_space<vmem>> -> memref<128xi32, #tpu.memory_space<vmem>>
      %dma_start3A_291 = arith.constant 0 : i32
      %dma_start3A_292 = arith.constant 0 : i32
      %dma_start3A_293 = tpu.memref_slice %arg2[%dma_start3A_291, %dma_start3A_292] : memref<10240x128xf32, #tpu.memory_space<hbm>> -> memref<10240x128xf32, #tpu.memory_space<hbm>>
      tpu.enqueue_indirect_dma source(%dma_start3A_293 : memref<10240x128xf32, #tpu.memory_space<hbm>>) target(%arg8 : memref<128x128xf32, #tpu.memory_space<vmem>>) offsets(%dma_start3A_290 : memref<128xi32, #tpu.memory_space<vmem>>) semaphore(%arg11 : memref<!tpu.dma_semaphore, #tpu.memory_space<semaphore_mem>>)
      %dma_wait3A_294 = arith.constant 0 : i32
      %dma_wait3A_295 = arith.constant 4 : i32
      %dma_wait3A_296 = arith.constant 0 : i32
      %dma_wait3A_297 = tpu.memref_slice %arg5[%dma_wait3A_294, %dma_wait3A_295, %dma_wait3A_296] : memref<2x8x128xi32, #tpu.memory_space<vmem>> -> memref<1x1x128xi32, #tpu.memory_space<vmem>>
      %dma_wait3A_298 = tpu.memref_squeeze %dma_wait3A_297 : memref<1x1x128xi32, #tpu.memory_space<vmem>> -> memref<128xi32, #tpu.memory_space<vmem>>
      %dma_wait3A_299 = arith.constant 0 : i32
      %dma_wait3A_300 = arith.constant 0 : i32
      %dma_wait3A_301 = tpu.memref_slice %arg2[%dma_wait3A_299, %dma_wait3A_300] : memref<10240x128xf32, #tpu.memory_space<hbm>> -> memref<10240x128xf32, #tpu.memory_space<hbm>>
      tpu.wait_indirect_dma semaphore(%arg10 : memref<!tpu.dma_semaphore, #tpu.memory_space<semaphore_mem>>) src(%dma_wait3A_301 : memref<10240x128xf32, #tpu.memory_space<hbm>>) dst(%arg7 : memref<128x128xf32, #tpu.memory_space<vmem>>)
      %dma_start3A_302 = arith.constant 1 : i32
      %dma_start3A_303 = arith.constant 4 : i32
      %dma_start3A_304 = arith.constant 0 : i32
      %dma_start3A_305 = tpu.memref_slice %arg5[%dma_start3A_302, %dma_start3A_303, %dma_start3A_304] : memref<2x8x128xi32, #tpu.memory_space<vmem>> -> memref<1x1x128xi32, #tpu.memory_space<vmem>>
      %dma_start3A_306 = tpu.memref_squeeze %dma_start3A_305 : memref<1x1x128xi32, #tpu.memory_space<vmem>> -> memref<128xi32, #tpu.memory_space<vmem>>
      %dma_start3A_307 = arith.constant 0 : i32
      %dma_start3A_308 = arith.constant 0 : i32
      %dma_start3A_309 = tpu.memref_slice %arg9[%dma_start3A_307, %dma_start3A_308] : memref<10240x128xf32, #tpu.memory_space<vmem_shared>> -> memref<10240x128xf32, #tpu.memory_space<vmem_shared>>
      tpu.enqueue_indirect_dma source(%arg7 : memref<128x128xf32, #tpu.memory_space<vmem>>) target(%dma_start3A_309 : memref<10240x128xf32, #tpu.memory_space<vmem_shared>>) offsets(%dma_start3A_306 : memref<128xi32, #tpu.memory_space<vmem>>) semaphore(%arg14 : memref<!tpu.dma_semaphore, #tpu.memory_space<semaphore_mem>>) {add = true}
      %dma_wait3A_310 = arith.constant 1 : i32
      %dma_wait3A_311 = arith.constant 0 : i32
      %dma_wait3A_312 = arith.constant 0 : i32
      %dma_wait3A_313 = tpu.memref_slice %arg5[%dma_wait3A_310, %dma_wait3A_311, %dma_wait3A_312] : memref<2x8x128xi32, #tpu.memory_space<vmem>> -> memref<1x1x128xi32, #tpu.memory_space<vmem>>
      %dma_wait3A_314 = tpu.memref_squeeze %dma_wait3A_313 : memref<1x1x128xi32, #tpu.memory_space<vmem>> -> memref<128xi32, #tpu.memory_space<vmem>>
      %dma_wait3A_315 = arith.constant 0 : i32
      %dma_wait3A_316 = arith.constant 0 : i32
      %dma_wait3A_317 = tpu.memref_slice %arg9[%dma_wait3A_315, %dma_wait3A_316] : memref<10240x128xf32, #tpu.memory_space<vmem_shared>> -> memref<10240x128xf32, #tpu.memory_space<vmem_shared>>
      tpu.wait_indirect_dma semaphore(%arg14 : memref<!tpu.dma_semaphore, #tpu.memory_space<semaphore_mem>>) src(%arg7 : memref<128x128xf32, #tpu.memory_space<vmem>>) dst(%dma_wait3A_317 : memref<10240x128xf32, #tpu.memory_space<vmem_shared>>)
      %dma_start3A_318 = arith.constant 0 : i32
      %dma_start3A_319 = arith.constant 6 : i32
      %dma_start3A_320 = arith.constant 0 : i32
      %dma_start3A_321 = tpu.memref_slice %arg5[%dma_start3A_318, %dma_start3A_319, %dma_start3A_320] : memref<2x8x128xi32, #tpu.memory_space<vmem>> -> memref<1x1x128xi32, #tpu.memory_space<vmem>>
      %dma_start3A_322 = tpu.memref_squeeze %dma_start3A_321 : memref<1x1x128xi32, #tpu.memory_space<vmem>> -> memref<128xi32, #tpu.memory_space<vmem>>
      %dma_start3A_323 = arith.constant 0 : i32
      %dma_start3A_324 = arith.constant 0 : i32
      %dma_start3A_325 = tpu.memref_slice %arg2[%dma_start3A_323, %dma_start3A_324] : memref<10240x128xf32, #tpu.memory_space<hbm>> -> memref<10240x128xf32, #tpu.memory_space<hbm>>
      tpu.enqueue_indirect_dma source(%dma_start3A_325 : memref<10240x128xf32, #tpu.memory_space<hbm>>) target(%arg7 : memref<128x128xf32, #tpu.memory_space<vmem>>) offsets(%dma_start3A_322 : memref<128xi32, #tpu.memory_space<vmem>>) semaphore(%arg10 : memref<!tpu.dma_semaphore, #tpu.memory_space<semaphore_mem>>)
      %dma_wait3A_326 = arith.constant 0 : i32
      %dma_wait3A_327 = arith.constant 5 : i32
      %dma_wait3A_328 = arith.constant 0 : i32
      %dma_wait3A_329 = tpu.memref_slice %arg5[%dma_wait3A_326, %dma_wait3A_327, %dma_wait3A_328] : memref<2x8x128xi32, #tpu.memory_space<vmem>> -> memref<1x1x128xi32, #tpu.memory_space<vmem>>
      %dma_wait3A_330 = tpu.memref_squeeze %dma_wait3A_329 : memref<1x1x128xi32, #tpu.memory_space<vmem>> -> memref<128xi32, #tpu.memory_space<vmem>>
      %dma_wait3A_331 = arith.constant 0 : i32
      %dma_wait3A_332 = arith.constant 0 : i32
      %dma_wait3A_333 = tpu.memref_slice %arg2[%dma_wait3A_331, %dma_wait3A_332] : memref<10240x128xf32, #tpu.memory_space<hbm>> -> memref<10240x128xf32, #tpu.memory_space<hbm>>
      tpu.wait_indirect_dma semaphore(%arg11 : memref<!tpu.dma_semaphore, #tpu.memory_space<semaphore_mem>>) src(%dma_wait3A_333 : memref<10240x128xf32, #tpu.memory_space<hbm>>) dst(%arg8 : memref<128x128xf32, #tpu.memory_space<vmem>>)
      %dma_start3A_334 = arith.constant 1 : i32
      %dma_start3A_335 = arith.constant 5 : i32
      %dma_start3A_336 = arith.constant 0 : i32
      %dma_start3A_337 = tpu.memref_slice %arg5[%dma_start3A_334, %dma_start3A_335, %dma_start3A_336] : memref<2x8x128xi32, #tpu.memory_space<vmem>> -> memref<1x1x128xi32, #tpu.memory_space<vmem>>
      %dma_start3A_338 = tpu.memref_squeeze %dma_start3A_337 : memref<1x1x128xi32, #tpu.memory_space<vmem>> -> memref<128xi32, #tpu.memory_space<vmem>>
      %dma_start3A_339 = arith.constant 0 : i32
      %dma_start3A_340 = arith.constant 0 : i32
      %dma_start3A_341 = tpu.memref_slice %arg9[%dma_start3A_339, %dma_start3A_340] : memref<10240x128xf32, #tpu.memory_space<vmem_shared>> -> memref<10240x128xf32, #tpu.memory_space<vmem_shared>>
      tpu.enqueue_indirect_dma source(%arg8 : memref<128x128xf32, #tpu.memory_space<vmem>>) target(%dma_start3A_341 : memref<10240x128xf32, #tpu.memory_space<vmem_shared>>) offsets(%dma_start3A_338 : memref<128xi32, #tpu.memory_space<vmem>>) semaphore(%arg15 : memref<!tpu.dma_semaphore, #tpu.memory_space<semaphore_mem>>) {add = true}
      %dma_wait3A_342 = arith.constant 1 : i32
      %dma_wait3A_343 = arith.constant 0 : i32
      %dma_wait3A_344 = arith.constant 0 : i32
      %dma_wait3A_345 = tpu.memref_slice %arg5[%dma_wait3A_342, %dma_wait3A_343, %dma_wait3A_344] : memref<2x8x128xi32, #tpu.memory_space<vmem>> -> memref<1x1x128xi32, #tpu.memory_space<vmem>>
      %dma_wait3A_346 = tpu.memref_squeeze %dma_wait3A_345 : memref<1x1x128xi32, #tpu.memory_space<vmem>> -> memref<128xi32, #tpu.memory_space<vmem>>
      %dma_wait3A_347 = arith.constant 0 : i32
      %dma_wait3A_348 = arith.constant 0 : i32
      %dma_wait3A_349 = tpu.memref_slice %arg9[%dma_wait3A_347, %dma_wait3A_348] : memref<10240x128xf32, #tpu.memory_space<vmem_shared>> -> memref<10240x128xf32, #tpu.memory_space<vmem_shared>>
      tpu.wait_indirect_dma semaphore(%arg15 : memref<!tpu.dma_semaphore, #tpu.memory_space<semaphore_mem>>) src(%arg8 : memref<128x128xf32, #tpu.memory_space<vmem>>) dst(%dma_wait3A_349 : memref<10240x128xf32, #tpu.memory_space<vmem_shared>>)
      %dma_start3A_350 = arith.constant 0 : i32
      %dma_start3A_351 = arith.constant 7 : i32
      %dma_start3A_352 = arith.constant 0 : i32
      %dma_start3A_353 = tpu.memref_slice %arg5[%dma_start3A_350, %dma_start3A_351, %dma_start3A_352] : memref<2x8x128xi32, #tpu.memory_space<vmem>> -> memref<1x1x128xi32, #tpu.memory_space<vmem>>
      %dma_start3A_354 = tpu.memref_squeeze %dma_start3A_353 : memref<1x1x128xi32, #tpu.memory_space<vmem>> -> memref<128xi32, #tpu.memory_space<vmem>>
      %dma_start3A_355 = arith.constant 0 : i32
      %dma_start3A_356 = arith.constant 0 : i32
      %dma_start3A_357 = tpu.memref_slice %arg2[%dma_start3A_355, %dma_start3A_356] : memref<10240x128xf32, #tpu.memory_space<hbm>> -> memref<10240x128xf32, #tpu.memory_space<hbm>>
      tpu.enqueue_indirect_dma source(%dma_start3A_357 : memref<10240x128xf32, #tpu.memory_space<hbm>>) target(%arg8 : memref<128x128xf32, #tpu.memory_space<vmem>>) offsets(%dma_start3A_354 : memref<128xi32, #tpu.memory_space<vmem>>) semaphore(%arg11 : memref<!tpu.dma_semaphore, #tpu.memory_space<semaphore_mem>>)
      %dma_wait3A_358 = arith.constant 0 : i32
      %dma_wait3A_359 = arith.constant 6 : i32
      %dma_wait3A_360 = arith.constant 0 : i32
      %dma_wait3A_361 = tpu.memref_slice %arg5[%dma_wait3A_358, %dma_wait3A_359, %dma_wait3A_360] : memref<2x8x128xi32, #tpu.memory_space<vmem>> -> memref<1x1x128xi32, #tpu.memory_space<vmem>>
      %dma_wait3A_362 = tpu.memref_squeeze %dma_wait3A_361 : memref<1x1x128xi32, #tpu.memory_space<vmem>> -> memref<128xi32, #tpu.memory_space<vmem>>
      %dma_wait3A_363 = arith.constant 0 : i32
      %dma_wait3A_364 = arith.constant 0 : i32
      %dma_wait3A_365 = tpu.memref_slice %arg2[%dma_wait3A_363, %dma_wait3A_364] : memref<10240x128xf32, #tpu.memory_space<hbm>> -> memref<10240x128xf32, #tpu.memory_space<hbm>>
      tpu.wait_indirect_dma semaphore(%arg10 : memref<!tpu.dma_semaphore, #tpu.memory_space<semaphore_mem>>) src(%dma_wait3A_365 : memref<10240x128xf32, #tpu.memory_space<hbm>>) dst(%arg7 : memref<128x128xf32, #tpu.memory_space<vmem>>)
      %dma_start3A_366 = arith.constant 1 : i32
      %dma_start3A_367 = arith.constant 6 : i32
      %dma_start3A_368 = arith.constant 0 : i32
      %dma_start3A_369 = tpu.memref_slice %arg5[%dma_start3A_366, %dma_start3A_367, %dma_start3A_368] : memref<2x8x128xi32, #tpu.memory_space<vmem>> -> memref<1x1x128xi32, #tpu.memory_space<vmem>>
      %dma_start3A_370 = tpu.memref_squeeze %dma_start3A_369 : memref<1x1x128xi32, #tpu.memory_space<vmem>> -> memref<128xi32, #tpu.memory_space<vmem>>
      %dma_start3A_371 = arith.constant 0 : i32
      %dma_start3A_372 = arith.constant 0 : i32
      %dma_start3A_373 = tpu.memref_slice %arg9[%dma_start3A_371, %dma_start3A_372] : memref<10240x128xf32, #tpu.memory_space<vmem_shared>> -> memref<10240x128xf32, #tpu.memory_space<vmem_shared>>
      tpu.enqueue_indirect_dma source(%arg7 : memref<128x128xf32, #tpu.memory_space<vmem>>) target(%dma_start3A_373 : memref<10240x128xf32, #tpu.memory_space<vmem_shared>>) offsets(%dma_start3A_370 : memref<128xi32, #tpu.memory_space<vmem>>) semaphore(%arg14 : memref<!tpu.dma_semaphore, #tpu.memory_space<semaphore_mem>>) {add = true}
      %dma_wait3A_374 = arith.constant 0 : i32
      %dma_wait3A_375 = arith.constant 7 : i32
      %dma_wait3A_376 = arith.constant 0 : i32
      %dma_wait3A_377 = tpu.memref_slice %arg5[%dma_wait3A_374, %dma_wait3A_375, %dma_wait3A_376] : memref<2x8x128xi32, #tpu.memory_space<vmem>> -> memref<1x1x128xi32, #tpu.memory_space<vmem>>
      %dma_wait3A_378 = tpu.memref_squeeze %dma_wait3A_377 : memref<1x1x128xi32, #tpu.memory_space<vmem>> -> memref<128xi32, #tpu.memory_space<vmem>>
      %dma_wait3A_379 = arith.constant 0 : i32
      %dma_wait3A_380 = arith.constant 0 : i32
      %dma_wait3A_381 = tpu.memref_slice %arg2[%dma_wait3A_379, %dma_wait3A_380] : memref<10240x128xf32, #tpu.memory_space<hbm>> -> memref<10240x128xf32, #tpu.memory_space<hbm>>
      tpu.wait_indirect_dma semaphore(%arg11 : memref<!tpu.dma_semaphore, #tpu.memory_space<semaphore_mem>>) src(%dma_wait3A_381 : memref<10240x128xf32, #tpu.memory_space<hbm>>) dst(%arg8 : memref<128x128xf32, #tpu.memory_space<vmem>>)
      %dma_start3A_382 = arith.constant 1 : i32
      %dma_start3A_383 = arith.constant 7 : i32
      %dma_start3A_384 = arith.constant 0 : i32
      %dma_start3A_385 = tpu.memref_slice %arg5[%dma_start3A_382, %dma_start3A_383, %dma_start3A_384] : memref<2x8x128xi32, #tpu.memory_space<vmem>> -> memref<1x1x128xi32, #tpu.memory_space<vmem>>
      %dma_start3A_386 = tpu.memref_squeeze %dma_start3A_385 : memref<1x1x128xi32, #tpu.memory_space<vmem>> -> memref<128xi32, #tpu.memory_space<vmem>>
      %dma_start3A_387 = arith.constant 0 : i32
      %dma_start3A_388 = arith.constant 0 : i32
      %dma_start3A_389 = tpu.memref_slice %arg9[%dma_start3A_387, %dma_start3A_388] : memref<10240x128xf32, #tpu.memory_space<vmem_shared>> -> memref<10240x128xf32, #tpu.memory_space<vmem_shared>>
      tpu.enqueue_indirect_dma source(%arg8 : memref<128x128xf32, #tpu.memory_space<vmem>>) target(%dma_start3A_389 : memref<10240x128xf32, #tpu.memory_space<vmem_shared>>) offsets(%dma_start3A_386 : memref<128xi32, #tpu.memory_space<vmem>>) semaphore(%arg15 : memref<!tpu.dma_semaphore, #tpu.memory_space<semaphore_mem>>) {add = true}
      %dma_wait3A_390 = arith.constant 0 : i32
      %dma_wait3A_391 = arith.constant 0 : i32
      %dma_wait3A_392 = arith.constant 0 : i32
      %dma_wait3A_393 = tpu.memref_slice %arg3[%dma_wait3A_390, %dma_wait3A_391, %dma_wait3A_392] : memref<2x5120x128xi32, #tpu.memory_space<hbm>> -> memref<2x8x128xi32, #tpu.memory_space<hbm>>
      %dma_wait3A_394 = arith.constant 0 : i32
      %dma_wait3A_395 = arith.constant 0 : i32
      %dma_wait3A_396 = arith.constant 0 : i32
      %dma_wait3A_397 = tpu.memref_slice %arg3[%dma_wait3A_394, %dma_wait3A_395, %dma_wait3A_396] : memref<2x5120x128xi32, #tpu.memory_space<hbm>> -> memref<2x8x128xi32, #tpu.memory_space<hbm>>
      tpu.wait_dma2 semaphore(%arg13 : memref<!tpu.dma_semaphore, #tpu.memory_space<semaphore_mem>>) src(%dma_wait3A_397 : memref<2x8x128xi32, #tpu.memory_space<hbm>>) dst(%arg6 : memref<2x8x128xi32, #tpu.memory_space<vmem>>)
      %dma_start3A_398 = arith.constant 0 : i32
      %dma_start3A_399 = arith.constant 0 : i32
      %dma_start3A_400 = tpu.memref_slice %arg3[%dma_start3A_398, %multiple_of3A_127, %dma_start3A_399] : memref<2x5120x128xi32, #tpu.memory_space<hbm>> -> memref<2x8x128xi32, #tpu.memory_space<hbm>>
      %dma_start3A_401 = arith.constant 0 : i32
      %dma_start3A_402 = arith.constant 0 : i32
      %dma_start3A_403 = tpu.memref_slice %arg3[%dma_start3A_401, %multiple_of3A_127, %dma_start3A_402] : memref<2x5120x128xi32, #tpu.memory_space<hbm>> -> memref<2x8x128xi32, #tpu.memory_space<hbm>>
      tpu.enqueue_dma source(%dma_start3A_403 : memref<2x8x128xi32, #tpu.memory_space<hbm>>) target(%arg5 : memref<2x8x128xi32, #tpu.memory_space<vmem>>) target_semaphore(%arg12 : memref<!tpu.dma_semaphore, #tpu.memory_space<semaphore_mem>>)
      %dma_wait3A_404 = arith.constant 1 : i32
      %dma_wait3A_405 = arith.constant 0 : i32
      %dma_wait3A_406 = arith.constant 0 : i32
      %dma_wait3A_407 = tpu.memref_slice %arg5[%dma_wait3A_404, %dma_wait3A_405, %dma_wait3A_406] : memref<2x8x128xi32, #tpu.memory_space<vmem>> -> memref<1x1x128xi32, #tpu.memory_space<vmem>>
      %dma_wait3A_408 = tpu.memref_squeeze %dma_wait3A_407 : memref<1x1x128xi32, #tpu.memory_space<vmem>> -> memref<128xi32, #tpu.memory_space<vmem>>
      %dma_wait3A_409 = arith.constant 0 : i32
      %dma_wait3A_410 = arith.constant 0 : i32
      %dma_wait3A_411 = tpu.memref_slice %arg9[%dma_wait3A_409, %dma_wait3A_410] : memref<10240x128xf32, #tpu.memory_space<vmem_shared>> -> memref<10240x128xf32, #tpu.memory_space<vmem_shared>>
      tpu.wait_indirect_dma semaphore(%arg14 : memref<!tpu.dma_semaphore, #tpu.memory_space<semaphore_mem>>) src(%arg7 : memref<128x128xf32, #tpu.memory_space<vmem>>) dst(%dma_wait3A_411 : memref<10240x128xf32, #tpu.memory_space<vmem_shared>>)
      %dma_start3A_412 = arith.constant 0 : i32
      %dma_start3A_413 = arith.constant 0 : i32
      %dma_start3A_414 = arith.constant 0 : i32
      %dma_start3A_415 = tpu.memref_slice %arg6[%dma_start3A_412, %dma_start3A_413, %dma_start3A_414] : memref<2x8x128xi32, #tpu.memory_space<vmem>> -> memref<1x1x128xi32, #tpu.memory_space<vmem>>
      %dma_start3A_416 = tpu.memref_squeeze %dma_start3A_415 : memref<1x1x128xi32, #tpu.memory_space<vmem>> -> memref<128xi32, #tpu.memory_space<vmem>>
      %dma_start3A_417 = arith.constant 0 : i32
      %dma_start3A_418 = arith.constant 0 : i32
      %dma_start3A_419 = tpu.memref_slice %arg2[%dma_start3A_417, %dma_start3A_418] : memref<10240x128xf32, #tpu.memory_space<hbm>> -> memref<10240x128xf32, #tpu.memory_space<hbm>>
      tpu.enqueue_indirect_dma source(%dma_start3A_419 : memref<10240x128xf32, #tpu.memory_space<hbm>>) target(%arg7 : memref<128x128xf32, #tpu.memory_space<vmem>>) offsets(%dma_start3A_416 : memref<128xi32, #tpu.memory_space<vmem>>) semaphore(%arg10 : memref<!tpu.dma_semaphore, #tpu.memory_space<semaphore_mem>>)
      %dma_wait3A_420 = arith.constant 1 : i32
      %dma_wait3A_421 = arith.constant 0 : i32
      %dma_wait3A_422 = arith.constant 0 : i32
      %dma_wait3A_423 = tpu.memref_slice %arg5[%dma_wait3A_420, %dma_wait3A_421, %dma_wait3A_422] : memref<2x8x128xi32, #tpu.memory_space<vmem>> -> memref<1x1x128xi32, #tpu.memory_space<vmem>>
      %dma_wait3A_424 = tpu.memref_squeeze %dma_wait3A_423 : memref<1x1x128xi32, #tpu.memory_space<vmem>> -> memref<128xi32, #tpu.memory_space<vmem>>
      %dma_wait3A_425 = arith.constant 0 : i32
      %dma_wait3A_426 = arith.constant 0 : i32
      %dma_wait3A_427 = tpu.memref_slice %arg9[%dma_wait3A_425, %dma_wait3A_426] : memref<10240x128xf32, #tpu.memory_space<vmem_shared>> -> memref<10240x128xf32, #tpu.memory_space<vmem_shared>>
      tpu.wait_indirect_dma semaphore(%arg15 : memref<!tpu.dma_semaphore, #tpu.memory_space<semaphore_mem>>) src(%arg8 : memref<128x128xf32, #tpu.memory_space<vmem>>) dst(%dma_wait3A_427 : memref<10240x128xf32, #tpu.memory_space<vmem_shared>>)
      %dma_start3A_428 = arith.constant 0 : i32
      %dma_start3A_429 = arith.constant 1 : i32
      %dma_start3A_430 = arith.constant 0 : i32
      %dma_start3A_431 = tpu.memref_slice %arg6[%dma_start3A_428, %dma_start3A_429, %dma_start3A_430] : memref<2x8x128xi32, #tpu.memory_space<vmem>> -> memref<1x1x128xi32, #tpu.memory_space<vmem>>
      %dma_start3A_432 = tpu.memref_squeeze %dma_start3A_431 : memref<1x1x128xi32, #tpu.memory_space<vmem>> -> memref<128xi32, #tpu.memory_space<vmem>>
      %dma_start3A_433 = arith.constant 0 : i32
      %dma_start3A_434 = arith.constant 0 : i32
      %dma_start3A_435 = tpu.memref_slice %arg2[%dma_start3A_433, %dma_start3A_434] : memref<10240x128xf32, #tpu.memory_space<hbm>> -> memref<10240x128xf32, #tpu.memory_space<hbm>>
      tpu.enqueue_indirect_dma source(%dma_start3A_435 : memref<10240x128xf32, #tpu.memory_space<hbm>>) target(%arg8 : memref<128x128xf32, #tpu.memory_space<vmem>>) offsets(%dma_start3A_432 : memref<128xi32, #tpu.memory_space<vmem>>) semaphore(%arg11 : memref<!tpu.dma_semaphore, #tpu.memory_space<semaphore_mem>>)
      %dma_wait3A_436 = arith.constant 0 : i32
      %dma_wait3A_437 = arith.constant 0 : i32
      %dma_wait3A_438 = arith.constant 0 : i32
      %dma_wait3A_439 = tpu.memref_slice %arg6[%dma_wait3A_436, %dma_wait3A_437, %dma_wait3A_438] : memref<2x8x128xi32, #tpu.memory_space<vmem>> -> memref<1x1x128xi32, #tpu.memory_space<vmem>>
      %dma_wait3A_440 = tpu.memref_squeeze %dma_wait3A_439 : memref<1x1x128xi32, #tpu.memory_space<vmem>> -> memref<128xi32, #tpu.memory_space<vmem>>
      %dma_wait3A_441 = arith.constant 0 : i32
      %dma_wait3A_442 = arith.constant 0 : i32
      %dma_wait3A_443 = tpu.memref_slice %arg2[%dma_wait3A_441, %dma_wait3A_442] : memref<10240x128xf32, #tpu.memory_space<hbm>> -> memref<10240x128xf32, #tpu.memory_space<hbm>>
      tpu.wait_indirect_dma semaphore(%arg10 : memref<!tpu.dma_semaphore, #tpu.memory_space<semaphore_mem>>) src(%dma_wait3A_443 : memref<10240x128xf32, #tpu.memory_space<hbm>>) dst(%arg7 : memref<128x128xf32, #tpu.memory_space<vmem>>)
      %dma_start3A_444 = arith.constant 1 : i32
      %dma_start3A_445 = arith.constant 0 : i32
      %dma_start3A_446 = arith.constant 0 : i32
      %dma_start3A_447 = tpu.memref_slice %arg6[%dma_start3A_444, %dma_start3A_445, %dma_start3A_446] : memref<2x8x128xi32, #tpu.memory_space<vmem>> -> memref<1x1x128xi32, #tpu.memory_space<vmem>>
      %dma_start3A_448 = tpu.memref_squeeze %dma_start3A_447 : memref<1x1x128xi32, #tpu.memory_space<vmem>> -> memref<128xi32, #tpu.memory_space<vmem>>
      %dma_start3A_449 = arith.constant 0 : i32
      %dma_start3A_450 = arith.constant 0 : i32
      %dma_start3A_451 = tpu.memref_slice %arg9[%dma_start3A_449, %dma_start3A_450] : memref<10240x128xf32, #tpu.memory_space<vmem_shared>> -> memref<10240x128xf32, #tpu.memory_space<vmem_shared>>
      tpu.enqueue_indirect_dma source(%arg7 : memref<128x128xf32, #tpu.memory_space<vmem>>) target(%dma_start3A_451 : memref<10240x128xf32, #tpu.memory_space<vmem_shared>>) offsets(%dma_start3A_448 : memref<128xi32, #tpu.memory_space<vmem>>) semaphore(%arg14 : memref<!tpu.dma_semaphore, #tpu.memory_space<semaphore_mem>>) {add = true}
      %dma_wait3A_452 = arith.constant 1 : i32
      %dma_wait3A_453 = arith.constant 0 : i32
      %dma_wait3A_454 = arith.constant 0 : i32
      %dma_wait3A_455 = tpu.memref_slice %arg5[%dma_wait3A_452, %dma_wait3A_453, %dma_wait3A_454] : memref<2x8x128xi32, #tpu.memory_space<vmem>> -> memref<1x1x128xi32, #tpu.memory_space<vmem>>
      %dma_wait3A_456 = tpu.memref_squeeze %dma_wait3A_455 : memref<1x1x128xi32, #tpu.memory_space<vmem>> -> memref<128xi32, #tpu.memory_space<vmem>>
      %dma_wait3A_457 = arith.constant 0 : i32
      %dma_wait3A_458 = arith.constant 0 : i32
      %dma_wait3A_459 = tpu.memref_slice %arg9[%dma_wait3A_457, %dma_wait3A_458] : memref<10240x128xf32, #tpu.memory_space<vmem_shared>> -> memref<10240x128xf32, #tpu.memory_space<vmem_shared>>
      tpu.wait_indirect_dma semaphore(%arg14 : memref<!tpu.dma_semaphore, #tpu.memory_space<semaphore_mem>>) src(%arg7 : memref<128x128xf32, #tpu.memory_space<vmem>>) dst(%dma_wait3A_459 : memref<10240x128xf32, #tpu.memory_space<vmem_shared>>)
      %dma_start3A_460 = arith.constant 0 : i32
      %dma_start3A_461 = arith.constant 2 : i32
      %dma_start3A_462 = arith.constant 0 : i32
      %dma_start3A_463 = tpu.memref_slice %arg6[%dma_start3A_460, %dma_start3A_461, %dma_start3A_462] : memref<2x8x128xi32, #tpu.memory_space<vmem>> -> memref<1x1x128xi32, #tpu.memory_space<vmem>>
      %dma_start3A_464 = tpu.memref_squeeze %dma_start3A_463 : memref<1x1x128xi32, #tpu.memory_space<vmem>> -> memref<128xi32, #tpu.memory_space<vmem>>
      %dma_start3A_465 = arith.constant 0 : i32
      %dma_start3A_466 = arith.constant 0 : i32
      %dma_start3A_467 = tpu.memref_slice %arg2[%dma_start3A_465, %dma_start3A_466] : memref<10240x128xf32, #tpu.memory_space<hbm>> -> memref<10240x128xf32, #tpu.memory_space<hbm>>
      tpu.enqueue_indirect_dma source(%dma_start3A_467 : memref<10240x128xf32, #tpu.memory_space<hbm>>) target(%arg7 : memref<128x128xf32, #tpu.memory_space<vmem>>) offsets(%dma_start3A_464 : memref<128xi32, #tpu.memory_space<vmem>>) semaphore(%arg10 : memref<!tpu.dma_semaphore, #tpu.memory_space<semaphore_mem>>)
      %dma_wait3A_468 = arith.constant 0 : i32
      %dma_wait3A_469 = arith.constant 1 : i32
      %dma_wait3A_470 = arith.constant 0 : i32
      %dma_wait3A_471 = tpu.memref_slice %arg6[%dma_wait3A_468, %dma_wait3A_469, %dma_wait3A_470] : memref<2x8x128xi32, #tpu.memory_space<vmem>> -> memref<1x1x128xi32, #tpu.memory_space<vmem>>
      %dma_wait3A_472 = tpu.memref_squeeze %dma_wait3A_471 : memref<1x1x128xi32, #tpu.memory_space<vmem>> -> memref<128xi32, #tpu.memory_space<vmem>>
      %dma_wait3A_473 = arith.constant 0 : i32
      %dma_wait3A_474 = arith.constant 0 : i32
      %dma_wait3A_475 = tpu.memref_slice %arg2[%dma_wait3A_473, %dma_wait3A_474] : memref<10240x128xf32, #tpu.memory_space<hbm>> -> memref<10240x128xf32, #tpu.memory_space<hbm>>
      tpu.wait_indirect_dma semaphore(%arg11 : memref<!tpu.dma_semaphore, #tpu.memory_space<semaphore_mem>>) src(%dma_wait3A_475 : memref<10240x128xf32, #tpu.memory_space<hbm>>) dst(%arg8 : memref<128x128xf32, #tpu.memory_space<vmem>>)
      %dma_start3A_476 = arith.constant 1 : i32
      %dma_start3A_477 = arith.constant 1 : i32
      %dma_start3A_478 = arith.constant 0 : i32
      %dma_start3A_479 = tpu.memref_slice %arg6[%dma_start3A_476, %dma_start3A_477, %dma_start3A_478] : memref<2x8x128xi32, #tpu.memory_space<vmem>> -> memref<1x1x128xi32, #tpu.memory_space<vmem>>
      %dma_start3A_480 = tpu.memref_squeeze %dma_start3A_479 : memref<1x1x128xi32, #tpu.memory_space<vmem>> -> memref<128xi32, #tpu.memory_space<vmem>>
      %dma_start3A_481 = arith.constant 0 : i32
      %dma_start3A_482 = arith.constant 0 : i32
      %dma_start3A_483 = tpu.memref_slice %arg9[%dma_start3A_481, %dma_start3A_482] : memref<10240x128xf32, #tpu.memory_space<vmem_shared>> -> memref<10240x128xf32, #tpu.memory_space<vmem_shared>>
      tpu.enqueue_indirect_dma source(%arg8 : memref<128x128xf32, #tpu.memory_space<vmem>>) target(%dma_start3A_483 : memref<10240x128xf32, #tpu.memory_space<vmem_shared>>) offsets(%dma_start3A_480 : memref<128xi32, #tpu.memory_space<vmem>>) semaphore(%arg15 : memref<!tpu.dma_semaphore, #tpu.memory_space<semaphore_mem>>) {add = true}
      %dma_wait3A_484 = arith.constant 1 : i32
      %dma_wait3A_485 = arith.constant 0 : i32
      %dma_wait3A_486 = arith.constant 0 : i32
      %dma_wait3A_487 = tpu.memref_slice %arg5[%dma_wait3A_484, %dma_wait3A_485, %dma_wait3A_486] : memref<2x8x128xi32, #tpu.memory_space<vmem>> -> memref<1x1x128xi32, #tpu.memory_space<vmem>>
      %dma_wait3A_488 = tpu.memref_squeeze %dma_wait3A_487 : memref<1x1x128xi32, #tpu.memory_space<vmem>> -> memref<128xi32, #tpu.memory_space<vmem>>
      %dma_wait3A_489 = arith.constant 0 : i32
      %dma_wait3A_490 = arith.constant 0 : i32
      %dma_wait3A_491 = tpu.memref_slice %arg9[%dma_wait3A_489, %dma_wait3A_490] : memref<10240x128xf32, #tpu.memory_space<vmem_shared>> -> memref<10240x128xf32, #tpu.memory_space<vmem_shared>>
      tpu.wait_indirect_dma semaphore(%arg15 : memref<!tpu.dma_semaphore, #tpu.memory_space<semaphore_mem>>) src(%arg8 : memref<128x128xf32, #tpu.memory_space<vmem>>) dst(%dma_wait3A_491 : memref<10240x128xf32, #tpu.memory_space<vmem_shared>>)
      %dma_start3A_492 = arith.constant 0 : i32
      %dma_start3A_493 = arith.constant 3 : i32
      %dma_start3A_494 = arith.constant 0 : i32
      %dma_start3A_495 = tpu.memref_slice %arg6[%dma_start3A_492, %dma_start3A_493, %dma_start3A_494] : memref<2x8x128xi32, #tpu.memory_space<vmem>> -> memref<1x1x128xi32, #tpu.memory_space<vmem>>
      %dma_start3A_496 = tpu.memref_squeeze %dma_start3A_495 : memref<1x1x128xi32, #tpu.memory_space<vmem>> -> memref<128xi32, #tpu.memory_space<vmem>>
      %dma_start3A_497 = arith.constant 0 : i32
      %dma_start3A_498 = arith.constant 0 : i32
      %dma_start3A_499 = tpu.memref_slice %arg2[%dma_start3A_497, %dma_start3A_498] : memref<10240x128xf32, #tpu.memory_space<hbm>> -> memref<10240x128xf32, #tpu.memory_space<hbm>>
      tpu.enqueue_indirect_dma source(%dma_start3A_499 : memref<10240x128xf32, #tpu.memory_space<hbm>>) target(%arg8 : memref<128x128xf32, #tpu.memory_space<vmem>>) offsets(%dma_start3A_496 : memref<128xi32, #tpu.memory_space<vmem>>) semaphore(%arg11 : memref<!tpu.dma_semaphore, #tpu.memory_space<semaphore_mem>>)
      %dma_wait3A_500 = arith.constant 0 : i32
      %dma_wait3A_501 = arith.constant 2 : i32
      %dma_wait3A_502 = arith.constant 0 : i32
      %dma_wait3A_503 = tpu.memref_slice %arg6[%dma_wait3A_500, %dma_wait3A_501, %dma_wait3A_502] : memref<2x8x128xi32, #tpu.memory_space<vmem>> -> memref<1x1x128xi32, #tpu.memory_space<vmem>>
      %dma_wait3A_504 = tpu.memref_squeeze %dma_wait3A_503 : memref<1x1x128xi32, #tpu.memory_space<vmem>> -> memref<128xi32, #tpu.memory_space<vmem>>
      %dma_wait3A_505 = arith.constant 0 : i32
      %dma_wait3A_506 = arith.constant 0 : i32
      %dma_wait3A_507 = tpu.memref_slice %arg2[%dma_wait3A_505, %dma_wait3A_506] : memref<10240x128xf32, #tpu.memory_space<hbm>> -> memref<10240x128xf32, #tpu.memory_space<hbm>>
      tpu.wait_indirect_dma semaphore(%arg10 : memref<!tpu.dma_semaphore, #tpu.memory_space<semaphore_mem>>) src(%dma_wait3A_507 : memref<10240x128xf32, #tpu.memory_space<hbm>>) dst(%arg7 : memref<128x128xf32, #tpu.memory_space<vmem>>)
      %dma_start3A_508 = arith.constant 1 : i32
      %dma_start3A_509 = arith.constant 2 : i32
      %dma_start3A_510 = arith.constant 0 : i32
      %dma_start3A_511 = tpu.memref_slice %arg6[%dma_start3A_508, %dma_start3A_509, %dma_start3A_510] : memref<2x8x128xi32, #tpu.memory_space<vmem>> -> memref<1x1x128xi32, #tpu.memory_space<vmem>>
      %dma_start3A_512 = tpu.memref_squeeze %dma_start3A_511 : memref<1x1x128xi32, #tpu.memory_space<vmem>> -> memref<128xi32, #tpu.memory_space<vmem>>
      %dma_start3A_513 = arith.constant 0 : i32
      %dma_start3A_514 = arith.constant 0 : i32
      %dma_start3A_515 = tpu.memref_slice %arg9[%dma_start3A_513, %dma_start3A_514] : memref<10240x128xf32, #tpu.memory_space<vmem_shared>> -> memref<10240x128xf32, #tpu.memory_space<vmem_shared>>
      tpu.enqueue_indirect_dma source(%arg7 : memref<128x128xf32, #tpu.memory_space<vmem>>) target(%dma_start3A_515 : memref<10240x128xf32, #tpu.memory_space<vmem_shared>>) offsets(%dma_start3A_512 : memref<128xi32, #tpu.memory_space<vmem>>) semaphore(%arg14 : memref<!tpu.dma_semaphore, #tpu.memory_space<semaphore_mem>>) {add = true}
      %dma_wait3A_516 = arith.constant 1 : i32
      %dma_wait3A_517 = arith.constant 0 : i32
      %dma_wait3A_518 = arith.constant 0 : i32
      %dma_wait3A_519 = tpu.memref_slice %arg5[%dma_wait3A_516, %dma_wait3A_517, %dma_wait3A_518] : memref<2x8x128xi32, #tpu.memory_space<vmem>> -> memref<1x1x128xi32, #tpu.memory_space<vmem>>
      %dma_wait3A_520 = tpu.memref_squeeze %dma_wait3A_519 : memref<1x1x128xi32, #tpu.memory_space<vmem>> -> memref<128xi32, #tpu.memory_space<vmem>>
      %dma_wait3A_521 = arith.constant 0 : i32
      %dma_wait3A_522 = arith.constant 0 : i32
      %dma_wait3A_523 = tpu.memref_slice %arg9[%dma_wait3A_521, %dma_wait3A_522] : memref<10240x128xf32, #tpu.memory_space<vmem_shared>> -> memref<10240x128xf32, #tpu.memory_space<vmem_shared>>
      tpu.wait_indirect_dma semaphore(%arg14 : memref<!tpu.dma_semaphore, #tpu.memory_space<semaphore_mem>>) src(%arg7 : memref<128x128xf32, #tpu.memory_space<vmem>>) dst(%dma_wait3A_523 : memref<10240x128xf32, #tpu.memory_space<vmem_shared>>)
      %dma_start3A_524 = arith.constant 0 : i32
      %dma_start3A_525 = arith.constant 4 : i32
      %dma_start3A_526 = arith.constant 0 : i32
      %dma_start3A_527 = tpu.memref_slice %arg6[%dma_start3A_524, %dma_start3A_525, %dma_start3A_526] : memref<2x8x128xi32, #tpu.memory_space<vmem>> -> memref<1x1x128xi32, #tpu.memory_space<vmem>>
      %dma_start3A_528 = tpu.memref_squeeze %dma_start3A_527 : memref<1x1x128xi32, #tpu.memory_space<vmem>> -> memref<128xi32, #tpu.memory_space<vmem>>
      %dma_start3A_529 = arith.constant 0 : i32
      %dma_start3A_530 = arith.constant 0 : i32
      %dma_start3A_531 = tpu.memref_slice %arg2[%dma_start3A_529, %dma_start3A_530] : memref<10240x128xf32, #tpu.memory_space<hbm>> -> memref<10240x128xf32, #tpu.memory_space<hbm>>
      tpu.enqueue_indirect_dma source(%dma_start3A_531 : memref<10240x128xf32, #tpu.memory_space<hbm>>) target(%arg7 : memref<128x128xf32, #tpu.memory_space<vmem>>) offsets(%dma_start3A_528 : memref<128xi32, #tpu.memory_space<vmem>>) semaphore(%arg10 : memref<!tpu.dma_semaphore, #tpu.memory_space<semaphore_mem>>)
      %dma_wait3A_532 = arith.constant 0 : i32
      %dma_wait3A_533 = arith.constant 3 : i32
      %dma_wait3A_534 = arith.constant 0 : i32
      %dma_wait3A_535 = tpu.memref_slice %arg6[%dma_wait3A_532, %dma_wait3A_533, %dma_wait3A_534] : memref<2x8x128xi32, #tpu.memory_space<vmem>> -> memref<1x1x128xi32, #tpu.memory_space<vmem>>
      %dma_wait3A_536 = tpu.memref_squeeze %dma_wait3A_535 : memref<1x1x128xi32, #tpu.memory_space<vmem>> -> memref<128xi32, #tpu.memory_space<vmem>>
      %dma_wait3A_537 = arith.constant 0 : i32
      %dma_wait3A_538 = arith.constant 0 : i32
      %dma_wait3A_539 = tpu.memref_slice %arg2[%dma_wait3A_537, %dma_wait3A_538] : memref<10240x128xf32, #tpu.memory_space<hbm>> -> memref<10240x128xf32, #tpu.memory_space<hbm>>
      tpu.wait_indirect_dma semaphore(%arg11 : memref<!tpu.dma_semaphore, #tpu.memory_space<semaphore_mem>>) src(%dma_wait3A_539 : memref<10240x128xf32, #tpu.memory_space<hbm>>) dst(%arg8 : memref<128x128xf32, #tpu.memory_space<vmem>>)
      %dma_start3A_540 = arith.constant 1 : i32
      %dma_start3A_541 = arith.constant 3 : i32
      %dma_start3A_542 = arith.constant 0 : i32
      %dma_start3A_543 = tpu.memref_slice %arg6[%dma_start3A_540, %dma_start3A_541, %dma_start3A_542] : memref<2x8x128xi32, #tpu.memory_space<vmem>> -> memref<1x1x128xi32, #tpu.memory_space<vmem>>
      %dma_start3A_544 = tpu.memref_squeeze %dma_start3A_543 : memref<1x1x128xi32, #tpu.memory_space<vmem>> -> memref<128xi32, #tpu.memory_space<vmem>>
      %dma_start3A_545 = arith.constant 0 : i32
      %dma_start3A_546 = arith.constant 0 : i32
      %dma_start3A_547 = tpu.memref_slice %arg9[%dma_start3A_545, %dma_start3A_546] : memref<10240x128xf32, #tpu.memory_space<vmem_shared>> -> memref<10240x128xf32, #tpu.memory_space<vmem_shared>>
      tpu.enqueue_indirect_dma source(%arg8 : memref<128x128xf32, #tpu.memory_space<vmem>>) target(%dma_start3A_547 : memref<10240x128xf32, #tpu.memory_space<vmem_shared>>) offsets(%dma_start3A_544 : memref<128xi32, #tpu.memory_space<vmem>>) semaphore(%arg15 : memref<!tpu.dma_semaphore, #tpu.memory_space<semaphore_mem>>) {add = true}
      %dma_wait3A_548 = arith.constant 1 : i32
      %dma_wait3A_549 = arith.constant 0 : i32
      %dma_wait3A_550 = arith.constant 0 : i32
      %dma_wait3A_551 = tpu.memref_slice %arg5[%dma_wait3A_548, %dma_wait3A_549, %dma_wait3A_550] : memref<2x8x128xi32, #tpu.memory_space<vmem>> -> memref<1x1x128xi32, #tpu.memory_space<vmem>>
      %dma_wait3A_552 = tpu.memref_squeeze %dma_wait3A_551 : memref<1x1x128xi32, #tpu.memory_space<vmem>> -> memref<128xi32, #tpu.memory_space<vmem>>
      %dma_wait3A_553 = arith.constant 0 : i32
      %dma_wait3A_554 = arith.constant 0 : i32
      %dma_wait3A_555 = tpu.memref_slice %arg9[%dma_wait3A_553, %dma_wait3A_554] : memref<10240x128xf32, #tpu.memory_space<vmem_shared>> -> memref<10240x128xf32, #tpu.memory_space<vmem_shared>>
      tpu.wait_indirect_dma semaphore(%arg15 : memref<!tpu.dma_semaphore, #tpu.memory_space<semaphore_mem>>) src(%arg8 : memref<128x128xf32, #tpu.memory_space<vmem>>) dst(%dma_wait3A_555 : memref<10240x128xf32, #tpu.memory_space<vmem_shared>>)
      %dma_start3A_556 = arith.constant 0 : i32
      %dma_start3A_557 = arith.constant 5 : i32
      %dma_start3A_558 = arith.constant 0 : i32
      %dma_start3A_559 = tpu.memref_slice %arg6[%dma_start3A_556, %dma_start3A_557, %dma_start3A_558] : memref<2x8x128xi32, #tpu.memory_space<vmem>> -> memref<1x1x128xi32, #tpu.memory_space<vmem>>
      %dma_start3A_560 = tpu.memref_squeeze %dma_start3A_559 : memref<1x1x128xi32, #tpu.memory_space<vmem>> -> memref<128xi32, #tpu.memory_space<vmem>>
      %dma_start3A_561 = arith.constant 0 : i32
      %dma_start3A_562 = arith.constant 0 : i32
      %dma_start3A_563 = tpu.memref_slice %arg2[%dma_start3A_561, %dma_start3A_562] : memref<10240x128xf32, #tpu.memory_space<hbm>> -> memref<10240x128xf32, #tpu.memory_space<hbm>>
      tpu.enqueue_indirect_dma source(%dma_start3A_563 : memref<10240x128xf32, #tpu.memory_space<hbm>>) target(%arg8 : memref<128x128xf32, #tpu.memory_space<vmem>>) offsets(%dma_start3A_560 : memref<128xi32, #tpu.memory_space<vmem>>) semaphore(%arg11 : memref<!tpu.dma_semaphore, #tpu.memory_space<semaphore_mem>>)
      %dma_wait3A_564 = arith.constant 0 : i32
      %dma_wait3A_565 = arith.constant 4 : i32
      %dma_wait3A_566 = arith.constant 0 : i32
      %dma_wait3A_567 = tpu.memref_slice %arg6[%dma_wait3A_564, %dma_wait3A_565, %dma_wait3A_566] : memref<2x8x128xi32, #tpu.memory_space<vmem>> -> memref<1x1x128xi32, #tpu.memory_space<vmem>>
      %dma_wait3A_568 = tpu.memref_squeeze %dma_wait3A_567 : memref<1x1x128xi32, #tpu.memory_space<vmem>> -> memref<128xi32, #tpu.memory_space<vmem>>
      %dma_wait3A_569 = arith.constant 0 : i32
      %dma_wait3A_570 = arith.constant 0 : i32
      %dma_wait3A_571 = tpu.memref_slice %arg2[%dma_wait3A_569, %dma_wait3A_570] : memref<10240x128xf32, #tpu.memory_space<hbm>> -> memref<10240x128xf32, #tpu.memory_space<hbm>>
      tpu.wait_indirect_dma semaphore(%arg10 : memref<!tpu.dma_semaphore, #tpu.memory_space<semaphore_mem>>) src(%dma_wait3A_571 : memref<10240x128xf32, #tpu.memory_space<hbm>>) dst(%arg7 : memref<128x128xf32, #tpu.memory_space<vmem>>)
      %dma_start3A_572 = arith.constant 1 : i32
      %dma_start3A_573 = arith.constant 4 : i32
      %dma_start3A_574 = arith.constant 0 : i32
      %dma_start3A_575 = tpu.memref_slice %arg6[%dma_start3A_572, %dma_start3A_573, %dma_start3A_574] : memref<2x8x128xi32, #tpu.memory_space<vmem>> -> memref<1x1x128xi32, #tpu.memory_space<vmem>>
      %dma_start3A_576 = tpu.memref_squeeze %dma_start3A_575 : memref<1x1x128xi32, #tpu.memory_space<vmem>> -> memref<128xi32, #tpu.memory_space<vmem>>
      %dma_start3A_577 = arith.constant 0 : i32
      %dma_start3A_578 = arith.constant 0 : i32
      %dma_start3A_579 = tpu.memref_slice %arg9[%dma_start3A_577, %dma_start3A_578] : memref<10240x128xf32, #tpu.memory_space<vmem_shared>> -> memref<10240x128xf32, #tpu.memory_space<vmem_shared>>
      tpu.enqueue_indirect_dma source(%arg7 : memref<128x128xf32, #tpu.memory_space<vmem>>) target(%dma_start3A_579 : memref<10240x128xf32, #tpu.memory_space<vmem_shared>>) offsets(%dma_start3A_576 : memref<128xi32, #tpu.memory_space<vmem>>) semaphore(%arg14 : memref<!tpu.dma_semaphore, #tpu.memory_space<semaphore_mem>>) {add = true}
      %dma_wait3A_580 = arith.constant 1 : i32
      %dma_wait3A_581 = arith.constant 0 : i32
      %dma_wait3A_582 = arith.constant 0 : i32
      %dma_wait3A_583 = tpu.memref_slice %arg5[%dma_wait3A_580, %dma_wait3A_581, %dma_wait3A_582] : memref<2x8x128xi32, #tpu.memory_space<vmem>> -> memref<1x1x128xi32, #tpu.memory_space<vmem>>
      %dma_wait3A_584 = tpu.memref_squeeze %dma_wait3A_583 : memref<1x1x128xi32, #tpu.memory_space<vmem>> -> memref<128xi32, #tpu.memory_space<vmem>>
      %dma_wait3A_585 = arith.constant 0 : i32
      %dma_wait3A_586 = arith.constant 0 : i32
      %dma_wait3A_587 = tpu.memref_slice %arg9[%dma_wait3A_585, %dma_wait3A_586] : memref<10240x128xf32, #tpu.memory_space<vmem_shared>> -> memref<10240x128xf32, #tpu.memory_space<vmem_shared>>
      tpu.wait_indirect_dma semaphore(%arg14 : memref<!tpu.dma_semaphore, #tpu.memory_space<semaphore_mem>>) src(%arg7 : memref<128x128xf32, #tpu.memory_space<vmem>>) dst(%dma_wait3A_587 : memref<10240x128xf32, #tpu.memory_space<vmem_shared>>)
      %dma_start3A_588 = arith.constant 0 : i32
      %dma_start3A_589 = arith.constant 6 : i32
      %dma_start3A_590 = arith.constant 0 : i32
      %dma_start3A_591 = tpu.memref_slice %arg6[%dma_start3A_588, %dma_start3A_589, %dma_start3A_590] : memref<2x8x128xi32, #tpu.memory_space<vmem>> -> memref<1x1x128xi32, #tpu.memory_space<vmem>>
      %dma_start3A_592 = tpu.memref_squeeze %dma_start3A_591 : memref<1x1x128xi32, #tpu.memory_space<vmem>> -> memref<128xi32, #tpu.memory_space<vmem>>
      %dma_start3A_593 = arith.constant 0 : i32
      %dma_start3A_594 = arith.constant 0 : i32
      %dma_start3A_595 = tpu.memref_slice %arg2[%dma_start3A_593, %dma_start3A_594] : memref<10240x128xf32, #tpu.memory_space<hbm>> -> memref<10240x128xf32, #tpu.memory_space<hbm>>
      tpu.enqueue_indirect_dma source(%dma_start3A_595 : memref<10240x128xf32, #tpu.memory_space<hbm>>) target(%arg7 : memref<128x128xf32, #tpu.memory_space<vmem>>) offsets(%dma_start3A_592 : memref<128xi32, #tpu.memory_space<vmem>>) semaphore(%arg10 : memref<!tpu.dma_semaphore, #tpu.memory_space<semaphore_mem>>)
      %dma_wait3A_596 = arith.constant 0 : i32
      %dma_wait3A_597 = arith.constant 5 : i32
      %dma_wait3A_598 = arith.constant 0 : i32
      %dma_wait3A_599 = tpu.memref_slice %arg6[%dma_wait3A_596, %dma_wait3A_597, %dma_wait3A_598] : memref<2x8x128xi32, #tpu.memory_space<vmem>> -> memref<1x1x128xi32, #tpu.memory_space<vmem>>
      %dma_wait3A_600 = tpu.memref_squeeze %dma_wait3A_599 : memref<1x1x128xi32, #tpu.memory_space<vmem>> -> memref<128xi32, #tpu.memory_space<vmem>>
      %dma_wait3A_601 = arith.constant 0 : i32
      %dma_wait3A_602 = arith.constant 0 : i32
      %dma_wait3A_603 = tpu.memref_slice %arg2[%dma_wait3A_601, %dma_wait3A_602] : memref<10240x128xf32, #tpu.memory_space<hbm>> -> memref<10240x128xf32, #tpu.memory_space<hbm>>
      tpu.wait_indirect_dma semaphore(%arg11 : memref<!tpu.dma_semaphore, #tpu.memory_space<semaphore_mem>>) src(%dma_wait3A_603 : memref<10240x128xf32, #tpu.memory_space<hbm>>) dst(%arg8 : memref<128x128xf32, #tpu.memory_space<vmem>>)
      %dma_start3A_604 = arith.constant 1 : i32
      %dma_start3A_605 = arith.constant 5 : i32
      %dma_start3A_606 = arith.constant 0 : i32
      %dma_start3A_607 = tpu.memref_slice %arg6[%dma_start3A_604, %dma_start3A_605, %dma_start3A_606] : memref<2x8x128xi32, #tpu.memory_space<vmem>> -> memref<1x1x128xi32, #tpu.memory_space<vmem>>
      %dma_start3A_608 = tpu.memref_squeeze %dma_start3A_607 : memref<1x1x128xi32, #tpu.memory_space<vmem>> -> memref<128xi32, #tpu.memory_space<vmem>>
      %dma_start3A_609 = arith.constant 0 : i32
      %dma_start3A_610 = arith.constant 0 : i32
      %dma_start3A_611 = tpu.memref_slice %arg9[%dma_start3A_609, %dma_start3A_610] : memref<10240x128xf32, #tpu.memory_space<vmem_shared>> -> memref<10240x128xf32, #tpu.memory_space<vmem_shared>>
      tpu.enqueue_indirect_dma source(%arg8 : memref<128x128xf32, #tpu.memory_space<vmem>>) target(%dma_start3A_611 : memref<10240x128xf32, #tpu.memory_space<vmem_shared>>) offsets(%dma_start3A_608 : memref<128xi32, #tpu.memory_space<vmem>>) semaphore(%arg15 : memref<!tpu.dma_semaphore, #tpu.memory_space<semaphore_mem>>) {add = true}
      %dma_wait3A_612 = arith.constant 1 : i32
      %dma_wait3A_613 = arith.constant 0 : i32
      %dma_wait3A_614 = arith.constant 0 : i32
      %dma_wait3A_615 = tpu.memref_slice %arg5[%dma_wait3A_612, %dma_wait3A_613, %dma_wait3A_614] : memref<2x8x128xi32, #tpu.memory_space<vmem>> -> memref<1x1x128xi32, #tpu.memory_space<vmem>>
      %dma_wait3A_616 = tpu.memref_squeeze %dma_wait3A_615 : memref<1x1x128xi32, #tpu.memory_space<vmem>> -> memref<128xi32, #tpu.memory_space<vmem>>
      %dma_wait3A_617 = arith.constant 0 : i32
      %dma_wait3A_618 = arith.constant 0 : i32
      %dma_wait3A_619 = tpu.memref_slice %arg9[%dma_wait3A_617, %dma_wait3A_618] : memref<10240x128xf32, #tpu.memory_space<vmem_shared>> -> memref<10240x128xf32, #tpu.memory_space<vmem_shared>>
      tpu.wait_indirect_dma semaphore(%arg15 : memref<!tpu.dma_semaphore, #tpu.memory_space<semaphore_mem>>) src(%arg8 : memref<128x128xf32, #tpu.memory_space<vmem>>) dst(%dma_wait3A_619 : memref<10240x128xf32, #tpu.memory_space<vmem_shared>>)
      %dma_start3A_620 = arith.constant 0 : i32
      %dma_start3A_621 = arith.constant 7 : i32
      %dma_start3A_622 = arith.constant 0 : i32
      %dma_start3A_623 = tpu.memref_slice %arg6[%dma_start3A_620, %dma_start3A_621, %dma_start3A_622] : memref<2x8x128xi32, #tpu.memory_space<vmem>> -> memref<1x1x128xi32, #tpu.memory_space<vmem>>
      %dma_start3A_624 = tpu.memref_squeeze %dma_start3A_623 : memref<1x1x128xi32, #tpu.memory_space<vmem>> -> memref<128xi32, #tpu.memory_space<vmem>>
      %dma_start3A_625 = arith.constant 0 : i32
      %dma_start3A_626 = arith.constant 0 : i32
      %dma_start3A_627 = tpu.memref_slice %arg2[%dma_start3A_625, %dma_start3A_626] : memref<10240x128xf32, #tpu.memory_space<hbm>> -> memref<10240x128xf32, #tpu.memory_space<hbm>>
      tpu.enqueue_indirect_dma source(%dma_start3A_627 : memref<10240x128xf32, #tpu.memory_space<hbm>>) target(%arg8 : memref<128x128xf32, #tpu.memory_space<vmem>>) offsets(%dma_start3A_624 : memref<128xi32, #tpu.memory_space<vmem>>) semaphore(%arg11 : memref<!tpu.dma_semaphore, #tpu.memory_space<semaphore_mem>>)
      %dma_wait3A_628 = arith.constant 0 : i32
      %dma_wait3A_629 = arith.constant 6 : i32
      %dma_wait3A_630 = arith.constant 0 : i32
      %dma_wait3A_631 = tpu.memref_slice %arg6[%dma_wait3A_628, %dma_wait3A_629, %dma_wait3A_630] : memref<2x8x128xi32, #tpu.memory_space<vmem>> -> memref<1x1x128xi32, #tpu.memory_space<vmem>>
      %dma_wait3A_632 = tpu.memref_squeeze %dma_wait3A_631 : memref<1x1x128xi32, #tpu.memory_space<vmem>> -> memref<128xi32, #tpu.memory_space<vmem>>
      %dma_wait3A_633 = arith.constant 0 : i32
      %dma_wait3A_634 = arith.constant 0 : i32
      %dma_wait3A_635 = tpu.memref_slice %arg2[%dma_wait3A_633, %dma_wait3A_634] : memref<10240x128xf32, #tpu.memory_space<hbm>> -> memref<10240x128xf32, #tpu.memory_space<hbm>>
      tpu.wait_indirect_dma semaphore(%arg10 : memref<!tpu.dma_semaphore, #tpu.memory_space<semaphore_mem>>) src(%dma_wait3A_635 : memref<10240x128xf32, #tpu.memory_space<hbm>>) dst(%arg7 : memref<128x128xf32, #tpu.memory_space<vmem>>)
      %dma_start3A_636 = arith.constant 1 : i32
      %dma_start3A_637 = arith.constant 6 : i32
      %dma_start3A_638 = arith.constant 0 : i32
      %dma_start3A_639 = tpu.memref_slice %arg6[%dma_start3A_636, %dma_start3A_637, %dma_start3A_638] : memref<2x8x128xi32, #tpu.memory_space<vmem>> -> memref<1x1x128xi32, #tpu.memory_space<vmem>>
      %dma_start3A_640 = tpu.memref_squeeze %dma_start3A_639 : memref<1x1x128xi32, #tpu.memory_space<vmem>> -> memref<128xi32, #tpu.memory_space<vmem>>
      %dma_start3A_641 = arith.constant 0 : i32
      %dma_start3A_642 = arith.constant 0 : i32
      %dma_start3A_643 = tpu.memref_slice %arg9[%dma_start3A_641, %dma_start3A_642] : memref<10240x128xf32, #tpu.memory_space<vmem_shared>> -> memref<10240x128xf32, #tpu.memory_space<vmem_shared>>
      tpu.enqueue_indirect_dma source(%arg7 : memref<128x128xf32, #tpu.memory_space<vmem>>) target(%dma_start3A_643 : memref<10240x128xf32, #tpu.memory_space<vmem_shared>>) offsets(%dma_start3A_640 : memref<128xi32, #tpu.memory_space<vmem>>) semaphore(%arg14 : memref<!tpu.dma_semaphore, #tpu.memory_space<semaphore_mem>>) {add = true}
      %dma_wait3A_644 = arith.constant 0 : i32
      %dma_wait3A_645 = arith.constant 7 : i32
      %dma_wait3A_646 = arith.constant 0 : i32
      %dma_wait3A_647 = tpu.memref_slice %arg6[%dma_wait3A_644, %dma_wait3A_645, %dma_wait3A_646] : memref<2x8x128xi32, #tpu.memory_space<vmem>> -> memref<1x1x128xi32, #tpu.memory_space<vmem>>
      %dma_wait3A_648 = tpu.memref_squeeze %dma_wait3A_647 : memref<1x1x128xi32, #tpu.memory_space<vmem>> -> memref<128xi32, #tpu.memory_space<vmem>>
      %dma_wait3A_649 = arith.constant 0 : i32
      %dma_wait3A_650 = arith.constant 0 : i32
      %dma_wait3A_651 = tpu.memref_slice %arg2[%dma_wait3A_649, %dma_wait3A_650] : memref<10240x128xf32, #tpu.memory_space<hbm>> -> memref<10240x128xf32, #tpu.memory_space<hbm>>
      tpu.wait_indirect_dma semaphore(%arg11 : memref<!tpu.dma_semaphore, #tpu.memory_space<semaphore_mem>>) src(%dma_wait3A_651 : memref<10240x128xf32, #tpu.memory_space<hbm>>) dst(%arg8 : memref<128x128xf32, #tpu.memory_space<vmem>>)
      %dma_start3A_652 = arith.constant 1 : i32
      %dma_start3A_653 = arith.constant 7 : i32
      %dma_start3A_654 = arith.constant 0 : i32
      %dma_start3A_655 = tpu.memref_slice %arg6[%dma_start3A_652, %dma_start3A_653, %dma_start3A_654] : memref<2x8x128xi32, #tpu.memory_space<vmem>> -> memref<1x1x128xi32, #tpu.memory_space<vmem>>
      %dma_start3A_656 = tpu.memref_squeeze %dma_start3A_655 : memref<1x1x128xi32, #tpu.memory_space<vmem>> -> memref<128xi32, #tpu.memory_space<vmem>>
      %dma_start3A_657 = arith.constant 0 : i32
      %dma_start3A_658 = arith.constant 0 : i32
      %dma_start3A_659 = tpu.memref_slice %arg9[%dma_start3A_657, %dma_start3A_658] : memref<10240x128xf32, #tpu.memory_space<vmem_shared>> -> memref<10240x128xf32, #tpu.memory_space<vmem_shared>>
      tpu.enqueue_indirect_dma source(%arg8 : memref<128x128xf32, #tpu.memory_space<vmem>>) target(%dma_start3A_659 : memref<10240x128xf32, #tpu.memory_space<vmem_shared>>) offsets(%dma_start3A_656 : memref<128xi32, #tpu.memory_space<vmem>>) semaphore(%arg15 : memref<!tpu.dma_semaphore, #tpu.memory_space<semaphore_mem>>) {add = true}
      %dma_wait3A_660 = arith.constant 0 : i32
      %dma_wait3A_661 = arith.constant 0 : i32
      %dma_wait3A_662 = arith.constant 0 : i32
      %dma_wait3A_663 = tpu.memref_slice %arg3[%dma_wait3A_660, %dma_wait3A_661, %dma_wait3A_662] : memref<2x5120x128xi32, #tpu.memory_space<hbm>> -> memref<2x8x128xi32, #tpu.memory_space<hbm>>
      %dma_wait3A_664 = arith.constant 0 : i32
      %dma_wait3A_665 = arith.constant 0 : i32
      %dma_wait3A_666 = arith.constant 0 : i32
      %dma_wait3A_667 = tpu.memref_slice %arg3[%dma_wait3A_664, %dma_wait3A_665, %dma_wait3A_666] : memref<2x5120x128xi32, #tpu.memory_space<hbm>> -> memref<2x8x128xi32, #tpu.memory_space<hbm>>
      tpu.wait_dma2 semaphore(%arg12 : memref<!tpu.dma_semaphore, #tpu.memory_space<semaphore_mem>>) src(%dma_wait3A_667 : memref<2x8x128xi32, #tpu.memory_space<hbm>>) dst(%arg5 : memref<2x8x128xi32, #tpu.memory_space<vmem>>)
      %while3A_668 = arith.constant 0 : i32
      scf.yield %while3A_668 : i32
    }
    %while3A_78 = arith.constant 1 : i32
    %while3A_79 = scf.for %while3A_107 = %while3A_75 to %while3A_71 step %while3A_78 iter_args(%while3A_108 = %while3A_77) -> (i32)  : i32 {
      %mul3A_109 = arith.constant 2 : i32
      %mul3A_110 = arith.muli %mul3A_109, %while3A_107 : i32
      %add3A_111 = arith.constant 1 : i32
      %add3A_112 = arith.addi %mul3A_110, %add3A_111 : i32
      %mul3A_113 = arith.constant 8 : i32
      %mul3A_114 = arith.muli %add3A_112, %mul3A_113 : i32
      %add3A_115 = arith.addi %multiple_of3A, %mul3A_114 : i32
      %multiple_of3A_116 = tpu.assume_multiple %add3A_115, 8 : i32
      %add3A_117 = arith.constant 1 : i32
      %add3A_118 = arith.addi %while3A_107, %add3A_117 : i32
      %lt3A = arith.cmpi slt, %add3A_118, %select_n3A_68 : i32
      %mul3A_119 = arith.constant 2 : i32
      %mul3A_120 = arith.muli %mul3A_119, %while3A_107 : i32
      %add3A_121 = arith.constant 2 : i32
      %add3A_122 = arith.addi %mul3A_120, %add3A_121 : i32
      %mul3A_123 = arith.constant 8 : i32
      %mul3A_124 = arith.muli %add3A_122, %mul3A_123 : i32
      %add3A_125 = arith.addi %multiple_of3A, %mul3A_124 : i32
      %select_n3A_126 = arith.select %lt3A, %add3A_125, %multiple_of3A : i32
      %multiple_of3A_127 = tpu.assume_multiple %select_n3A_126, 8 : i32
      %dma_start3A_128 = arith.constant 0 : i32
      %dma_start3A_129 = arith.constant 0 : i32
      %dma_start3A_130 = tpu.memref_slice %arg3[%dma_start3A_128, %multiple_of3A_116, %dma_start3A_129] : memref<2x5120x128xi32, #tpu.memory_space<hbm>> -> memref<2x8x128xi32, #tpu.memory_space<hbm>>
      %dma_start3A_131 = arith.constant 0 : i32
      %dma_start3A_132 = arith.constant 0 : i32
      %dma_start3A_133 = tpu.memref_slice %arg3[%dma_start3A_131, %multiple_of3A_116, %dma_start3A_132] : memref<2x5120x128xi32, #tpu.memory_space<hbm>> -> memref<2x8x128xi32, #tpu.memory_space<hbm>>
      tpu.enqueue_dma source(%dma_start3A_133 : memref<2x8x128xi32, #tpu.memory_space<hbm>>) target(%arg6 : memref<2x8x128xi32, #tpu.memory_space<vmem>>) target_semaphore(%arg13 : memref<!tpu.dma_semaphore, #tpu.memory_space<semaphore_mem>>)
      %dma_wait3A_134 = arith.constant 1 : i32
      %dma_wait3A_135 = arith.constant 0 : i32
      %dma_wait3A_136 = arith.constant 0 : i32
      %dma_wait3A_137 = tpu.memref_slice %arg5[%dma_wait3A_134, %dma_wait3A_135, %dma_wait3A_136] : memref<2x8x128xi32, #tpu.memory_space<vmem>> -> memref<1x1x128xi32, #tpu.memory_space<vmem>>
      %dma_wait3A_138 = tpu.memref_squeeze %dma_wait3A_137 : memref<1x1x128xi32, #tpu.memory_space<vmem>> -> memref<128xi32, #tpu.memory_space<vmem>>
      %dma_wait3A_139 = arith.constant 0 : i32
      %dma_wait3A_140 = arith.constant 0 : i32
      %dma_wait3A_141 = tpu.memref_slice %arg9[%dma_wait3A_139, %dma_wait3A_140] : memref<10240x128xf32, #tpu.memory_space<vmem_shared>> -> memref<10240x128xf32, #tpu.memory_space<vmem_shared>>
      tpu.wait_indirect_dma semaphore(%arg14 : memref<!tpu.dma_semaphore, #tpu.memory_space<semaphore_mem>>) src(%arg7 : memref<128x128xf32, #tpu.memory_space<vmem>>) dst(%dma_wait3A_141 : memref<10240x128xf32, #tpu.memory_space<vmem_shared>>)
      %dma_start3A_142 = arith.constant 0 : i32
      %dma_start3A_143 = arith.constant 0 : i32
      %dma_start3A_144 = arith.constant 0 : i32
      %dma_start3A_145 = tpu.memref_slice %arg5[%dma_start3A_142, %dma_start3A_143, %dma_start3A_144] : memref<2x8x128xi32, #tpu.memory_space<vmem>> -> memref<1x1x128xi32, #tpu.memory_space<vmem>>
      %dma_start3A_146 = tpu.memref_squeeze %dma_start3A_145 : memref<1x1x128xi32, #tpu.memory_space<vmem>> -> memref<128xi32, #tpu.memory_space<vmem>>
      %dma_start3A_147 = arith.constant 0 : i32
      %dma_start3A_148 = arith.constant 0 : i32
      %dma_start3A_149 = tpu.memref_slice %arg2[%dma_start3A_147, %dma_start3A_148] : memref<10240x128xf32, #tpu.memory_space<hbm>> -> memref<10240x128xf32, #tpu.memory_space<hbm>>
      tpu.enqueue_indirect_dma source(%dma_start3A_149 : memref<10240x128xf32, #tpu.memory_space<hbm>>) target(%arg7 : memref<128x128xf32, #tpu.memory_space<vmem>>) offsets(%dma_start3A_146 : memref<128xi32, #tpu.memory_space<vmem>>) semaphore(%arg10 : memref<!tpu.dma_semaphore, #tpu.memory_space<semaphore_mem>>)
      %dma_wait3A_150 = arith.constant 1 : i32
      %dma_wait3A_151 = arith.constant 0 : i32
      %dma_wait3A_152 = arith.constant 0 : i32
      %dma_wait3A_153 = tpu.memref_slice %arg5[%dma_wait3A_150, %dma_wait3A_151, %dma_wait3A_152] : memref<2x8x128xi32, #tpu.memory_space<vmem>> -> memref<1x1x128xi32, #tpu.memory_space<vmem>>
      %dma_wait3A_154 = tpu.memref_squeeze %dma_wait3A_153 : memref<1x1x128xi32, #tpu.memory_space<vmem>> -> memref<128xi32, #tpu.memory_space<vmem>>
      %dma_wait3A_155 = arith.constant 0 : i32
      %dma_wait3A_156 = arith.constant 0 : i32
      %dma_wait3A_157 = tpu.memref_slice %arg9[%dma_wait3A_155, %dma_wait3A_156] : memref<10240x128xf32, #tpu.memory_space<vmem_shared>> -> memref<10240x128xf32, #tpu.memory_space<vmem_shared>>
      tpu.wait_indirect_dma semaphore(%arg15 : memref<!tpu.dma_semaphore, #tpu.memory_space<semaphore_mem>>) src(%arg8 : memref<128x128xf32, #tpu.memory_space<vmem>>) dst(%dma_wait3A_157 : memref<10240x128xf32, #tpu.memory_space<vmem_shared>>)
      %dma_start3A_158 = arith.constant 0 : i32
      %dma_start3A_159 = arith.constant 1 : i32
      %dma_start3A_160 = arith.constant 0 : i32
      %dma_start3A_161 = tpu.memref_slice %arg5[%dma_start3A_158, %dma_start3A_159, %dma_start3A_160] : memref<2x8x128xi32, #tpu.memory_space<vmem>> -> memref<1x1x128xi32, #tpu.memory_space<vmem>>
      %dma_start3A_162 = tpu.memref_squeeze %dma_start3A_161 : memref<1x1x128xi32, #tpu.memory_space<vmem>> -> memref<128xi32, #tpu.memory_space<vmem>>
      %dma_start3A_163 = arith.constant 0 : i32
      %dma_start3A_164 = arith.constant 0 : i32
      %dma_start3A_165 = tpu.memref_slice %arg2[%dma_start3A_163, %dma_start3A_164] : memref<10240x128xf32, #tpu.memory_space<hbm>> -> memref<10240x128xf32, #tpu.memory_space<hbm>>
      tpu.enqueue_indirect_dma source(%dma_start3A_165 : memref<10240x128xf32, #tpu.memory_space<hbm>>) target(%arg8 : memref<128x128xf32, #tpu.memory_space<vmem>>) offsets(%dma_start3A_162 : memref<128xi32, #tpu.memory_space<vmem>>) semaphore(%arg11 : memref<!tpu.dma_semaphore, #tpu.memory_space<semaphore_mem>>)
      %dma_wait3A_166 = arith.constant 0 : i32
      %dma_wait3A_167 = arith.constant 0 : i32
      %dma_wait3A_168 = arith.constant 0 : i32
      %dma_wait3A_169 = tpu.memref_slice %arg5[%dma_wait3A_166, %dma_wait3A_167, %dma_wait3A_168] : memref<2x8x128xi32, #tpu.memory_space<vmem>> -> memref<1x1x128xi32, #tpu.memory_space<vmem>>
      %dma_wait3A_170 = tpu.memref_squeeze %dma_wait3A_169 : memref<1x1x128xi32, #tpu.memory_space<vmem>> -> memref<128xi32, #tpu.memory_space<vmem>>
      %dma_wait3A_171 = arith.constant 0 : i32
      %dma_wait3A_172 = arith.constant 0 : i32
      %dma_wait3A_173 = tpu.memref_slice %arg2[%dma_wait3A_171, %dma_wait3A_172] : memref<10240x128xf32, #tpu.memory_space<hbm>> -> memref<10240x128xf32, #tpu.memory_space<hbm>>
      tpu.wait_indirect_dma semaphore(%arg10 : memref<!tpu.dma_semaphore, #tpu.memory_space<semaphore_mem>>) src(%dma_wait3A_173 : memref<10240x128xf32, #tpu.memory_space<hbm>>) dst(%arg7 : memref<128x128xf32, #tpu.memory_space<vmem>>)
      %dma_start3A_174 = arith.constant 1 : i32
      %dma_start3A_175 = arith.constant 0 : i32
      %dma_start3A_176 = arith.constant 0 : i32
      %dma_start3A_177 = tpu.memref_slice %arg5[%dma_start3A_174, %dma_start3A_175, %dma_start3A_176] : memref<2x8x128xi32, #tpu.memory_space<vmem>> -> memref<1x1x128xi32, #tpu.memory_space<vmem>>
      %dma_start3A_178 = tpu.memref_squeeze %dma_start3A_177 : memref<1x1x128xi32, #tpu.memory_space<vmem>> -> memref<128xi32, #tpu.memory_space<vmem>>
      %dma_start3A_179 = arith.constant 0 : i32
      %dma_start3A_180 = arith.constant 0 : i32
      %dma_start3A_181 = tpu.memref_slice %arg9[%dma_start3A_179, %dma_start3A_180] : memref<10240x128xf32, #tpu.memory_space<vmem_shared>> -> memref<10240x128xf32, #tpu.memory_space<vmem_shared>>
      tpu.enqueue_indirect_dma source(%arg7 : memref<128x128xf32, #tpu.memory_space<vmem>>) target(%dma_start3A_181 : memref<10240x128xf32, #tpu.memory_space<vmem_shared>>) offsets(%dma_start3A_178 : memref<128xi32, #tpu.memory_space<vmem>>) semaphore(%arg14 : memref<!tpu.dma_semaphore, #tpu.memory_space<semaphore_mem>>) {add = true}
      %dma_wait3A_182 = arith.constant 1 : i32
      %dma_wait3A_183 = arith.constant 0 : i32
      %dma_wait3A_184 = arith.constant 0 : i32
      %dma_wait3A_185 = tpu.memref_slice %arg5[%dma_wait3A_182, %dma_wait3A_183, %dma_wait3A_184] : memref<2x8x128xi32, #tpu.memory_space<vmem>> -> memref<1x1x128xi32, #tpu.memory_space<vmem>>
      %dma_wait3A_186 = tpu.memref_squeeze %dma_wait3A_185 : memref<1x1x128xi32, #tpu.memory_space<vmem>> -> memref<128xi32, #tpu.memory_space<vmem>>
      %dma_wait3A_187 = arith.constant 0 : i32
      %dma_wait3A_188 = arith.constant 0 : i32
      %dma_wait3A_189 = tpu.memref_slice %arg9[%dma_wait3A_187, %dma_wait3A_188] : memref<10240x128xf32, #tpu.memory_space<vmem_shared>> -> memref<10240x128xf32, #tpu.memory_space<vmem_shared>>
      tpu.wait_indirect_dma semaphore(%arg14 : memref<!tpu.dma_semaphore, #tpu.memory_space<semaphore_mem>>) src(%arg7 : memref<128x128xf32, #tpu.memory_space<vmem>>) dst(%dma_wait3A_189 : memref<10240x128xf32, #tpu.memory_space<vmem_shared>>)
      %dma_start3A_190 = arith.constant 0 : i32
      %dma_start3A_191 = arith.constant 2 : i32
      %dma_start3A_192 = arith.constant 0 : i32
      %dma_start3A_193 = tpu.memref_slice %arg5[%dma_start3A_190, %dma_start3A_191, %dma_start3A_192] : memref<2x8x128xi32, #tpu.memory_space<vmem>> -> memref<1x1x128xi32, #tpu.memory_space<vmem>>
      %dma_start3A_194 = tpu.memref_squeeze %dma_start3A_193 : memref<1x1x128xi32, #tpu.memory_space<vmem>> -> memref<128xi32, #tpu.memory_space<vmem>>
      %dma_start3A_195 = arith.constant 0 : i32
      %dma_start3A_196 = arith.constant 0 : i32
      %dma_start3A_197 = tpu.memref_slice %arg2[%dma_start3A_195, %dma_start3A_196] : memref<10240x128xf32, #tpu.memory_space<hbm>> -> memref<10240x128xf32, #tpu.memory_space<hbm>>
      tpu.enqueue_indirect_dma source(%dma_start3A_197 : memref<10240x128xf32, #tpu.memory_space<hbm>>) target(%arg7 : memref<128x128xf32, #tpu.memory_space<vmem>>) offsets(%dma_start3A_194 : memref<128xi32, #tpu.memory_space<vmem>>) semaphore(%arg10 : memref<!tpu.dma_semaphore, #tpu.memory_space<semaphore_mem>>)
      %dma_wait3A_198 = arith.constant 0 : i32
      %dma_wait3A_199 = arith.constant 1 : i32
      %dma_wait3A_200 = arith.constant 0 : i32
      %dma_wait3A_201 = tpu.memref_slice %arg5[%dma_wait3A_198, %dma_wait3A_199, %dma_wait3A_200] : memref<2x8x128xi32, #tpu.memory_space<vmem>> -> memref<1x1x128xi32, #tpu.memory_space<vmem>>
      %dma_wait3A_202 = tpu.memref_squeeze %dma_wait3A_201 : memref<1x1x128xi32, #tpu.memory_space<vmem>> -> memref<128xi32, #tpu.memory_space<vmem>>
      %dma_wait3A_203 = arith.constant 0 : i32
      %dma_wait3A_204 = arith.constant 0 : i32
      %dma_wait3A_205 = tpu.memref_slice %arg2[%dma_wait3A_203, %dma_wait3A_204] : memref<10240x128xf32, #tpu.memory_space<hbm>> -> memref<10240x128xf32, #tpu.memory_space<hbm>>
      tpu.wait_indirect_dma semaphore(%arg11 : memref<!tpu.dma_semaphore, #tpu.memory_space<semaphore_mem>>) src(%dma_wait3A_205 : memref<10240x128xf32, #tpu.memory_space<hbm>>) dst(%arg8 : memref<128x128xf32, #tpu.memory_space<vmem>>)
      %dma_start3A_206 = arith.constant 1 : i32
      %dma_start3A_207 = arith.constant 1 : i32
      %dma_start3A_208 = arith.constant 0 : i32
      %dma_start3A_209 = tpu.memref_slice %arg5[%dma_start3A_206, %dma_start3A_207, %dma_start3A_208] : memref<2x8x128xi32, #tpu.memory_space<vmem>> -> memref<1x1x128xi32, #tpu.memory_space<vmem>>
      %dma_start3A_210 = tpu.memref_squeeze %dma_start3A_209 : memref<1x1x128xi32, #tpu.memory_space<vmem>> -> memref<128xi32, #tpu.memory_space<vmem>>
      %dma_start3A_211 = arith.constant 0 : i32
      %dma_start3A_212 = arith.constant 0 : i32
      %dma_start3A_213 = tpu.memref_slice %arg9[%dma_start3A_211, %dma_start3A_212] : memref<10240x128xf32, #tpu.memory_space<vmem_shared>> -> memref<10240x128xf32, #tpu.memory_space<vmem_shared>>
      tpu.enqueue_indirect_dma source(%arg8 : memref<128x128xf32, #tpu.memory_space<vmem>>) target(%dma_start3A_213 : memref<10240x128xf32, #tpu.memory_space<vmem_shared>>) offsets(%dma_start3A_210 : memref<128xi32, #tpu.memory_space<vmem>>) semaphore(%arg15 : memref<!tpu.dma_semaphore, #tpu.memory_space<semaphore_mem>>) {add = true}
      %dma_wait3A_214 = arith.constant 1 : i32
      %dma_wait3A_215 = arith.constant 0 : i32
      %dma_wait3A_216 = arith.constant 0 : i32
      %dma_wait3A_217 = tpu.memref_slice %arg5[%dma_wait3A_214, %dma_wait3A_215, %dma_wait3A_216] : memref<2x8x128xi32, #tpu.memory_space<vmem>> -> memref<1x1x128xi32, #tpu.memory_space<vmem>>
      %dma_wait3A_218 = tpu.memref_squeeze %dma_wait3A_217 : memref<1x1x128xi32, #tpu.memory_space<vmem>> -> memref<128xi32, #tpu.memory_space<vmem>>
      %dma_wait3A_219 = arith.constant 0 : i32
      %dma_wait3A_220 = arith.constant 0 : i32
      %dma_wait3A_221 = tpu.memref_slice %arg9[%dma_wait3A_219, %dma_wait3A_220] : memref<10240x128xf32, #tpu.memory_space<vmem_shared>> -> memref<10240x128xf32, #tpu.memory_space<vmem_shared>>
      tpu.wait_indirect_dma semaphore(%arg15 : memref<!tpu.dma_semaphore, #tpu.memory_space<semaphore_mem>>) src(%arg8 : memref<128x128xf32, #tpu.memory_space<vmem>>) dst(%dma_wait3A_221 : memref<10240x128xf32, #tpu.memory_space<vmem_shared>>)
      %dma_start3A_222 = arith.constant 0 : i32
      %dma_start3A_223 = arith.constant 3 : i32
      %dma_start3A_224 = arith.constant 0 : i32
      %dma_start3A_225 = tpu.memref_slice %arg5[%dma_start3A_222, %dma_start3A_223, %dma_start3A_224] : memref<2x8x128xi32, #tpu.memory_space<vmem>> -> memref<1x1x128xi32, #tpu.memory_space<vmem>>
      %dma_start3A_226 = tpu.memref_squeeze %dma_start3A_225 : memref<1x1x128xi32, #tpu.memory_space<vmem>> -> memref<128xi32, #tpu.memory_space<vmem>>
      %dma_start3A_227 = arith.constant 0 : i32
      %dma_start3A_228 = arith.constant 0 : i32
      %dma_start3A_229 = tpu.memref_slice %arg2[%dma_start3A_227, %dma_start3A_228] : memref<10240x128xf32, #tpu.memory_space<hbm>> -> memref<10240x128xf32, #tpu.memory_space<hbm>>
      tpu.enqueue_indirect_dma source(%dma_start3A_229 : memref<10240x128xf32, #tpu.memory_space<hbm>>) target(%arg8 : memref<128x128xf32, #tpu.memory_space<vmem>>) offsets(%dma_start3A_226 : memref<128xi32, #tpu.memory_space<vmem>>) semaphore(%arg11 : memref<!tpu.dma_semaphore, #tpu.memory_space<semaphore_mem>>)
      %dma_wait3A_230 = arith.constant 0 : i32
      %dma_wait3A_231 = arith.constant 2 : i32
      %dma_wait3A_232 = arith.constant 0 : i32
      %dma_wait3A_233 = tpu.memref_slice %arg5[%dma_wait3A_230, %dma_wait3A_231, %dma_wait3A_232] : memref<2x8x128xi32, #tpu.memory_space<vmem>> -> memref<1x1x128xi32, #tpu.memory_space<vmem>>
      %dma_wait3A_234 = tpu.memref_squeeze %dma_wait3A_233 : memref<1x1x128xi32, #tpu.memory_space<vmem>> -> memref<128xi32, #tpu.memory_space<vmem>>
      %dma_wait3A_235 = arith.constant 0 : i32
      %dma_wait3A_236 = arith.constant 0 : i32
      %dma_wait3A_237 = tpu.memref_slice %arg2[%dma_wait3A_235, %dma_wait3A_236] : memref<10240x128xf32, #tpu.memory_space<hbm>> -> memref<10240x128xf32, #tpu.memory_space<hbm>>
      tpu.wait_indirect_dma semaphore(%arg10 : memref<!tpu.dma_semaphore, #tpu.memory_space<semaphore_mem>>) src(%dma_wait3A_237 : memref<10240x128xf32, #tpu.memory_space<hbm>>) dst(%arg7 : memref<128x128xf32, #tpu.memory_space<vmem>>)
      %dma_start3A_238 = arith.constant 1 : i32
      %dma_start3A_239 = arith.constant 2 : i32
      %dma_start3A_240 = arith.constant 0 : i32
      %dma_start3A_241 = tpu.memref_slice %arg5[%dma_start3A_238, %dma_start3A_239, %dma_start3A_240] : memref<2x8x128xi32, #tpu.memory_space<vmem>> -> memref<1x1x128xi32, #tpu.memory_space<vmem>>
      %dma_start3A_242 = tpu.memref_squeeze %dma_start3A_241 : memref<1x1x128xi32, #tpu.memory_space<vmem>> -> memref<128xi32, #tpu.memory_space<vmem>>
      %dma_start3A_243 = arith.constant 0 : i32
      %dma_start3A_244 = arith.constant 0 : i32
      %dma_start3A_245 = tpu.memref_slice %arg9[%dma_start3A_243, %dma_start3A_244] : memref<10240x128xf32, #tpu.memory_space<vmem_shared>> -> memref<10240x128xf32, #tpu.memory_space<vmem_shared>>
      tpu.enqueue_indirect_dma source(%arg7 : memref<128x128xf32, #tpu.memory_space<vmem>>) target(%dma_start3A_245 : memref<10240x128xf32, #tpu.memory_space<vmem_shared>>) offsets(%dma_start3A_242 : memref<128xi32, #tpu.memory_space<vmem>>) semaphore(%arg14 : memref<!tpu.dma_semaphore, #tpu.memory_space<semaphore_mem>>) {add = true}
      %dma_wait3A_246 = arith.constant 1 : i32
      %dma_wait3A_247 = arith.constant 0 : i32
      %dma_wait3A_248 = arith.constant 0 : i32
      %dma_wait3A_249 = tpu.memref_slice %arg5[%dma_wait3A_246, %dma_wait3A_247, %dma_wait3A_248] : memref<2x8x128xi32, #tpu.memory_space<vmem>> -> memref<1x1x128xi32, #tpu.memory_space<vmem>>
      %dma_wait3A_250 = tpu.memref_squeeze %dma_wait3A_249 : memref<1x1x128xi32, #tpu.memory_space<vmem>> -> memref<128xi32, #tpu.memory_space<vmem>>
      %dma_wait3A_251 = arith.constant 0 : i32
      %dma_wait3A_252 = arith.constant 0 : i32
      %dma_wait3A_253 = tpu.memref_slice %arg9[%dma_wait3A_251, %dma_wait3A_252] : memref<10240x128xf32, #tpu.memory_space<vmem_shared>> -> memref<10240x128xf32, #tpu.memory_space<vmem_shared>>
      tpu.wait_indirect_dma semaphore(%arg14 : memref<!tpu.dma_semaphore, #tpu.memory_space<semaphore_mem>>) src(%arg7 : memref<128x128xf32, #tpu.memory_space<vmem>>) dst(%dma_wait3A_253 : memref<10240x128xf32, #tpu.memory_space<vmem_shared>>)
      %dma_start3A_254 = arith.constant 0 : i32
      %dma_start3A_255 = arith.constant 4 : i32
      %dma_start3A_256 = arith.constant 0 : i32
      %dma_start3A_257 = tpu.memref_slice %arg5[%dma_start3A_254, %dma_start3A_255, %dma_start3A_256] : memref<2x8x128xi32, #tpu.memory_space<vmem>> -> memref<1x1x128xi32, #tpu.memory_space<vmem>>
      %dma_start3A_258 = tpu.memref_squeeze %dma_start3A_257 : memref<1x1x128xi32, #tpu.memory_space<vmem>> -> memref<128xi32, #tpu.memory_space<vmem>>
      %dma_start3A_259 = arith.constant 0 : i32
      %dma_start3A_260 = arith.constant 0 : i32
      %dma_start3A_261 = tpu.memref_slice %arg2[%dma_start3A_259, %dma_start3A_260] : memref<10240x128xf32, #tpu.memory_space<hbm>> -> memref<10240x128xf32, #tpu.memory_space<hbm>>
      tpu.enqueue_indirect_dma source(%dma_start3A_261 : memref<10240x128xf32, #tpu.memory_space<hbm>>) target(%arg7 : memref<128x128xf32, #tpu.memory_space<vmem>>) offsets(%dma_start3A_258 : memref<128xi32, #tpu.memory_space<vmem>>) semaphore(%arg10 : memref<!tpu.dma_semaphore, #tpu.memory_space<semaphore_mem>>)
      %dma_wait3A_262 = arith.constant 0 : i32
      %dma_wait3A_263 = arith.constant 3 : i32
      %dma_wait3A_264 = arith.constant 0 : i32
      %dma_wait3A_265 = tpu.memref_slice %arg5[%dma_wait3A_262, %dma_wait3A_263, %dma_wait3A_264] : memref<2x8x128xi32, #tpu.memory_space<vmem>> -> memref<1x1x128xi32, #tpu.memory_space<vmem>>
      %dma_wait3A_266 = tpu.memref_squeeze %dma_wait3A_265 : memref<1x1x128xi32, #tpu.memory_space<vmem>> -> memref<128xi32, #tpu.memory_space<vmem>>
      %dma_wait3A_267 = arith.constant 0 : i32
      %dma_wait3A_268 = arith.constant 0 : i32
      %dma_wait3A_269 = tpu.memref_slice %arg2[%dma_wait3A_267, %dma_wait3A_268] : memref<10240x128xf32, #tpu.memory_space<hbm>> -> memref<10240x128xf32, #tpu.memory_space<hbm>>
      tpu.wait_indirect_dma semaphore(%arg11 : memref<!tpu.dma_semaphore, #tpu.memory_space<semaphore_mem>>) src(%dma_wait3A_269 : memref<10240x128xf32, #tpu.memory_space<hbm>>) dst(%arg8 : memref<128x128xf32, #tpu.memory_space<vmem>>)
      %dma_start3A_270 = arith.constant 1 : i32
      %dma_start3A_271 = arith.constant 3 : i32
      %dma_start3A_272 = arith.constant 0 : i32
      %dma_start3A_273 = tpu.memref_slice %arg5[%dma_start3A_270, %dma_start3A_271, %dma_start3A_272] : memref<2x8x128xi32, #tpu.memory_space<vmem>> -> memref<1x1x128xi32, #tpu.memory_space<vmem>>
      %dma_start3A_274 = tpu.memref_squeeze %dma_start3A_273 : memref<1x1x128xi32, #tpu.memory_space<vmem>> -> memref<128xi32, #tpu.memory_space<vmem>>
      %dma_start3A_275 = arith.constant 0 : i32
      %dma_start3A_276 = arith.constant 0 : i32
      %dma_start3A_277 = tpu.memref_slice %arg9[%dma_start3A_275, %dma_start3A_276] : memref<10240x128xf32, #tpu.memory_space<vmem_shared>> -> memref<10240x128xf32, #tpu.memory_space<vmem_shared>>
      tpu.enqueue_indirect_dma source(%arg8 : memref<128x128xf32, #tpu.memory_space<vmem>>) target(%dma_start3A_277 : memref<10240x128xf32, #tpu.memory_space<vmem_shared>>) offsets(%dma_start3A_274 : memref<128xi32, #tpu.memory_space<vmem>>) semaphore(%arg15 : memref<!tpu.dma_semaphore, #tpu.memory_space<semaphore_mem>>) {add = true}
      %dma_wait3A_278 = arith.constant 1 : i32
      %dma_wait3A_279 = arith.constant 0 : i32
      %dma_wait3A_280 = arith.constant 0 : i32
      %dma_wait3A_281 = tpu.memref_slice %arg5[%dma_wait3A_278, %dma_wait3A_279, %dma_wait3A_280] : memref<2x8x128xi32, #tpu.memory_space<vmem>> -> memref<1x1x128xi32, #tpu.memory_space<vmem>>
      %dma_wait3A_282 = tpu.memref_squeeze %dma_wait3A_281 : memref<1x1x128xi32, #tpu.memory_space<vmem>> -> memref<128xi32, #tpu.memory_space<vmem>>
      %dma_wait3A_283 = arith.constant 0 : i32
      %dma_wait3A_284 = arith.constant 0 : i32
      %dma_wait3A_285 = tpu.memref_slice %arg9[%dma_wait3A_283, %dma_wait3A_284] : memref<10240x128xf32, #tpu.memory_space<vmem_shared>> -> memref<10240x128xf32, #tpu.memory_space<vmem_shared>>
      tpu.wait_indirect_dma semaphore(%arg15 : memref<!tpu.dma_semaphore, #tpu.memory_space<semaphore_mem>>) src(%arg8 : memref<128x128xf32, #tpu.memory_space<vmem>>) dst(%dma_wait3A_285 : memref<10240x128xf32, #tpu.memory_space<vmem_shared>>)
      %dma_start3A_286 = arith.constant 0 : i32
      %dma_start3A_287 = arith.constant 5 : i32
      %dma_start3A_288 = arith.constant 0 : i32
      %dma_start3A_289 = tpu.memref_slice %arg5[%dma_start3A_286, %dma_start3A_287, %dma_start3A_288] : memref<2x8x128xi32, #tpu.memory_space<vmem>> -> memref<1x1x128xi32, #tpu.memory_space<vmem>>
      %dma_start3A_290 = tpu.memref_squeeze %dma_start3A_289 : memref<1x1x128xi32, #tpu.memory_space<vmem>> -> memref<128xi32, #tpu.memory_space<vmem>>
      %dma_start3A_291 = arith.constant 0 : i32
      %dma_start3A_292 = arith.constant 0 : i32
      %dma_start3A_293 = tpu.memref_slice %arg2[%dma_start3A_291, %dma_start3A_292] : memref<10240x128xf32, #tpu.memory_space<hbm>> -> memref<10240x128xf32, #tpu.memory_space<hbm>>
      tpu.enqueue_indirect_dma source(%dma_start3A_293 : memref<10240x128xf32, #tpu.memory_space<hbm>>) target(%arg8 : memref<128x128xf32, #tpu.memory_space<vmem>>) offsets(%dma_start3A_290 : memref<128xi32, #tpu.memory_space<vmem>>) semaphore(%arg11 : memref<!tpu.dma_semaphore, #tpu.memory_space<semaphore_mem>>)
      %dma_wait3A_294 = arith.constant 0 : i32
      %dma_wait3A_295 = arith.constant 4 : i32
      %dma_wait3A_296 = arith.constant 0 : i32
      %dma_wait3A_297 = tpu.memref_slice %arg5[%dma_wait3A_294, %dma_wait3A_295, %dma_wait3A_296] : memref<2x8x128xi32, #tpu.memory_space<vmem>> -> memref<1x1x128xi32, #tpu.memory_space<vmem>>
      %dma_wait3A_298 = tpu.memref_squeeze %dma_wait3A_297 : memref<1x1x128xi32, #tpu.memory_space<vmem>> -> memref<128xi32, #tpu.memory_space<vmem>>
      %dma_wait3A_299 = arith.constant 0 : i32
      %dma_wait3A_300 = arith.constant 0 : i32
      %dma_wait3A_301 = tpu.memref_slice %arg2[%dma_wait3A_299, %dma_wait3A_300] : memref<10240x128xf32, #tpu.memory_space<hbm>> -> memref<10240x128xf32, #tpu.memory_space<hbm>>
      tpu.wait_indirect_dma semaphore(%arg10 : memref<!tpu.dma_semaphore, #tpu.memory_space<semaphore_mem>>) src(%dma_wait3A_301 : memref<10240x128xf32, #tpu.memory_space<hbm>>) dst(%arg7 : memref<128x128xf32, #tpu.memory_space<vmem>>)
      %dma_start3A_302 = arith.constant 1 : i32
      %dma_start3A_303 = arith.constant 4 : i32
      %dma_start3A_304 = arith.constant 0 : i32
      %dma_start3A_305 = tpu.memref_slice %arg5[%dma_start3A_302, %dma_start3A_303, %dma_start3A_304] : memref<2x8x128xi32, #tpu.memory_space<vmem>> -> memref<1x1x128xi32, #tpu.memory_space<vmem>>
      %dma_start3A_306 = tpu.memref_squeeze %dma_start3A_305 : memref<1x1x128xi32, #tpu.memory_space<vmem>> -> memref<128xi32, #tpu.memory_space<vmem>>
      %dma_start3A_307 = arith.constant 0 : i32
      %dma_start3A_308 = arith.constant 0 : i32
      %dma_start3A_309 = tpu.memref_slice %arg9[%dma_start3A_307, %dma_start3A_308] : memref<10240x128xf32, #tpu.memory_space<vmem_shared>> -> memref<10240x128xf32, #tpu.memory_space<vmem_shared>>
      tpu.enqueue_indirect_dma source(%arg7 : memref<128x128xf32, #tpu.memory_space<vmem>>) target(%dma_start3A_309 : memref<10240x128xf32, #tpu.memory_space<vmem_shared>>) offsets(%dma_start3A_306 : memref<128xi32, #tpu.memory_space<vmem>>) semaphore(%arg14 : memref<!tpu.dma_semaphore, #tpu.memory_space<semaphore_mem>>) {add = true}
      %dma_wait3A_310 = arith.constant 1 : i32
      %dma_wait3A_311 = arith.constant 0 : i32
      %dma_wait3A_312 = arith.constant 0 : i32
      %dma_wait3A_313 = tpu.memref_slice %arg5[%dma_wait3A_310, %dma_wait3A_311, %dma_wait3A_312] : memref<2x8x128xi32, #tpu.memory_space<vmem>> -> memref<1x1x128xi32, #tpu.memory_space<vmem>>
      %dma_wait3A_314 = tpu.memref_squeeze %dma_wait3A_313 : memref<1x1x128xi32, #tpu.memory_space<vmem>> -> memref<128xi32, #tpu.memory_space<vmem>>
      %dma_wait3A_315 = arith.constant 0 : i32
      %dma_wait3A_316 = arith.constant 0 : i32
      %dma_wait3A_317 = tpu.memref_slice %arg9[%dma_wait3A_315, %dma_wait3A_316] : memref<10240x128xf32, #tpu.memory_space<vmem_shared>> -> memref<10240x128xf32, #tpu.memory_space<vmem_shared>>
      tpu.wait_indirect_dma semaphore(%arg14 : memref<!tpu.dma_semaphore, #tpu.memory_space<semaphore_mem>>) src(%arg7 : memref<128x128xf32, #tpu.memory_space<vmem>>) dst(%dma_wait3A_317 : memref<10240x128xf32, #tpu.memory_space<vmem_shared>>)
      %dma_start3A_318 = arith.constant 0 : i32
      %dma_start3A_319 = arith.constant 6 : i32
      %dma_start3A_320 = arith.constant 0 : i32
      %dma_start3A_321 = tpu.memref_slice %arg5[%dma_start3A_318, %dma_start3A_319, %dma_start3A_320] : memref<2x8x128xi32, #tpu.memory_space<vmem>> -> memref<1x1x128xi32, #tpu.memory_space<vmem>>
      %dma_start3A_322 = tpu.memref_squeeze %dma_start3A_321 : memref<1x1x128xi32, #tpu.memory_space<vmem>> -> memref<128xi32, #tpu.memory_space<vmem>>
      %dma_start3A_323 = arith.constant 0 : i32
      %dma_start3A_324 = arith.constant 0 : i32
      %dma_start3A_325 = tpu.memref_slice %arg2[%dma_start3A_323, %dma_start3A_324] : memref<10240x128xf32, #tpu.memory_space<hbm>> -> memref<10240x128xf32, #tpu.memory_space<hbm>>
      tpu.enqueue_indirect_dma source(%dma_start3A_325 : memref<10240x128xf32, #tpu.memory_space<hbm>>) target(%arg7 : memref<128x128xf32, #tpu.memory_space<vmem>>) offsets(%dma_start3A_322 : memref<128xi32, #tpu.memory_space<vmem>>) semaphore(%arg10 : memref<!tpu.dma_semaphore, #tpu.memory_space<semaphore_mem>>)
      %dma_wait3A_326 = arith.constant 0 : i32
      %dma_wait3A_327 = arith.constant 5 : i32
      %dma_wait3A_328 = arith.constant 0 : i32
      %dma_wait3A_329 = tpu.memref_slice %arg5[%dma_wait3A_326, %dma_wait3A_327, %dma_wait3A_328] : memref<2x8x128xi32, #tpu.memory_space<vmem>> -> memref<1x1x128xi32, #tpu.memory_space<vmem>>
      %dma_wait3A_330 = tpu.memref_squeeze %dma_wait3A_329 : memref<1x1x128xi32, #tpu.memory_space<vmem>> -> memref<128xi32, #tpu.memory_space<vmem>>
      %dma_wait3A_331 = arith.constant 0 : i32
      %dma_wait3A_332 = arith.constant 0 : i32
      %dma_wait3A_333 = tpu.memref_slice %arg2[%dma_wait3A_331, %dma_wait3A_332] : memref<10240x128xf32, #tpu.memory_space<hbm>> -> memref<10240x128xf32, #tpu.memory_space<hbm>>
      tpu.wait_indirect_dma semaphore(%arg11 : memref<!tpu.dma_semaphore, #tpu.memory_space<semaphore_mem>>) src(%dma_wait3A_333 : memref<10240x128xf32, #tpu.memory_space<hbm>>) dst(%arg8 : memref<128x128xf32, #tpu.memory_space<vmem>>)
      %dma_start3A_334 = arith.constant 1 : i32
      %dma_start3A_335 = arith.constant 5 : i32
      %dma_start3A_336 = arith.constant 0 : i32
      %dma_start3A_337 = tpu.memref_slice %arg5[%dma_start3A_334, %dma_start3A_335, %dma_start3A_336] : memref<2x8x128xi32, #tpu.memory_space<vmem>> -> memref<1x1x128xi32, #tpu.memory_space<vmem>>
      %dma_start3A_338 = tpu.memref_squeeze %dma_start3A_337 : memref<1x1x128xi32, #tpu.memory_space<vmem>> -> memref<128xi32, #tpu.memory_space<vmem>>
      %dma_start3A_339 = arith.constant 0 : i32
      %dma_start3A_340 = arith.constant 0 : i32
      %dma_start3A_341 = tpu.memref_slice %arg9[%dma_start3A_339, %dma_start3A_340] : memref<10240x128xf32, #tpu.memory_space<vmem_shared>> -> memref<10240x128xf32, #tpu.memory_space<vmem_shared>>
      tpu.enqueue_indirect_dma source(%arg8 : memref<128x128xf32, #tpu.memory_space<vmem>>) target(%dma_start3A_341 : memref<10240x128xf32, #tpu.memory_space<vmem_shared>>) offsets(%dma_start3A_338 : memref<128xi32, #tpu.memory_space<vmem>>) semaphore(%arg15 : memref<!tpu.dma_semaphore, #tpu.memory_space<semaphore_mem>>) {add = true}
      %dma_wait3A_342 = arith.constant 1 : i32
      %dma_wait3A_343 = arith.constant 0 : i32
      %dma_wait3A_344 = arith.constant 0 : i32
      %dma_wait3A_345 = tpu.memref_slice %arg5[%dma_wait3A_342, %dma_wait3A_343, %dma_wait3A_344] : memref<2x8x128xi32, #tpu.memory_space<vmem>> -> memref<1x1x128xi32, #tpu.memory_space<vmem>>
      %dma_wait3A_346 = tpu.memref_squeeze %dma_wait3A_345 : memref<1x1x128xi32, #tpu.memory_space<vmem>> -> memref<128xi32, #tpu.memory_space<vmem>>
      %dma_wait3A_347 = arith.constant 0 : i32
      %dma_wait3A_348 = arith.constant 0 : i32
      %dma_wait3A_349 = tpu.memref_slice %arg9[%dma_wait3A_347, %dma_wait3A_348] : memref<10240x128xf32, #tpu.memory_space<vmem_shared>> -> memref<10240x128xf32, #tpu.memory_space<vmem_shared>>
      tpu.wait_indirect_dma semaphore(%arg15 : memref<!tpu.dma_semaphore, #tpu.memory_space<semaphore_mem>>) src(%arg8 : memref<128x128xf32, #tpu.memory_space<vmem>>) dst(%dma_wait3A_349 : memref<10240x128xf32, #tpu.memory_space<vmem_shared>>)
      %dma_start3A_350 = arith.constant 0 : i32
      %dma_start3A_351 = arith.constant 7 : i32
      %dma_start3A_352 = arith.constant 0 : i32
      %dma_start3A_353 = tpu.memref_slice %arg5[%dma_start3A_350, %dma_start3A_351, %dma_start3A_352] : memref<2x8x128xi32, #tpu.memory_space<vmem>> -> memref<1x1x128xi32, #tpu.memory_space<vmem>>
      %dma_start3A_354 = tpu.memref_squeeze %dma_start3A_353 : memref<1x1x128xi32, #tpu.memory_space<vmem>> -> memref<128xi32, #tpu.memory_space<vmem>>
      %dma_start3A_355 = arith.constant 0 : i32
      %dma_start3A_356 = arith.constant 0 : i32
      %dma_start3A_357 = tpu.memref_slice %arg2[%dma_start3A_355, %dma_start3A_356] : memref<10240x128xf32, #tpu.memory_space<hbm>> -> memref<10240x128xf32, #tpu.memory_space<hbm>>
      tpu.enqueue_indirect_dma source(%dma_start3A_357 : memref<10240x128xf32, #tpu.memory_space<hbm>>) target(%arg8 : memref<128x128xf32, #tpu.memory_space<vmem>>) offsets(%dma_start3A_354 : memref<128xi32, #tpu.memory_space<vmem>>) semaphore(%arg11 : memref<!tpu.dma_semaphore, #tpu.memory_space<semaphore_mem>>)
      %dma_wait3A_358 = arith.constant 0 : i32
      %dma_wait3A_359 = arith.constant 6 : i32
      %dma_wait3A_360 = arith.constant 0 : i32
      %dma_wait3A_361 = tpu.memref_slice %arg5[%dma_wait3A_358, %dma_wait3A_359, %dma_wait3A_360] : memref<2x8x128xi32, #tpu.memory_space<vmem>> -> memref<1x1x128xi32, #tpu.memory_space<vmem>>
      %dma_wait3A_362 = tpu.memref_squeeze %dma_wait3A_361 : memref<1x1x128xi32, #tpu.memory_space<vmem>> -> memref<128xi32, #tpu.memory_space<vmem>>
      %dma_wait3A_363 = arith.constant 0 : i32
      %dma_wait3A_364 = arith.constant 0 : i32
      %dma_wait3A_365 = tpu.memref_slice %arg2[%dma_wait3A_363, %dma_wait3A_364] : memref<10240x128xf32, #tpu.memory_space<hbm>> -> memref<10240x128xf32, #tpu.memory_space<hbm>>
      tpu.wait_indirect_dma semaphore(%arg10 : memref<!tpu.dma_semaphore, #tpu.memory_space<semaphore_mem>>) src(%dma_wait3A_365 : memref<10240x128xf32, #tpu.memory_space<hbm>>) dst(%arg7 : memref<128x128xf32, #tpu.memory_space<vmem>>)
      %dma_start3A_366 = arith.constant 1 : i32
      %dma_start3A_367 = arith.constant 6 : i32
      %dma_start3A_368 = arith.constant 0 : i32
      %dma_start3A_369 = tpu.memref_slice %arg5[%dma_start3A_366, %dma_start3A_367, %dma_start3A_368] : memref<2x8x128xi32, #tpu.memory_space<vmem>> -> memref<1x1x128xi32, #tpu.memory_space<vmem>>
      %dma_start3A_370 = tpu.memref_squeeze %dma_start3A_369 : memref<1x1x128xi32, #tpu.memory_space<vmem>> -> memref<128xi32, #tpu.memory_space<vmem>>
      %dma_start3A_371 = arith.constant 0 : i32
      %dma_start3A_372 = arith.constant 0 : i32
      %dma_start3A_373 = tpu.memref_slice %arg9[%dma_start3A_371, %dma_start3A_372] : memref<10240x128xf32, #tpu.memory_space<vmem_shared>> -> memref<10240x128xf32, #tpu.memory_space<vmem_shared>>
      tpu.enqueue_indirect_dma source(%arg7 : memref<128x128xf32, #tpu.memory_space<vmem>>) target(%dma_start3A_373 : memref<10240x128xf32, #tpu.memory_space<vmem_shared>>) offsets(%dma_start3A_370 : memref<128xi32, #tpu.memory_space<vmem>>) semaphore(%arg14 : memref<!tpu.dma_semaphore, #tpu.memory_space<semaphore_mem>>) {add = true}
      %dma_wait3A_374 = arith.constant 0 : i32
      %dma_wait3A_375 = arith.constant 7 : i32
      %dma_wait3A_376 = arith.constant 0 : i32
      %dma_wait3A_377 = tpu.memref_slice %arg5[%dma_wait3A_374, %dma_wait3A_375, %dma_wait3A_376] : memref<2x8x128xi32, #tpu.memory_space<vmem>> -> memref<1x1x128xi32, #tpu.memory_space<vmem>>
      %dma_wait3A_378 = tpu.memref_squeeze %dma_wait3A_377 : memref<1x1x128xi32, #tpu.memory_space<vmem>> -> memref<128xi32, #tpu.memory_space<vmem>>
      %dma_wait3A_379 = arith.constant 0 : i32
      %dma_wait3A_380 = arith.constant 0 : i32
      %dma_wait3A_381 = tpu.memref_slice %arg2[%dma_wait3A_379, %dma_wait3A_380] : memref<10240x128xf32, #tpu.memory_space<hbm>> -> memref<10240x128xf32, #tpu.memory_space<hbm>>
      tpu.wait_indirect_dma semaphore(%arg11 : memref<!tpu.dma_semaphore, #tpu.memory_space<semaphore_mem>>) src(%dma_wait3A_381 : memref<10240x128xf32, #tpu.memory_space<hbm>>) dst(%arg8 : memref<128x128xf32, #tpu.memory_space<vmem>>)
      %dma_start3A_382 = arith.constant 1 : i32
      %dma_start3A_383 = arith.constant 7 : i32
      %dma_start3A_384 = arith.constant 0 : i32
      %dma_start3A_385 = tpu.memref_slice %arg5[%dma_start3A_382, %dma_start3A_383, %dma_start3A_384] : memref<2x8x128xi32, #tpu.memory_space<vmem>> -> memref<1x1x128xi32, #tpu.memory_space<vmem>>
      %dma_start3A_386 = tpu.memref_squeeze %dma_start3A_385 : memref<1x1x128xi32, #tpu.memory_space<vmem>> -> memref<128xi32, #tpu.memory_space<vmem>>
      %dma_start3A_387 = arith.constant 0 : i32
      %dma_start3A_388 = arith.constant 0 : i32
      %dma_start3A_389 = tpu.memref_slice %arg9[%dma_start3A_387, %dma_start3A_388] : memref<10240x128xf32, #tpu.memory_space<vmem_shared>> -> memref<10240x128xf32, #tpu.memory_space<vmem_shared>>
      tpu.enqueue_indirect_dma source(%arg8 : memref<128x128xf32, #tpu.memory_space<vmem>>) target(%dma_start3A_389 : memref<10240x128xf32, #tpu.memory_space<vmem_shared>>) offsets(%dma_start3A_386 : memref<128xi32, #tpu.memory_space<vmem>>) semaphore(%arg15 : memref<!tpu.dma_semaphore, #tpu.memory_space<semaphore_mem>>) {add = true}
      %dma_wait3A_390 = arith.constant 0 : i32
      %dma_wait3A_391 = arith.constant 0 : i32
      %dma_wait3A_392 = arith.constant 0 : i32
      %dma_wait3A_393 = tpu.memref_slice %arg3[%dma_wait3A_390, %dma_wait3A_391, %dma_wait3A_392] : memref<2x5120x128xi32, #tpu.memory_space<hbm>> -> memref<2x8x128xi32, #tpu.memory_space<hbm>>
      %dma_wait3A_394 = arith.constant 0 : i32
      %dma_wait3A_395 = arith.constant 0 : i32
      %dma_wait3A_396 = arith.constant 0 : i32
      %dma_wait3A_397 = tpu.memref_slice %arg3[%dma_wait3A_394, %dma_wait3A_395, %dma_wait3A_396] : memref<2x5120x128xi32, #tpu.memory_space<hbm>> -> memref<2x8x128xi32, #tpu.memory_space<hbm>>
      tpu.wait_dma2 semaphore(%arg13 : memref<!tpu.dma_semaphore, #tpu.memory_space<semaphore_mem>>) src(%dma_wait3A_397 : memref<2x8x128xi32, #tpu.memory_space<hbm>>) dst(%arg6 : memref<2x8x128xi32, #tpu.memory_space<vmem>>)
      %dma_start3A_398 = arith.constant 0 : i32
      %dma_start3A_399 = arith.constant 0 : i32
      %dma_start3A_400 = tpu.memref_slice %arg3[%dma_start3A_398, %multiple_of3A_127, %dma_start3A_399] : memref<2x5120x128xi32, #tpu.memory_space<hbm>> -> memref<2x8x128xi32, #tpu.memory_space<hbm>>
      %dma_start3A_401 = arith.constant 0 : i32
      %dma_start3A_402 = arith.constant 0 : i32
      %dma_start3A_403 = tpu.memref_slice %arg3[%dma_start3A_401, %multiple_of3A_127, %dma_start3A_402] : memref<2x5120x128xi32, #tpu.memory_space<hbm>> -> memref<2x8x128xi32, #tpu.memory_space<hbm>>
      tpu.enqueue_dma source(%dma_start3A_403 : memref<2x8x128xi32, #tpu.memory_space<hbm>>) target(%arg5 : memref<2x8x128xi32, #tpu.memory_space<vmem>>) target_semaphore(%arg12 : memref<!tpu.dma_semaphore, #tpu.memory_space<semaphore_mem>>)
      %dma_wait3A_404 = arith.constant 1 : i32
      %dma_wait3A_405 = arith.constant 0 : i32
      %dma_wait3A_406 = arith.constant 0 : i32
      %dma_wait3A_407 = tpu.memref_slice %arg5[%dma_wait3A_404, %dma_wait3A_405, %dma_wait3A_406] : memref<2x8x128xi32, #tpu.memory_space<vmem>> -> memref<1x1x128xi32, #tpu.memory_space<vmem>>
      %dma_wait3A_408 = tpu.memref_squeeze %dma_wait3A_407 : memref<1x1x128xi32, #tpu.memory_space<vmem>> -> memref<128xi32, #tpu.memory_space<vmem>>
      %dma_wait3A_409 = arith.constant 0 : i32
      %dma_wait3A_410 = arith.constant 0 : i32
      %dma_wait3A_411 = tpu.memref_slice %arg9[%dma_wait3A_409, %dma_wait3A_410] : memref<10240x128xf32, #tpu.memory_space<vmem_shared>> -> memref<10240x128xf32, #tpu.memory_space<vmem_shared>>
      tpu.wait_indirect_dma semaphore(%arg14 : memref<!tpu.dma_semaphore, #tpu.memory_space<semaphore_mem>>) src(%arg7 : memref<128x128xf32, #tpu.memory_space<vmem>>) dst(%dma_wait3A_411 : memref<10240x128xf32, #tpu.memory_space<vmem_shared>>)
      %dma_start3A_412 = arith.constant 0 : i32
      %dma_start3A_413 = arith.constant 0 : i32
      %dma_start3A_414 = arith.constant 0 : i32
      %dma_start3A_415 = tpu.memref_slice %arg6[%dma_start3A_412, %dma_start3A_413, %dma_start3A_414] : memref<2x8x128xi32, #tpu.memory_space<vmem>> -> memref<1x1x128xi32, #tpu.memory_space<vmem>>
      %dma_start3A_416 = tpu.memref_squeeze %dma_start3A_415 : memref<1x1x128xi32, #tpu.memory_space<vmem>> -> memref<128xi32, #tpu.memory_space<vmem>>
      %dma_start3A_417 = arith.constant 0 : i32
      %dma_start3A_418 = arith.constant 0 : i32
      %dma_start3A_419 = tpu.memref_slice %arg2[%dma_start3A_417, %dma_start3A_418] : memref<10240x128xf32, #tpu.memory_space<hbm>> -> memref<10240x128xf32, #tpu.memory_space<hbm>>
      tpu.enqueue_indirect_dma source(%dma_start3A_419 : memref<10240x128xf32, #tpu.memory_space<hbm>>) target(%arg7 : memref<128x128xf32, #tpu.memory_space<vmem>>) offsets(%dma_start3A_416 : memref<128xi32, #tpu.memory_space<vmem>>) semaphore(%arg10 : memref<!tpu.dma_semaphore, #tpu.memory_space<semaphore_mem>>)
      %dma_wait3A_420 = arith.constant 1 : i32
      %dma_wait3A_421 = arith.constant 0 : i32
      %dma_wait3A_422 = arith.constant 0 : i32
      %dma_wait3A_423 = tpu.memref_slice %arg5[%dma_wait3A_420, %dma_wait3A_421, %dma_wait3A_422] : memref<2x8x128xi32, #tpu.memory_space<vmem>> -> memref<1x1x128xi32, #tpu.memory_space<vmem>>
      %dma_wait3A_424 = tpu.memref_squeeze %dma_wait3A_423 : memref<1x1x128xi32, #tpu.memory_space<vmem>> -> memref<128xi32, #tpu.memory_space<vmem>>
      %dma_wait3A_425 = arith.constant 0 : i32
      %dma_wait3A_426 = arith.constant 0 : i32
      %dma_wait3A_427 = tpu.memref_slice %arg9[%dma_wait3A_425, %dma_wait3A_426] : memref<10240x128xf32, #tpu.memory_space<vmem_shared>> -> memref<10240x128xf32, #tpu.memory_space<vmem_shared>>
      tpu.wait_indirect_dma semaphore(%arg15 : memref<!tpu.dma_semaphore, #tpu.memory_space<semaphore_mem>>) src(%arg8 : memref<128x128xf32, #tpu.memory_space<vmem>>) dst(%dma_wait3A_427 : memref<10240x128xf32, #tpu.memory_space<vmem_shared>>)
      %dma_start3A_428 = arith.constant 0 : i32
      %dma_start3A_429 = arith.constant 1 : i32
      %dma_start3A_430 = arith.constant 0 : i32
      %dma_start3A_431 = tpu.memref_slice %arg6[%dma_start3A_428, %dma_start3A_429, %dma_start3A_430] : memref<2x8x128xi32, #tpu.memory_space<vmem>> -> memref<1x1x128xi32, #tpu.memory_space<vmem>>
      %dma_start3A_432 = tpu.memref_squeeze %dma_start3A_431 : memref<1x1x128xi32, #tpu.memory_space<vmem>> -> memref<128xi32, #tpu.memory_space<vmem>>
      %dma_start3A_433 = arith.constant 0 : i32
      %dma_start3A_434 = arith.constant 0 : i32
      %dma_start3A_435 = tpu.memref_slice %arg2[%dma_start3A_433, %dma_start3A_434] : memref<10240x128xf32, #tpu.memory_space<hbm>> -> memref<10240x128xf32, #tpu.memory_space<hbm>>
      tpu.enqueue_indirect_dma source(%dma_start3A_435 : memref<10240x128xf32, #tpu.memory_space<hbm>>) target(%arg8 : memref<128x128xf32, #tpu.memory_space<vmem>>) offsets(%dma_start3A_432 : memref<128xi32, #tpu.memory_space<vmem>>) semaphore(%arg11 : memref<!tpu.dma_semaphore, #tpu.memory_space<semaphore_mem>>)
      %dma_wait3A_436 = arith.constant 0 : i32
      %dma_wait3A_437 = arith.constant 0 : i32
      %dma_wait3A_438 = arith.constant 0 : i32
      %dma_wait3A_439 = tpu.memref_slice %arg6[%dma_wait3A_436, %dma_wait3A_437, %dma_wait3A_438] : memref<2x8x128xi32, #tpu.memory_space<vmem>> -> memref<1x1x128xi32, #tpu.memory_space<vmem>>
      %dma_wait3A_440 = tpu.memref_squeeze %dma_wait3A_439 : memref<1x1x128xi32, #tpu.memory_space<vmem>> -> memref<128xi32, #tpu.memory_space<vmem>>
      %dma_wait3A_441 = arith.constant 0 : i32
      %dma_wait3A_442 = arith.constant 0 : i32
      %dma_wait3A_443 = tpu.memref_slice %arg2[%dma_wait3A_441, %dma_wait3A_442] : memref<10240x128xf32, #tpu.memory_space<hbm>> -> memref<10240x128xf32, #tpu.memory_space<hbm>>
      tpu.wait_indirect_dma semaphore(%arg10 : memref<!tpu.dma_semaphore, #tpu.memory_space<semaphore_mem>>) src(%dma_wait3A_443 : memref<10240x128xf32, #tpu.memory_space<hbm>>) dst(%arg7 : memref<128x128xf32, #tpu.memory_space<vmem>>)
      %dma_start3A_444 = arith.constant 1 : i32
      %dma_start3A_445 = arith.constant 0 : i32
      %dma_start3A_446 = arith.constant 0 : i32
      %dma_start3A_447 = tpu.memref_slice %arg6[%dma_start3A_444, %dma_start3A_445, %dma_start3A_446] : memref<2x8x128xi32, #tpu.memory_space<vmem>> -> memref<1x1x128xi32, #tpu.memory_space<vmem>>
      %dma_start3A_448 = tpu.memref_squeeze %dma_start3A_447 : memref<1x1x128xi32, #tpu.memory_space<vmem>> -> memref<128xi32, #tpu.memory_space<vmem>>
      %dma_start3A_449 = arith.constant 0 : i32
      %dma_start3A_450 = arith.constant 0 : i32
      %dma_start3A_451 = tpu.memref_slice %arg9[%dma_start3A_449, %dma_start3A_450] : memref<10240x128xf32, #tpu.memory_space<vmem_shared>> -> memref<10240x128xf32, #tpu.memory_space<vmem_shared>>
      tpu.enqueue_indirect_dma source(%arg7 : memref<128x128xf32, #tpu.memory_space<vmem>>) target(%dma_start3A_451 : memref<10240x128xf32, #tpu.memory_space<vmem_shared>>) offsets(%dma_start3A_448 : memref<128xi32, #tpu.memory_space<vmem>>) semaphore(%arg14 : memref<!tpu.dma_semaphore, #tpu.memory_space<semaphore_mem>>) {add = true}
      %dma_wait3A_452 = arith.constant 1 : i32
      %dma_wait3A_453 = arith.constant 0 : i32
      %dma_wait3A_454 = arith.constant 0 : i32
      %dma_wait3A_455 = tpu.memref_slice %arg5[%dma_wait3A_452, %dma_wait3A_453, %dma_wait3A_454] : memref<2x8x128xi32, #tpu.memory_space<vmem>> -> memref<1x1x128xi32, #tpu.memory_space<vmem>>
      %dma_wait3A_456 = tpu.memref_squeeze %dma_wait3A_455 : memref<1x1x128xi32, #tpu.memory_space<vmem>> -> memref<128xi32, #tpu.memory_space<vmem>>
      %dma_wait3A_457 = arith.constant 0 : i32
      %dma_wait3A_458 = arith.constant 0 : i32
      %dma_wait3A_459 = tpu.memref_slice %arg9[%dma_wait3A_457, %dma_wait3A_458] : memref<10240x128xf32, #tpu.memory_space<vmem_shared>> -> memref<10240x128xf32, #tpu.memory_space<vmem_shared>>
      tpu.wait_indirect_dma semaphore(%arg14 : memref<!tpu.dma_semaphore, #tpu.memory_space<semaphore_mem>>) src(%arg7 : memref<128x128xf32, #tpu.memory_space<vmem>>) dst(%dma_wait3A_459 : memref<10240x128xf32, #tpu.memory_space<vmem_shared>>)
      %dma_start3A_460 = arith.constant 0 : i32
      %dma_start3A_461 = arith.constant 2 : i32
      %dma_start3A_462 = arith.constant 0 : i32
      %dma_start3A_463 = tpu.memref_slice %arg6[%dma_start3A_460, %dma_start3A_461, %dma_start3A_462] : memref<2x8x128xi32, #tpu.memory_space<vmem>> -> memref<1x1x128xi32, #tpu.memory_space<vmem>>
      %dma_start3A_464 = tpu.memref_squeeze %dma_start3A_463 : memref<1x1x128xi32, #tpu.memory_space<vmem>> -> memref<128xi32, #tpu.memory_space<vmem>>
      %dma_start3A_465 = arith.constant 0 : i32
      %dma_start3A_466 = arith.constant 0 : i32
      %dma_start3A_467 = tpu.memref_slice %arg2[%dma_start3A_465, %dma_start3A_466] : memref<10240x128xf32, #tpu.memory_space<hbm>> -> memref<10240x128xf32, #tpu.memory_space<hbm>>
      tpu.enqueue_indirect_dma source(%dma_start3A_467 : memref<10240x128xf32, #tpu.memory_space<hbm>>) target(%arg7 : memref<128x128xf32, #tpu.memory_space<vmem>>) offsets(%dma_start3A_464 : memref<128xi32, #tpu.memory_space<vmem>>) semaphore(%arg10 : memref<!tpu.dma_semaphore, #tpu.memory_space<semaphore_mem>>)
      %dma_wait3A_468 = arith.constant 0 : i32
      %dma_wait3A_469 = arith.constant 1 : i32
      %dma_wait3A_470 = arith.constant 0 : i32
      %dma_wait3A_471 = tpu.memref_slice %arg6[%dma_wait3A_468, %dma_wait3A_469, %dma_wait3A_470] : memref<2x8x128xi32, #tpu.memory_space<vmem>> -> memref<1x1x128xi32, #tpu.memory_space<vmem>>
      %dma_wait3A_472 = tpu.memref_squeeze %dma_wait3A_471 : memref<1x1x128xi32, #tpu.memory_space<vmem>> -> memref<128xi32, #tpu.memory_space<vmem>>
      %dma_wait3A_473 = arith.constant 0 : i32
      %dma_wait3A_474 = arith.constant 0 : i32
      %dma_wait3A_475 = tpu.memref_slice %arg2[%dma_wait3A_473, %dma_wait3A_474] : memref<10240x128xf32, #tpu.memory_space<hbm>> -> memref<10240x128xf32, #tpu.memory_space<hbm>>
      tpu.wait_indirect_dma semaphore(%arg11 : memref<!tpu.dma_semaphore, #tpu.memory_space<semaphore_mem>>) src(%dma_wait3A_475 : memref<10240x128xf32, #tpu.memory_space<hbm>>) dst(%arg8 : memref<128x128xf32, #tpu.memory_space<vmem>>)
      %dma_start3A_476 = arith.constant 1 : i32
      %dma_start3A_477 = arith.constant 1 : i32
      %dma_start3A_478 = arith.constant 0 : i32
      %dma_start3A_479 = tpu.memref_slice %arg6[%dma_start3A_476, %dma_start3A_477, %dma_start3A_478] : memref<2x8x128xi32, #tpu.memory_space<vmem>> -> memref<1x1x128xi32, #tpu.memory_space<vmem>>
      %dma_start3A_480 = tpu.memref_squeeze %dma_start3A_479 : memref<1x1x128xi32, #tpu.memory_space<vmem>> -> memref<128xi32, #tpu.memory_space<vmem>>
      %dma_start3A_481 = arith.constant 0 : i32
      %dma_start3A_482 = arith.constant 0 : i32
      %dma_start3A_483 = tpu.memref_slice %arg9[%dma_start3A_481, %dma_start3A_482] : memref<10240x128xf32, #tpu.memory_space<vmem_shared>> -> memref<10240x128xf32, #tpu.memory_space<vmem_shared>>
      tpu.enqueue_indirect_dma source(%arg8 : memref<128x128xf32, #tpu.memory_space<vmem>>) target(%dma_start3A_483 : memref<10240x128xf32, #tpu.memory_space<vmem_shared>>) offsets(%dma_start3A_480 : memref<128xi32, #tpu.memory_space<vmem>>) semaphore(%arg15 : memref<!tpu.dma_semaphore, #tpu.memory_space<semaphore_mem>>) {add = true}
      %dma_wait3A_484 = arith.constant 1 : i32
      %dma_wait3A_485 = arith.constant 0 : i32
      %dma_wait3A_486 = arith.constant 0 : i32
      %dma_wait3A_487 = tpu.memref_slice %arg5[%dma_wait3A_484, %dma_wait3A_485, %dma_wait3A_486] : memref<2x8x128xi32, #tpu.memory_space<vmem>> -> memref<1x1x128xi32, #tpu.memory_space<vmem>>
      %dma_wait3A_488 = tpu.memref_squeeze %dma_wait3A_487 : memref<1x1x128xi32, #tpu.memory_space<vmem>> -> memref<128xi32, #tpu.memory_space<vmem>>
      %dma_wait3A_489 = arith.constant 0 : i32
      %dma_wait3A_490 = arith.constant 0 : i32
      %dma_wait3A_491 = tpu.memref_slice %arg9[%dma_wait3A_489, %dma_wait3A_490] : memref<10240x128xf32, #tpu.memory_space<vmem_shared>> -> memref<10240x128xf32, #tpu.memory_space<vmem_shared>>
      tpu.wait_indirect_dma semaphore(%arg15 : memref<!tpu.dma_semaphore, #tpu.memory_space<semaphore_mem>>) src(%arg8 : memref<128x128xf32, #tpu.memory_space<vmem>>) dst(%dma_wait3A_491 : memref<10240x128xf32, #tpu.memory_space<vmem_shared>>)
      %dma_start3A_492 = arith.constant 0 : i32
      %dma_start3A_493 = arith.constant 3 : i32
      %dma_start3A_494 = arith.constant 0 : i32
      %dma_start3A_495 = tpu.memref_slice %arg6[%dma_start3A_492, %dma_start3A_493, %dma_start3A_494] : memref<2x8x128xi32, #tpu.memory_space<vmem>> -> memref<1x1x128xi32, #tpu.memory_space<vmem>>
      %dma_start3A_496 = tpu.memref_squeeze %dma_start3A_495 : memref<1x1x128xi32, #tpu.memory_space<vmem>> -> memref<128xi32, #tpu.memory_space<vmem>>
      %dma_start3A_497 = arith.constant 0 : i32
      %dma_start3A_498 = arith.constant 0 : i32
      %dma_start3A_499 = tpu.memref_slice %arg2[%dma_start3A_497, %dma_start3A_498] : memref<10240x128xf32, #tpu.memory_space<hbm>> -> memref<10240x128xf32, #tpu.memory_space<hbm>>
      tpu.enqueue_indirect_dma source(%dma_start3A_499 : memref<10240x128xf32, #tpu.memory_space<hbm>>) target(%arg8 : memref<128x128xf32, #tpu.memory_space<vmem>>) offsets(%dma_start3A_496 : memref<128xi32, #tpu.memory_space<vmem>>) semaphore(%arg11 : memref<!tpu.dma_semaphore, #tpu.memory_space<semaphore_mem>>)
      %dma_wait3A_500 = arith.constant 0 : i32
      %dma_wait3A_501 = arith.constant 2 : i32
      %dma_wait3A_502 = arith.constant 0 : i32
      %dma_wait3A_503 = tpu.memref_slice %arg6[%dma_wait3A_500, %dma_wait3A_501, %dma_wait3A_502] : memref<2x8x128xi32, #tpu.memory_space<vmem>> -> memref<1x1x128xi32, #tpu.memory_space<vmem>>
      %dma_wait3A_504 = tpu.memref_squeeze %dma_wait3A_503 : memref<1x1x128xi32, #tpu.memory_space<vmem>> -> memref<128xi32, #tpu.memory_space<vmem>>
      %dma_wait3A_505 = arith.constant 0 : i32
      %dma_wait3A_506 = arith.constant 0 : i32
      %dma_wait3A_507 = tpu.memref_slice %arg2[%dma_wait3A_505, %dma_wait3A_506] : memref<10240x128xf32, #tpu.memory_space<hbm>> -> memref<10240x128xf32, #tpu.memory_space<hbm>>
      tpu.wait_indirect_dma semaphore(%arg10 : memref<!tpu.dma_semaphore, #tpu.memory_space<semaphore_mem>>) src(%dma_wait3A_507 : memref<10240x128xf32, #tpu.memory_space<hbm>>) dst(%arg7 : memref<128x128xf32, #tpu.memory_space<vmem>>)
      %dma_start3A_508 = arith.constant 1 : i32
      %dma_start3A_509 = arith.constant 2 : i32
      %dma_start3A_510 = arith.constant 0 : i32
      %dma_start3A_511 = tpu.memref_slice %arg6[%dma_start3A_508, %dma_start3A_509, %dma_start3A_510] : memref<2x8x128xi32, #tpu.memory_space<vmem>> -> memref<1x1x128xi32, #tpu.memory_space<vmem>>
      %dma_start3A_512 = tpu.memref_squeeze %dma_start3A_511 : memref<1x1x128xi32, #tpu.memory_space<vmem>> -> memref<128xi32, #tpu.memory_space<vmem>>
      %dma_start3A_513 = arith.constant 0 : i32
      %dma_start3A_514 = arith.constant 0 : i32
      %dma_start3A_515 = tpu.memref_slice %arg9[%dma_start3A_513, %dma_start3A_514] : memref<10240x128xf32, #tpu.memory_space<vmem_shared>> -> memref<10240x128xf32, #tpu.memory_space<vmem_shared>>
      tpu.enqueue_indirect_dma source(%arg7 : memref<128x128xf32, #tpu.memory_space<vmem>>) target(%dma_start3A_515 : memref<10240x128xf32, #tpu.memory_space<vmem_shared>>) offsets(%dma_start3A_512 : memref<128xi32, #tpu.memory_space<vmem>>) semaphore(%arg14 : memref<!tpu.dma_semaphore, #tpu.memory_space<semaphore_mem>>) {add = true}
      %dma_wait3A_516 = arith.constant 1 : i32
      %dma_wait3A_517 = arith.constant 0 : i32
      %dma_wait3A_518 = arith.constant 0 : i32
      %dma_wait3A_519 = tpu.memref_slice %arg5[%dma_wait3A_516, %dma_wait3A_517, %dma_wait3A_518] : memref<2x8x128xi32, #tpu.memory_space<vmem>> -> memref<1x1x128xi32, #tpu.memory_space<vmem>>
      %dma_wait3A_520 = tpu.memref_squeeze %dma_wait3A_519 : memref<1x1x128xi32, #tpu.memory_space<vmem>> -> memref<128xi32, #tpu.memory_space<vmem>>
      %dma_wait3A_521 = arith.constant 0 : i32
      %dma_wait3A_522 = arith.constant 0 : i32
      %dma_wait3A_523 = tpu.memref_slice %arg9[%dma_wait3A_521, %dma_wait3A_522] : memref<10240x128xf32, #tpu.memory_space<vmem_shared>> -> memref<10240x128xf32, #tpu.memory_space<vmem_shared>>
      tpu.wait_indirect_dma semaphore(%arg14 : memref<!tpu.dma_semaphore, #tpu.memory_space<semaphore_mem>>) src(%arg7 : memref<128x128xf32, #tpu.memory_space<vmem>>) dst(%dma_wait3A_523 : memref<10240x128xf32, #tpu.memory_space<vmem_shared>>)
      %dma_start3A_524 = arith.constant 0 : i32
      %dma_start3A_525 = arith.constant 4 : i32
      %dma_start3A_526 = arith.constant 0 : i32
      %dma_start3A_527 = tpu.memref_slice %arg6[%dma_start3A_524, %dma_start3A_525, %dma_start3A_526] : memref<2x8x128xi32, #tpu.memory_space<vmem>> -> memref<1x1x128xi32, #tpu.memory_space<vmem>>
      %dma_start3A_528 = tpu.memref_squeeze %dma_start3A_527 : memref<1x1x128xi32, #tpu.memory_space<vmem>> -> memref<128xi32, #tpu.memory_space<vmem>>
      %dma_start3A_529 = arith.constant 0 : i32
      %dma_start3A_530 = arith.constant 0 : i32
      %dma_start3A_531 = tpu.memref_slice %arg2[%dma_start3A_529, %dma_start3A_530] : memref<10240x128xf32, #tpu.memory_space<hbm>> -> memref<10240x128xf32, #tpu.memory_space<hbm>>
      tpu.enqueue_indirect_dma source(%dma_start3A_531 : memref<10240x128xf32, #tpu.memory_space<hbm>>) target(%arg7 : memref<128x128xf32, #tpu.memory_space<vmem>>) offsets(%dma_start3A_528 : memref<128xi32, #tpu.memory_space<vmem>>) semaphore(%arg10 : memref<!tpu.dma_semaphore, #tpu.memory_space<semaphore_mem>>)
      %dma_wait3A_532 = arith.constant 0 : i32
      %dma_wait3A_533 = arith.constant 3 : i32
      %dma_wait3A_534 = arith.constant 0 : i32
      %dma_wait3A_535 = tpu.memref_slice %arg6[%dma_wait3A_532, %dma_wait3A_533, %dma_wait3A_534] : memref<2x8x128xi32, #tpu.memory_space<vmem>> -> memref<1x1x128xi32, #tpu.memory_space<vmem>>
      %dma_wait3A_536 = tpu.memref_squeeze %dma_wait3A_535 : memref<1x1x128xi32, #tpu.memory_space<vmem>> -> memref<128xi32, #tpu.memory_space<vmem>>
      %dma_wait3A_537 = arith.constant 0 : i32
      %dma_wait3A_538 = arith.constant 0 : i32
      %dma_wait3A_539 = tpu.memref_slice %arg2[%dma_wait3A_537, %dma_wait3A_538] : memref<10240x128xf32, #tpu.memory_space<hbm>> -> memref<10240x128xf32, #tpu.memory_space<hbm>>
      tpu.wait_indirect_dma semaphore(%arg11 : memref<!tpu.dma_semaphore, #tpu.memory_space<semaphore_mem>>) src(%dma_wait3A_539 : memref<10240x128xf32, #tpu.memory_space<hbm>>) dst(%arg8 : memref<128x128xf32, #tpu.memory_space<vmem>>)
      %dma_start3A_540 = arith.constant 1 : i32
      %dma_start3A_541 = arith.constant 3 : i32
      %dma_start3A_542 = arith.constant 0 : i32
      %dma_start3A_543 = tpu.memref_slice %arg6[%dma_start3A_540, %dma_start3A_541, %dma_start3A_542] : memref<2x8x128xi32, #tpu.memory_space<vmem>> -> memref<1x1x128xi32, #tpu.memory_space<vmem>>
      %dma_start3A_544 = tpu.memref_squeeze %dma_start3A_543 : memref<1x1x128xi32, #tpu.memory_space<vmem>> -> memref<128xi32, #tpu.memory_space<vmem>>
      %dma_start3A_545 = arith.constant 0 : i32
      %dma_start3A_546 = arith.constant 0 : i32
      %dma_start3A_547 = tpu.memref_slice %arg9[%dma_start3A_545, %dma_start3A_546] : memref<10240x128xf32, #tpu.memory_space<vmem_shared>> -> memref<10240x128xf32, #tpu.memory_space<vmem_shared>>
      tpu.enqueue_indirect_dma source(%arg8 : memref<128x128xf32, #tpu.memory_space<vmem>>) target(%dma_start3A_547 : memref<10240x128xf32, #tpu.memory_space<vmem_shared>>) offsets(%dma_start3A_544 : memref<128xi32, #tpu.memory_space<vmem>>) semaphore(%arg15 : memref<!tpu.dma_semaphore, #tpu.memory_space<semaphore_mem>>) {add = true}
      %dma_wait3A_548 = arith.constant 1 : i32
      %dma_wait3A_549 = arith.constant 0 : i32
      %dma_wait3A_550 = arith.constant 0 : i32
      %dma_wait3A_551 = tpu.memref_slice %arg5[%dma_wait3A_548, %dma_wait3A_549, %dma_wait3A_550] : memref<2x8x128xi32, #tpu.memory_space<vmem>> -> memref<1x1x128xi32, #tpu.memory_space<vmem>>
      %dma_wait3A_552 = tpu.memref_squeeze %dma_wait3A_551 : memref<1x1x128xi32, #tpu.memory_space<vmem>> -> memref<128xi32, #tpu.memory_space<vmem>>
      %dma_wait3A_553 = arith.constant 0 : i32
      %dma_wait3A_554 = arith.constant 0 : i32
      %dma_wait3A_555 = tpu.memref_slice %arg9[%dma_wait3A_553, %dma_wait3A_554] : memref<10240x128xf32, #tpu.memory_space<vmem_shared>> -> memref<10240x128xf32, #tpu.memory_space<vmem_shared>>
      tpu.wait_indirect_dma semaphore(%arg15 : memref<!tpu.dma_semaphore, #tpu.memory_space<semaphore_mem>>) src(%arg8 : memref<128x128xf32, #tpu.memory_space<vmem>>) dst(%dma_wait3A_555 : memref<10240x128xf32, #tpu.memory_space<vmem_shared>>)
      %dma_start3A_556 = arith.constant 0 : i32
      %dma_start3A_557 = arith.constant 5 : i32
      %dma_start3A_558 = arith.constant 0 : i32
      %dma_start3A_559 = tpu.memref_slice %arg6[%dma_start3A_556, %dma_start3A_557, %dma_start3A_558] : memref<2x8x128xi32, #tpu.memory_space<vmem>> -> memref<1x1x128xi32, #tpu.memory_space<vmem>>
      %dma_start3A_560 = tpu.memref_squeeze %dma_start3A_559 : memref<1x1x128xi32, #tpu.memory_space<vmem>> -> memref<128xi32, #tpu.memory_space<vmem>>
      %dma_start3A_561 = arith.constant 0 : i32
      %dma_start3A_562 = arith.constant 0 : i32
      %dma_start3A_563 = tpu.memref_slice %arg2[%dma_start3A_561, %dma_start3A_562] : memref<10240x128xf32, #tpu.memory_space<hbm>> -> memref<10240x128xf32, #tpu.memory_space<hbm>>
      tpu.enqueue_indirect_dma source(%dma_start3A_563 : memref<10240x128xf32, #tpu.memory_space<hbm>>) target(%arg8 : memref<128x128xf32, #tpu.memory_space<vmem>>) offsets(%dma_start3A_560 : memref<128xi32, #tpu.memory_space<vmem>>) semaphore(%arg11 : memref<!tpu.dma_semaphore, #tpu.memory_space<semaphore_mem>>)
      %dma_wait3A_564 = arith.constant 0 : i32
      %dma_wait3A_565 = arith.constant 4 : i32
      %dma_wait3A_566 = arith.constant 0 : i32
      %dma_wait3A_567 = tpu.memref_slice %arg6[%dma_wait3A_564, %dma_wait3A_565, %dma_wait3A_566] : memref<2x8x128xi32, #tpu.memory_space<vmem>> -> memref<1x1x128xi32, #tpu.memory_space<vmem>>
      %dma_wait3A_568 = tpu.memref_squeeze %dma_wait3A_567 : memref<1x1x128xi32, #tpu.memory_space<vmem>> -> memref<128xi32, #tpu.memory_space<vmem>>
      %dma_wait3A_569 = arith.constant 0 : i32
      %dma_wait3A_570 = arith.constant 0 : i32
      %dma_wait3A_571 = tpu.memref_slice %arg2[%dma_wait3A_569, %dma_wait3A_570] : memref<10240x128xf32, #tpu.memory_space<hbm>> -> memref<10240x128xf32, #tpu.memory_space<hbm>>
      tpu.wait_indirect_dma semaphore(%arg10 : memref<!tpu.dma_semaphore, #tpu.memory_space<semaphore_mem>>) src(%dma_wait3A_571 : memref<10240x128xf32, #tpu.memory_space<hbm>>) dst(%arg7 : memref<128x128xf32, #tpu.memory_space<vmem>>)
      %dma_start3A_572 = arith.constant 1 : i32
      %dma_start3A_573 = arith.constant 4 : i32
      %dma_start3A_574 = arith.constant 0 : i32
      %dma_start3A_575 = tpu.memref_slice %arg6[%dma_start3A_572, %dma_start3A_573, %dma_start3A_574] : memref<2x8x128xi32, #tpu.memory_space<vmem>> -> memref<1x1x128xi32, #tpu.memory_space<vmem>>
      %dma_start3A_576 = tpu.memref_squeeze %dma_start3A_575 : memref<1x1x128xi32, #tpu.memory_space<vmem>> -> memref<128xi32, #tpu.memory_space<vmem>>
      %dma_start3A_577 = arith.constant 0 : i32
      %dma_start3A_578 = arith.constant 0 : i32
      %dma_start3A_579 = tpu.memref_slice %arg9[%dma_start3A_577, %dma_start3A_578] : memref<10240x128xf32, #tpu.memory_space<vmem_shared>> -> memref<10240x128xf32, #tpu.memory_space<vmem_shared>>
      tpu.enqueue_indirect_dma source(%arg7 : memref<128x128xf32, #tpu.memory_space<vmem>>) target(%dma_start3A_579 : memref<10240x128xf32, #tpu.memory_space<vmem_shared>>) offsets(%dma_start3A_576 : memref<128xi32, #tpu.memory_space<vmem>>) semaphore(%arg14 : memref<!tpu.dma_semaphore, #tpu.memory_space<semaphore_mem>>) {add = true}
      %dma_wait3A_580 = arith.constant 1 : i32
      %dma_wait3A_581 = arith.constant 0 : i32
      %dma_wait3A_582 = arith.constant 0 : i32
      %dma_wait3A_583 = tpu.memref_slice %arg5[%dma_wait3A_580, %dma_wait3A_581, %dma_wait3A_582] : memref<2x8x128xi32, #tpu.memory_space<vmem>> -> memref<1x1x128xi32, #tpu.memory_space<vmem>>
      %dma_wait3A_584 = tpu.memref_squeeze %dma_wait3A_583 : memref<1x1x128xi32, #tpu.memory_space<vmem>> -> memref<128xi32, #tpu.memory_space<vmem>>
      %dma_wait3A_585 = arith.constant 0 : i32
      %dma_wait3A_586 = arith.constant 0 : i32
      %dma_wait3A_587 = tpu.memref_slice %arg9[%dma_wait3A_585, %dma_wait3A_586] : memref<10240x128xf32, #tpu.memory_space<vmem_shared>> -> memref<10240x128xf32, #tpu.memory_space<vmem_shared>>
      tpu.wait_indirect_dma semaphore(%arg14 : memref<!tpu.dma_semaphore, #tpu.memory_space<semaphore_mem>>) src(%arg7 : memref<128x128xf32, #tpu.memory_space<vmem>>) dst(%dma_wait3A_587 : memref<10240x128xf32, #tpu.memory_space<vmem_shared>>)
      %dma_start3A_588 = arith.constant 0 : i32
      %dma_start3A_589 = arith.constant 6 : i32
      %dma_start3A_590 = arith.constant 0 : i32
      %dma_start3A_591 = tpu.memref_slice %arg6[%dma_start3A_588, %dma_start3A_589, %dma_start3A_590] : memref<2x8x128xi32, #tpu.memory_space<vmem>> -> memref<1x1x128xi32, #tpu.memory_space<vmem>>
      %dma_start3A_592 = tpu.memref_squeeze %dma_start3A_591 : memref<1x1x128xi32, #tpu.memory_space<vmem>> -> memref<128xi32, #tpu.memory_space<vmem>>
      %dma_start3A_593 = arith.constant 0 : i32
      %dma_start3A_594 = arith.constant 0 : i32
      %dma_start3A_595 = tpu.memref_slice %arg2[%dma_start3A_593, %dma_start3A_594] : memref<10240x128xf32, #tpu.memory_space<hbm>> -> memref<10240x128xf32, #tpu.memory_space<hbm>>
      tpu.enqueue_indirect_dma source(%dma_start3A_595 : memref<10240x128xf32, #tpu.memory_space<hbm>>) target(%arg7 : memref<128x128xf32, #tpu.memory_space<vmem>>) offsets(%dma_start3A_592 : memref<128xi32, #tpu.memory_space<vmem>>) semaphore(%arg10 : memref<!tpu.dma_semaphore, #tpu.memory_space<semaphore_mem>>)
      %dma_wait3A_596 = arith.constant 0 : i32
      %dma_wait3A_597 = arith.constant 5 : i32
      %dma_wait3A_598 = arith.constant 0 : i32
      %dma_wait3A_599 = tpu.memref_slice %arg6[%dma_wait3A_596, %dma_wait3A_597, %dma_wait3A_598] : memref<2x8x128xi32, #tpu.memory_space<vmem>> -> memref<1x1x128xi32, #tpu.memory_space<vmem>>
      %dma_wait3A_600 = tpu.memref_squeeze %dma_wait3A_599 : memref<1x1x128xi32, #tpu.memory_space<vmem>> -> memref<128xi32, #tpu.memory_space<vmem>>
      %dma_wait3A_601 = arith.constant 0 : i32
      %dma_wait3A_602 = arith.constant 0 : i32
      %dma_wait3A_603 = tpu.memref_slice %arg2[%dma_wait3A_601, %dma_wait3A_602] : memref<10240x128xf32, #tpu.memory_space<hbm>> -> memref<10240x128xf32, #tpu.memory_space<hbm>>
      tpu.wait_indirect_dma semaphore(%arg11 : memref<!tpu.dma_semaphore, #tpu.memory_space<semaphore_mem>>) src(%dma_wait3A_603 : memref<10240x128xf32, #tpu.memory_space<hbm>>) dst(%arg8 : memref<128x128xf32, #tpu.memory_space<vmem>>)
      %dma_start3A_604 = arith.constant 1 : i32
      %dma_start3A_605 = arith.constant 5 : i32
      %dma_start3A_606 = arith.constant 0 : i32
      %dma_start3A_607 = tpu.memref_slice %arg6[%dma_start3A_604, %dma_start3A_605, %dma_start3A_606] : memref<2x8x128xi32, #tpu.memory_space<vmem>> -> memref<1x1x128xi32, #tpu.memory_space<vmem>>
      %dma_start3A_608 = tpu.memref_squeeze %dma_start3A_607 : memref<1x1x128xi32, #tpu.memory_space<vmem>> -> memref<128xi32, #tpu.memory_space<vmem>>
      %dma_start3A_609 = arith.constant 0 : i32
      %dma_start3A_610 = arith.constant 0 : i32
      %dma_start3A_611 = tpu.memref_slice %arg9[%dma_start3A_609, %dma_start3A_610] : memref<10240x128xf32, #tpu.memory_space<vmem_shared>> -> memref<10240x128xf32, #tpu.memory_space<vmem_shared>>
      tpu.enqueue_indirect_dma source(%arg8 : memref<128x128xf32, #tpu.memory_space<vmem>>) target(%dma_start3A_611 : memref<10240x128xf32, #tpu.memory_space<vmem_shared>>) offsets(%dma_start3A_608 : memref<128xi32, #tpu.memory_space<vmem>>) semaphore(%arg15 : memref<!tpu.dma_semaphore, #tpu.memory_space<semaphore_mem>>) {add = true}
      %dma_wait3A_612 = arith.constant 1 : i32
      %dma_wait3A_613 = arith.constant 0 : i32
      %dma_wait3A_614 = arith.constant 0 : i32
      %dma_wait3A_615 = tpu.memref_slice %arg5[%dma_wait3A_612, %dma_wait3A_613, %dma_wait3A_614] : memref<2x8x128xi32, #tpu.memory_space<vmem>> -> memref<1x1x128xi32, #tpu.memory_space<vmem>>
      %dma_wait3A_616 = tpu.memref_squeeze %dma_wait3A_615 : memref<1x1x128xi32, #tpu.memory_space<vmem>> -> memref<128xi32, #tpu.memory_space<vmem>>
      %dma_wait3A_617 = arith.constant 0 : i32
      %dma_wait3A_618 = arith.constant 0 : i32
      %dma_wait3A_619 = tpu.memref_slice %arg9[%dma_wait3A_617, %dma_wait3A_618] : memref<10240x128xf32, #tpu.memory_space<vmem_shared>> -> memref<10240x128xf32, #tpu.memory_space<vmem_shared>>
      tpu.wait_indirect_dma semaphore(%arg15 : memref<!tpu.dma_semaphore, #tpu.memory_space<semaphore_mem>>) src(%arg8 : memref<128x128xf32, #tpu.memory_space<vmem>>) dst(%dma_wait3A_619 : memref<10240x128xf32, #tpu.memory_space<vmem_shared>>)
      %dma_start3A_620 = arith.constant 0 : i32
      %dma_start3A_621 = arith.constant 7 : i32
      %dma_start3A_622 = arith.constant 0 : i32
      %dma_start3A_623 = tpu.memref_slice %arg6[%dma_start3A_620, %dma_start3A_621, %dma_start3A_622] : memref<2x8x128xi32, #tpu.memory_space<vmem>> -> memref<1x1x128xi32, #tpu.memory_space<vmem>>
      %dma_start3A_624 = tpu.memref_squeeze %dma_start3A_623 : memref<1x1x128xi32, #tpu.memory_space<vmem>> -> memref<128xi32, #tpu.memory_space<vmem>>
      %dma_start3A_625 = arith.constant 0 : i32
      %dma_start3A_626 = arith.constant 0 : i32
      %dma_start3A_627 = tpu.memref_slice %arg2[%dma_start3A_625, %dma_start3A_626] : memref<10240x128xf32, #tpu.memory_space<hbm>> -> memref<10240x128xf32, #tpu.memory_space<hbm>>
      tpu.enqueue_indirect_dma source(%dma_start3A_627 : memref<10240x128xf32, #tpu.memory_space<hbm>>) target(%arg8 : memref<128x128xf32, #tpu.memory_space<vmem>>) offsets(%dma_start3A_624 : memref<128xi32, #tpu.memory_space<vmem>>) semaphore(%arg11 : memref<!tpu.dma_semaphore, #tpu.memory_space<semaphore_mem>>)
      %dma_wait3A_628 = arith.constant 0 : i32
      %dma_wait3A_629 = arith.constant 6 : i32
      %dma_wait3A_630 = arith.constant 0 : i32
      %dma_wait3A_631 = tpu.memref_slice %arg6[%dma_wait3A_628, %dma_wait3A_629, %dma_wait3A_630] : memref<2x8x128xi32, #tpu.memory_space<vmem>> -> memref<1x1x128xi32, #tpu.memory_space<vmem>>
      %dma_wait3A_632 = tpu.memref_squeeze %dma_wait3A_631 : memref<1x1x128xi32, #tpu.memory_space<vmem>> -> memref<128xi32, #tpu.memory_space<vmem>>
      %dma_wait3A_633 = arith.constant 0 : i32
      %dma_wait3A_634 = arith.constant 0 : i32
      %dma_wait3A_635 = tpu.memref_slice %arg2[%dma_wait3A_633, %dma_wait3A_634] : memref<10240x128xf32, #tpu.memory_space<hbm>> -> memref<10240x128xf32, #tpu.memory_space<hbm>>
      tpu.wait_indirect_dma semaphore(%arg10 : memref<!tpu.dma_semaphore, #tpu.memory_space<semaphore_mem>>) src(%dma_wait3A_635 : memref<10240x128xf32, #tpu.memory_space<hbm>>) dst(%arg7 : memref<128x128xf32, #tpu.memory_space<vmem>>)
      %dma_start3A_636 = arith.constant 1 : i32
      %dma_start3A_637 = arith.constant 6 : i32
      %dma_start3A_638 = arith.constant 0 : i32
      %dma_start3A_639 = tpu.memref_slice %arg6[%dma_start3A_636, %dma_start3A_637, %dma_start3A_638] : memref<2x8x128xi32, #tpu.memory_space<vmem>> -> memref<1x1x128xi32, #tpu.memory_space<vmem>>
      %dma_start3A_640 = tpu.memref_squeeze %dma_start3A_639 : memref<1x1x128xi32, #tpu.memory_space<vmem>> -> memref<128xi32, #tpu.memory_space<vmem>>
      %dma_start3A_641 = arith.constant 0 : i32
      %dma_start3A_642 = arith.constant 0 : i32
      %dma_start3A_643 = tpu.memref_slice %arg9[%dma_start3A_641, %dma_start3A_642] : memref<10240x128xf32, #tpu.memory_space<vmem_shared>> -> memref<10240x128xf32, #tpu.memory_space<vmem_shared>>
      tpu.enqueue_indirect_dma source(%arg7 : memref<128x128xf32, #tpu.memory_space<vmem>>) target(%dma_start3A_643 : memref<10240x128xf32, #tpu.memory_space<vmem_shared>>) offsets(%dma_start3A_640 : memref<128xi32, #tpu.memory_space<vmem>>) semaphore(%arg14 : memref<!tpu.dma_semaphore, #tpu.memory_space<semaphore_mem>>) {add = true}
      %dma_wait3A_644 = arith.constant 0 : i32
      %dma_wait3A_645 = arith.constant 7 : i32
      %dma_wait3A_646 = arith.constant 0 : i32
      %dma_wait3A_647 = tpu.memref_slice %arg6[%dma_wait3A_644, %dma_wait3A_645, %dma_wait3A_646] : memref<2x8x128xi32, #tpu.memory_space<vmem>> -> memref<1x1x128xi32, #tpu.memory_space<vmem>>
      %dma_wait3A_648 = tpu.memref_squeeze %dma_wait3A_647 : memref<1x1x128xi32, #tpu.memory_space<vmem>> -> memref<128xi32, #tpu.memory_space<vmem>>
      %dma_wait3A_649 = arith.constant 0 : i32
      %dma_wait3A_650 = arith.constant 0 : i32
      %dma_wait3A_651 = tpu.memref_slice %arg2[%dma_wait3A_649, %dma_wait3A_650] : memref<10240x128xf32, #tpu.memory_space<hbm>> -> memref<10240x128xf32, #tpu.memory_space<hbm>>
      tpu.wait_indirect_dma semaphore(%arg11 : memref<!tpu.dma_semaphore, #tpu.memory_space<semaphore_mem>>) src(%dma_wait3A_651 : memref<10240x128xf32, #tpu.memory_space<hbm>>) dst(%arg8 : memref<128x128xf32, #tpu.memory_space<vmem>>)
      %dma_start3A_652 = arith.constant 1 : i32
      %dma_start3A_653 = arith.constant 7 : i32
      %dma_start3A_654 = arith.constant 0 : i32
      %dma_start3A_655 = tpu.memref_slice %arg6[%dma_start3A_652, %dma_start3A_653, %dma_start3A_654] : memref<2x8x128xi32, #tpu.memory_space<vmem>> -> memref<1x1x128xi32, #tpu.memory_space<vmem>>
      %dma_start3A_656 = tpu.memref_squeeze %dma_start3A_655 : memref<1x1x128xi32, #tpu.memory_space<vmem>> -> memref<128xi32, #tpu.memory_space<vmem>>
      %dma_start3A_657 = arith.constant 0 : i32
      %dma_start3A_658 = arith.constant 0 : i32
      %dma_start3A_659 = tpu.memref_slice %arg9[%dma_start3A_657, %dma_start3A_658] : memref<10240x128xf32, #tpu.memory_space<vmem_shared>> -> memref<10240x128xf32, #tpu.memory_space<vmem_shared>>
      tpu.enqueue_indirect_dma source(%arg8 : memref<128x128xf32, #tpu.memory_space<vmem>>) target(%dma_start3A_659 : memref<10240x128xf32, #tpu.memory_space<vmem_shared>>) offsets(%dma_start3A_656 : memref<128xi32, #tpu.memory_space<vmem>>) semaphore(%arg15 : memref<!tpu.dma_semaphore, #tpu.memory_space<semaphore_mem>>) {add = true}
      %dma_wait3A_660 = arith.constant 0 : i32
      %dma_wait3A_661 = arith.constant 0 : i32
      %dma_wait3A_662 = arith.constant 0 : i32
      %dma_wait3A_663 = tpu.memref_slice %arg3[%dma_wait3A_660, %dma_wait3A_661, %dma_wait3A_662] : memref<2x5120x128xi32, #tpu.memory_space<hbm>> -> memref<2x8x128xi32, #tpu.memory_space<hbm>>
      %dma_wait3A_664 = arith.constant 0 : i32
      %dma_wait3A_665 = arith.constant 0 : i32
      %dma_wait3A_666 = arith.constant 0 : i32
      %dma_wait3A_667 = tpu.memref_slice %arg3[%dma_wait3A_664, %dma_wait3A_665, %dma_wait3A_666] : memref<2x5120x128xi32, #tpu.memory_space<hbm>> -> memref<2x8x128xi32, #tpu.memory_space<hbm>>
      tpu.wait_dma2 semaphore(%arg12 : memref<!tpu.dma_semaphore, #tpu.memory_space<semaphore_mem>>) src(%dma_wait3A_667 : memref<2x8x128xi32, #tpu.memory_space<hbm>>) dst(%arg5 : memref<2x8x128xi32, #tpu.memory_space<vmem>>)
      %while3A_668 = arith.constant 0 : i32
      scf.yield %while3A_668 : i32
    }
    %dma_wait3A_80 = arith.constant 1 : i32
    %dma_wait3A_81 = arith.constant 0 : i32
    %dma_wait3A_82 = arith.constant 0 : i32
    %dma_wait3A_83 = tpu.memref_slice %arg5[%dma_wait3A_80, %dma_wait3A_81, %dma_wait3A_82] : memref<2x8x128xi32, #tpu.memory_space<vmem>> -> memref<1x1x128xi32, #tpu.memory_space<vmem>>
    %dma_wait3A_84 = tpu.memref_squeeze %dma_wait3A_83 : memref<1x1x128xi32, #tpu.memory_space<vmem>> -> memref<128xi32, #tpu.memory_space<vmem>>
    %dma_wait3A_85 = arith.constant 0 : i32
    %dma_wait3A_86 = arith.constant 0 : i32
    %dma_wait3A_87 = tpu.memref_slice %arg9[%dma_wait3A_85, %dma_wait3A_86] : memref<10240x128xf32, #tpu.memory_space<vmem_shared>> -> memref<10240x128xf32, #tpu.memory_space<vmem_shared>>
    tpu.wait_indirect_dma semaphore(%arg14 : memref<!tpu.dma_semaphore, #tpu.memory_space<semaphore_mem>>) src(%arg7 : memref<128x128xf32, #tpu.memory_space<vmem>>) dst(%dma_wait3A_87 : memref<10240x128xf32, #tpu.memory_space<vmem_shared>>)
    %dma_wait3A_88 = arith.constant 1 : i32
    %dma_wait3A_89 = arith.constant 0 : i32
    %dma_wait3A_90 = arith.constant 0 : i32
    %dma_wait3A_91 = tpu.memref_slice %arg5[%dma_wait3A_88, %dma_wait3A_89, %dma_wait3A_90] : memref<2x8x128xi32, #tpu.memory_space<vmem>> -> memref<1x1x128xi32, #tpu.memory_space<vmem>>
    %dma_wait3A_92 = tpu.memref_squeeze %dma_wait3A_91 : memref<1x1x128xi32, #tpu.memory_space<vmem>> -> memref<128xi32, #tpu.memory_space<vmem>>
    %dma_wait3A_93 = arith.constant 0 : i32
    %dma_wait3A_94 = arith.constant 0 : i32
    %dma_wait3A_95 = tpu.memref_slice %arg9[%dma_wait3A_93, %dma_wait3A_94] : memref<10240x128xf32, #tpu.memory_space<vmem_shared>> -> memref<10240x128xf32, #tpu.memory_space<vmem_shared>>
    tpu.wait_indirect_dma semaphore(%arg15 : memref<!tpu.dma_semaphore, #tpu.memory_space<semaphore_mem>>) src(%arg8 : memref<128x128xf32, #tpu.memory_space<vmem>>) dst(%dma_wait3A_95 : memref<10240x128xf32, #tpu.memory_space<vmem_shared>>)
    %barrier3A_96 = arith.constant 0 : index
    tpu.barrier barrier_id(%barrier3A_96)
    %add3A_97 = arith.constant 0 : i32
    %add3A_98 = arith.addi %mul3A_17, %add3A_97 : i32
    "tpu.region"() ({
      %run_scoped3A = tpu.sem_alloc : memref<!tpu.dma_semaphore, #tpu.memory_space<semaphore_mem>>
      %dma_start3A_107 = arith.constant 0 : i32
      %dma_start3A_108 = tpu.memref_slice %arg4[%arg0, %add3A_98, %dma_start3A_107] : memref<2x10240x128xf32, #tpu.memory_space<hbm>> -> memref<1x128x128xf32, #tpu.memory_space<hbm>>
      %dma_start3A_109 = tpu.memref_squeeze %dma_start3A_108 : memref<1x128x128xf32, #tpu.memory_space<hbm>> -> memref<128x128xf32, #tpu.memory_space<hbm>>
      %dma_start3A_110 = arith.constant 0 : i32
      %dma_start3A_111 = tpu.memref_slice %arg9[%add3A_98, %dma_start3A_110] : memref<10240x128xf32, #tpu.memory_space<vmem_shared>> -> memref<128x128xf32, #tpu.memory_space<vmem_shared>>
      tpu.enqueue_dma source(%dma_start3A_111 : memref<128x128xf32, #tpu.memory_space<vmem_shared>>) target(%dma_start3A_109 : memref<128x128xf32, #tpu.memory_space<hbm>>) target_semaphore(%run_scoped3A : memref<!tpu.dma_semaphore, #tpu.memory_space<semaphore_mem>>)
      %dma_wait3A_112 = arith.constant 0 : i32
      %dma_wait3A_113 = tpu.memref_slice %arg4[%arg0, %add3A_98, %dma_wait3A_112] : memref<2x10240x128xf32, #tpu.memory_space<hbm>> -> memref<1x128x128xf32, #tpu.memory_space<hbm>>
      %dma_wait3A_114 = tpu.memref_squeeze %dma_wait3A_113 : memref<1x128x128xf32, #tpu.memory_space<hbm>> -> memref<128x128xf32, #tpu.memory_space<hbm>>
      %dma_wait3A_115 = arith.constant 0 : i32
      %dma_wait3A_116 = tpu.memref_slice %arg9[%add3A_98, %dma_wait3A_115] : memref<10240x128xf32, #tpu.memory_space<vmem_shared>> -> memref<128x128xf32, #tpu.memory_space<vmem_shared>>
      tpu.wait_dma2 semaphore(%run_scoped3A : memref<!tpu.dma_semaphore, #tpu.memory_space<semaphore_mem>>) src(%dma_wait3A_116 : memref<128x128xf32, #tpu.memory_space<vmem_shared>>) dst(%dma_wait3A_114 : memref<128x128xf32, #tpu.memory_space<hbm>>)
      tpu.yield
    }) : () -> ()
    %add3A_99 = arith.constant 128 : i32
    %add3A_100 = arith.addi %mul3A_17, %add3A_99 : i32
    "tpu.region"() ({
      %run_scoped3A = tpu.sem_alloc : memref<!tpu.dma_semaphore, #tpu.memory_space<semaphore_mem>>
      %dma_start3A_107 = arith.constant 0 : i32
      %dma_start3A_108 = tpu.memref_slice %arg4[%arg0, %add3A_100, %dma_start3A_107] : memref<2x10240x128xf32, #tpu.memory_space<hbm>> -> memref<1x128x128xf32, #tpu.memory_space<hbm>>
      %dma_start3A_109 = tpu.memref_squeeze %dma_start3A_108 : memref<1x128x128xf32, #tpu.memory_space<hbm>> -> memref<128x128xf32, #tpu.memory_space<hbm>>
      %dma_start3A_110 = arith.constant 0 : i32
      %dma_start3A_111 = tpu.memref_slice %arg9[%add3A_100, %dma_start3A_110] : memref<10240x128xf32, #tpu.memory_space<vmem_shared>> -> memref<128x128xf32, #tpu.memory_space<vmem_shared>>
      tpu.enqueue_dma source(%dma_start3A_111 : memref<128x128xf32, #tpu.memory_space<vmem_shared>>) target(%dma_start3A_109 : memref<128x128xf32, #tpu.memory_space<hbm>>) target_semaphore(%run_scoped3A : memref<!tpu.dma_semaphore, #tpu.memory_space<semaphore_mem>>)
      %dma_wait3A_112 = arith.constant 0 : i32
      %dma_wait3A_113 = tpu.memref_slice %arg4[%arg0, %add3A_100, %dma_wait3A_112] : memref<2x10240x128xf32, #tpu.memory_space<hbm>> -> memref<1x128x128xf32, #tpu.memory_space<hbm>>
      %dma_wait3A_114 = tpu.memref_squeeze %dma_wait3A_113 : memref<1x128x128xf32, #tpu.memory_space<hbm>> -> memref<128x128xf32, #tpu.memory_space<hbm>>
      %dma_wait3A_115 = arith.constant 0 : i32
      %dma_wait3A_116 = tpu.memref_slice %arg9[%add3A_100, %dma_wait3A_115] : memref<10240x128xf32, #tpu.memory_space<vmem_shared>> -> memref<128x128xf32, #tpu.memory_space<vmem_shared>>
      tpu.wait_dma2 semaphore(%run_scoped3A : memref<!tpu.dma_semaphore, #tpu.memory_space<semaphore_mem>>) src(%dma_wait3A_116 : memref<128x128xf32, #tpu.memory_space<vmem_shared>>) dst(%dma_wait3A_114 : memref<128x128xf32, #tpu.memory_space<hbm>>)
      tpu.yield
    }) : () -> ()
    %add3A_101 = arith.constant 256 : i32
    %add3A_102 = arith.addi %mul3A_17, %add3A_101 : i32
    "tpu.region"() ({
      %run_scoped3A = tpu.sem_alloc : memref<!tpu.dma_semaphore, #tpu.memory_space<semaphore_mem>>
      %dma_start3A_107 = arith.constant 0 : i32
      %dma_start3A_108 = tpu.memref_slice %arg4[%arg0, %add3A_102, %dma_start3A_107] : memref<2x10240x128xf32, #tpu.memory_space<hbm>> -> memref<1x128x128xf32, #tpu.memory_space<hbm>>
      %dma_start3A_109 = tpu.memref_squeeze %dma_start3A_108 : memref<1x128x128xf32, #tpu.memory_space<hbm>> -> memref<128x128xf32, #tpu.memory_space<hbm>>
      %dma_start3A_110 = arith.constant 0 : i32
      %dma_start3A_111 = tpu.memref_slice %arg9[%add3A_102, %dma_start3A_110] : memref<10240x128xf32, #tpu.memory_space<vmem_shared>> -> memref<128x128xf32, #tpu.memory_space<vmem_shared>>
      tpu.enqueue_dma source(%dma_start3A_111 : memref<128x128xf32, #tpu.memory_space<vmem_shared>>) target(%dma_start3A_109 : memref<128x128xf32, #tpu.memory_space<hbm>>) target_semaphore(%run_scoped3A : memref<!tpu.dma_semaphore, #tpu.memory_space<semaphore_mem>>)
      %dma_wait3A_112 = arith.constant 0 : i32
      %dma_wait3A_113 = tpu.memref_slice %arg4[%arg0, %add3A_102, %dma_wait3A_112] : memref<2x10240x128xf32, #tpu.memory_space<hbm>> -> memref<1x128x128xf32, #tpu.memory_space<hbm>>
      %dma_wait3A_114 = tpu.memref_squeeze %dma_wait3A_113 : memref<1x128x128xf32, #tpu.memory_space<hbm>> -> memref<128x128xf32, #tpu.memory_space<hbm>>
      %dma_wait3A_115 = arith.constant 0 : i32
      %dma_wait3A_116 = tpu.memref_slice %arg9[%add3A_102, %dma_wait3A_115] : memref<10240x128xf32, #tpu.memory_space<vmem_shared>> -> memref<128x128xf32, #tpu.memory_space<vmem_shared>>
      tpu.wait_dma2 semaphore(%run_scoped3A : memref<!tpu.dma_semaphore, #tpu.memory_space<semaphore_mem>>) src(%dma_wait3A_116 : memref<128x128xf32, #tpu.memory_space<vmem_shared>>) dst(%dma_wait3A_114 : memref<128x128xf32, #tpu.memory_space<hbm>>)
      tpu.yield
    }) : () -> ()
    %add3A_103 = arith.constant 384 : i32
    %add3A_104 = arith.addi %mul3A_17, %add3A_103 : i32
    "tpu.region"() ({
      %run_scoped3A = tpu.sem_alloc : memref<!tpu.dma_semaphore, #tpu.memory_space<semaphore_mem>>
      %dma_start3A_107 = arith.constant 0 : i32
      %dma_start3A_108 = tpu.memref_slice %arg4[%arg0, %add3A_104, %dma_start3A_107] : memref<2x10240x128xf32, #tpu.memory_space<hbm>> -> memref<1x128x128xf32, #tpu.memory_space<hbm>>
      %dma_start3A_109 = tpu.memref_squeeze %dma_start3A_108 : memref<1x128x128xf32, #tpu.memory_space<hbm>> -> memref<128x128xf32, #tpu.memory_space<hbm>>
      %dma_start3A_110 = arith.constant 0 : i32
      %dma_start3A_111 = tpu.memref_slice %arg9[%add3A_104, %dma_start3A_110] : memref<10240x128xf32, #tpu.memory_space<vmem_shared>> -> memref<128x128xf32, #tpu.memory_space<vmem_shared>>
      tpu.enqueue_dma source(%dma_start3A_111 : memref<128x128xf32, #tpu.memory_space<vmem_shared>>) target(%dma_start3A_109 : memref<128x128xf32, #tpu.memory_space<hbm>>) target_semaphore(%run_scoped3A : memref<!tpu.dma_semaphore, #tpu.memory_space<semaphore_mem>>)
      %dma_wait3A_112 = arith.constant 0 : i32
      %dma_wait3A_113 = tpu.memref_slice %arg4[%arg0, %add3A_104, %dma_wait3A_112] : memref<2x10240x128xf32, #tpu.memory_space<hbm>> -> memref<1x128x128xf32, #tpu.memory_space<hbm>>
      %dma_wait3A_114 = tpu.memref_squeeze %dma_wait3A_113 : memref<1x128x128xf32, #tpu.memory_space<hbm>> -> memref<128x128xf32, #tpu.memory_space<hbm>>
      %dma_wait3A_115 = arith.constant 0 : i32
      %dma_wait3A_116 = tpu.memref_slice %arg9[%add3A_104, %dma_wait3A_115] : memref<10240x128xf32, #tpu.memory_space<vmem_shared>> -> memref<128x128xf32, #tpu.memory_space<vmem_shared>>
      tpu.wait_dma2 semaphore(%run_scoped3A : memref<!tpu.dma_semaphore, #tpu.memory_space<semaphore_mem>>) src(%dma_wait3A_116 : memref<128x128xf32, #tpu.memory_space<vmem_shared>>) dst(%dma_wait3A_114 : memref<128x128xf32, #tpu.memory_space<hbm>>)
      tpu.yield
    }) : () -> ()
    %add3A_105 = arith.constant 512 : i32
    %add3A_106 = arith.addi %mul3A_17, %add3A_105 : i32
    "tpu.region"() ({
      %run_scoped3A = tpu.sem_alloc : memref<!tpu.dma_semaphore, #tpu.memory_space<semaphore_mem>>
      %dma_start3A_107 = arith.constant 0 : i32
      %dma_start3A_108 = tpu.memref_slice %arg4[%arg0, %add3A_106, %dma_start3A_107] : memref<2x10240x128xf32, #tpu.memory_space<hbm>> -> memref<1x128x128xf32, #tpu.memory_space<hbm>>
      %dma_start3A_109 = tpu.memref_squeeze %dma_start3A_108 : memref<1x128x128xf32, #tpu.memory_space<hbm>> -> memref<128x128xf32, #tpu.memory_space<hbm>>
      %dma_start3A_110 = arith.constant 0 : i32
      %dma_start3A_111 = tpu.memref_slice %arg9[%add3A_106, %dma_start3A_110] : memref<10240x128xf32, #tpu.memory_space<vmem_shared>> -> memref<128x128xf32, #tpu.memory_space<vmem_shared>>
      tpu.enqueue_dma source(%dma_start3A_111 : memref<128x128xf32, #tpu.memory_space<vmem_shared>>) target(%dma_start3A_109 : memref<128x128xf32, #tpu.memory_space<hbm>>) target_semaphore(%run_scoped3A : memref<!tpu.dma_semaphore, #tpu.memory_space<semaphore_mem>>)
      %dma_wait3A_112 = arith.constant 0 : i32
      %dma_wait3A_113 = tpu.memref_slice %arg4[%arg0, %add3A_106, %dma_wait3A_112] : memref<2x10240x128xf32, #tpu.memory_space<hbm>> -> memref<1x128x128xf32, #tpu.memory_space<hbm>>
      %dma_wait3A_114 = tpu.memref_squeeze %dma_wait3A_113 : memref<1x128x128xf32, #tpu.memory_space<hbm>> -> memref<128x128xf32, #tpu.memory_space<hbm>>
      %dma_wait3A_115 = arith.constant 0 : i32
      %dma_wait3A_116 = tpu.memref_slice %arg9[%add3A_106, %dma_wait3A_115] : memref<10240x128xf32, #tpu.memory_space<vmem_shared>> -> memref<128x128xf32, #tpu.memory_space<vmem_shared>>
      tpu.wait_dma2 semaphore(%run_scoped3A : memref<!tpu.dma_semaphore, #tpu.memory_space<semaphore_mem>>) src(%dma_wait3A_116 : memref<128x128xf32, #tpu.memory_space<vmem_shared>>) dst(%dma_wait3A_114 : memref<128x128xf32, #tpu.memory_space<hbm>>)
      tpu.yield
    }) : () -> ()
    return
  }
}

#map = affine_map<(d0, d1) -> (0, 0)>
#map1 = affine_map<(d0, d1) -> (0, 0, 0)>
module attributes {stable_mosaic.version = 14 : i64} {
  func.func @_sc_agg_body(%arg0: i32, %arg1: i32, %arg2: memref<10240x128xf32, #tpu.memory_space<hbm>>, %arg3: memref<2x5120x128xi32, #tpu.memory_space<hbm>>, %arg4: memref<2x10240x128xf32, #tpu.memory_space<hbm>>, %arg5: memref<2x8x128xi32, #tpu.memory_space<vmem>>, %arg6: memref<2x8x128xi32, #tpu.memory_space<vmem>>, %arg7: memref<128x128xf32, #tpu.memory_space<vmem>>, %arg8: memref<128x128xf32, #tpu.memory_space<vmem>>, %arg9: memref<10240x128xf32, #tpu.memory_space<vmem_shared>>, %arg10: memref<!tpu.dma_semaphore, #tpu.memory_space<semaphore_mem>>, %arg11: memref<!tpu.dma_semaphore, #tpu.memory_space<semaphore_mem>>, %arg12: memref<!tpu.dma_semaphore, #tpu.memory_space<semaphore_mem>>, %arg13: memref<!tpu.dma_semaphore, #tpu.memory_space<semaphore_mem>>, %arg14: memref<!tpu.dma_semaphore, #tpu.memory_space<semaphore_mem>>, %arg15: memref<!tpu.dma_semaphore, #tpu.memory_space<semaphore_mem>>) attributes {dimension_semantics = [#tpu.dimension_semantics<core_parallel>, #tpu.dimension_semantics<subcore_parallel>], iteration_bounds = array<i64: 2, 16>, scalar_prefetch = 0 : i64, scratch_operands = 11 : i64, tpu.core_type = #tpu.core_type<sc_vector_subcore>, window_params = [{transform_indices = #map}, {transform_indices = #map1}, {transform_indices = #map1}]} {
    %eq3A = arith.constant 0 : i32
    %eq3A_0 = arith.cmpi eq, %arg0, %eq3A : i32
    %jit3A = arith.constant 160 : i32
    %jit3A_1 = arith.constant 160 : i32
    %select_n3A = arith.select %eq3A_0, %jit3A, %jit3A_1 : i32
    %mul3A = arith.constant 2560 : i32
    %mul3A_2 = arith.muli %arg0, %mul3A : i32
    %mul3A_3 = arith.muli %arg1, %select_n3A : i32
    %add3A = arith.addi %mul3A_2, %mul3A_3 : i32
    %multiple_of3A = tpu.assume_multiple %add3A, 8 : i32
    %dma_start3A = arith.constant 0 : i32
    %dma_start3A_4 = arith.constant 0 : i32
    %dma_start3A_5 = tpu.memref_slice %arg3[%dma_start3A, %multiple_of3A, %dma_start3A_4] : memref<2x5120x128xi32, #tpu.memory_space<hbm>> -> memref<2x8x128xi32, #tpu.memory_space<hbm>>
    %dma_start3A_6 = arith.constant 0 : i32
    %dma_start3A_7 = arith.constant 0 : i32
    %dma_start3A_8 = tpu.memref_slice %arg3[%dma_start3A_6, %multiple_of3A, %dma_start3A_7] : memref<2x5120x128xi32, #tpu.memory_space<hbm>> -> memref<2x8x128xi32, #tpu.memory_space<hbm>>
    tpu.enqueue_dma source(%dma_start3A_8 : memref<2x8x128xi32, #tpu.memory_space<hbm>>) target(%arg5 : memref<2x8x128xi32, #tpu.memory_space<vmem>>) target_semaphore(%arg12 : memref<!tpu.dma_semaphore, #tpu.memory_space<semaphore_mem>>)
    %broadcast_in_dim3A = arith.constant 0.000000e+00 : f32
    %broadcast_in_dim3A_9 = vector.broadcast %broadcast_in_dim3A : f32 to vector<16xf32>
    %scan3A = arith.constant 0 : i32
    %scan3A_10 = arith.constant 0 : i32
    %scan3A_11 = arith.constant 128 : i32
    %scan3A_12 = arith.addi %scan3A_10, %scan3A_11 : i32
    %scan3A_13 = arith.constant 1 : i32
    %scan3A_14 = scf.for %scan3A_107 = %scan3A_10 to %scan3A_12 step %scan3A_13 iter_args(%scan3A_108 = %scan3A) -> (i32)  : i32 {
      %scan3A_109 = arith.constant 0 : i32
      %scan3A_110 = arith.constant 0 : i32
      %scan3A_111 = arith.constant 8 : i32
      %scan3A_112 = arith.addi %scan3A_110, %scan3A_111 : i32
      %scan3A_113 = arith.constant 1 : i32
      %scan3A_114 = scf.for %scan3A_116 = %scan3A_110 to %scan3A_112 step %scan3A_113 iter_args(%scan3A_117 = %scan3A_109) -> (i32)  : i32 {
        %mul3A_118 = arith.constant 16 : i32
        %mul3A_119 = arith.muli %scan3A_116, %mul3A_118 : i32
        %swap3A = arith.index_cast %scan3A_107 : i32 to index
        %swap3A_120 = arith.index_cast %mul3A_119 : i32 to index
        %swap3A_121 = tpu.vector_load %arg7[%swap3A, %swap3A_120] {strides = array<i32>} : memref<128x128xf32, #tpu.memory_space<vmem>>, vector<1x16xf32>,
        %swap3A_122 = vector.shape_cast %swap3A_121 : vector<1x16xf32> to vector<16xf32>
        %swap3A_123 = vector.shape_cast %broadcast_in_dim3A_9 : vector<16xf32> to vector<1x16xf32>
        tpu.vector_store %arg7[%swap3A, %swap3A_120], %swap3A_123 {strides = array<i32>} : memref<128x128xf32, #tpu.memory_space<vmem>>, vector<1x16xf32>,
        %mul3A_124 = arith.constant 16 : i32
        %mul3A_125 = arith.muli %scan3A_116, %mul3A_124 : i32
        %swap3A_126 = arith.index_cast %scan3A_107 : i32 to index
        %swap3A_127 = arith.index_cast %mul3A_125 : i32 to index
        %swap3A_128 = tpu.vector_load %arg8[%swap3A_126, %swap3A_127] {strides = array<i32>} : memref<128x128xf32, #tpu.memory_space<vmem>>, vector<1x16xf32>,
        %swap3A_129 = vector.shape_cast %swap3A_128 : vector<1x16xf32> to vector<16xf32>
        %swap3A_130 = vector.shape_cast %broadcast_in_dim3A_9 : vector<16xf32> to vector<1x16xf32>
        tpu.vector_store %arg8[%swap3A_126, %swap3A_127], %swap3A_130 {strides = array<i32>} : memref<128x128xf32, #tpu.memory_space<vmem>>, vector<1x16xf32>,
        %scan3A_131 = arith.constant 0 : i32
        scf.yield %scan3A_131 : i32
      }
      %scan3A_115 = arith.constant 8 : i32
      scf.yield %scan3A_114 : i32
    }
    %scan3A_15 = arith.constant 128 : i32
    %mul3A_16 = arith.constant 640 : i32
    %mul3A_17 = arith.muli %arg1, %mul3A_16 : i32
    %add3A_18 = arith.constant 0 : i32
    %add3A_19 = arith.addi %mul3A_17, %add3A_18 : i32
    "tpu.region"() ({
      %run_scoped3A = tpu.sem_alloc : memref<!tpu.dma_semaphore, #tpu.memory_space<semaphore_mem>>
      %dma_start3A_107 = arith.constant 0 : i32
      %dma_start3A_108 = tpu.memref_slice %arg9[%add3A_19, %dma_start3A_107] : memref<10240x128xf32, #tpu.memory_space<vmem_shared>> -> memref<128x128xf32, #tpu.memory_space<vmem_shared>>
      %dma_start3A_109 = arith.constant 0 : i32
      %dma_start3A_110 = tpu.memref_slice %arg9[%add3A_19, %dma_start3A_109] : memref<10240x128xf32, #tpu.memory_space<vmem_shared>> -> memref<128x128xf32, #tpu.memory_space<vmem_shared>>
      tpu.enqueue_dma source(%arg7 : memref<128x128xf32, #tpu.memory_space<vmem>>) target(%dma_start3A_110 : memref<128x128xf32, #tpu.memory_space<vmem_shared>>) target_semaphore(%run_scoped3A : memref<!tpu.dma_semaphore, #tpu.memory_space<semaphore_mem>>)
      %dma_wait3A_111 = arith.constant 0 : i32
      %dma_wait3A_112 = tpu.memref_slice %arg9[%add3A_19, %dma_wait3A_111] : memref<10240x128xf32, #tpu.memory_space<vmem_shared>> -> memref<128x128xf32, #tpu.memory_space<vmem_shared>>
      %dma_wait3A_113 = arith.constant 0 : i32
      %dma_wait3A_114 = tpu.memref_slice %arg9[%add3A_19, %dma_wait3A_113] : memref<10240x128xf32, #tpu.memory_space<vmem_shared>> -> memref<128x128xf32, #tpu.memory_space<vmem_shared>>
      tpu.wait_dma2 semaphore(%run_scoped3A : memref<!tpu.dma_semaphore, #tpu.memory_space<semaphore_mem>>) src(%arg7 : memref<128x128xf32, #tpu.memory_space<vmem>>) dst(%dma_wait3A_114 : memref<128x128xf32, #tpu.memory_space<vmem_shared>>)
      tpu.yield
    }) : () -> ()
    %add3A_20 = arith.constant 128 : i32
    %add3A_21 = arith.addi %mul3A_17, %add3A_20 : i32
    "tpu.region"() ({
      %run_scoped3A = tpu.sem_alloc : memref<!tpu.dma_semaphore, #tpu.memory_space<semaphore_mem>>
      %dma_start3A_107 = arith.constant 0 : i32
      %dma_start3A_108 = tpu.memref_slice %arg9[%add3A_21, %dma_start3A_107] : memref<10240x128xf32, #tpu.memory_space<vmem_shared>> -> memref<128x128xf32, #tpu.memory_space<vmem_shared>>
      %dma_start3A_109 = arith.constant 0 : i32
      %dma_start3A_110 = tpu.memref_slice %arg9[%add3A_21, %dma_start3A_109] : memref<10240x128xf32, #tpu.memory_space<vmem_shared>> -> memref<128x128xf32, #tpu.memory_space<vmem_shared>>
      tpu.enqueue_dma source(%arg7 : memref<128x128xf32, #tpu.memory_space<vmem>>) target(%dma_start3A_110 : memref<128x128xf32, #tpu.memory_space<vmem_shared>>) target_semaphore(%run_scoped3A : memref<!tpu.dma_semaphore, #tpu.memory_space<semaphore_mem>>)
      %dma_wait3A_111 = arith.constant 0 : i32
      %dma_wait3A_112 = tpu.memref_slice %arg9[%add3A_21, %dma_wait3A_111] : memref<10240x128xf32, #tpu.memory_space<vmem_shared>> -> memref<128x128xf32, #tpu.memory_space<vmem_shared>>
      %dma_wait3A_113 = arith.constant 0 : i32
      %dma_wait3A_114 = tpu.memref_slice %arg9[%add3A_21, %dma_wait3A_113] : memref<10240x128xf32, #tpu.memory_space<vmem_shared>> -> memref<128x128xf32, #tpu.memory_space<vmem_shared>>
      tpu.wait_dma2 semaphore(%run_scoped3A : memref<!tpu.dma_semaphore, #tpu.memory_space<semaphore_mem>>) src(%arg7 : memref<128x128xf32, #tpu.memory_space<vmem>>) dst(%dma_wait3A_114 : memref<128x128xf32, #tpu.memory_space<vmem_shared>>)
      tpu.yield
    }) : () -> ()
    %add3A_22 = arith.constant 256 : i32
    %add3A_23 = arith.addi %mul3A_17, %add3A_22 : i32
    "tpu.region"() ({
      %run_scoped3A = tpu.sem_alloc : memref<!tpu.dma_semaphore, #tpu.memory_space<semaphore_mem>>
      %dma_start3A_107 = arith.constant 0 : i32
      %dma_start3A_108 = tpu.memref_slice %arg9[%add3A_23, %dma_start3A_107] : memref<10240x128xf32, #tpu.memory_space<vmem_shared>> -> memref<128x128xf32, #tpu.memory_space<vmem_shared>>
      %dma_start3A_109 = arith.constant 0 : i32
      %dma_start3A_110 = tpu.memref_slice %arg9[%add3A_23, %dma_start3A_109] : memref<10240x128xf32, #tpu.memory_space<vmem_shared>> -> memref<128x128xf32, #tpu.memory_space<vmem_shared>>
      tpu.enqueue_dma source(%arg7 : memref<128x128xf32, #tpu.memory_space<vmem>>) target(%dma_start3A_110 : memref<128x128xf32, #tpu.memory_space<vmem_shared>>) target_semaphore(%run_scoped3A : memref<!tpu.dma_semaphore, #tpu.memory_space<semaphore_mem>>)
      %dma_wait3A_111 = arith.constant 0 : i32
      %dma_wait3A_112 = tpu.memref_slice %arg9[%add3A_23, %dma_wait3A_111] : memref<10240x128xf32, #tpu.memory_space<vmem_shared>> -> memref<128x128xf32, #tpu.memory_space<vmem_shared>>
      %dma_wait3A_113 = arith.constant 0 : i32
      %dma_wait3A_114 = tpu.memref_slice %arg9[%add3A_23, %dma_wait3A_113] : memref<10240x128xf32, #tpu.memory_space<vmem_shared>> -> memref<128x128xf32, #tpu.memory_space<vmem_shared>>
      tpu.wait_dma2 semaphore(%run_scoped3A : memref<!tpu.dma_semaphore, #tpu.memory_space<semaphore_mem>>) src(%arg7 : memref<128x128xf32, #tpu.memory_space<vmem>>) dst(%dma_wait3A_114 : memref<128x128xf32, #tpu.memory_space<vmem_shared>>)
      tpu.yield
    }) : () -> ()
    %add3A_24 = arith.constant 384 : i32
    %add3A_25 = arith.addi %mul3A_17, %add3A_24 : i32
    "tpu.region"() ({
      %run_scoped3A = tpu.sem_alloc : memref<!tpu.dma_semaphore, #tpu.memory_space<semaphore_mem>>
      %dma_start3A_107 = arith.constant 0 : i32
      %dma_start3A_108 = tpu.memref_slice %arg9[%add3A_25, %dma_start3A_107] : memref<10240x128xf32, #tpu.memory_space<vmem_shared>> -> memref<128x128xf32, #tpu.memory_space<vmem_shared>>
      %dma_start3A_109 = arith.constant 0 : i32
      %dma_start3A_110 = tpu.memref_slice %arg9[%add3A_25, %dma_start3A_109] : memref<10240x128xf32, #tpu.memory_space<vmem_shared>> -> memref<128x128xf32, #tpu.memory_space<vmem_shared>>
      tpu.enqueue_dma source(%arg7 : memref<128x128xf32, #tpu.memory_space<vmem>>) target(%dma_start3A_110 : memref<128x128xf32, #tpu.memory_space<vmem_shared>>) target_semaphore(%run_scoped3A : memref<!tpu.dma_semaphore, #tpu.memory_space<semaphore_mem>>)
      %dma_wait3A_111 = arith.constant 0 : i32
      %dma_wait3A_112 = tpu.memref_slice %arg9[%add3A_25, %dma_wait3A_111] : memref<10240x128xf32, #tpu.memory_space<vmem_shared>> -> memref<128x128xf32, #tpu.memory_space<vmem_shared>>
      %dma_wait3A_113 = arith.constant 0 : i32
      %dma_wait3A_114 = tpu.memref_slice %arg9[%add3A_25, %dma_wait3A_113] : memref<10240x128xf32, #tpu.memory_space<vmem_shared>> -> memref<128x128xf32, #tpu.memory_space<vmem_shared>>
      tpu.wait_dma2 semaphore(%run_scoped3A : memref<!tpu.dma_semaphore, #tpu.memory_space<semaphore_mem>>) src(%arg7 : memref<128x128xf32, #tpu.memory_space<vmem>>) dst(%dma_wait3A_114 : memref<128x128xf32, #tpu.memory_space<vmem_shared>>)
      tpu.yield
    }) : () -> ()
    %add3A_26 = arith.constant 512 : i32
    %add3A_27 = arith.addi %mul3A_17, %add3A_26 : i32
    "tpu.region"() ({
      %run_scoped3A = tpu.sem_alloc : memref<!tpu.dma_semaphore, #tpu.memory_space<semaphore_mem>>
      %dma_start3A_107 = arith.constant 0 : i32
      %dma_start3A_108 = tpu.memref_slice %arg9[%add3A_27, %dma_start3A_107] : memref<10240x128xf32, #tpu.memory_space<vmem_shared>> -> memref<128x128xf32, #tpu.memory_space<vmem_shared>>
      %dma_start3A_109 = arith.constant 0 : i32
      %dma_start3A_110 = tpu.memref_slice %arg9[%add3A_27, %dma_start3A_109] : memref<10240x128xf32, #tpu.memory_space<vmem_shared>> -> memref<128x128xf32, #tpu.memory_space<vmem_shared>>
      tpu.enqueue_dma source(%arg7 : memref<128x128xf32, #tpu.memory_space<vmem>>) target(%dma_start3A_110 : memref<128x128xf32, #tpu.memory_space<vmem_shared>>) target_semaphore(%run_scoped3A : memref<!tpu.dma_semaphore, #tpu.memory_space<semaphore_mem>>)
      %dma_wait3A_111 = arith.constant 0 : i32
      %dma_wait3A_112 = tpu.memref_slice %arg9[%add3A_27, %dma_wait3A_111] : memref<10240x128xf32, #tpu.memory_space<vmem_shared>> -> memref<128x128xf32, #tpu.memory_space<vmem_shared>>
      %dma_wait3A_113 = arith.constant 0 : i32
      %dma_wait3A_114 = tpu.memref_slice %arg9[%add3A_27, %dma_wait3A_113] : memref<10240x128xf32, #tpu.memory_space<vmem_shared>> -> memref<128x128xf32, #tpu.memory_space<vmem_shared>>
      tpu.wait_dma2 semaphore(%run_scoped3A : memref<!tpu.dma_semaphore, #tpu.memory_space<semaphore_mem>>) src(%arg7 : memref<128x128xf32, #tpu.memory_space<vmem>>) dst(%dma_wait3A_114 : memref<128x128xf32, #tpu.memory_space<vmem_shared>>)
      tpu.yield
    }) : () -> ()
    %barrier3A = arith.constant 0 : index
    tpu.barrier barrier_id(%barrier3A)
    %dma_wait3A = arith.constant 0 : i32
    %dma_wait3A_28 = arith.constant 0 : i32
    %dma_wait3A_29 = arith.constant 0 : i32
    %dma_wait3A_30 = tpu.memref_slice %arg3[%dma_wait3A, %dma_wait3A_28, %dma_wait3A_29] : memref<2x5120x128xi32, #tpu.memory_space<hbm>> -> memref<2x8x128xi32, #tpu.memory_space<hbm>>
    %dma_wait3A_31 = arith.constant 0 : i32
    %dma_wait3A_32 = arith.constant 0 : i32
    %dma_wait3A_33 = arith.constant 0 : i32
    %dma_wait3A_34 = tpu.memref_slice %arg3[%dma_wait3A_31, %dma_wait3A_32, %dma_wait3A_33] : memref<2x5120x128xi32, #tpu.memory_space<hbm>> -> memref<2x8x128xi32, #tpu.memory_space<hbm>>
    tpu.wait_dma2 semaphore(%arg12 : memref<!tpu.dma_semaphore, #tpu.memory_space<semaphore_mem>>) src(%dma_wait3A_34 : memref<2x8x128xi32, #tpu.memory_space<hbm>>) dst(%arg5 : memref<2x8x128xi32, #tpu.memory_space<vmem>>)
    %dma_start3A_35 = arith.constant 1 : i32
    %dma_start3A_36 = arith.constant 0 : i32
    %dma_start3A_37 = arith.constant 0 : i32
    %dma_start3A_38 = tpu.memref_slice %arg5[%dma_start3A_35, %dma_start3A_36, %dma_start3A_37] : memref<2x8x128xi32, #tpu.memory_space<vmem>> -> memref<1x1x128xi32, #tpu.memory_space<vmem>>
    %dma_start3A_39 = tpu.memref_squeeze %dma_start3A_38 : memref<1x1x128xi32, #tpu.memory_space<vmem>> -> memref<128xi32, #tpu.memory_space<vmem>>
    %dma_start3A_40 = arith.constant 0 : i32
    %dma_start3A_41 = arith.constant 0 : i32
    %dma_start3A_42 = tpu.memref_slice %arg9[%dma_start3A_40, %dma_start3A_41] : memref<10240x128xf32, #tpu.memory_space<vmem_shared>> -> memref<10240x128xf32, #tpu.memory_space<vmem_shared>>
    tpu.enqueue_indirect_dma source(%arg7 : memref<128x128xf32, #tpu.memory_space<vmem>>) target(%dma_start3A_42 : memref<10240x128xf32, #tpu.memory_space<vmem_shared>>) offsets(%dma_start3A_39 : memref<128xi32, #tpu.memory_space<vmem>>) semaphore(%arg14 : memref<!tpu.dma_semaphore, #tpu.memory_space<semaphore_mem>>) {add = true}
    %dma_start3A_43 = arith.constant 1 : i32
    %dma_start3A_44 = arith.constant 0 : i32
    %dma_start3A_45 = arith.constant 0 : i32
    %dma_start3A_46 = tpu.memref_slice %arg5[%dma_start3A_43, %dma_start3A_44, %dma_start3A_45] : memref<2x8x128xi32, #tpu.memory_space<vmem>> -> memref<1x1x128xi32, #tpu.memory_space<vmem>>
    %dma_start3A_47 = tpu.memref_squeeze %dma_start3A_46 : memref<1x1x128xi32, #tpu.memory_space<vmem>> -> memref<128xi32, #tpu.memory_space<vmem>>
    %dma_start3A_48 = arith.constant 0 : i32
    %dma_start3A_49 = arith.constant 0 : i32
    %dma_start3A_50 = tpu.memref_slice %arg9[%dma_start3A_48, %dma_start3A_49] : memref<10240x128xf32, #tpu.memory_space<vmem_shared>> -> memref<10240x128xf32, #tpu.memory_space<vmem_shared>>
    tpu.enqueue_indirect_dma source(%arg8 : memref<128x128xf32, #tpu.memory_space<vmem>>) target(%dma_start3A_50 : memref<10240x128xf32, #tpu.memory_space<vmem_shared>>) offsets(%dma_start3A_47 : memref<128xi32, #tpu.memory_space<vmem>>) semaphore(%arg15 : memref<!tpu.dma_semaphore, #tpu.memory_space<semaphore_mem>>) {add = true}
    %jit3A_51 = arith.constant 16 : i32
    %div3A = arith.divsi %select_n3A, %jit3A_51 : i32
    %sign3A = arith.constant 0 : i32
    %sign3A_52 = arith.cmpi sgt, %select_n3A, %sign3A : i32
    %sign3A_53 = arith.extui %sign3A_52 : i1 to i32
    %sign3A_54 = arith.constant 0 : i32
    %sign3A_55 = arith.cmpi slt, %select_n3A, %sign3A_54 : i32
    %sign3A_56 = arith.extui %sign3A_55 : i1 to i32
    %sign3A_57 = arith.subi %sign3A_53, %sign3A_56 : i32
    %sign3A_58 = arith.constant 0 : i32
    %sign3A_59 = arith.cmpi sgt, %jit3A_51, %sign3A_58 : i32
    %sign3A_60 = arith.extui %sign3A_59 : i1 to i32
    %sign3A_61 = arith.constant 0 : i32
    %sign3A_62 = arith.cmpi slt, %jit3A_51, %sign3A_61 : i32
    %sign3A_63 = arith.extui %sign3A_62 : i1 to i32
    %sign3A_64 = arith.subi %sign3A_60, %sign3A_63 : i32
    %ne3A = arith.cmpi ne, %sign3A_57, %sign3A_64 : i32
    %rem3A = arith.remsi %select_n3A, %jit3A_51 : i32
    %ne3A_65 = arith.constant 0 : i32
    %ne3A_66 = arith.cmpi ne, %rem3A, %ne3A_65 : i32
    %and3A = arith.andi %ne3A, %ne3A_66 : i1
    %sub3A = arith.constant 1 : i32
    %sub3A_67 = arith.subi %div3A, %sub3A : i32
    %select_n3A_68 = arith.select %and3A, %sub3A_67, %div3A : i32
    %while3A = arith.constant 0 : i32
    %while3A_69 = arith.constant 0 : i32
    %while3A_70 = arith.subi %select_n3A_68, %while3A : i32
    %while3A_71 = arith.addi %while3A, %while3A_70 : i32
    %while3A_72 = arith.constant 1 : i32
    %while3A_73 = arith.divsi %while3A_70, %while3A_72 : i32
    %while3A_74 = arith.muli %while3A_73, %while3A_72 : i32
    %while3A_75 = arith.addi %while3A, %while3A_74 : i32
    %while3A_76 = arith.constant 1 : i32
    %while3A_77 = scf.for %while3A_107 = %while3A to %while3A_75 step %while3A_76 iter_args(%while3A_108 = %while3A_69) -> (i32)  : i32 {
      %mul3A_109 = arith.constant 2 : i32
      %mul3A_110 = arith.muli %mul3A_109, %while3A_107 : i32
      %add3A_111 = arith.constant 1 : i32
      %add3A_112 = arith.addi %mul3A_110, %add3A_111 : i32
      %mul3A_113 = arith.constant 8 : i32
      %mul3A_114 = arith.muli %add3A_112, %mul3A_113 : i32
      %add3A_115 = arith.addi %multiple_of3A, %mul3A_114 : i32
      %multiple_of3A_116 = tpu.assume_multiple %add3A_115, 8 : i32
      %add3A_117 = arith.constant 1 : i32
      %add3A_118 = arith.addi %while3A_107, %add3A_117 : i32
      %lt3A = arith.cmpi slt, %add3A_118, %select_n3A_68 : i32
      %mul3A_119 = arith.constant 2 : i32
      %mul3A_120 = arith.muli %mul3A_119, %while3A_107 : i32
      %add3A_121 = arith.constant 2 : i32
      %add3A_122 = arith.addi %mul3A_120, %add3A_121 : i32
      %mul3A_123 = arith.constant 8 : i32
      %mul3A_124 = arith.muli %add3A_122, %mul3A_123 : i32
      %add3A_125 = arith.addi %multiple_of3A, %mul3A_124 : i32
      %select_n3A_126 = arith.select %lt3A, %add3A_125, %multiple_of3A : i32
      %multiple_of3A_127 = tpu.assume_multiple %select_n3A_126, 8 : i32
      %dma_start3A_128 = arith.constant 0 : i32
      %dma_start3A_129 = arith.constant 0 : i32
      %dma_start3A_130 = tpu.memref_slice %arg3[%dma_start3A_128, %multiple_of3A_116, %dma_start3A_129] : memref<2x5120x128xi32, #tpu.memory_space<hbm>> -> memref<2x8x128xi32, #tpu.memory_space<hbm>>
      %dma_start3A_131 = arith.constant 0 : i32
      %dma_start3A_132 = arith.constant 0 : i32
      %dma_start3A_133 = tpu.memref_slice %arg3[%dma_start3A_131, %multiple_of3A_116, %dma_start3A_132] : memref<2x5120x128xi32, #tpu.memory_space<hbm>> -> memref<2x8x128xi32, #tpu.memory_space<hbm>>
      tpu.enqueue_dma source(%dma_start3A_133 : memref<2x8x128xi32, #tpu.memory_space<hbm>>) target(%arg6 : memref<2x8x128xi32, #tpu.memory_space<vmem>>) target_semaphore(%arg13 : memref<!tpu.dma_semaphore, #tpu.memory_space<semaphore_mem>>)
      %dma_wait3A_134 = arith.constant 1 : i32
      %dma_wait3A_135 = arith.constant 0 : i32
      %dma_wait3A_136 = arith.constant 0 : i32
      %dma_wait3A_137 = tpu.memref_slice %arg5[%dma_wait3A_134, %dma_wait3A_135, %dma_wait3A_136] : memref<2x8x128xi32, #tpu.memory_space<vmem>> -> memref<1x1x128xi32, #tpu.memory_space<vmem>>
      %dma_wait3A_138 = tpu.memref_squeeze %dma_wait3A_137 : memref<1x1x128xi32, #tpu.memory_space<vmem>> -> memref<128xi32, #tpu.memory_space<vmem>>
      %dma_wait3A_139 = arith.constant 0 : i32
      %dma_wait3A_140 = arith.constant 0 : i32
      %dma_wait3A_141 = tpu.memref_slice %arg9[%dma_wait3A_139, %dma_wait3A_140] : memref<10240x128xf32, #tpu.memory_space<vmem_shared>> -> memref<10240x128xf32, #tpu.memory_space<vmem_shared>>
      tpu.wait_indirect_dma semaphore(%arg14 : memref<!tpu.dma_semaphore, #tpu.memory_space<semaphore_mem>>) src(%arg7 : memref<128x128xf32, #tpu.memory_space<vmem>>) dst(%dma_wait3A_141 : memref<10240x128xf32, #tpu.memory_space<vmem_shared>>)
      %dma_start3A_142 = arith.constant 0 : i32
      %dma_start3A_143 = arith.constant 0 : i32
      %dma_start3A_144 = arith.constant 0 : i32
      %dma_start3A_145 = tpu.memref_slice %arg5[%dma_start3A_142, %dma_start3A_143, %dma_start3A_144] : memref<2x8x128xi32, #tpu.memory_space<vmem>> -> memref<1x1x128xi32, #tpu.memory_space<vmem>>
      %dma_start3A_146 = tpu.memref_squeeze %dma_start3A_145 : memref<1x1x128xi32, #tpu.memory_space<vmem>> -> memref<128xi32, #tpu.memory_space<vmem>>
      %dma_start3A_147 = arith.constant 0 : i32
      %dma_start3A_148 = arith.constant 0 : i32
      %dma_start3A_149 = tpu.memref_slice %arg2[%dma_start3A_147, %dma_start3A_148] : memref<10240x128xf32, #tpu.memory_space<hbm>> -> memref<10240x128xf32, #tpu.memory_space<hbm>>
      tpu.enqueue_indirect_dma source(%dma_start3A_149 : memref<10240x128xf32, #tpu.memory_space<hbm>>) target(%arg7 : memref<128x128xf32, #tpu.memory_space<vmem>>) offsets(%dma_start3A_146 : memref<128xi32, #tpu.memory_space<vmem>>) semaphore(%arg10 : memref<!tpu.dma_semaphore, #tpu.memory_space<semaphore_mem>>)
      %dma_wait3A_150 = arith.constant 1 : i32
      %dma_wait3A_151 = arith.constant 0 : i32
      %dma_wait3A_152 = arith.constant 0 : i32
      %dma_wait3A_153 = tpu.memref_slice %arg5[%dma_wait3A_150, %dma_wait3A_151, %dma_wait3A_152] : memref<2x8x128xi32, #tpu.memory_space<vmem>> -> memref<1x1x128xi32, #tpu.memory_space<vmem>>
      %dma_wait3A_154 = tpu.memref_squeeze %dma_wait3A_153 : memref<1x1x128xi32, #tpu.memory_space<vmem>> -> memref<128xi32, #tpu.memory_space<vmem>>
      %dma_wait3A_155 = arith.constant 0 : i32
      %dma_wait3A_156 = arith.constant 0 : i32
      %dma_wait3A_157 = tpu.memref_slice %arg9[%dma_wait3A_155, %dma_wait3A_156] : memref<10240x128xf32, #tpu.memory_space<vmem_shared>> -> memref<10240x128xf32, #tpu.memory_space<vmem_shared>>
      tpu.wait_indirect_dma semaphore(%arg15 : memref<!tpu.dma_semaphore, #tpu.memory_space<semaphore_mem>>) src(%arg8 : memref<128x128xf32, #tpu.memory_space<vmem>>) dst(%dma_wait3A_157 : memref<10240x128xf32, #tpu.memory_space<vmem_shared>>)
      %dma_start3A_158 = arith.constant 0 : i32
      %dma_start3A_159 = arith.constant 1 : i32
      %dma_start3A_160 = arith.constant 0 : i32
      %dma_start3A_161 = tpu.memref_slice %arg5[%dma_start3A_158, %dma_start3A_159, %dma_start3A_160] : memref<2x8x128xi32, #tpu.memory_space<vmem>> -> memref<1x1x128xi32, #tpu.memory_space<vmem>>
      %dma_start3A_162 = tpu.memref_squeeze %dma_start3A_161 : memref<1x1x128xi32, #tpu.memory_space<vmem>> -> memref<128xi32, #tpu.memory_space<vmem>>
      %dma_start3A_163 = arith.constant 0 : i32
      %dma_start3A_164 = arith.constant 0 : i32
      %dma_start3A_165 = tpu.memref_slice %arg2[%dma_start3A_163, %dma_start3A_164] : memref<10240x128xf32, #tpu.memory_space<hbm>> -> memref<10240x128xf32, #tpu.memory_space<hbm>>
      tpu.enqueue_indirect_dma source(%dma_start3A_165 : memref<10240x128xf32, #tpu.memory_space<hbm>>) target(%arg8 : memref<128x128xf32, #tpu.memory_space<vmem>>) offsets(%dma_start3A_162 : memref<128xi32, #tpu.memory_space<vmem>>) semaphore(%arg11 : memref<!tpu.dma_semaphore, #tpu.memory_space<semaphore_mem>>)
      %dma_wait3A_166 = arith.constant 0 : i32
      %dma_wait3A_167 = arith.constant 0 : i32
      %dma_wait3A_168 = arith.constant 0 : i32
      %dma_wait3A_169 = tpu.memref_slice %arg5[%dma_wait3A_166, %dma_wait3A_167, %dma_wait3A_168] : memref<2x8x128xi32, #tpu.memory_space<vmem>> -> memref<1x1x128xi32, #tpu.memory_space<vmem>>
      %dma_wait3A_170 = tpu.memref_squeeze %dma_wait3A_169 : memref<1x1x128xi32, #tpu.memory_space<vmem>> -> memref<128xi32, #tpu.memory_space<vmem>>
      %dma_wait3A_171 = arith.constant 0 : i32
      %dma_wait3A_172 = arith.constant 0 : i32
      %dma_wait3A_173 = tpu.memref_slice %arg2[%dma_wait3A_171, %dma_wait3A_172] : memref<10240x128xf32, #tpu.memory_space<hbm>> -> memref<10240x128xf32, #tpu.memory_space<hbm>>
      tpu.wait_indirect_dma semaphore(%arg10 : memref<!tpu.dma_semaphore, #tpu.memory_space<semaphore_mem>>) src(%dma_wait3A_173 : memref<10240x128xf32, #tpu.memory_space<hbm>>) dst(%arg7 : memref<128x128xf32, #tpu.memory_space<vmem>>)
      %dma_start3A_174 = arith.constant 1 : i32
      %dma_start3A_175 = arith.constant 0 : i32
      %dma_start3A_176 = arith.constant 0 : i32
      %dma_start3A_177 = tpu.memref_slice %arg5[%dma_start3A_174, %dma_start3A_175, %dma_start3A_176] : memref<2x8x128xi32, #tpu.memory_space<vmem>> -> memref<1x1x128xi32, #tpu.memory_space<vmem>>
      %dma_start3A_178 = tpu.memref_squeeze %dma_start3A_177 : memref<1x1x128xi32, #tpu.memory_space<vmem>> -> memref<128xi32, #tpu.memory_space<vmem>>
      %dma_start3A_179 = arith.constant 0 : i32
      %dma_start3A_180 = arith.constant 0 : i32
      %dma_start3A_181 = tpu.memref_slice %arg9[%dma_start3A_179, %dma_start3A_180] : memref<10240x128xf32, #tpu.memory_space<vmem_shared>> -> memref<10240x128xf32, #tpu.memory_space<vmem_shared>>
      tpu.enqueue_indirect_dma source(%arg7 : memref<128x128xf32, #tpu.memory_space<vmem>>) target(%dma_start3A_181 : memref<10240x128xf32, #tpu.memory_space<vmem_shared>>) offsets(%dma_start3A_178 : memref<128xi32, #tpu.memory_space<vmem>>) semaphore(%arg14 : memref<!tpu.dma_semaphore, #tpu.memory_space<semaphore_mem>>) {add = true}
      %dma_wait3A_182 = arith.constant 1 : i32
      %dma_wait3A_183 = arith.constant 0 : i32
      %dma_wait3A_184 = arith.constant 0 : i32
      %dma_wait3A_185 = tpu.memref_slice %arg5[%dma_wait3A_182, %dma_wait3A_183, %dma_wait3A_184] : memref<2x8x128xi32, #tpu.memory_space<vmem>> -> memref<1x1x128xi32, #tpu.memory_space<vmem>>
      %dma_wait3A_186 = tpu.memref_squeeze %dma_wait3A_185 : memref<1x1x128xi32, #tpu.memory_space<vmem>> -> memref<128xi32, #tpu.memory_space<vmem>>
      %dma_wait3A_187 = arith.constant 0 : i32
      %dma_wait3A_188 = arith.constant 0 : i32
      %dma_wait3A_189 = tpu.memref_slice %arg9[%dma_wait3A_187, %dma_wait3A_188] : memref<10240x128xf32, #tpu.memory_space<vmem_shared>> -> memref<10240x128xf32, #tpu.memory_space<vmem_shared>>
      tpu.wait_indirect_dma semaphore(%arg14 : memref<!tpu.dma_semaphore, #tpu.memory_space<semaphore_mem>>) src(%arg7 : memref<128x128xf32, #tpu.memory_space<vmem>>) dst(%dma_wait3A_189 : memref<10240x128xf32, #tpu.memory_space<vmem_shared>>)
      %dma_start3A_190 = arith.constant 0 : i32
      %dma_start3A_191 = arith.constant 2 : i32
      %dma_start3A_192 = arith.constant 0 : i32
      %dma_start3A_193 = tpu.memref_slice %arg5[%dma_start3A_190, %dma_start3A_191, %dma_start3A_192] : memref<2x8x128xi32, #tpu.memory_space<vmem>> -> memref<1x1x128xi32, #tpu.memory_space<vmem>>
      %dma_start3A_194 = tpu.memref_squeeze %dma_start3A_193 : memref<1x1x128xi32, #tpu.memory_space<vmem>> -> memref<128xi32, #tpu.memory_space<vmem>>
      %dma_start3A_195 = arith.constant 0 : i32
      %dma_start3A_196 = arith.constant 0 : i32
      %dma_start3A_197 = tpu.memref_slice %arg2[%dma_start3A_195, %dma_start3A_196] : memref<10240x128xf32, #tpu.memory_space<hbm>> -> memref<10240x128xf32, #tpu.memory_space<hbm>>
      tpu.enqueue_indirect_dma source(%dma_start3A_197 : memref<10240x128xf32, #tpu.memory_space<hbm>>) target(%arg7 : memref<128x128xf32, #tpu.memory_space<vmem>>) offsets(%dma_start3A_194 : memref<128xi32, #tpu.memory_space<vmem>>) semaphore(%arg10 : memref<!tpu.dma_semaphore, #tpu.memory_space<semaphore_mem>>)
      %dma_wait3A_198 = arith.constant 0 : i32
      %dma_wait3A_199 = arith.constant 1 : i32
      %dma_wait3A_200 = arith.constant 0 : i32
      %dma_wait3A_201 = tpu.memref_slice %arg5[%dma_wait3A_198, %dma_wait3A_199, %dma_wait3A_200] : memref<2x8x128xi32, #tpu.memory_space<vmem>> -> memref<1x1x128xi32, #tpu.memory_space<vmem>>
      %dma_wait3A_202 = tpu.memref_squeeze %dma_wait3A_201 : memref<1x1x128xi32, #tpu.memory_space<vmem>> -> memref<128xi32, #tpu.memory_space<vmem>>
      %dma_wait3A_203 = arith.constant 0 : i32
      %dma_wait3A_204 = arith.constant 0 : i32
      %dma_wait3A_205 = tpu.memref_slice %arg2[%dma_wait3A_203, %dma_wait3A_204] : memref<10240x128xf32, #tpu.memory_space<hbm>> -> memref<10240x128xf32, #tpu.memory_space<hbm>>
      tpu.wait_indirect_dma semaphore(%arg11 : memref<!tpu.dma_semaphore, #tpu.memory_space<semaphore_mem>>) src(%dma_wait3A_205 : memref<10240x128xf32, #tpu.memory_space<hbm>>) dst(%arg8 : memref<128x128xf32, #tpu.memory_space<vmem>>)
      %dma_start3A_206 = arith.constant 1 : i32
      %dma_start3A_207 = arith.constant 1 : i32
      %dma_start3A_208 = arith.constant 0 : i32
      %dma_start3A_209 = tpu.memref_slice %arg5[%dma_start3A_206, %dma_start3A_207, %dma_start3A_208] : memref<2x8x128xi32, #tpu.memory_space<vmem>> -> memref<1x1x128xi32, #tpu.memory_space<vmem>>
      %dma_start3A_210 = tpu.memref_squeeze %dma_start3A_209 : memref<1x1x128xi32, #tpu.memory_space<vmem>> -> memref<128xi32, #tpu.memory_space<vmem>>
      %dma_start3A_211 = arith.constant 0 : i32
      %dma_start3A_212 = arith.constant 0 : i32
      %dma_start3A_213 = tpu.memref_slice %arg9[%dma_start3A_211, %dma_start3A_212] : memref<10240x128xf32, #tpu.memory_space<vmem_shared>> -> memref<10240x128xf32, #tpu.memory_space<vmem_shared>>
      tpu.enqueue_indirect_dma source(%arg8 : memref<128x128xf32, #tpu.memory_space<vmem>>) target(%dma_start3A_213 : memref<10240x128xf32, #tpu.memory_space<vmem_shared>>) offsets(%dma_start3A_210 : memref<128xi32, #tpu.memory_space<vmem>>) semaphore(%arg15 : memref<!tpu.dma_semaphore, #tpu.memory_space<semaphore_mem>>) {add = true}
      %dma_wait3A_214 = arith.constant 1 : i32
      %dma_wait3A_215 = arith.constant 0 : i32
      %dma_wait3A_216 = arith.constant 0 : i32
      %dma_wait3A_217 = tpu.memref_slice %arg5[%dma_wait3A_214, %dma_wait3A_215, %dma_wait3A_216] : memref<2x8x128xi32, #tpu.memory_space<vmem>> -> memref<1x1x128xi32, #tpu.memory_space<vmem>>
      %dma_wait3A_218 = tpu.memref_squeeze %dma_wait3A_217 : memref<1x1x128xi32, #tpu.memory_space<vmem>> -> memref<128xi32, #tpu.memory_space<vmem>>
      %dma_wait3A_219 = arith.constant 0 : i32
      %dma_wait3A_220 = arith.constant 0 : i32
      %dma_wait3A_221 = tpu.memref_slice %arg9[%dma_wait3A_219, %dma_wait3A_220] : memref<10240x128xf32, #tpu.memory_space<vmem_shared>> -> memref<10240x128xf32, #tpu.memory_space<vmem_shared>>
      tpu.wait_indirect_dma semaphore(%arg15 : memref<!tpu.dma_semaphore, #tpu.memory_space<semaphore_mem>>) src(%arg8 : memref<128x128xf32, #tpu.memory_space<vmem>>) dst(%dma_wait3A_221 : memref<10240x128xf32, #tpu.memory_space<vmem_shared>>)
      %dma_start3A_222 = arith.constant 0 : i32
      %dma_start3A_223 = arith.constant 3 : i32
      %dma_start3A_224 = arith.constant 0 : i32
      %dma_start3A_225 = tpu.memref_slice %arg5[%dma_start3A_222, %dma_start3A_223, %dma_start3A_224] : memref<2x8x128xi32, #tpu.memory_space<vmem>> -> memref<1x1x128xi32, #tpu.memory_space<vmem>>
      %dma_start3A_226 = tpu.memref_squeeze %dma_start3A_225 : memref<1x1x128xi32, #tpu.memory_space<vmem>> -> memref<128xi32, #tpu.memory_space<vmem>>
      %dma_start3A_227 = arith.constant 0 : i32
      %dma_start3A_228 = arith.constant 0 : i32
      %dma_start3A_229 = tpu.memref_slice %arg2[%dma_start3A_227, %dma_start3A_228] : memref<10240x128xf32, #tpu.memory_space<hbm>> -> memref<10240x128xf32, #tpu.memory_space<hbm>>
      tpu.enqueue_indirect_dma source(%dma_start3A_229 : memref<10240x128xf32, #tpu.memory_space<hbm>>) target(%arg8 : memref<128x128xf32, #tpu.memory_space<vmem>>) offsets(%dma_start3A_226 : memref<128xi32, #tpu.memory_space<vmem>>) semaphore(%arg11 : memref<!tpu.dma_semaphore, #tpu.memory_space<semaphore_mem>>)
      %dma_wait3A_230 = arith.constant 0 : i32
      %dma_wait3A_231 = arith.constant 2 : i32
      %dma_wait3A_232 = arith.constant 0 : i32
      %dma_wait3A_233 = tpu.memref_slice %arg5[%dma_wait3A_230, %dma_wait3A_231, %dma_wait3A_232] : memref<2x8x128xi32, #tpu.memory_space<vmem>> -> memref<1x1x128xi32, #tpu.memory_space<vmem>>
      %dma_wait3A_234 = tpu.memref_squeeze %dma_wait3A_233 : memref<1x1x128xi32, #tpu.memory_space<vmem>> -> memref<128xi32, #tpu.memory_space<vmem>>
      %dma_wait3A_235 = arith.constant 0 : i32
      %dma_wait3A_236 = arith.constant 0 : i32
      %dma_wait3A_237 = tpu.memref_slice %arg2[%dma_wait3A_235, %dma_wait3A_236] : memref<10240x128xf32, #tpu.memory_space<hbm>> -> memref<10240x128xf32, #tpu.memory_space<hbm>>
      tpu.wait_indirect_dma semaphore(%arg10 : memref<!tpu.dma_semaphore, #tpu.memory_space<semaphore_mem>>) src(%dma_wait3A_237 : memref<10240x128xf32, #tpu.memory_space<hbm>>) dst(%arg7 : memref<128x128xf32, #tpu.memory_space<vmem>>)
      %dma_start3A_238 = arith.constant 1 : i32
      %dma_start3A_239 = arith.constant 2 : i32
      %dma_start3A_240 = arith.constant 0 : i32
      %dma_start3A_241 = tpu.memref_slice %arg5[%dma_start3A_238, %dma_start3A_239, %dma_start3A_240] : memref<2x8x128xi32, #tpu.memory_space<vmem>> -> memref<1x1x128xi32, #tpu.memory_space<vmem>>
      %dma_start3A_242 = tpu.memref_squeeze %dma_start3A_241 : memref<1x1x128xi32, #tpu.memory_space<vmem>> -> memref<128xi32, #tpu.memory_space<vmem>>
      %dma_start3A_243 = arith.constant 0 : i32
      %dma_start3A_244 = arith.constant 0 : i32
      %dma_start3A_245 = tpu.memref_slice %arg9[%dma_start3A_243, %dma_start3A_244] : memref<10240x128xf32, #tpu.memory_space<vmem_shared>> -> memref<10240x128xf32, #tpu.memory_space<vmem_shared>>
      tpu.enqueue_indirect_dma source(%arg7 : memref<128x128xf32, #tpu.memory_space<vmem>>) target(%dma_start3A_245 : memref<10240x128xf32, #tpu.memory_space<vmem_shared>>) offsets(%dma_start3A_242 : memref<128xi32, #tpu.memory_space<vmem>>) semaphore(%arg14 : memref<!tpu.dma_semaphore, #tpu.memory_space<semaphore_mem>>) {add = true}
      %dma_wait3A_246 = arith.constant 1 : i32
      %dma_wait3A_247 = arith.constant 0 : i32
      %dma_wait3A_248 = arith.constant 0 : i32
      %dma_wait3A_249 = tpu.memref_slice %arg5[%dma_wait3A_246, %dma_wait3A_247, %dma_wait3A_248] : memref<2x8x128xi32, #tpu.memory_space<vmem>> -> memref<1x1x128xi32, #tpu.memory_space<vmem>>
      %dma_wait3A_250 = tpu.memref_squeeze %dma_wait3A_249 : memref<1x1x128xi32, #tpu.memory_space<vmem>> -> memref<128xi32, #tpu.memory_space<vmem>>
      %dma_wait3A_251 = arith.constant 0 : i32
      %dma_wait3A_252 = arith.constant 0 : i32
      %dma_wait3A_253 = tpu.memref_slice %arg9[%dma_wait3A_251, %dma_wait3A_252] : memref<10240x128xf32, #tpu.memory_space<vmem_shared>> -> memref<10240x128xf32, #tpu.memory_space<vmem_shared>>
      tpu.wait_indirect_dma semaphore(%arg14 : memref<!tpu.dma_semaphore, #tpu.memory_space<semaphore_mem>>) src(%arg7 : memref<128x128xf32, #tpu.memory_space<vmem>>) dst(%dma_wait3A_253 : memref<10240x128xf32, #tpu.memory_space<vmem_shared>>)
      %dma_start3A_254 = arith.constant 0 : i32
      %dma_start3A_255 = arith.constant 4 : i32
      %dma_start3A_256 = arith.constant 0 : i32
      %dma_start3A_257 = tpu.memref_slice %arg5[%dma_start3A_254, %dma_start3A_255, %dma_start3A_256] : memref<2x8x128xi32, #tpu.memory_space<vmem>> -> memref<1x1x128xi32, #tpu.memory_space<vmem>>
      %dma_start3A_258 = tpu.memref_squeeze %dma_start3A_257 : memref<1x1x128xi32, #tpu.memory_space<vmem>> -> memref<128xi32, #tpu.memory_space<vmem>>
      %dma_start3A_259 = arith.constant 0 : i32
      %dma_start3A_260 = arith.constant 0 : i32
      %dma_start3A_261 = tpu.memref_slice %arg2[%dma_start3A_259, %dma_start3A_260] : memref<10240x128xf32, #tpu.memory_space<hbm>> -> memref<10240x128xf32, #tpu.memory_space<hbm>>
      tpu.enqueue_indirect_dma source(%dma_start3A_261 : memref<10240x128xf32, #tpu.memory_space<hbm>>) target(%arg7 : memref<128x128xf32, #tpu.memory_space<vmem>>) offsets(%dma_start3A_258 : memref<128xi32, #tpu.memory_space<vmem>>) semaphore(%arg10 : memref<!tpu.dma_semaphore, #tpu.memory_space<semaphore_mem>>)
      %dma_wait3A_262 = arith.constant 0 : i32
      %dma_wait3A_263 = arith.constant 3 : i32
      %dma_wait3A_264 = arith.constant 0 : i32
      %dma_wait3A_265 = tpu.memref_slice %arg5[%dma_wait3A_262, %dma_wait3A_263, %dma_wait3A_264] : memref<2x8x128xi32, #tpu.memory_space<vmem>> -> memref<1x1x128xi32, #tpu.memory_space<vmem>>
      %dma_wait3A_266 = tpu.memref_squeeze %dma_wait3A_265 : memref<1x1x128xi32, #tpu.memory_space<vmem>> -> memref<128xi32, #tpu.memory_space<vmem>>
      %dma_wait3A_267 = arith.constant 0 : i32
      %dma_wait3A_268 = arith.constant 0 : i32
      %dma_wait3A_269 = tpu.memref_slice %arg2[%dma_wait3A_267, %dma_wait3A_268] : memref<10240x128xf32, #tpu.memory_space<hbm>> -> memref<10240x128xf32, #tpu.memory_space<hbm>>
      tpu.wait_indirect_dma semaphore(%arg11 : memref<!tpu.dma_semaphore, #tpu.memory_space<semaphore_mem>>) src(%dma_wait3A_269 : memref<10240x128xf32, #tpu.memory_space<hbm>>) dst(%arg8 : memref<128x128xf32, #tpu.memory_space<vmem>>)
      %dma_start3A_270 = arith.constant 1 : i32
      %dma_start3A_271 = arith.constant 3 : i32
      %dma_start3A_272 = arith.constant 0 : i32
      %dma_start3A_273 = tpu.memref_slice %arg5[%dma_start3A_270, %dma_start3A_271, %dma_start3A_272] : memref<2x8x128xi32, #tpu.memory_space<vmem>> -> memref<1x1x128xi32, #tpu.memory_space<vmem>>
      %dma_start3A_274 = tpu.memref_squeeze %dma_start3A_273 : memref<1x1x128xi32, #tpu.memory_space<vmem>> -> memref<128xi32, #tpu.memory_space<vmem>>
      %dma_start3A_275 = arith.constant 0 : i32
      %dma_start3A_276 = arith.constant 0 : i32
      %dma_start3A_277 = tpu.memref_slice %arg9[%dma_start3A_275, %dma_start3A_276] : memref<10240x128xf32, #tpu.memory_space<vmem_shared>> -> memref<10240x128xf32, #tpu.memory_space<vmem_shared>>
      tpu.enqueue_indirect_dma source(%arg8 : memref<128x128xf32, #tpu.memory_space<vmem>>) target(%dma_start3A_277 : memref<10240x128xf32, #tpu.memory_space<vmem_shared>>) offsets(%dma_start3A_274 : memref<128xi32, #tpu.memory_space<vmem>>) semaphore(%arg15 : memref<!tpu.dma_semaphore, #tpu.memory_space<semaphore_mem>>) {add = true}
      %dma_wait3A_278 = arith.constant 1 : i32
      %dma_wait3A_279 = arith.constant 0 : i32
      %dma_wait3A_280 = arith.constant 0 : i32
      %dma_wait3A_281 = tpu.memref_slice %arg5[%dma_wait3A_278, %dma_wait3A_279, %dma_wait3A_280] : memref<2x8x128xi32, #tpu.memory_space<vmem>> -> memref<1x1x128xi32, #tpu.memory_space<vmem>>
      %dma_wait3A_282 = tpu.memref_squeeze %dma_wait3A_281 : memref<1x1x128xi32, #tpu.memory_space<vmem>> -> memref<128xi32, #tpu.memory_space<vmem>>
      %dma_wait3A_283 = arith.constant 0 : i32
      %dma_wait3A_284 = arith.constant 0 : i32
      %dma_wait3A_285 = tpu.memref_slice %arg9[%dma_wait3A_283, %dma_wait3A_284] : memref<10240x128xf32, #tpu.memory_space<vmem_shared>> -> memref<10240x128xf32, #tpu.memory_space<vmem_shared>>
      tpu.wait_indirect_dma semaphore(%arg15 : memref<!tpu.dma_semaphore, #tpu.memory_space<semaphore_mem>>) src(%arg8 : memref<128x128xf32, #tpu.memory_space<vmem>>) dst(%dma_wait3A_285 : memref<10240x128xf32, #tpu.memory_space<vmem_shared>>)
      %dma_start3A_286 = arith.constant 0 : i32
      %dma_start3A_287 = arith.constant 5 : i32
      %dma_start3A_288 = arith.constant 0 : i32
      %dma_start3A_289 = tpu.memref_slice %arg5[%dma_start3A_286, %dma_start3A_287, %dma_start3A_288] : memref<2x8x128xi32, #tpu.memory_space<vmem>> -> memref<1x1x128xi32, #tpu.memory_space<vmem>>
      %dma_start3A_290 = tpu.memref_squeeze %dma_start3A_289 : memref<1x1x128xi32, #tpu.memory_space<vmem>> -> memref<128xi32, #tpu.memory_space<vmem>>
      %dma_start3A_291 = arith.constant 0 : i32
      %dma_start3A_292 = arith.constant 0 : i32
      %dma_start3A_293 = tpu.memref_slice %arg2[%dma_start3A_291, %dma_start3A_292] : memref<10240x128xf32, #tpu.memory_space<hbm>> -> memref<10240x128xf32, #tpu.memory_space<hbm>>
      tpu.enqueue_indirect_dma source(%dma_start3A_293 : memref<10240x128xf32, #tpu.memory_space<hbm>>) target(%arg8 : memref<128x128xf32, #tpu.memory_space<vmem>>) offsets(%dma_start3A_290 : memref<128xi32, #tpu.memory_space<vmem>>) semaphore(%arg11 : memref<!tpu.dma_semaphore, #tpu.memory_space<semaphore_mem>>)
      %dma_wait3A_294 = arith.constant 0 : i32
      %dma_wait3A_295 = arith.constant 4 : i32
      %dma_wait3A_296 = arith.constant 0 : i32
      %dma_wait3A_297 = tpu.memref_slice %arg5[%dma_wait3A_294, %dma_wait3A_295, %dma_wait3A_296] : memref<2x8x128xi32, #tpu.memory_space<vmem>> -> memref<1x1x128xi32, #tpu.memory_space<vmem>>
      %dma_wait3A_298 = tpu.memref_squeeze %dma_wait3A_297 : memref<1x1x128xi32, #tpu.memory_space<vmem>> -> memref<128xi32, #tpu.memory_space<vmem>>
      %dma_wait3A_299 = arith.constant 0 : i32
      %dma_wait3A_300 = arith.constant 0 : i32
      %dma_wait3A_301 = tpu.memref_slice %arg2[%dma_wait3A_299, %dma_wait3A_300] : memref<10240x128xf32, #tpu.memory_space<hbm>> -> memref<10240x128xf32, #tpu.memory_space<hbm>>
      tpu.wait_indirect_dma semaphore(%arg10 : memref<!tpu.dma_semaphore, #tpu.memory_space<semaphore_mem>>) src(%dma_wait3A_301 : memref<10240x128xf32, #tpu.memory_space<hbm>>) dst(%arg7 : memref<128x128xf32, #tpu.memory_space<vmem>>)
      %dma_start3A_302 = arith.constant 1 : i32
      %dma_start3A_303 = arith.constant 4 : i32
      %dma_start3A_304 = arith.constant 0 : i32
      %dma_start3A_305 = tpu.memref_slice %arg5[%dma_start3A_302, %dma_start3A_303, %dma_start3A_304] : memref<2x8x128xi32, #tpu.memory_space<vmem>> -> memref<1x1x128xi32, #tpu.memory_space<vmem>>
      %dma_start3A_306 = tpu.memref_squeeze %dma_start3A_305 : memref<1x1x128xi32, #tpu.memory_space<vmem>> -> memref<128xi32, #tpu.memory_space<vmem>>
      %dma_start3A_307 = arith.constant 0 : i32
      %dma_start3A_308 = arith.constant 0 : i32
      %dma_start3A_309 = tpu.memref_slice %arg9[%dma_start3A_307, %dma_start3A_308] : memref<10240x128xf32, #tpu.memory_space<vmem_shared>> -> memref<10240x128xf32, #tpu.memory_space<vmem_shared>>
      tpu.enqueue_indirect_dma source(%arg7 : memref<128x128xf32, #tpu.memory_space<vmem>>) target(%dma_start3A_309 : memref<10240x128xf32, #tpu.memory_space<vmem_shared>>) offsets(%dma_start3A_306 : memref<128xi32, #tpu.memory_space<vmem>>) semaphore(%arg14 : memref<!tpu.dma_semaphore, #tpu.memory_space<semaphore_mem>>) {add = true}
      %dma_wait3A_310 = arith.constant 1 : i32
      %dma_wait3A_311 = arith.constant 0 : i32
      %dma_wait3A_312 = arith.constant 0 : i32
      %dma_wait3A_313 = tpu.memref_slice %arg5[%dma_wait3A_310, %dma_wait3A_311, %dma_wait3A_312] : memref<2x8x128xi32, #tpu.memory_space<vmem>> -> memref<1x1x128xi32, #tpu.memory_space<vmem>>
      %dma_wait3A_314 = tpu.memref_squeeze %dma_wait3A_313 : memref<1x1x128xi32, #tpu.memory_space<vmem>> -> memref<128xi32, #tpu.memory_space<vmem>>
      %dma_wait3A_315 = arith.constant 0 : i32
      %dma_wait3A_316 = arith.constant 0 : i32
      %dma_wait3A_317 = tpu.memref_slice %arg9[%dma_wait3A_315, %dma_wait3A_316] : memref<10240x128xf32, #tpu.memory_space<vmem_shared>> -> memref<10240x128xf32, #tpu.memory_space<vmem_shared>>
      tpu.wait_indirect_dma semaphore(%arg14 : memref<!tpu.dma_semaphore, #tpu.memory_space<semaphore_mem>>) src(%arg7 : memref<128x128xf32, #tpu.memory_space<vmem>>) dst(%dma_wait3A_317 : memref<10240x128xf32, #tpu.memory_space<vmem_shared>>)
      %dma_start3A_318 = arith.constant 0 : i32
      %dma_start3A_319 = arith.constant 6 : i32
      %dma_start3A_320 = arith.constant 0 : i32
      %dma_start3A_321 = tpu.memref_slice %arg5[%dma_start3A_318, %dma_start3A_319, %dma_start3A_320] : memref<2x8x128xi32, #tpu.memory_space<vmem>> -> memref<1x1x128xi32, #tpu.memory_space<vmem>>
      %dma_start3A_322 = tpu.memref_squeeze %dma_start3A_321 : memref<1x1x128xi32, #tpu.memory_space<vmem>> -> memref<128xi32, #tpu.memory_space<vmem>>
      %dma_start3A_323 = arith.constant 0 : i32
      %dma_start3A_324 = arith.constant 0 : i32
      %dma_start3A_325 = tpu.memref_slice %arg2[%dma_start3A_323, %dma_start3A_324] : memref<10240x128xf32, #tpu.memory_space<hbm>> -> memref<10240x128xf32, #tpu.memory_space<hbm>>
      tpu.enqueue_indirect_dma source(%dma_start3A_325 : memref<10240x128xf32, #tpu.memory_space<hbm>>) target(%arg7 : memref<128x128xf32, #tpu.memory_space<vmem>>) offsets(%dma_start3A_322 : memref<128xi32, #tpu.memory_space<vmem>>) semaphore(%arg10 : memref<!tpu.dma_semaphore, #tpu.memory_space<semaphore_mem>>)
      %dma_wait3A_326 = arith.constant 0 : i32
      %dma_wait3A_327 = arith.constant 5 : i32
      %dma_wait3A_328 = arith.constant 0 : i32
      %dma_wait3A_329 = tpu.memref_slice %arg5[%dma_wait3A_326, %dma_wait3A_327, %dma_wait3A_328] : memref<2x8x128xi32, #tpu.memory_space<vmem>> -> memref<1x1x128xi32, #tpu.memory_space<vmem>>
      %dma_wait3A_330 = tpu.memref_squeeze %dma_wait3A_329 : memref<1x1x128xi32, #tpu.memory_space<vmem>> -> memref<128xi32, #tpu.memory_space<vmem>>
      %dma_wait3A_331 = arith.constant 0 : i32
      %dma_wait3A_332 = arith.constant 0 : i32
      %dma_wait3A_333 = tpu.memref_slice %arg2[%dma_wait3A_331, %dma_wait3A_332] : memref<10240x128xf32, #tpu.memory_space<hbm>> -> memref<10240x128xf32, #tpu.memory_space<hbm>>
      tpu.wait_indirect_dma semaphore(%arg11 : memref<!tpu.dma_semaphore, #tpu.memory_space<semaphore_mem>>) src(%dma_wait3A_333 : memref<10240x128xf32, #tpu.memory_space<hbm>>) dst(%arg8 : memref<128x128xf32, #tpu.memory_space<vmem>>)
      %dma_start3A_334 = arith.constant 1 : i32
      %dma_start3A_335 = arith.constant 5 : i32
      %dma_start3A_336 = arith.constant 0 : i32
      %dma_start3A_337 = tpu.memref_slice %arg5[%dma_start3A_334, %dma_start3A_335, %dma_start3A_336] : memref<2x8x128xi32, #tpu.memory_space<vmem>> -> memref<1x1x128xi32, #tpu.memory_space<vmem>>
      %dma_start3A_338 = tpu.memref_squeeze %dma_start3A_337 : memref<1x1x128xi32, #tpu.memory_space<vmem>> -> memref<128xi32, #tpu.memory_space<vmem>>
      %dma_start3A_339 = arith.constant 0 : i32
      %dma_start3A_340 = arith.constant 0 : i32
      %dma_start3A_341 = tpu.memref_slice %arg9[%dma_start3A_339, %dma_start3A_340] : memref<10240x128xf32, #tpu.memory_space<vmem_shared>> -> memref<10240x128xf32, #tpu.memory_space<vmem_shared>>
      tpu.enqueue_indirect_dma source(%arg8 : memref<128x128xf32, #tpu.memory_space<vmem>>) target(%dma_start3A_341 : memref<10240x128xf32, #tpu.memory_space<vmem_shared>>) offsets(%dma_start3A_338 : memref<128xi32, #tpu.memory_space<vmem>>) semaphore(%arg15 : memref<!tpu.dma_semaphore, #tpu.memory_space<semaphore_mem>>) {add = true}
      %dma_wait3A_342 = arith.constant 1 : i32
      %dma_wait3A_343 = arith.constant 0 : i32
      %dma_wait3A_344 = arith.constant 0 : i32
      %dma_wait3A_345 = tpu.memref_slice %arg5[%dma_wait3A_342, %dma_wait3A_343, %dma_wait3A_344] : memref<2x8x128xi32, #tpu.memory_space<vmem>> -> memref<1x1x128xi32, #tpu.memory_space<vmem>>
      %dma_wait3A_346 = tpu.memref_squeeze %dma_wait3A_345 : memref<1x1x128xi32, #tpu.memory_space<vmem>> -> memref<128xi32, #tpu.memory_space<vmem>>
      %dma_wait3A_347 = arith.constant 0 : i32
      %dma_wait3A_348 = arith.constant 0 : i32
      %dma_wait3A_349 = tpu.memref_slice %arg9[%dma_wait3A_347, %dma_wait3A_348] : memref<10240x128xf32, #tpu.memory_space<vmem_shared>> -> memref<10240x128xf32, #tpu.memory_space<vmem_shared>>
      tpu.wait_indirect_dma semaphore(%arg15 : memref<!tpu.dma_semaphore, #tpu.memory_space<semaphore_mem>>) src(%arg8 : memref<128x128xf32, #tpu.memory_space<vmem>>) dst(%dma_wait3A_349 : memref<10240x128xf32, #tpu.memory_space<vmem_shared>>)
      %dma_start3A_350 = arith.constant 0 : i32
      %dma_start3A_351 = arith.constant 7 : i32
      %dma_start3A_352 = arith.constant 0 : i32
      %dma_start3A_353 = tpu.memref_slice %arg5[%dma_start3A_350, %dma_start3A_351, %dma_start3A_352] : memref<2x8x128xi32, #tpu.memory_space<vmem>> -> memref<1x1x128xi32, #tpu.memory_space<vmem>>
      %dma_start3A_354 = tpu.memref_squeeze %dma_start3A_353 : memref<1x1x128xi32, #tpu.memory_space<vmem>> -> memref<128xi32, #tpu.memory_space<vmem>>
      %dma_start3A_355 = arith.constant 0 : i32
      %dma_start3A_356 = arith.constant 0 : i32
      %dma_start3A_357 = tpu.memref_slice %arg2[%dma_start3A_355, %dma_start3A_356] : memref<10240x128xf32, #tpu.memory_space<hbm>> -> memref<10240x128xf32, #tpu.memory_space<hbm>>
      tpu.enqueue_indirect_dma source(%dma_start3A_357 : memref<10240x128xf32, #tpu.memory_space<hbm>>) target(%arg8 : memref<128x128xf32, #tpu.memory_space<vmem>>) offsets(%dma_start3A_354 : memref<128xi32, #tpu.memory_space<vmem>>) semaphore(%arg11 : memref<!tpu.dma_semaphore, #tpu.memory_space<semaphore_mem>>)
      %dma_wait3A_358 = arith.constant 0 : i32
      %dma_wait3A_359 = arith.constant 6 : i32
      %dma_wait3A_360 = arith.constant 0 : i32
      %dma_wait3A_361 = tpu.memref_slice %arg5[%dma_wait3A_358, %dma_wait3A_359, %dma_wait3A_360] : memref<2x8x128xi32, #tpu.memory_space<vmem>> -> memref<1x1x128xi32, #tpu.memory_space<vmem>>
      %dma_wait3A_362 = tpu.memref_squeeze %dma_wait3A_361 : memref<1x1x128xi32, #tpu.memory_space<vmem>> -> memref<128xi32, #tpu.memory_space<vmem>>
      %dma_wait3A_363 = arith.constant 0 : i32
      %dma_wait3A_364 = arith.constant 0 : i32
      %dma_wait3A_365 = tpu.memref_slice %arg2[%dma_wait3A_363, %dma_wait3A_364] : memref<10240x128xf32, #tpu.memory_space<hbm>> -> memref<10240x128xf32, #tpu.memory_space<hbm>>
      tpu.wait_indirect_dma semaphore(%arg10 : memref<!tpu.dma_semaphore, #tpu.memory_space<semaphore_mem>>) src(%dma_wait3A_365 : memref<10240x128xf32, #tpu.memory_space<hbm>>) dst(%arg7 : memref<128x128xf32, #tpu.memory_space<vmem>>)
      %dma_start3A_366 = arith.constant 1 : i32
      %dma_start3A_367 = arith.constant 6 : i32
      %dma_start3A_368 = arith.constant 0 : i32
      %dma_start3A_369 = tpu.memref_slice %arg5[%dma_start3A_366, %dma_start3A_367, %dma_start3A_368] : memref<2x8x128xi32, #tpu.memory_space<vmem>> -> memref<1x1x128xi32, #tpu.memory_space<vmem>>
      %dma_start3A_370 = tpu.memref_squeeze %dma_start3A_369 : memref<1x1x128xi32, #tpu.memory_space<vmem>> -> memref<128xi32, #tpu.memory_space<vmem>>
      %dma_start3A_371 = arith.constant 0 : i32
      %dma_start3A_372 = arith.constant 0 : i32
      %dma_start3A_373 = tpu.memref_slice %arg9[%dma_start3A_371, %dma_start3A_372] : memref<10240x128xf32, #tpu.memory_space<vmem_shared>> -> memref<10240x128xf32, #tpu.memory_space<vmem_shared>>
      tpu.enqueue_indirect_dma source(%arg7 : memref<128x128xf32, #tpu.memory_space<vmem>>) target(%dma_start3A_373 : memref<10240x128xf32, #tpu.memory_space<vmem_shared>>) offsets(%dma_start3A_370 : memref<128xi32, #tpu.memory_space<vmem>>) semaphore(%arg14 : memref<!tpu.dma_semaphore, #tpu.memory_space<semaphore_mem>>) {add = true}
      %dma_wait3A_374 = arith.constant 0 : i32
      %dma_wait3A_375 = arith.constant 7 : i32
      %dma_wait3A_376 = arith.constant 0 : i32
      %dma_wait3A_377 = tpu.memref_slice %arg5[%dma_wait3A_374, %dma_wait3A_375, %dma_wait3A_376] : memref<2x8x128xi32, #tpu.memory_space<vmem>> -> memref<1x1x128xi32, #tpu.memory_space<vmem>>
      %dma_wait3A_378 = tpu.memref_squeeze %dma_wait3A_377 : memref<1x1x128xi32, #tpu.memory_space<vmem>> -> memref<128xi32, #tpu.memory_space<vmem>>
      %dma_wait3A_379 = arith.constant 0 : i32
      %dma_wait3A_380 = arith.constant 0 : i32
      %dma_wait3A_381 = tpu.memref_slice %arg2[%dma_wait3A_379, %dma_wait3A_380] : memref<10240x128xf32, #tpu.memory_space<hbm>> -> memref<10240x128xf32, #tpu.memory_space<hbm>>
      tpu.wait_indirect_dma semaphore(%arg11 : memref<!tpu.dma_semaphore, #tpu.memory_space<semaphore_mem>>) src(%dma_wait3A_381 : memref<10240x128xf32, #tpu.memory_space<hbm>>) dst(%arg8 : memref<128x128xf32, #tpu.memory_space<vmem>>)
      %dma_start3A_382 = arith.constant 1 : i32
      %dma_start3A_383 = arith.constant 7 : i32
      %dma_start3A_384 = arith.constant 0 : i32
      %dma_start3A_385 = tpu.memref_slice %arg5[%dma_start3A_382, %dma_start3A_383, %dma_start3A_384] : memref<2x8x128xi32, #tpu.memory_space<vmem>> -> memref<1x1x128xi32, #tpu.memory_space<vmem>>
      %dma_start3A_386 = tpu.memref_squeeze %dma_start3A_385 : memref<1x1x128xi32, #tpu.memory_space<vmem>> -> memref<128xi32, #tpu.memory_space<vmem>>
      %dma_start3A_387 = arith.constant 0 : i32
      %dma_start3A_388 = arith.constant 0 : i32
      %dma_start3A_389 = tpu.memref_slice %arg9[%dma_start3A_387, %dma_start3A_388] : memref<10240x128xf32, #tpu.memory_space<vmem_shared>> -> memref<10240x128xf32, #tpu.memory_space<vmem_shared>>
      tpu.enqueue_indirect_dma source(%arg8 : memref<128x128xf32, #tpu.memory_space<vmem>>) target(%dma_start3A_389 : memref<10240x128xf32, #tpu.memory_space<vmem_shared>>) offsets(%dma_start3A_386 : memref<128xi32, #tpu.memory_space<vmem>>) semaphore(%arg15 : memref<!tpu.dma_semaphore, #tpu.memory_space<semaphore_mem>>) {add = true}
      %dma_wait3A_390 = arith.constant 0 : i32
      %dma_wait3A_391 = arith.constant 0 : i32
      %dma_wait3A_392 = arith.constant 0 : i32
      %dma_wait3A_393 = tpu.memref_slice %arg3[%dma_wait3A_390, %dma_wait3A_391, %dma_wait3A_392] : memref<2x5120x128xi32, #tpu.memory_space<hbm>> -> memref<2x8x128xi32, #tpu.memory_space<hbm>>
      %dma_wait3A_394 = arith.constant 0 : i32
      %dma_wait3A_395 = arith.constant 0 : i32
      %dma_wait3A_396 = arith.constant 0 : i32
      %dma_wait3A_397 = tpu.memref_slice %arg3[%dma_wait3A_394, %dma_wait3A_395, %dma_wait3A_396] : memref<2x5120x128xi32, #tpu.memory_space<hbm>> -> memref<2x8x128xi32, #tpu.memory_space<hbm>>
      tpu.wait_dma2 semaphore(%arg13 : memref<!tpu.dma_semaphore, #tpu.memory_space<semaphore_mem>>) src(%dma_wait3A_397 : memref<2x8x128xi32, #tpu.memory_space<hbm>>) dst(%arg6 : memref<2x8x128xi32, #tpu.memory_space<vmem>>)
      %dma_start3A_398 = arith.constant 0 : i32
      %dma_start3A_399 = arith.constant 0 : i32
      %dma_start3A_400 = tpu.memref_slice %arg3[%dma_start3A_398, %multiple_of3A_127, %dma_start3A_399] : memref<2x5120x128xi32, #tpu.memory_space<hbm>> -> memref<2x8x128xi32, #tpu.memory_space<hbm>>
      %dma_start3A_401 = arith.constant 0 : i32
      %dma_start3A_402 = arith.constant 0 : i32
      %dma_start3A_403 = tpu.memref_slice %arg3[%dma_start3A_401, %multiple_of3A_127, %dma_start3A_402] : memref<2x5120x128xi32, #tpu.memory_space<hbm>> -> memref<2x8x128xi32, #tpu.memory_space<hbm>>
      tpu.enqueue_dma source(%dma_start3A_403 : memref<2x8x128xi32, #tpu.memory_space<hbm>>) target(%arg5 : memref<2x8x128xi32, #tpu.memory_space<vmem>>) target_semaphore(%arg12 : memref<!tpu.dma_semaphore, #tpu.memory_space<semaphore_mem>>)
      %dma_wait3A_404 = arith.constant 1 : i32
      %dma_wait3A_405 = arith.constant 0 : i32
      %dma_wait3A_406 = arith.constant 0 : i32
      %dma_wait3A_407 = tpu.memref_slice %arg5[%dma_wait3A_404, %dma_wait3A_405, %dma_wait3A_406] : memref<2x8x128xi32, #tpu.memory_space<vmem>> -> memref<1x1x128xi32, #tpu.memory_space<vmem>>
      %dma_wait3A_408 = tpu.memref_squeeze %dma_wait3A_407 : memref<1x1x128xi32, #tpu.memory_space<vmem>> -> memref<128xi32, #tpu.memory_space<vmem>>
      %dma_wait3A_409 = arith.constant 0 : i32
      %dma_wait3A_410 = arith.constant 0 : i32
      %dma_wait3A_411 = tpu.memref_slice %arg9[%dma_wait3A_409, %dma_wait3A_410] : memref<10240x128xf32, #tpu.memory_space<vmem_shared>> -> memref<10240x128xf32, #tpu.memory_space<vmem_shared>>
      tpu.wait_indirect_dma semaphore(%arg14 : memref<!tpu.dma_semaphore, #tpu.memory_space<semaphore_mem>>) src(%arg7 : memref<128x128xf32, #tpu.memory_space<vmem>>) dst(%dma_wait3A_411 : memref<10240x128xf32, #tpu.memory_space<vmem_shared>>)
      %dma_start3A_412 = arith.constant 0 : i32
      %dma_start3A_413 = arith.constant 0 : i32
      %dma_start3A_414 = arith.constant 0 : i32
      %dma_start3A_415 = tpu.memref_slice %arg6[%dma_start3A_412, %dma_start3A_413, %dma_start3A_414] : memref<2x8x128xi32, #tpu.memory_space<vmem>> -> memref<1x1x128xi32, #tpu.memory_space<vmem>>
      %dma_start3A_416 = tpu.memref_squeeze %dma_start3A_415 : memref<1x1x128xi32, #tpu.memory_space<vmem>> -> memref<128xi32, #tpu.memory_space<vmem>>
      %dma_start3A_417 = arith.constant 0 : i32
      %dma_start3A_418 = arith.constant 0 : i32
      %dma_start3A_419 = tpu.memref_slice %arg2[%dma_start3A_417, %dma_start3A_418] : memref<10240x128xf32, #tpu.memory_space<hbm>> -> memref<10240x128xf32, #tpu.memory_space<hbm>>
      tpu.enqueue_indirect_dma source(%dma_start3A_419 : memref<10240x128xf32, #tpu.memory_space<hbm>>) target(%arg7 : memref<128x128xf32, #tpu.memory_space<vmem>>) offsets(%dma_start3A_416 : memref<128xi32, #tpu.memory_space<vmem>>) semaphore(%arg10 : memref<!tpu.dma_semaphore, #tpu.memory_space<semaphore_mem>>)
      %dma_wait3A_420 = arith.constant 1 : i32
      %dma_wait3A_421 = arith.constant 0 : i32
      %dma_wait3A_422 = arith.constant 0 : i32
      %dma_wait3A_423 = tpu.memref_slice %arg5[%dma_wait3A_420, %dma_wait3A_421, %dma_wait3A_422] : memref<2x8x128xi32, #tpu.memory_space<vmem>> -> memref<1x1x128xi32, #tpu.memory_space<vmem>>
      %dma_wait3A_424 = tpu.memref_squeeze %dma_wait3A_423 : memref<1x1x128xi32, #tpu.memory_space<vmem>> -> memref<128xi32, #tpu.memory_space<vmem>>
      %dma_wait3A_425 = arith.constant 0 : i32
      %dma_wait3A_426 = arith.constant 0 : i32
      %dma_wait3A_427 = tpu.memref_slice %arg9[%dma_wait3A_425, %dma_wait3A_426] : memref<10240x128xf32, #tpu.memory_space<vmem_shared>> -> memref<10240x128xf32, #tpu.memory_space<vmem_shared>>
      tpu.wait_indirect_dma semaphore(%arg15 : memref<!tpu.dma_semaphore, #tpu.memory_space<semaphore_mem>>) src(%arg8 : memref<128x128xf32, #tpu.memory_space<vmem>>) dst(%dma_wait3A_427 : memref<10240x128xf32, #tpu.memory_space<vmem_shared>>)
      %dma_start3A_428 = arith.constant 0 : i32
      %dma_start3A_429 = arith.constant 1 : i32
      %dma_start3A_430 = arith.constant 0 : i32
      %dma_start3A_431 = tpu.memref_slice %arg6[%dma_start3A_428, %dma_start3A_429, %dma_start3A_430] : memref<2x8x128xi32, #tpu.memory_space<vmem>> -> memref<1x1x128xi32, #tpu.memory_space<vmem>>
      %dma_start3A_432 = tpu.memref_squeeze %dma_start3A_431 : memref<1x1x128xi32, #tpu.memory_space<vmem>> -> memref<128xi32, #tpu.memory_space<vmem>>
      %dma_start3A_433 = arith.constant 0 : i32
      %dma_start3A_434 = arith.constant 0 : i32
      %dma_start3A_435 = tpu.memref_slice %arg2[%dma_start3A_433, %dma_start3A_434] : memref<10240x128xf32, #tpu.memory_space<hbm>> -> memref<10240x128xf32, #tpu.memory_space<hbm>>
      tpu.enqueue_indirect_dma source(%dma_start3A_435 : memref<10240x128xf32, #tpu.memory_space<hbm>>) target(%arg8 : memref<128x128xf32, #tpu.memory_space<vmem>>) offsets(%dma_start3A_432 : memref<128xi32, #tpu.memory_space<vmem>>) semaphore(%arg11 : memref<!tpu.dma_semaphore, #tpu.memory_space<semaphore_mem>>)
      %dma_wait3A_436 = arith.constant 0 : i32
      %dma_wait3A_437 = arith.constant 0 : i32
      %dma_wait3A_438 = arith.constant 0 : i32
      %dma_wait3A_439 = tpu.memref_slice %arg6[%dma_wait3A_436, %dma_wait3A_437, %dma_wait3A_438] : memref<2x8x128xi32, #tpu.memory_space<vmem>> -> memref<1x1x128xi32, #tpu.memory_space<vmem>>
      %dma_wait3A_440 = tpu.memref_squeeze %dma_wait3A_439 : memref<1x1x128xi32, #tpu.memory_space<vmem>> -> memref<128xi32, #tpu.memory_space<vmem>>
      %dma_wait3A_441 = arith.constant 0 : i32
      %dma_wait3A_442 = arith.constant 0 : i32
      %dma_wait3A_443 = tpu.memref_slice %arg2[%dma_wait3A_441, %dma_wait3A_442] : memref<10240x128xf32, #tpu.memory_space<hbm>> -> memref<10240x128xf32, #tpu.memory_space<hbm>>
      tpu.wait_indirect_dma semaphore(%arg10 : memref<!tpu.dma_semaphore, #tpu.memory_space<semaphore_mem>>) src(%dma_wait3A_443 : memref<10240x128xf32, #tpu.memory_space<hbm>>) dst(%arg7 : memref<128x128xf32, #tpu.memory_space<vmem>>)
      %dma_start3A_444 = arith.constant 1 : i32
      %dma_start3A_445 = arith.constant 0 : i32
      %dma_start3A_446 = arith.constant 0 : i32
      %dma_start3A_447 = tpu.memref_slice %arg6[%dma_start3A_444, %dma_start3A_445, %dma_start3A_446] : memref<2x8x128xi32, #tpu.memory_space<vmem>> -> memref<1x1x128xi32, #tpu.memory_space<vmem>>
      %dma_start3A_448 = tpu.memref_squeeze %dma_start3A_447 : memref<1x1x128xi32, #tpu.memory_space<vmem>> -> memref<128xi32, #tpu.memory_space<vmem>>
      %dma_start3A_449 = arith.constant 0 : i32
      %dma_start3A_450 = arith.constant 0 : i32
      %dma_start3A_451 = tpu.memref_slice %arg9[%dma_start3A_449, %dma_start3A_450] : memref<10240x128xf32, #tpu.memory_space<vmem_shared>> -> memref<10240x128xf32, #tpu.memory_space<vmem_shared>>
      tpu.enqueue_indirect_dma source(%arg7 : memref<128x128xf32, #tpu.memory_space<vmem>>) target(%dma_start3A_451 : memref<10240x128xf32, #tpu.memory_space<vmem_shared>>) offsets(%dma_start3A_448 : memref<128xi32, #tpu.memory_space<vmem>>) semaphore(%arg14 : memref<!tpu.dma_semaphore, #tpu.memory_space<semaphore_mem>>) {add = true}
      %dma_wait3A_452 = arith.constant 1 : i32
      %dma_wait3A_453 = arith.constant 0 : i32
      %dma_wait3A_454 = arith.constant 0 : i32
      %dma_wait3A_455 = tpu.memref_slice %arg5[%dma_wait3A_452, %dma_wait3A_453, %dma_wait3A_454] : memref<2x8x128xi32, #tpu.memory_space<vmem>> -> memref<1x1x128xi32, #tpu.memory_space<vmem>>
      %dma_wait3A_456 = tpu.memref_squeeze %dma_wait3A_455 : memref<1x1x128xi32, #tpu.memory_space<vmem>> -> memref<128xi32, #tpu.memory_space<vmem>>
      %dma_wait3A_457 = arith.constant 0 : i32
      %dma_wait3A_458 = arith.constant 0 : i32
      %dma_wait3A_459 = tpu.memref_slice %arg9[%dma_wait3A_457, %dma_wait3A_458] : memref<10240x128xf32, #tpu.memory_space<vmem_shared>> -> memref<10240x128xf32, #tpu.memory_space<vmem_shared>>
      tpu.wait_indirect_dma semaphore(%arg14 : memref<!tpu.dma_semaphore, #tpu.memory_space<semaphore_mem>>) src(%arg7 : memref<128x128xf32, #tpu.memory_space<vmem>>) dst(%dma_wait3A_459 : memref<10240x128xf32, #tpu.memory_space<vmem_shared>>)
      %dma_start3A_460 = arith.constant 0 : i32
      %dma_start3A_461 = arith.constant 2 : i32
      %dma_start3A_462 = arith.constant 0 : i32
      %dma_start3A_463 = tpu.memref_slice %arg6[%dma_start3A_460, %dma_start3A_461, %dma_start3A_462] : memref<2x8x128xi32, #tpu.memory_space<vmem>> -> memref<1x1x128xi32, #tpu.memory_space<vmem>>
      %dma_start3A_464 = tpu.memref_squeeze %dma_start3A_463 : memref<1x1x128xi32, #tpu.memory_space<vmem>> -> memref<128xi32, #tpu.memory_space<vmem>>
      %dma_start3A_465 = arith.constant 0 : i32
      %dma_start3A_466 = arith.constant 0 : i32
      %dma_start3A_467 = tpu.memref_slice %arg2[%dma_start3A_465, %dma_start3A_466] : memref<10240x128xf32, #tpu.memory_space<hbm>> -> memref<10240x128xf32, #tpu.memory_space<hbm>>
      tpu.enqueue_indirect_dma source(%dma_start3A_467 : memref<10240x128xf32, #tpu.memory_space<hbm>>) target(%arg7 : memref<128x128xf32, #tpu.memory_space<vmem>>) offsets(%dma_start3A_464 : memref<128xi32, #tpu.memory_space<vmem>>) semaphore(%arg10 : memref<!tpu.dma_semaphore, #tpu.memory_space<semaphore_mem>>)
      %dma_wait3A_468 = arith.constant 0 : i32
      %dma_wait3A_469 = arith.constant 1 : i32
      %dma_wait3A_470 = arith.constant 0 : i32
      %dma_wait3A_471 = tpu.memref_slice %arg6[%dma_wait3A_468, %dma_wait3A_469, %dma_wait3A_470] : memref<2x8x128xi32, #tpu.memory_space<vmem>> -> memref<1x1x128xi32, #tpu.memory_space<vmem>>
      %dma_wait3A_472 = tpu.memref_squeeze %dma_wait3A_471 : memref<1x1x128xi32, #tpu.memory_space<vmem>> -> memref<128xi32, #tpu.memory_space<vmem>>
      %dma_wait3A_473 = arith.constant 0 : i32
      %dma_wait3A_474 = arith.constant 0 : i32
      %dma_wait3A_475 = tpu.memref_slice %arg2[%dma_wait3A_473, %dma_wait3A_474] : memref<10240x128xf32, #tpu.memory_space<hbm>> -> memref<10240x128xf32, #tpu.memory_space<hbm>>
      tpu.wait_indirect_dma semaphore(%arg11 : memref<!tpu.dma_semaphore, #tpu.memory_space<semaphore_mem>>) src(%dma_wait3A_475 : memref<10240x128xf32, #tpu.memory_space<hbm>>) dst(%arg8 : memref<128x128xf32, #tpu.memory_space<vmem>>)
      %dma_start3A_476 = arith.constant 1 : i32
      %dma_start3A_477 = arith.constant 1 : i32
      %dma_start3A_478 = arith.constant 0 : i32
      %dma_start3A_479 = tpu.memref_slice %arg6[%dma_start3A_476, %dma_start3A_477, %dma_start3A_478] : memref<2x8x128xi32, #tpu.memory_space<vmem>> -> memref<1x1x128xi32, #tpu.memory_space<vmem>>
      %dma_start3A_480 = tpu.memref_squeeze %dma_start3A_479 : memref<1x1x128xi32, #tpu.memory_space<vmem>> -> memref<128xi32, #tpu.memory_space<vmem>>
      %dma_start3A_481 = arith.constant 0 : i32
      %dma_start3A_482 = arith.constant 0 : i32
      %dma_start3A_483 = tpu.memref_slice %arg9[%dma_start3A_481, %dma_start3A_482] : memref<10240x128xf32, #tpu.memory_space<vmem_shared>> -> memref<10240x128xf32, #tpu.memory_space<vmem_shared>>
      tpu.enqueue_indirect_dma source(%arg8 : memref<128x128xf32, #tpu.memory_space<vmem>>) target(%dma_start3A_483 : memref<10240x128xf32, #tpu.memory_space<vmem_shared>>) offsets(%dma_start3A_480 : memref<128xi32, #tpu.memory_space<vmem>>) semaphore(%arg15 : memref<!tpu.dma_semaphore, #tpu.memory_space<semaphore_mem>>) {add = true}
      %dma_wait3A_484 = arith.constant 1 : i32
      %dma_wait3A_485 = arith.constant 0 : i32
      %dma_wait3A_486 = arith.constant 0 : i32
      %dma_wait3A_487 = tpu.memref_slice %arg5[%dma_wait3A_484, %dma_wait3A_485, %dma_wait3A_486] : memref<2x8x128xi32, #tpu.memory_space<vmem>> -> memref<1x1x128xi32, #tpu.memory_space<vmem>>
      %dma_wait3A_488 = tpu.memref_squeeze %dma_wait3A_487 : memref<1x1x128xi32, #tpu.memory_space<vmem>> -> memref<128xi32, #tpu.memory_space<vmem>>
      %dma_wait3A_489 = arith.constant 0 : i32
      %dma_wait3A_490 = arith.constant 0 : i32
      %dma_wait3A_491 = tpu.memref_slice %arg9[%dma_wait3A_489, %dma_wait3A_490] : memref<10240x128xf32, #tpu.memory_space<vmem_shared>> -> memref<10240x128xf32, #tpu.memory_space<vmem_shared>>
      tpu.wait_indirect_dma semaphore(%arg15 : memref<!tpu.dma_semaphore, #tpu.memory_space<semaphore_mem>>) src(%arg8 : memref<128x128xf32, #tpu.memory_space<vmem>>) dst(%dma_wait3A_491 : memref<10240x128xf32, #tpu.memory_space<vmem_shared>>)
      %dma_start3A_492 = arith.constant 0 : i32
      %dma_start3A_493 = arith.constant 3 : i32
      %dma_start3A_494 = arith.constant 0 : i32
      %dma_start3A_495 = tpu.memref_slice %arg6[%dma_start3A_492, %dma_start3A_493, %dma_start3A_494] : memref<2x8x128xi32, #tpu.memory_space<vmem>> -> memref<1x1x128xi32, #tpu.memory_space<vmem>>
      %dma_start3A_496 = tpu.memref_squeeze %dma_start3A_495 : memref<1x1x128xi32, #tpu.memory_space<vmem>> -> memref<128xi32, #tpu.memory_space<vmem>>
      %dma_start3A_497 = arith.constant 0 : i32
      %dma_start3A_498 = arith.constant 0 : i32
      %dma_start3A_499 = tpu.memref_slice %arg2[%dma_start3A_497, %dma_start3A_498] : memref<10240x128xf32, #tpu.memory_space<hbm>> -> memref<10240x128xf32, #tpu.memory_space<hbm>>
      tpu.enqueue_indirect_dma source(%dma_start3A_499 : memref<10240x128xf32, #tpu.memory_space<hbm>>) target(%arg8 : memref<128x128xf32, #tpu.memory_space<vmem>>) offsets(%dma_start3A_496 : memref<128xi32, #tpu.memory_space<vmem>>) semaphore(%arg11 : memref<!tpu.dma_semaphore, #tpu.memory_space<semaphore_mem>>)
      %dma_wait3A_500 = arith.constant 0 : i32
      %dma_wait3A_501 = arith.constant 2 : i32
      %dma_wait3A_502 = arith.constant 0 : i32
      %dma_wait3A_503 = tpu.memref_slice %arg6[%dma_wait3A_500, %dma_wait3A_501, %dma_wait3A_502] : memref<2x8x128xi32, #tpu.memory_space<vmem>> -> memref<1x1x128xi32, #tpu.memory_space<vmem>>
      %dma_wait3A_504 = tpu.memref_squeeze %dma_wait3A_503 : memref<1x1x128xi32, #tpu.memory_space<vmem>> -> memref<128xi32, #tpu.memory_space<vmem>>
      %dma_wait3A_505 = arith.constant 0 : i32
      %dma_wait3A_506 = arith.constant 0 : i32
      %dma_wait3A_507 = tpu.memref_slice %arg2[%dma_wait3A_505, %dma_wait3A_506] : memref<10240x128xf32, #tpu.memory_space<hbm>> -> memref<10240x128xf32, #tpu.memory_space<hbm>>
      tpu.wait_indirect_dma semaphore(%arg10 : memref<!tpu.dma_semaphore, #tpu.memory_space<semaphore_mem>>) src(%dma_wait3A_507 : memref<10240x128xf32, #tpu.memory_space<hbm>>) dst(%arg7 : memref<128x128xf32, #tpu.memory_space<vmem>>)
      %dma_start3A_508 = arith.constant 1 : i32
      %dma_start3A_509 = arith.constant 2 : i32
      %dma_start3A_510 = arith.constant 0 : i32
      %dma_start3A_511 = tpu.memref_slice %arg6[%dma_start3A_508, %dma_start3A_509, %dma_start3A_510] : memref<2x8x128xi32, #tpu.memory_space<vmem>> -> memref<1x1x128xi32, #tpu.memory_space<vmem>>
      %dma_start3A_512 = tpu.memref_squeeze %dma_start3A_511 : memref<1x1x128xi32, #tpu.memory_space<vmem>> -> memref<128xi32, #tpu.memory_space<vmem>>
      %dma_start3A_513 = arith.constant 0 : i32
      %dma_start3A_514 = arith.constant 0 : i32
      %dma_start3A_515 = tpu.memref_slice %arg9[%dma_start3A_513, %dma_start3A_514] : memref<10240x128xf32, #tpu.memory_space<vmem_shared>> -> memref<10240x128xf32, #tpu.memory_space<vmem_shared>>
      tpu.enqueue_indirect_dma source(%arg7 : memref<128x128xf32, #tpu.memory_space<vmem>>) target(%dma_start3A_515 : memref<10240x128xf32, #tpu.memory_space<vmem_shared>>) offsets(%dma_start3A_512 : memref<128xi32, #tpu.memory_space<vmem>>) semaphore(%arg14 : memref<!tpu.dma_semaphore, #tpu.memory_space<semaphore_mem>>) {add = true}
      %dma_wait3A_516 = arith.constant 1 : i32
      %dma_wait3A_517 = arith.constant 0 : i32
      %dma_wait3A_518 = arith.constant 0 : i32
      %dma_wait3A_519 = tpu.memref_slice %arg5[%dma_wait3A_516, %dma_wait3A_517, %dma_wait3A_518] : memref<2x8x128xi32, #tpu.memory_space<vmem>> -> memref<1x1x128xi32, #tpu.memory_space<vmem>>
      %dma_wait3A_520 = tpu.memref_squeeze %dma_wait3A_519 : memref<1x1x128xi32, #tpu.memory_space<vmem>> -> memref<128xi32, #tpu.memory_space<vmem>>
      %dma_wait3A_521 = arith.constant 0 : i32
      %dma_wait3A_522 = arith.constant 0 : i32
      %dma_wait3A_523 = tpu.memref_slice %arg9[%dma_wait3A_521, %dma_wait3A_522] : memref<10240x128xf32, #tpu.memory_space<vmem_shared>> -> memref<10240x128xf32, #tpu.memory_space<vmem_shared>>
      tpu.wait_indirect_dma semaphore(%arg14 : memref<!tpu.dma_semaphore, #tpu.memory_space<semaphore_mem>>) src(%arg7 : memref<128x128xf32, #tpu.memory_space<vmem>>) dst(%dma_wait3A_523 : memref<10240x128xf32, #tpu.memory_space<vmem_shared>>)
      %dma_start3A_524 = arith.constant 0 : i32
      %dma_start3A_525 = arith.constant 4 : i32
      %dma_start3A_526 = arith.constant 0 : i32
      %dma_start3A_527 = tpu.memref_slice %arg6[%dma_start3A_524, %dma_start3A_525, %dma_start3A_526] : memref<2x8x128xi32, #tpu.memory_space<vmem>> -> memref<1x1x128xi32, #tpu.memory_space<vmem>>
      %dma_start3A_528 = tpu.memref_squeeze %dma_start3A_527 : memref<1x1x128xi32, #tpu.memory_space<vmem>> -> memref<128xi32, #tpu.memory_space<vmem>>
      %dma_start3A_529 = arith.constant 0 : i32
      %dma_start3A_530 = arith.constant 0 : i32
      %dma_start3A_531 = tpu.memref_slice %arg2[%dma_start3A_529, %dma_start3A_530] : memref<10240x128xf32, #tpu.memory_space<hbm>> -> memref<10240x128xf32, #tpu.memory_space<hbm>>
      tpu.enqueue_indirect_dma source(%dma_start3A_531 : memref<10240x128xf32, #tpu.memory_space<hbm>>) target(%arg7 : memref<128x128xf32, #tpu.memory_space<vmem>>) offsets(%dma_start3A_528 : memref<128xi32, #tpu.memory_space<vmem>>) semaphore(%arg10 : memref<!tpu.dma_semaphore, #tpu.memory_space<semaphore_mem>>)
      %dma_wait3A_532 = arith.constant 0 : i32
      %dma_wait3A_533 = arith.constant 3 : i32
      %dma_wait3A_534 = arith.constant 0 : i32
      %dma_wait3A_535 = tpu.memref_slice %arg6[%dma_wait3A_532, %dma_wait3A_533, %dma_wait3A_534] : memref<2x8x128xi32, #tpu.memory_space<vmem>> -> memref<1x1x128xi32, #tpu.memory_space<vmem>>
      %dma_wait3A_536 = tpu.memref_squeeze %dma_wait3A_535 : memref<1x1x128xi32, #tpu.memory_space<vmem>> -> memref<128xi32, #tpu.memory_space<vmem>>
      %dma_wait3A_537 = arith.constant 0 : i32
      %dma_wait3A_538 = arith.constant 0 : i32
      %dma_wait3A_539 = tpu.memref_slice %arg2[%dma_wait3A_537, %dma_wait3A_538] : memref<10240x128xf32, #tpu.memory_space<hbm>> -> memref<10240x128xf32, #tpu.memory_space<hbm>>
      tpu.wait_indirect_dma semaphore(%arg11 : memref<!tpu.dma_semaphore, #tpu.memory_space<semaphore_mem>>) src(%dma_wait3A_539 : memref<10240x128xf32, #tpu.memory_space<hbm>>) dst(%arg8 : memref<128x128xf32, #tpu.memory_space<vmem>>)
      %dma_start3A_540 = arith.constant 1 : i32
      %dma_start3A_541 = arith.constant 3 : i32
      %dma_start3A_542 = arith.constant 0 : i32
      %dma_start3A_543 = tpu.memref_slice %arg6[%dma_start3A_540, %dma_start3A_541, %dma_start3A_542] : memref<2x8x128xi32, #tpu.memory_space<vmem>> -> memref<1x1x128xi32, #tpu.memory_space<vmem>>
      %dma_start3A_544 = tpu.memref_squeeze %dma_start3A_543 : memref<1x1x128xi32, #tpu.memory_space<vmem>> -> memref<128xi32, #tpu.memory_space<vmem>>
      %dma_start3A_545 = arith.constant 0 : i32
      %dma_start3A_546 = arith.constant 0 : i32
      %dma_start3A_547 = tpu.memref_slice %arg9[%dma_start3A_545, %dma_start3A_546] : memref<10240x128xf32, #tpu.memory_space<vmem_shared>> -> memref<10240x128xf32, #tpu.memory_space<vmem_shared>>
      tpu.enqueue_indirect_dma source(%arg8 : memref<128x128xf32, #tpu.memory_space<vmem>>) target(%dma_start3A_547 : memref<10240x128xf32, #tpu.memory_space<vmem_shared>>) offsets(%dma_start3A_544 : memref<128xi32, #tpu.memory_space<vmem>>) semaphore(%arg15 : memref<!tpu.dma_semaphore, #tpu.memory_space<semaphore_mem>>) {add = true}
      %dma_wait3A_548 = arith.constant 1 : i32
      %dma_wait3A_549 = arith.constant 0 : i32
      %dma_wait3A_550 = arith.constant 0 : i32
      %dma_wait3A_551 = tpu.memref_slice %arg5[%dma_wait3A_548, %dma_wait3A_549, %dma_wait3A_550] : memref<2x8x128xi32, #tpu.memory_space<vmem>> -> memref<1x1x128xi32, #tpu.memory_space<vmem>>
      %dma_wait3A_552 = tpu.memref_squeeze %dma_wait3A_551 : memref<1x1x128xi32, #tpu.memory_space<vmem>> -> memref<128xi32, #tpu.memory_space<vmem>>
      %dma_wait3A_553 = arith.constant 0 : i32
      %dma_wait3A_554 = arith.constant 0 : i32
      %dma_wait3A_555 = tpu.memref_slice %arg9[%dma_wait3A_553, %dma_wait3A_554] : memref<10240x128xf32, #tpu.memory_space<vmem_shared>> -> memref<10240x128xf32, #tpu.memory_space<vmem_shared>>
      tpu.wait_indirect_dma semaphore(%arg15 : memref<!tpu.dma_semaphore, #tpu.memory_space<semaphore_mem>>) src(%arg8 : memref<128x128xf32, #tpu.memory_space<vmem>>) dst(%dma_wait3A_555 : memref<10240x128xf32, #tpu.memory_space<vmem_shared>>)
      %dma_start3A_556 = arith.constant 0 : i32
      %dma_start3A_557 = arith.constant 5 : i32
      %dma_start3A_558 = arith.constant 0 : i32
      %dma_start3A_559 = tpu.memref_slice %arg6[%dma_start3A_556, %dma_start3A_557, %dma_start3A_558] : memref<2x8x128xi32, #tpu.memory_space<vmem>> -> memref<1x1x128xi32, #tpu.memory_space<vmem>>
      %dma_start3A_560 = tpu.memref_squeeze %dma_start3A_559 : memref<1x1x128xi32, #tpu.memory_space<vmem>> -> memref<128xi32, #tpu.memory_space<vmem>>
      %dma_start3A_561 = arith.constant 0 : i32
      %dma_start3A_562 = arith.constant 0 : i32
      %dma_start3A_563 = tpu.memref_slice %arg2[%dma_start3A_561, %dma_start3A_562] : memref<10240x128xf32, #tpu.memory_space<hbm>> -> memref<10240x128xf32, #tpu.memory_space<hbm>>
      tpu.enqueue_indirect_dma source(%dma_start3A_563 : memref<10240x128xf32, #tpu.memory_space<hbm>>) target(%arg8 : memref<128x128xf32, #tpu.memory_space<vmem>>) offsets(%dma_start3A_560 : memref<128xi32, #tpu.memory_space<vmem>>) semaphore(%arg11 : memref<!tpu.dma_semaphore, #tpu.memory_space<semaphore_mem>>)
      %dma_wait3A_564 = arith.constant 0 : i32
      %dma_wait3A_565 = arith.constant 4 : i32
      %dma_wait3A_566 = arith.constant 0 : i32
      %dma_wait3A_567 = tpu.memref_slice %arg6[%dma_wait3A_564, %dma_wait3A_565, %dma_wait3A_566] : memref<2x8x128xi32, #tpu.memory_space<vmem>> -> memref<1x1x128xi32, #tpu.memory_space<vmem>>
      %dma_wait3A_568 = tpu.memref_squeeze %dma_wait3A_567 : memref<1x1x128xi32, #tpu.memory_space<vmem>> -> memref<128xi32, #tpu.memory_space<vmem>>
      %dma_wait3A_569 = arith.constant 0 : i32
      %dma_wait3A_570 = arith.constant 0 : i32
      %dma_wait3A_571 = tpu.memref_slice %arg2[%dma_wait3A_569, %dma_wait3A_570] : memref<10240x128xf32, #tpu.memory_space<hbm>> -> memref<10240x128xf32, #tpu.memory_space<hbm>>
      tpu.wait_indirect_dma semaphore(%arg10 : memref<!tpu.dma_semaphore, #tpu.memory_space<semaphore_mem>>) src(%dma_wait3A_571 : memref<10240x128xf32, #tpu.memory_space<hbm>>) dst(%arg7 : memref<128x128xf32, #tpu.memory_space<vmem>>)
      %dma_start3A_572 = arith.constant 1 : i32
      %dma_start3A_573 = arith.constant 4 : i32
      %dma_start3A_574 = arith.constant 0 : i32
      %dma_start3A_575 = tpu.memref_slice %arg6[%dma_start3A_572, %dma_start3A_573, %dma_start3A_574] : memref<2x8x128xi32, #tpu.memory_space<vmem>> -> memref<1x1x128xi32, #tpu.memory_space<vmem>>
      %dma_start3A_576 = tpu.memref_squeeze %dma_start3A_575 : memref<1x1x128xi32, #tpu.memory_space<vmem>> -> memref<128xi32, #tpu.memory_space<vmem>>
      %dma_start3A_577 = arith.constant 0 : i32
      %dma_start3A_578 = arith.constant 0 : i32
      %dma_start3A_579 = tpu.memref_slice %arg9[%dma_start3A_577, %dma_start3A_578] : memref<10240x128xf32, #tpu.memory_space<vmem_shared>> -> memref<10240x128xf32, #tpu.memory_space<vmem_shared>>
      tpu.enqueue_indirect_dma source(%arg7 : memref<128x128xf32, #tpu.memory_space<vmem>>) target(%dma_start3A_579 : memref<10240x128xf32, #tpu.memory_space<vmem_shared>>) offsets(%dma_start3A_576 : memref<128xi32, #tpu.memory_space<vmem>>) semaphore(%arg14 : memref<!tpu.dma_semaphore, #tpu.memory_space<semaphore_mem>>) {add = true}
      %dma_wait3A_580 = arith.constant 1 : i32
      %dma_wait3A_581 = arith.constant 0 : i32
      %dma_wait3A_582 = arith.constant 0 : i32
      %dma_wait3A_583 = tpu.memref_slice %arg5[%dma_wait3A_580, %dma_wait3A_581, %dma_wait3A_582] : memref<2x8x128xi32, #tpu.memory_space<vmem>> -> memref<1x1x128xi32, #tpu.memory_space<vmem>>
      %dma_wait3A_584 = tpu.memref_squeeze %dma_wait3A_583 : memref<1x1x128xi32, #tpu.memory_space<vmem>> -> memref<128xi32, #tpu.memory_space<vmem>>
      %dma_wait3A_585 = arith.constant 0 : i32
      %dma_wait3A_586 = arith.constant 0 : i32
      %dma_wait3A_587 = tpu.memref_slice %arg9[%dma_wait3A_585, %dma_wait3A_586] : memref<10240x128xf32, #tpu.memory_space<vmem_shared>> -> memref<10240x128xf32, #tpu.memory_space<vmem_shared>>
      tpu.wait_indirect_dma semaphore(%arg14 : memref<!tpu.dma_semaphore, #tpu.memory_space<semaphore_mem>>) src(%arg7 : memref<128x128xf32, #tpu.memory_space<vmem>>) dst(%dma_wait3A_587 : memref<10240x128xf32, #tpu.memory_space<vmem_shared>>)
      %dma_start3A_588 = arith.constant 0 : i32
      %dma_start3A_589 = arith.constant 6 : i32
      %dma_start3A_590 = arith.constant 0 : i32
      %dma_start3A_591 = tpu.memref_slice %arg6[%dma_start3A_588, %dma_start3A_589, %dma_start3A_590] : memref<2x8x128xi32, #tpu.memory_space<vmem>> -> memref<1x1x128xi32, #tpu.memory_space<vmem>>
      %dma_start3A_592 = tpu.memref_squeeze %dma_start3A_591 : memref<1x1x128xi32, #tpu.memory_space<vmem>> -> memref<128xi32, #tpu.memory_space<vmem>>
      %dma_start3A_593 = arith.constant 0 : i32
      %dma_start3A_594 = arith.constant 0 : i32
      %dma_start3A_595 = tpu.memref_slice %arg2[%dma_start3A_593, %dma_start3A_594] : memref<10240x128xf32, #tpu.memory_space<hbm>> -> memref<10240x128xf32, #tpu.memory_space<hbm>>
      tpu.enqueue_indirect_dma source(%dma_start3A_595 : memref<10240x128xf32, #tpu.memory_space<hbm>>) target(%arg7 : memref<128x128xf32, #tpu.memory_space<vmem>>) offsets(%dma_start3A_592 : memref<128xi32, #tpu.memory_space<vmem>>) semaphore(%arg10 : memref<!tpu.dma_semaphore, #tpu.memory_space<semaphore_mem>>)
      %dma_wait3A_596 = arith.constant 0 : i32
      %dma_wait3A_597 = arith.constant 5 : i32
      %dma_wait3A_598 = arith.constant 0 : i32
      %dma_wait3A_599 = tpu.memref_slice %arg6[%dma_wait3A_596, %dma_wait3A_597, %dma_wait3A_598] : memref<2x8x128xi32, #tpu.memory_space<vmem>> -> memref<1x1x128xi32, #tpu.memory_space<vmem>>
      %dma_wait3A_600 = tpu.memref_squeeze %dma_wait3A_599 : memref<1x1x128xi32, #tpu.memory_space<vmem>> -> memref<128xi32, #tpu.memory_space<vmem>>
      %dma_wait3A_601 = arith.constant 0 : i32
      %dma_wait3A_602 = arith.constant 0 : i32
      %dma_wait3A_603 = tpu.memref_slice %arg2[%dma_wait3A_601, %dma_wait3A_602] : memref<10240x128xf32, #tpu.memory_space<hbm>> -> memref<10240x128xf32, #tpu.memory_space<hbm>>
      tpu.wait_indirect_dma semaphore(%arg11 : memref<!tpu.dma_semaphore, #tpu.memory_space<semaphore_mem>>) src(%dma_wait3A_603 : memref<10240x128xf32, #tpu.memory_space<hbm>>) dst(%arg8 : memref<128x128xf32, #tpu.memory_space<vmem>>)
      %dma_start3A_604 = arith.constant 1 : i32
      %dma_start3A_605 = arith.constant 5 : i32
      %dma_start3A_606 = arith.constant 0 : i32
      %dma_start3A_607 = tpu.memref_slice %arg6[%dma_start3A_604, %dma_start3A_605, %dma_start3A_606] : memref<2x8x128xi32, #tpu.memory_space<vmem>> -> memref<1x1x128xi32, #tpu.memory_space<vmem>>
      %dma_start3A_608 = tpu.memref_squeeze %dma_start3A_607 : memref<1x1x128xi32, #tpu.memory_space<vmem>> -> memref<128xi32, #tpu.memory_space<vmem>>
      %dma_start3A_609 = arith.constant 0 : i32
      %dma_start3A_610 = arith.constant 0 : i32
      %dma_start3A_611 = tpu.memref_slice %arg9[%dma_start3A_609, %dma_start3A_610] : memref<10240x128xf32, #tpu.memory_space<vmem_shared>> -> memref<10240x128xf32, #tpu.memory_space<vmem_shared>>
      tpu.enqueue_indirect_dma source(%arg8 : memref<128x128xf32, #tpu.memory_space<vmem>>) target(%dma_start3A_611 : memref<10240x128xf32, #tpu.memory_space<vmem_shared>>) offsets(%dma_start3A_608 : memref<128xi32, #tpu.memory_space<vmem>>) semaphore(%arg15 : memref<!tpu.dma_semaphore, #tpu.memory_space<semaphore_mem>>) {add = true}
      %dma_wait3A_612 = arith.constant 1 : i32
      %dma_wait3A_613 = arith.constant 0 : i32
      %dma_wait3A_614 = arith.constant 0 : i32
      %dma_wait3A_615 = tpu.memref_slice %arg5[%dma_wait3A_612, %dma_wait3A_613, %dma_wait3A_614] : memref<2x8x128xi32, #tpu.memory_space<vmem>> -> memref<1x1x128xi32, #tpu.memory_space<vmem>>
      %dma_wait3A_616 = tpu.memref_squeeze %dma_wait3A_615 : memref<1x1x128xi32, #tpu.memory_space<vmem>> -> memref<128xi32, #tpu.memory_space<vmem>>
      %dma_wait3A_617 = arith.constant 0 : i32
      %dma_wait3A_618 = arith.constant 0 : i32
      %dma_wait3A_619 = tpu.memref_slice %arg9[%dma_wait3A_617, %dma_wait3A_618] : memref<10240x128xf32, #tpu.memory_space<vmem_shared>> -> memref<10240x128xf32, #tpu.memory_space<vmem_shared>>
      tpu.wait_indirect_dma semaphore(%arg15 : memref<!tpu.dma_semaphore, #tpu.memory_space<semaphore_mem>>) src(%arg8 : memref<128x128xf32, #tpu.memory_space<vmem>>) dst(%dma_wait3A_619 : memref<10240x128xf32, #tpu.memory_space<vmem_shared>>)
      %dma_start3A_620 = arith.constant 0 : i32
      %dma_start3A_621 = arith.constant 7 : i32
      %dma_start3A_622 = arith.constant 0 : i32
      %dma_start3A_623 = tpu.memref_slice %arg6[%dma_start3A_620, %dma_start3A_621, %dma_start3A_622] : memref<2x8x128xi32, #tpu.memory_space<vmem>> -> memref<1x1x128xi32, #tpu.memory_space<vmem>>
      %dma_start3A_624 = tpu.memref_squeeze %dma_start3A_623 : memref<1x1x128xi32, #tpu.memory_space<vmem>> -> memref<128xi32, #tpu.memory_space<vmem>>
      %dma_start3A_625 = arith.constant 0 : i32
      %dma_start3A_626 = arith.constant 0 : i32
      %dma_start3A_627 = tpu.memref_slice %arg2[%dma_start3A_625, %dma_start3A_626] : memref<10240x128xf32, #tpu.memory_space<hbm>> -> memref<10240x128xf32, #tpu.memory_space<hbm>>
      tpu.enqueue_indirect_dma source(%dma_start3A_627 : memref<10240x128xf32, #tpu.memory_space<hbm>>) target(%arg8 : memref<128x128xf32, #tpu.memory_space<vmem>>) offsets(%dma_start3A_624 : memref<128xi32, #tpu.memory_space<vmem>>) semaphore(%arg11 : memref<!tpu.dma_semaphore, #tpu.memory_space<semaphore_mem>>)
      %dma_wait3A_628 = arith.constant 0 : i32
      %dma_wait3A_629 = arith.constant 6 : i32
      %dma_wait3A_630 = arith.constant 0 : i32
      %dma_wait3A_631 = tpu.memref_slice %arg6[%dma_wait3A_628, %dma_wait3A_629, %dma_wait3A_630] : memref<2x8x128xi32, #tpu.memory_space<vmem>> -> memref<1x1x128xi32, #tpu.memory_space<vmem>>
      %dma_wait3A_632 = tpu.memref_squeeze %dma_wait3A_631 : memref<1x1x128xi32, #tpu.memory_space<vmem>> -> memref<128xi32, #tpu.memory_space<vmem>>
      %dma_wait3A_633 = arith.constant 0 : i32
      %dma_wait3A_634 = arith.constant 0 : i32
      %dma_wait3A_635 = tpu.memref_slice %arg2[%dma_wait3A_633, %dma_wait3A_634] : memref<10240x128xf32, #tpu.memory_space<hbm>> -> memref<10240x128xf32, #tpu.memory_space<hbm>>
      tpu.wait_indirect_dma semaphore(%arg10 : memref<!tpu.dma_semaphore, #tpu.memory_space<semaphore_mem>>) src(%dma_wait3A_635 : memref<10240x128xf32, #tpu.memory_space<hbm>>) dst(%arg7 : memref<128x128xf32, #tpu.memory_space<vmem>>)
      %dma_start3A_636 = arith.constant 1 : i32
      %dma_start3A_637 = arith.constant 6 : i32
      %dma_start3A_638 = arith.constant 0 : i32
      %dma_start3A_639 = tpu.memref_slice %arg6[%dma_start3A_636, %dma_start3A_637, %dma_start3A_638] : memref<2x8x128xi32, #tpu.memory_space<vmem>> -> memref<1x1x128xi32, #tpu.memory_space<vmem>>
      %dma_start3A_640 = tpu.memref_squeeze %dma_start3A_639 : memref<1x1x128xi32, #tpu.memory_space<vmem>> -> memref<128xi32, #tpu.memory_space<vmem>>
      %dma_start3A_641 = arith.constant 0 : i32
      %dma_start3A_642 = arith.constant 0 : i32
      %dma_start3A_643 = tpu.memref_slice %arg9[%dma_start3A_641, %dma_start3A_642] : memref<10240x128xf32, #tpu.memory_space<vmem_shared>> -> memref<10240x128xf32, #tpu.memory_space<vmem_shared>>
      tpu.enqueue_indirect_dma source(%arg7 : memref<128x128xf32, #tpu.memory_space<vmem>>) target(%dma_start3A_643 : memref<10240x128xf32, #tpu.memory_space<vmem_shared>>) offsets(%dma_start3A_640 : memref<128xi32, #tpu.memory_space<vmem>>) semaphore(%arg14 : memref<!tpu.dma_semaphore, #tpu.memory_space<semaphore_mem>>) {add = true}
      %dma_wait3A_644 = arith.constant 0 : i32
      %dma_wait3A_645 = arith.constant 7 : i32
      %dma_wait3A_646 = arith.constant 0 : i32
      %dma_wait3A_647 = tpu.memref_slice %arg6[%dma_wait3A_644, %dma_wait3A_645, %dma_wait3A_646] : memref<2x8x128xi32, #tpu.memory_space<vmem>> -> memref<1x1x128xi32, #tpu.memory_space<vmem>>
      %dma_wait3A_648 = tpu.memref_squeeze %dma_wait3A_647 : memref<1x1x128xi32, #tpu.memory_space<vmem>> -> memref<128xi32, #tpu.memory_space<vmem>>
      %dma_wait3A_649 = arith.constant 0 : i32
      %dma_wait3A_650 = arith.constant 0 : i32
      %dma_wait3A_651 = tpu.memref_slice %arg2[%dma_wait3A_649, %dma_wait3A_650] : memref<10240x128xf32, #tpu.memory_space<hbm>> -> memref<10240x128xf32, #tpu.memory_space<hbm>>
      tpu.wait_indirect_dma semaphore(%arg11 : memref<!tpu.dma_semaphore, #tpu.memory_space<semaphore_mem>>) src(%dma_wait3A_651 : memref<10240x128xf32, #tpu.memory_space<hbm>>) dst(%arg8 : memref<128x128xf32, #tpu.memory_space<vmem>>)
      %dma_start3A_652 = arith.constant 1 : i32
      %dma_start3A_653 = arith.constant 7 : i32
      %dma_start3A_654 = arith.constant 0 : i32
      %dma_start3A_655 = tpu.memref_slice %arg6[%dma_start3A_652, %dma_start3A_653, %dma_start3A_654] : memref<2x8x128xi32, #tpu.memory_space<vmem>> -> memref<1x1x128xi32, #tpu.memory_space<vmem>>
      %dma_start3A_656 = tpu.memref_squeeze %dma_start3A_655 : memref<1x1x128xi32, #tpu.memory_space<vmem>> -> memref<128xi32, #tpu.memory_space<vmem>>
      %dma_start3A_657 = arith.constant 0 : i32
      %dma_start3A_658 = arith.constant 0 : i32
      %dma_start3A_659 = tpu.memref_slice %arg9[%dma_start3A_657, %dma_start3A_658] : memref<10240x128xf32, #tpu.memory_space<vmem_shared>> -> memref<10240x128xf32, #tpu.memory_space<vmem_shared>>
      tpu.enqueue_indirect_dma source(%arg8 : memref<128x128xf32, #tpu.memory_space<vmem>>) target(%dma_start3A_659 : memref<10240x128xf32, #tpu.memory_space<vmem_shared>>) offsets(%dma_start3A_656 : memref<128xi32, #tpu.memory_space<vmem>>) semaphore(%arg15 : memref<!tpu.dma_semaphore, #tpu.memory_space<semaphore_mem>>) {add = true}
      %dma_wait3A_660 = arith.constant 0 : i32
      %dma_wait3A_661 = arith.constant 0 : i32
      %dma_wait3A_662 = arith.constant 0 : i32
      %dma_wait3A_663 = tpu.memref_slice %arg3[%dma_wait3A_660, %dma_wait3A_661, %dma_wait3A_662] : memref<2x5120x128xi32, #tpu.memory_space<hbm>> -> memref<2x8x128xi32, #tpu.memory_space<hbm>>
      %dma_wait3A_664 = arith.constant 0 : i32
      %dma_wait3A_665 = arith.constant 0 : i32
      %dma_wait3A_666 = arith.constant 0 : i32
      %dma_wait3A_667 = tpu.memref_slice %arg3[%dma_wait3A_664, %dma_wait3A_665, %dma_wait3A_666] : memref<2x5120x128xi32, #tpu.memory_space<hbm>> -> memref<2x8x128xi32, #tpu.memory_space<hbm>>
      tpu.wait_dma2 semaphore(%arg12 : memref<!tpu.dma_semaphore, #tpu.memory_space<semaphore_mem>>) src(%dma_wait3A_667 : memref<2x8x128xi32, #tpu.memory_space<hbm>>) dst(%arg5 : memref<2x8x128xi32, #tpu.memory_space<vmem>>)
      %while3A_668 = arith.constant 0 : i32
      scf.yield %while3A_668 : i32
    }
    %while3A_78 = arith.constant 1 : i32
    %while3A_79 = scf.for %while3A_107 = %while3A_75 to %while3A_71 step %while3A_78 iter_args(%while3A_108 = %while3A_77) -> (i32)  : i32 {
      %mul3A_109 = arith.constant 2 : i32
      %mul3A_110 = arith.muli %mul3A_109, %while3A_107 : i32
      %add3A_111 = arith.constant 1 : i32
      %add3A_112 = arith.addi %mul3A_110, %add3A_111 : i32
      %mul3A_113 = arith.constant 8 : i32
      %mul3A_114 = arith.muli %add3A_112, %mul3A_113 : i32
      %add3A_115 = arith.addi %multiple_of3A, %mul3A_114 : i32
      %multiple_of3A_116 = tpu.assume_multiple %add3A_115, 8 : i32
      %add3A_117 = arith.constant 1 : i32
      %add3A_118 = arith.addi %while3A_107, %add3A_117 : i32
      %lt3A = arith.cmpi slt, %add3A_118, %select_n3A_68 : i32
      %mul3A_119 = arith.constant 2 : i32
      %mul3A_120 = arith.muli %mul3A_119, %while3A_107 : i32
      %add3A_121 = arith.constant 2 : i32
      %add3A_122 = arith.addi %mul3A_120, %add3A_121 : i32
      %mul3A_123 = arith.constant 8 : i32
      %mul3A_124 = arith.muli %add3A_122, %mul3A_123 : i32
      %add3A_125 = arith.addi %multiple_of3A, %mul3A_124 : i32
      %select_n3A_126 = arith.select %lt3A, %add3A_125, %multiple_of3A : i32
      %multiple_of3A_127 = tpu.assume_multiple %select_n3A_126, 8 : i32
      %dma_start3A_128 = arith.constant 0 : i32
      %dma_start3A_129 = arith.constant 0 : i32
      %dma_start3A_130 = tpu.memref_slice %arg3[%dma_start3A_128, %multiple_of3A_116, %dma_start3A_129] : memref<2x5120x128xi32, #tpu.memory_space<hbm>> -> memref<2x8x128xi32, #tpu.memory_space<hbm>>
      %dma_start3A_131 = arith.constant 0 : i32
      %dma_start3A_132 = arith.constant 0 : i32
      %dma_start3A_133 = tpu.memref_slice %arg3[%dma_start3A_131, %multiple_of3A_116, %dma_start3A_132] : memref<2x5120x128xi32, #tpu.memory_space<hbm>> -> memref<2x8x128xi32, #tpu.memory_space<hbm>>
      tpu.enqueue_dma source(%dma_start3A_133 : memref<2x8x128xi32, #tpu.memory_space<hbm>>) target(%arg6 : memref<2x8x128xi32, #tpu.memory_space<vmem>>) target_semaphore(%arg13 : memref<!tpu.dma_semaphore, #tpu.memory_space<semaphore_mem>>)
      %dma_wait3A_134 = arith.constant 1 : i32
      %dma_wait3A_135 = arith.constant 0 : i32
      %dma_wait3A_136 = arith.constant 0 : i32
      %dma_wait3A_137 = tpu.memref_slice %arg5[%dma_wait3A_134, %dma_wait3A_135, %dma_wait3A_136] : memref<2x8x128xi32, #tpu.memory_space<vmem>> -> memref<1x1x128xi32, #tpu.memory_space<vmem>>
      %dma_wait3A_138 = tpu.memref_squeeze %dma_wait3A_137 : memref<1x1x128xi32, #tpu.memory_space<vmem>> -> memref<128xi32, #tpu.memory_space<vmem>>
      %dma_wait3A_139 = arith.constant 0 : i32
      %dma_wait3A_140 = arith.constant 0 : i32
      %dma_wait3A_141 = tpu.memref_slice %arg9[%dma_wait3A_139, %dma_wait3A_140] : memref<10240x128xf32, #tpu.memory_space<vmem_shared>> -> memref<10240x128xf32, #tpu.memory_space<vmem_shared>>
      tpu.wait_indirect_dma semaphore(%arg14 : memref<!tpu.dma_semaphore, #tpu.memory_space<semaphore_mem>>) src(%arg7 : memref<128x128xf32, #tpu.memory_space<vmem>>) dst(%dma_wait3A_141 : memref<10240x128xf32, #tpu.memory_space<vmem_shared>>)
      %dma_start3A_142 = arith.constant 0 : i32
      %dma_start3A_143 = arith.constant 0 : i32
      %dma_start3A_144 = arith.constant 0 : i32
      %dma_start3A_145 = tpu.memref_slice %arg5[%dma_start3A_142, %dma_start3A_143, %dma_start3A_144] : memref<2x8x128xi32, #tpu.memory_space<vmem>> -> memref<1x1x128xi32, #tpu.memory_space<vmem>>
      %dma_start3A_146 = tpu.memref_squeeze %dma_start3A_145 : memref<1x1x128xi32, #tpu.memory_space<vmem>> -> memref<128xi32, #tpu.memory_space<vmem>>
      %dma_start3A_147 = arith.constant 0 : i32
      %dma_start3A_148 = arith.constant 0 : i32
      %dma_start3A_149 = tpu.memref_slice %arg2[%dma_start3A_147, %dma_start3A_148] : memref<10240x128xf32, #tpu.memory_space<hbm>> -> memref<10240x128xf32, #tpu.memory_space<hbm>>
      tpu.enqueue_indirect_dma source(%dma_start3A_149 : memref<10240x128xf32, #tpu.memory_space<hbm>>) target(%arg7 : memref<128x128xf32, #tpu.memory_space<vmem>>) offsets(%dma_start3A_146 : memref<128xi32, #tpu.memory_space<vmem>>) semaphore(%arg10 : memref<!tpu.dma_semaphore, #tpu.memory_space<semaphore_mem>>)
      %dma_wait3A_150 = arith.constant 1 : i32
      %dma_wait3A_151 = arith.constant 0 : i32
      %dma_wait3A_152 = arith.constant 0 : i32
      %dma_wait3A_153 = tpu.memref_slice %arg5[%dma_wait3A_150, %dma_wait3A_151, %dma_wait3A_152] : memref<2x8x128xi32, #tpu.memory_space<vmem>> -> memref<1x1x128xi32, #tpu.memory_space<vmem>>
      %dma_wait3A_154 = tpu.memref_squeeze %dma_wait3A_153 : memref<1x1x128xi32, #tpu.memory_space<vmem>> -> memref<128xi32, #tpu.memory_space<vmem>>
      %dma_wait3A_155 = arith.constant 0 : i32
      %dma_wait3A_156 = arith.constant 0 : i32
      %dma_wait3A_157 = tpu.memref_slice %arg9[%dma_wait3A_155, %dma_wait3A_156] : memref<10240x128xf32, #tpu.memory_space<vmem_shared>> -> memref<10240x128xf32, #tpu.memory_space<vmem_shared>>
      tpu.wait_indirect_dma semaphore(%arg15 : memref<!tpu.dma_semaphore, #tpu.memory_space<semaphore_mem>>) src(%arg8 : memref<128x128xf32, #tpu.memory_space<vmem>>) dst(%dma_wait3A_157 : memref<10240x128xf32, #tpu.memory_space<vmem_shared>>)
      %dma_start3A_158 = arith.constant 0 : i32
      %dma_start3A_159 = arith.constant 1 : i32
      %dma_start3A_160 = arith.constant 0 : i32
      %dma_start3A_161 = tpu.memref_slice %arg5[%dma_start3A_158, %dma_start3A_159, %dma_start3A_160] : memref<2x8x128xi32, #tpu.memory_space<vmem>> -> memref<1x1x128xi32, #tpu.memory_space<vmem>>
      %dma_start3A_162 = tpu.memref_squeeze %dma_start3A_161 : memref<1x1x128xi32, #tpu.memory_space<vmem>> -> memref<128xi32, #tpu.memory_space<vmem>>
      %dma_start3A_163 = arith.constant 0 : i32
      %dma_start3A_164 = arith.constant 0 : i32
      %dma_start3A_165 = tpu.memref_slice %arg2[%dma_start3A_163, %dma_start3A_164] : memref<10240x128xf32, #tpu.memory_space<hbm>> -> memref<10240x128xf32, #tpu.memory_space<hbm>>
      tpu.enqueue_indirect_dma source(%dma_start3A_165 : memref<10240x128xf32, #tpu.memory_space<hbm>>) target(%arg8 : memref<128x128xf32, #tpu.memory_space<vmem>>) offsets(%dma_start3A_162 : memref<128xi32, #tpu.memory_space<vmem>>) semaphore(%arg11 : memref<!tpu.dma_semaphore, #tpu.memory_space<semaphore_mem>>)
      %dma_wait3A_166 = arith.constant 0 : i32
      %dma_wait3A_167 = arith.constant 0 : i32
      %dma_wait3A_168 = arith.constant 0 : i32
      %dma_wait3A_169 = tpu.memref_slice %arg5[%dma_wait3A_166, %dma_wait3A_167, %dma_wait3A_168] : memref<2x8x128xi32, #tpu.memory_space<vmem>> -> memref<1x1x128xi32, #tpu.memory_space<vmem>>
      %dma_wait3A_170 = tpu.memref_squeeze %dma_wait3A_169 : memref<1x1x128xi32, #tpu.memory_space<vmem>> -> memref<128xi32, #tpu.memory_space<vmem>>
      %dma_wait3A_171 = arith.constant 0 : i32
      %dma_wait3A_172 = arith.constant 0 : i32
      %dma_wait3A_173 = tpu.memref_slice %arg2[%dma_wait3A_171, %dma_wait3A_172] : memref<10240x128xf32, #tpu.memory_space<hbm>> -> memref<10240x128xf32, #tpu.memory_space<hbm>>
      tpu.wait_indirect_dma semaphore(%arg10 : memref<!tpu.dma_semaphore, #tpu.memory_space<semaphore_mem>>) src(%dma_wait3A_173 : memref<10240x128xf32, #tpu.memory_space<hbm>>) dst(%arg7 : memref<128x128xf32, #tpu.memory_space<vmem>>)
      %dma_start3A_174 = arith.constant 1 : i32
      %dma_start3A_175 = arith.constant 0 : i32
      %dma_start3A_176 = arith.constant 0 : i32
      %dma_start3A_177 = tpu.memref_slice %arg5[%dma_start3A_174, %dma_start3A_175, %dma_start3A_176] : memref<2x8x128xi32, #tpu.memory_space<vmem>> -> memref<1x1x128xi32, #tpu.memory_space<vmem>>
      %dma_start3A_178 = tpu.memref_squeeze %dma_start3A_177 : memref<1x1x128xi32, #tpu.memory_space<vmem>> -> memref<128xi32, #tpu.memory_space<vmem>>
      %dma_start3A_179 = arith.constant 0 : i32
      %dma_start3A_180 = arith.constant 0 : i32
      %dma_start3A_181 = tpu.memref_slice %arg9[%dma_start3A_179, %dma_start3A_180] : memref<10240x128xf32, #tpu.memory_space<vmem_shared>> -> memref<10240x128xf32, #tpu.memory_space<vmem_shared>>
      tpu.enqueue_indirect_dma source(%arg7 : memref<128x128xf32, #tpu.memory_space<vmem>>) target(%dma_start3A_181 : memref<10240x128xf32, #tpu.memory_space<vmem_shared>>) offsets(%dma_start3A_178 : memref<128xi32, #tpu.memory_space<vmem>>) semaphore(%arg14 : memref<!tpu.dma_semaphore, #tpu.memory_space<semaphore_mem>>) {add = true}
      %dma_wait3A_182 = arith.constant 1 : i32
      %dma_wait3A_183 = arith.constant 0 : i32
      %dma_wait3A_184 = arith.constant 0 : i32
      %dma_wait3A_185 = tpu.memref_slice %arg5[%dma_wait3A_182, %dma_wait3A_183, %dma_wait3A_184] : memref<2x8x128xi32, #tpu.memory_space<vmem>> -> memref<1x1x128xi32, #tpu.memory_space<vmem>>
      %dma_wait3A_186 = tpu.memref_squeeze %dma_wait3A_185 : memref<1x1x128xi32, #tpu.memory_space<vmem>> -> memref<128xi32, #tpu.memory_space<vmem>>
      %dma_wait3A_187 = arith.constant 0 : i32
      %dma_wait3A_188 = arith.constant 0 : i32
      %dma_wait3A_189 = tpu.memref_slice %arg9[%dma_wait3A_187, %dma_wait3A_188] : memref<10240x128xf32, #tpu.memory_space<vmem_shared>> -> memref<10240x128xf32, #tpu.memory_space<vmem_shared>>
      tpu.wait_indirect_dma semaphore(%arg14 : memref<!tpu.dma_semaphore, #tpu.memory_space<semaphore_mem>>) src(%arg7 : memref<128x128xf32, #tpu.memory_space<vmem>>) dst(%dma_wait3A_189 : memref<10240x128xf32, #tpu.memory_space<vmem_shared>>)
      %dma_start3A_190 = arith.constant 0 : i32
      %dma_start3A_191 = arith.constant 2 : i32
      %dma_start3A_192 = arith.constant 0 : i32
      %dma_start3A_193 = tpu.memref_slice %arg5[%dma_start3A_190, %dma_start3A_191, %dma_start3A_192] : memref<2x8x128xi32, #tpu.memory_space<vmem>> -> memref<1x1x128xi32, #tpu.memory_space<vmem>>
      %dma_start3A_194 = tpu.memref_squeeze %dma_start3A_193 : memref<1x1x128xi32, #tpu.memory_space<vmem>> -> memref<128xi32, #tpu.memory_space<vmem>>
      %dma_start3A_195 = arith.constant 0 : i32
      %dma_start3A_196 = arith.constant 0 : i32
      %dma_start3A_197 = tpu.memref_slice %arg2[%dma_start3A_195, %dma_start3A_196] : memref<10240x128xf32, #tpu.memory_space<hbm>> -> memref<10240x128xf32, #tpu.memory_space<hbm>>
      tpu.enqueue_indirect_dma source(%dma_start3A_197 : memref<10240x128xf32, #tpu.memory_space<hbm>>) target(%arg7 : memref<128x128xf32, #tpu.memory_space<vmem>>) offsets(%dma_start3A_194 : memref<128xi32, #tpu.memory_space<vmem>>) semaphore(%arg10 : memref<!tpu.dma_semaphore, #tpu.memory_space<semaphore_mem>>)
      %dma_wait3A_198 = arith.constant 0 : i32
      %dma_wait3A_199 = arith.constant 1 : i32
      %dma_wait3A_200 = arith.constant 0 : i32
      %dma_wait3A_201 = tpu.memref_slice %arg5[%dma_wait3A_198, %dma_wait3A_199, %dma_wait3A_200] : memref<2x8x128xi32, #tpu.memory_space<vmem>> -> memref<1x1x128xi32, #tpu.memory_space<vmem>>
      %dma_wait3A_202 = tpu.memref_squeeze %dma_wait3A_201 : memref<1x1x128xi32, #tpu.memory_space<vmem>> -> memref<128xi32, #tpu.memory_space<vmem>>
      %dma_wait3A_203 = arith.constant 0 : i32
      %dma_wait3A_204 = arith.constant 0 : i32
      %dma_wait3A_205 = tpu.memref_slice %arg2[%dma_wait3A_203, %dma_wait3A_204] : memref<10240x128xf32, #tpu.memory_space<hbm>> -> memref<10240x128xf32, #tpu.memory_space<hbm>>
      tpu.wait_indirect_dma semaphore(%arg11 : memref<!tpu.dma_semaphore, #tpu.memory_space<semaphore_mem>>) src(%dma_wait3A_205 : memref<10240x128xf32, #tpu.memory_space<hbm>>) dst(%arg8 : memref<128x128xf32, #tpu.memory_space<vmem>>)
      %dma_start3A_206 = arith.constant 1 : i32
      %dma_start3A_207 = arith.constant 1 : i32
      %dma_start3A_208 = arith.constant 0 : i32
      %dma_start3A_209 = tpu.memref_slice %arg5[%dma_start3A_206, %dma_start3A_207, %dma_start3A_208] : memref<2x8x128xi32, #tpu.memory_space<vmem>> -> memref<1x1x128xi32, #tpu.memory_space<vmem>>
      %dma_start3A_210 = tpu.memref_squeeze %dma_start3A_209 : memref<1x1x128xi32, #tpu.memory_space<vmem>> -> memref<128xi32, #tpu.memory_space<vmem>>
      %dma_start3A_211 = arith.constant 0 : i32
      %dma_start3A_212 = arith.constant 0 : i32
      %dma_start3A_213 = tpu.memref_slice %arg9[%dma_start3A_211, %dma_start3A_212] : memref<10240x128xf32, #tpu.memory_space<vmem_shared>> -> memref<10240x128xf32, #tpu.memory_space<vmem_shared>>
      tpu.enqueue_indirect_dma source(%arg8 : memref<128x128xf32, #tpu.memory_space<vmem>>) target(%dma_start3A_213 : memref<10240x128xf32, #tpu.memory_space<vmem_shared>>) offsets(%dma_start3A_210 : memref<128xi32, #tpu.memory_space<vmem>>) semaphore(%arg15 : memref<!tpu.dma_semaphore, #tpu.memory_space<semaphore_mem>>) {add = true}
      %dma_wait3A_214 = arith.constant 1 : i32
      %dma_wait3A_215 = arith.constant 0 : i32
      %dma_wait3A_216 = arith.constant 0 : i32
      %dma_wait3A_217 = tpu.memref_slice %arg5[%dma_wait3A_214, %dma_wait3A_215, %dma_wait3A_216] : memref<2x8x128xi32, #tpu.memory_space<vmem>> -> memref<1x1x128xi32, #tpu.memory_space<vmem>>
      %dma_wait3A_218 = tpu.memref_squeeze %dma_wait3A_217 : memref<1x1x128xi32, #tpu.memory_space<vmem>> -> memref<128xi32, #tpu.memory_space<vmem>>
      %dma_wait3A_219 = arith.constant 0 : i32
      %dma_wait3A_220 = arith.constant 0 : i32
      %dma_wait3A_221 = tpu.memref_slice %arg9[%dma_wait3A_219, %dma_wait3A_220] : memref<10240x128xf32, #tpu.memory_space<vmem_shared>> -> memref<10240x128xf32, #tpu.memory_space<vmem_shared>>
      tpu.wait_indirect_dma semaphore(%arg15 : memref<!tpu.dma_semaphore, #tpu.memory_space<semaphore_mem>>) src(%arg8 : memref<128x128xf32, #tpu.memory_space<vmem>>) dst(%dma_wait3A_221 : memref<10240x128xf32, #tpu.memory_space<vmem_shared>>)
      %dma_start3A_222 = arith.constant 0 : i32
      %dma_start3A_223 = arith.constant 3 : i32
      %dma_start3A_224 = arith.constant 0 : i32
      %dma_start3A_225 = tpu.memref_slice %arg5[%dma_start3A_222, %dma_start3A_223, %dma_start3A_224] : memref<2x8x128xi32, #tpu.memory_space<vmem>> -> memref<1x1x128xi32, #tpu.memory_space<vmem>>
      %dma_start3A_226 = tpu.memref_squeeze %dma_start3A_225 : memref<1x1x128xi32, #tpu.memory_space<vmem>> -> memref<128xi32, #tpu.memory_space<vmem>>
      %dma_start3A_227 = arith.constant 0 : i32
      %dma_start3A_228 = arith.constant 0 : i32
      %dma_start3A_229 = tpu.memref_slice %arg2[%dma_start3A_227, %dma_start3A_228] : memref<10240x128xf32, #tpu.memory_space<hbm>> -> memref<10240x128xf32, #tpu.memory_space<hbm>>
      tpu.enqueue_indirect_dma source(%dma_start3A_229 : memref<10240x128xf32, #tpu.memory_space<hbm>>) target(%arg8 : memref<128x128xf32, #tpu.memory_space<vmem>>) offsets(%dma_start3A_226 : memref<128xi32, #tpu.memory_space<vmem>>) semaphore(%arg11 : memref<!tpu.dma_semaphore, #tpu.memory_space<semaphore_mem>>)
      %dma_wait3A_230 = arith.constant 0 : i32
      %dma_wait3A_231 = arith.constant 2 : i32
      %dma_wait3A_232 = arith.constant 0 : i32
      %dma_wait3A_233 = tpu.memref_slice %arg5[%dma_wait3A_230, %dma_wait3A_231, %dma_wait3A_232] : memref<2x8x128xi32, #tpu.memory_space<vmem>> -> memref<1x1x128xi32, #tpu.memory_space<vmem>>
      %dma_wait3A_234 = tpu.memref_squeeze %dma_wait3A_233 : memref<1x1x128xi32, #tpu.memory_space<vmem>> -> memref<128xi32, #tpu.memory_space<vmem>>
      %dma_wait3A_235 = arith.constant 0 : i32
      %dma_wait3A_236 = arith.constant 0 : i32
      %dma_wait3A_237 = tpu.memref_slice %arg2[%dma_wait3A_235, %dma_wait3A_236] : memref<10240x128xf32, #tpu.memory_space<hbm>> -> memref<10240x128xf32, #tpu.memory_space<hbm>>
      tpu.wait_indirect_dma semaphore(%arg10 : memref<!tpu.dma_semaphore, #tpu.memory_space<semaphore_mem>>) src(%dma_wait3A_237 : memref<10240x128xf32, #tpu.memory_space<hbm>>) dst(%arg7 : memref<128x128xf32, #tpu.memory_space<vmem>>)
      %dma_start3A_238 = arith.constant 1 : i32
      %dma_start3A_239 = arith.constant 2 : i32
      %dma_start3A_240 = arith.constant 0 : i32
      %dma_start3A_241 = tpu.memref_slice %arg5[%dma_start3A_238, %dma_start3A_239, %dma_start3A_240] : memref<2x8x128xi32, #tpu.memory_space<vmem>> -> memref<1x1x128xi32, #tpu.memory_space<vmem>>
      %dma_start3A_242 = tpu.memref_squeeze %dma_start3A_241 : memref<1x1x128xi32, #tpu.memory_space<vmem>> -> memref<128xi32, #tpu.memory_space<vmem>>
      %dma_start3A_243 = arith.constant 0 : i32
      %dma_start3A_244 = arith.constant 0 : i32
      %dma_start3A_245 = tpu.memref_slice %arg9[%dma_start3A_243, %dma_start3A_244] : memref<10240x128xf32, #tpu.memory_space<vmem_shared>> -> memref<10240x128xf32, #tpu.memory_space<vmem_shared>>
      tpu.enqueue_indirect_dma source(%arg7 : memref<128x128xf32, #tpu.memory_space<vmem>>) target(%dma_start3A_245 : memref<10240x128xf32, #tpu.memory_space<vmem_shared>>) offsets(%dma_start3A_242 : memref<128xi32, #tpu.memory_space<vmem>>) semaphore(%arg14 : memref<!tpu.dma_semaphore, #tpu.memory_space<semaphore_mem>>) {add = true}
      %dma_wait3A_246 = arith.constant 1 : i32
      %dma_wait3A_247 = arith.constant 0 : i32
      %dma_wait3A_248 = arith.constant 0 : i32
      %dma_wait3A_249 = tpu.memref_slice %arg5[%dma_wait3A_246, %dma_wait3A_247, %dma_wait3A_248] : memref<2x8x128xi32, #tpu.memory_space<vmem>> -> memref<1x1x128xi32, #tpu.memory_space<vmem>>
      %dma_wait3A_250 = tpu.memref_squeeze %dma_wait3A_249 : memref<1x1x128xi32, #tpu.memory_space<vmem>> -> memref<128xi32, #tpu.memory_space<vmem>>
      %dma_wait3A_251 = arith.constant 0 : i32
      %dma_wait3A_252 = arith.constant 0 : i32
      %dma_wait3A_253 = tpu.memref_slice %arg9[%dma_wait3A_251, %dma_wait3A_252] : memref<10240x128xf32, #tpu.memory_space<vmem_shared>> -> memref<10240x128xf32, #tpu.memory_space<vmem_shared>>
      tpu.wait_indirect_dma semaphore(%arg14 : memref<!tpu.dma_semaphore, #tpu.memory_space<semaphore_mem>>) src(%arg7 : memref<128x128xf32, #tpu.memory_space<vmem>>) dst(%dma_wait3A_253 : memref<10240x128xf32, #tpu.memory_space<vmem_shared>>)
      %dma_start3A_254 = arith.constant 0 : i32
      %dma_start3A_255 = arith.constant 4 : i32
      %dma_start3A_256 = arith.constant 0 : i32
      %dma_start3A_257 = tpu.memref_slice %arg5[%dma_start3A_254, %dma_start3A_255, %dma_start3A_256] : memref<2x8x128xi32, #tpu.memory_space<vmem>> -> memref<1x1x128xi32, #tpu.memory_space<vmem>>
      %dma_start3A_258 = tpu.memref_squeeze %dma_start3A_257 : memref<1x1x128xi32, #tpu.memory_space<vmem>> -> memref<128xi32, #tpu.memory_space<vmem>>
      %dma_start3A_259 = arith.constant 0 : i32
      %dma_start3A_260 = arith.constant 0 : i32
      %dma_start3A_261 = tpu.memref_slice %arg2[%dma_start3A_259, %dma_start3A_260] : memref<10240x128xf32, #tpu.memory_space<hbm>> -> memref<10240x128xf32, #tpu.memory_space<hbm>>
      tpu.enqueue_indirect_dma source(%dma_start3A_261 : memref<10240x128xf32, #tpu.memory_space<hbm>>) target(%arg7 : memref<128x128xf32, #tpu.memory_space<vmem>>) offsets(%dma_start3A_258 : memref<128xi32, #tpu.memory_space<vmem>>) semaphore(%arg10 : memref<!tpu.dma_semaphore, #tpu.memory_space<semaphore_mem>>)
      %dma_wait3A_262 = arith.constant 0 : i32
      %dma_wait3A_263 = arith.constant 3 : i32
      %dma_wait3A_264 = arith.constant 0 : i32
      %dma_wait3A_265 = tpu.memref_slice %arg5[%dma_wait3A_262, %dma_wait3A_263, %dma_wait3A_264] : memref<2x8x128xi32, #tpu.memory_space<vmem>> -> memref<1x1x128xi32, #tpu.memory_space<vmem>>
      %dma_wait3A_266 = tpu.memref_squeeze %dma_wait3A_265 : memref<1x1x128xi32, #tpu.memory_space<vmem>> -> memref<128xi32, #tpu.memory_space<vmem>>
      %dma_wait3A_267 = arith.constant 0 : i32
      %dma_wait3A_268 = arith.constant 0 : i32
      %dma_wait3A_269 = tpu.memref_slice %arg2[%dma_wait3A_267, %dma_wait3A_268] : memref<10240x128xf32, #tpu.memory_space<hbm>> -> memref<10240x128xf32, #tpu.memory_space<hbm>>
      tpu.wait_indirect_dma semaphore(%arg11 : memref<!tpu.dma_semaphore, #tpu.memory_space<semaphore_mem>>) src(%dma_wait3A_269 : memref<10240x128xf32, #tpu.memory_space<hbm>>) dst(%arg8 : memref<128x128xf32, #tpu.memory_space<vmem>>)
      %dma_start3A_270 = arith.constant 1 : i32
      %dma_start3A_271 = arith.constant 3 : i32
      %dma_start3A_272 = arith.constant 0 : i32
      %dma_start3A_273 = tpu.memref_slice %arg5[%dma_start3A_270, %dma_start3A_271, %dma_start3A_272] : memref<2x8x128xi32, #tpu.memory_space<vmem>> -> memref<1x1x128xi32, #tpu.memory_space<vmem>>
      %dma_start3A_274 = tpu.memref_squeeze %dma_start3A_273 : memref<1x1x128xi32, #tpu.memory_space<vmem>> -> memref<128xi32, #tpu.memory_space<vmem>>
      %dma_start3A_275 = arith.constant 0 : i32
      %dma_start3A_276 = arith.constant 0 : i32
      %dma_start3A_277 = tpu.memref_slice %arg9[%dma_start3A_275, %dma_start3A_276] : memref<10240x128xf32, #tpu.memory_space<vmem_shared>> -> memref<10240x128xf32, #tpu.memory_space<vmem_shared>>
      tpu.enqueue_indirect_dma source(%arg8 : memref<128x128xf32, #tpu.memory_space<vmem>>) target(%dma_start3A_277 : memref<10240x128xf32, #tpu.memory_space<vmem_shared>>) offsets(%dma_start3A_274 : memref<128xi32, #tpu.memory_space<vmem>>) semaphore(%arg15 : memref<!tpu.dma_semaphore, #tpu.memory_space<semaphore_mem>>) {add = true}
      %dma_wait3A_278 = arith.constant 1 : i32
      %dma_wait3A_279 = arith.constant 0 : i32
      %dma_wait3A_280 = arith.constant 0 : i32
      %dma_wait3A_281 = tpu.memref_slice %arg5[%dma_wait3A_278, %dma_wait3A_279, %dma_wait3A_280] : memref<2x8x128xi32, #tpu.memory_space<vmem>> -> memref<1x1x128xi32, #tpu.memory_space<vmem>>
      %dma_wait3A_282 = tpu.memref_squeeze %dma_wait3A_281 : memref<1x1x128xi32, #tpu.memory_space<vmem>> -> memref<128xi32, #tpu.memory_space<vmem>>
      %dma_wait3A_283 = arith.constant 0 : i32
      %dma_wait3A_284 = arith.constant 0 : i32
      %dma_wait3A_285 = tpu.memref_slice %arg9[%dma_wait3A_283, %dma_wait3A_284] : memref<10240x128xf32, #tpu.memory_space<vmem_shared>> -> memref<10240x128xf32, #tpu.memory_space<vmem_shared>>
      tpu.wait_indirect_dma semaphore(%arg15 : memref<!tpu.dma_semaphore, #tpu.memory_space<semaphore_mem>>) src(%arg8 : memref<128x128xf32, #tpu.memory_space<vmem>>) dst(%dma_wait3A_285 : memref<10240x128xf32, #tpu.memory_space<vmem_shared>>)
      %dma_start3A_286 = arith.constant 0 : i32
      %dma_start3A_287 = arith.constant 5 : i32
      %dma_start3A_288 = arith.constant 0 : i32
      %dma_start3A_289 = tpu.memref_slice %arg5[%dma_start3A_286, %dma_start3A_287, %dma_start3A_288] : memref<2x8x128xi32, #tpu.memory_space<vmem>> -> memref<1x1x128xi32, #tpu.memory_space<vmem>>
      %dma_start3A_290 = tpu.memref_squeeze %dma_start3A_289 : memref<1x1x128xi32, #tpu.memory_space<vmem>> -> memref<128xi32, #tpu.memory_space<vmem>>
      %dma_start3A_291 = arith.constant 0 : i32
      %dma_start3A_292 = arith.constant 0 : i32
      %dma_start3A_293 = tpu.memref_slice %arg2[%dma_start3A_291, %dma_start3A_292] : memref<10240x128xf32, #tpu.memory_space<hbm>> -> memref<10240x128xf32, #tpu.memory_space<hbm>>
      tpu.enqueue_indirect_dma source(%dma_start3A_293 : memref<10240x128xf32, #tpu.memory_space<hbm>>) target(%arg8 : memref<128x128xf32, #tpu.memory_space<vmem>>) offsets(%dma_start3A_290 : memref<128xi32, #tpu.memory_space<vmem>>) semaphore(%arg11 : memref<!tpu.dma_semaphore, #tpu.memory_space<semaphore_mem>>)
      %dma_wait3A_294 = arith.constant 0 : i32
      %dma_wait3A_295 = arith.constant 4 : i32
      %dma_wait3A_296 = arith.constant 0 : i32
      %dma_wait3A_297 = tpu.memref_slice %arg5[%dma_wait3A_294, %dma_wait3A_295, %dma_wait3A_296] : memref<2x8x128xi32, #tpu.memory_space<vmem>> -> memref<1x1x128xi32, #tpu.memory_space<vmem>>
      %dma_wait3A_298 = tpu.memref_squeeze %dma_wait3A_297 : memref<1x1x128xi32, #tpu.memory_space<vmem>> -> memref<128xi32, #tpu.memory_space<vmem>>
      %dma_wait3A_299 = arith.constant 0 : i32
      %dma_wait3A_300 = arith.constant 0 : i32
      %dma_wait3A_301 = tpu.memref_slice %arg2[%dma_wait3A_299, %dma_wait3A_300] : memref<10240x128xf32, #tpu.memory_space<hbm>> -> memref<10240x128xf32, #tpu.memory_space<hbm>>
      tpu.wait_indirect_dma semaphore(%arg10 : memref<!tpu.dma_semaphore, #tpu.memory_space<semaphore_mem>>) src(%dma_wait3A_301 : memref<10240x128xf32, #tpu.memory_space<hbm>>) dst(%arg7 : memref<128x128xf32, #tpu.memory_space<vmem>>)
      %dma_start3A_302 = arith.constant 1 : i32
      %dma_start3A_303 = arith.constant 4 : i32
      %dma_start3A_304 = arith.constant 0 : i32
      %dma_start3A_305 = tpu.memref_slice %arg5[%dma_start3A_302, %dma_start3A_303, %dma_start3A_304] : memref<2x8x128xi32, #tpu.memory_space<vmem>> -> memref<1x1x128xi32, #tpu.memory_space<vmem>>
      %dma_start3A_306 = tpu.memref_squeeze %dma_start3A_305 : memref<1x1x128xi32, #tpu.memory_space<vmem>> -> memref<128xi32, #tpu.memory_space<vmem>>
      %dma_start3A_307 = arith.constant 0 : i32
      %dma_start3A_308 = arith.constant 0 : i32
      %dma_start3A_309 = tpu.memref_slice %arg9[%dma_start3A_307, %dma_start3A_308] : memref<10240x128xf32, #tpu.memory_space<vmem_shared>> -> memref<10240x128xf32, #tpu.memory_space<vmem_shared>>
      tpu.enqueue_indirect_dma source(%arg7 : memref<128x128xf32, #tpu.memory_space<vmem>>) target(%dma_start3A_309 : memref<10240x128xf32, #tpu.memory_space<vmem_shared>>) offsets(%dma_start3A_306 : memref<128xi32, #tpu.memory_space<vmem>>) semaphore(%arg14 : memref<!tpu.dma_semaphore, #tpu.memory_space<semaphore_mem>>) {add = true}
      %dma_wait3A_310 = arith.constant 1 : i32
      %dma_wait3A_311 = arith.constant 0 : i32
      %dma_wait3A_312 = arith.constant 0 : i32
      %dma_wait3A_313 = tpu.memref_slice %arg5[%dma_wait3A_310, %dma_wait3A_311, %dma_wait3A_312] : memref<2x8x128xi32, #tpu.memory_space<vmem>> -> memref<1x1x128xi32, #tpu.memory_space<vmem>>
      %dma_wait3A_314 = tpu.memref_squeeze %dma_wait3A_313 : memref<1x1x128xi32, #tpu.memory_space<vmem>> -> memref<128xi32, #tpu.memory_space<vmem>>
      %dma_wait3A_315 = arith.constant 0 : i32
      %dma_wait3A_316 = arith.constant 0 : i32
      %dma_wait3A_317 = tpu.memref_slice %arg9[%dma_wait3A_315, %dma_wait3A_316] : memref<10240x128xf32, #tpu.memory_space<vmem_shared>> -> memref<10240x128xf32, #tpu.memory_space<vmem_shared>>
      tpu.wait_indirect_dma semaphore(%arg14 : memref<!tpu.dma_semaphore, #tpu.memory_space<semaphore_mem>>) src(%arg7 : memref<128x128xf32, #tpu.memory_space<vmem>>) dst(%dma_wait3A_317 : memref<10240x128xf32, #tpu.memory_space<vmem_shared>>)
      %dma_start3A_318 = arith.constant 0 : i32
      %dma_start3A_319 = arith.constant 6 : i32
      %dma_start3A_320 = arith.constant 0 : i32
      %dma_start3A_321 = tpu.memref_slice %arg5[%dma_start3A_318, %dma_start3A_319, %dma_start3A_320] : memref<2x8x128xi32, #tpu.memory_space<vmem>> -> memref<1x1x128xi32, #tpu.memory_space<vmem>>
      %dma_start3A_322 = tpu.memref_squeeze %dma_start3A_321 : memref<1x1x128xi32, #tpu.memory_space<vmem>> -> memref<128xi32, #tpu.memory_space<vmem>>
      %dma_start3A_323 = arith.constant 0 : i32
      %dma_start3A_324 = arith.constant 0 : i32
      %dma_start3A_325 = tpu.memref_slice %arg2[%dma_start3A_323, %dma_start3A_324] : memref<10240x128xf32, #tpu.memory_space<hbm>> -> memref<10240x128xf32, #tpu.memory_space<hbm>>
      tpu.enqueue_indirect_dma source(%dma_start3A_325 : memref<10240x128xf32, #tpu.memory_space<hbm>>) target(%arg7 : memref<128x128xf32, #tpu.memory_space<vmem>>) offsets(%dma_start3A_322 : memref<128xi32, #tpu.memory_space<vmem>>) semaphore(%arg10 : memref<!tpu.dma_semaphore, #tpu.memory_space<semaphore_mem>>)
      %dma_wait3A_326 = arith.constant 0 : i32
      %dma_wait3A_327 = arith.constant 5 : i32
      %dma_wait3A_328 = arith.constant 0 : i32
      %dma_wait3A_329 = tpu.memref_slice %arg5[%dma_wait3A_326, %dma_wait3A_327, %dma_wait3A_328] : memref<2x8x128xi32, #tpu.memory_space<vmem>> -> memref<1x1x128xi32, #tpu.memory_space<vmem>>
      %dma_wait3A_330 = tpu.memref_squeeze %dma_wait3A_329 : memref<1x1x128xi32, #tpu.memory_space<vmem>> -> memref<128xi32, #tpu.memory_space<vmem>>
      %dma_wait3A_331 = arith.constant 0 : i32
      %dma_wait3A_332 = arith.constant 0 : i32
      %dma_wait3A_333 = tpu.memref_slice %arg2[%dma_wait3A_331, %dma_wait3A_332] : memref<10240x128xf32, #tpu.memory_space<hbm>> -> memref<10240x128xf32, #tpu.memory_space<hbm>>
      tpu.wait_indirect_dma semaphore(%arg11 : memref<!tpu.dma_semaphore, #tpu.memory_space<semaphore_mem>>) src(%dma_wait3A_333 : memref<10240x128xf32, #tpu.memory_space<hbm>>) dst(%arg8 : memref<128x128xf32, #tpu.memory_space<vmem>>)
      %dma_start3A_334 = arith.constant 1 : i32
      %dma_start3A_335 = arith.constant 5 : i32
      %dma_start3A_336 = arith.constant 0 : i32
      %dma_start3A_337 = tpu.memref_slice %arg5[%dma_start3A_334, %dma_start3A_335, %dma_start3A_336] : memref<2x8x128xi32, #tpu.memory_space<vmem>> -> memref<1x1x128xi32, #tpu.memory_space<vmem>>
      %dma_start3A_338 = tpu.memref_squeeze %dma_start3A_337 : memref<1x1x128xi32, #tpu.memory_space<vmem>> -> memref<128xi32, #tpu.memory_space<vmem>>
      %dma_start3A_339 = arith.constant 0 : i32
      %dma_start3A_340 = arith.constant 0 : i32
      %dma_start3A_341 = tpu.memref_slice %arg9[%dma_start3A_339, %dma_start3A_340] : memref<10240x128xf32, #tpu.memory_space<vmem_shared>> -> memref<10240x128xf32, #tpu.memory_space<vmem_shared>>
      tpu.enqueue_indirect_dma source(%arg8 : memref<128x128xf32, #tpu.memory_space<vmem>>) target(%dma_start3A_341 : memref<10240x128xf32, #tpu.memory_space<vmem_shared>>) offsets(%dma_start3A_338 : memref<128xi32, #tpu.memory_space<vmem>>) semaphore(%arg15 : memref<!tpu.dma_semaphore, #tpu.memory_space<semaphore_mem>>) {add = true}
      %dma_wait3A_342 = arith.constant 1 : i32
      %dma_wait3A_343 = arith.constant 0 : i32
      %dma_wait3A_344 = arith.constant 0 : i32
      %dma_wait3A_345 = tpu.memref_slice %arg5[%dma_wait3A_342, %dma_wait3A_343, %dma_wait3A_344] : memref<2x8x128xi32, #tpu.memory_space<vmem>> -> memref<1x1x128xi32, #tpu.memory_space<vmem>>
      %dma_wait3A_346 = tpu.memref_squeeze %dma_wait3A_345 : memref<1x1x128xi32, #tpu.memory_space<vmem>> -> memref<128xi32, #tpu.memory_space<vmem>>
      %dma_wait3A_347 = arith.constant 0 : i32
      %dma_wait3A_348 = arith.constant 0 : i32
      %dma_wait3A_349 = tpu.memref_slice %arg9[%dma_wait3A_347, %dma_wait3A_348] : memref<10240x128xf32, #tpu.memory_space<vmem_shared>> -> memref<10240x128xf32, #tpu.memory_space<vmem_shared>>
      tpu.wait_indirect_dma semaphore(%arg15 : memref<!tpu.dma_semaphore, #tpu.memory_space<semaphore_mem>>) src(%arg8 : memref<128x128xf32, #tpu.memory_space<vmem>>) dst(%dma_wait3A_349 : memref<10240x128xf32, #tpu.memory_space<vmem_shared>>)
      %dma_start3A_350 = arith.constant 0 : i32
      %dma_start3A_351 = arith.constant 7 : i32
      %dma_start3A_352 = arith.constant 0 : i32
      %dma_start3A_353 = tpu.memref_slice %arg5[%dma_start3A_350, %dma_start3A_351, %dma_start3A_352] : memref<2x8x128xi32, #tpu.memory_space<vmem>> -> memref<1x1x128xi32, #tpu.memory_space<vmem>>
      %dma_start3A_354 = tpu.memref_squeeze %dma_start3A_353 : memref<1x1x128xi32, #tpu.memory_space<vmem>> -> memref<128xi32, #tpu.memory_space<vmem>>
      %dma_start3A_355 = arith.constant 0 : i32
      %dma_start3A_356 = arith.constant 0 : i32
      %dma_start3A_357 = tpu.memref_slice %arg2[%dma_start3A_355, %dma_start3A_356] : memref<10240x128xf32, #tpu.memory_space<hbm>> -> memref<10240x128xf32, #tpu.memory_space<hbm>>
      tpu.enqueue_indirect_dma source(%dma_start3A_357 : memref<10240x128xf32, #tpu.memory_space<hbm>>) target(%arg8 : memref<128x128xf32, #tpu.memory_space<vmem>>) offsets(%dma_start3A_354 : memref<128xi32, #tpu.memory_space<vmem>>) semaphore(%arg11 : memref<!tpu.dma_semaphore, #tpu.memory_space<semaphore_mem>>)
      %dma_wait3A_358 = arith.constant 0 : i32
      %dma_wait3A_359 = arith.constant 6 : i32
      %dma_wait3A_360 = arith.constant 0 : i32
      %dma_wait3A_361 = tpu.memref_slice %arg5[%dma_wait3A_358, %dma_wait3A_359, %dma_wait3A_360] : memref<2x8x128xi32, #tpu.memory_space<vmem>> -> memref<1x1x128xi32, #tpu.memory_space<vmem>>
      %dma_wait3A_362 = tpu.memref_squeeze %dma_wait3A_361 : memref<1x1x128xi32, #tpu.memory_space<vmem>> -> memref<128xi32, #tpu.memory_space<vmem>>
      %dma_wait3A_363 = arith.constant 0 : i32
      %dma_wait3A_364 = arith.constant 0 : i32
      %dma_wait3A_365 = tpu.memref_slice %arg2[%dma_wait3A_363, %dma_wait3A_364] : memref<10240x128xf32, #tpu.memory_space<hbm>> -> memref<10240x128xf32, #tpu.memory_space<hbm>>
      tpu.wait_indirect_dma semaphore(%arg10 : memref<!tpu.dma_semaphore, #tpu.memory_space<semaphore_mem>>) src(%dma_wait3A_365 : memref<10240x128xf32, #tpu.memory_space<hbm>>) dst(%arg7 : memref<128x128xf32, #tpu.memory_space<vmem>>)
      %dma_start3A_366 = arith.constant 1 : i32
      %dma_start3A_367 = arith.constant 6 : i32
      %dma_start3A_368 = arith.constant 0 : i32
      %dma_start3A_369 = tpu.memref_slice %arg5[%dma_start3A_366, %dma_start3A_367, %dma_start3A_368] : memref<2x8x128xi32, #tpu.memory_space<vmem>> -> memref<1x1x128xi32, #tpu.memory_space<vmem>>
      %dma_start3A_370 = tpu.memref_squeeze %dma_start3A_369 : memref<1x1x128xi32, #tpu.memory_space<vmem>> -> memref<128xi32, #tpu.memory_space<vmem>>
      %dma_start3A_371 = arith.constant 0 : i32
      %dma_start3A_372 = arith.constant 0 : i32
      %dma_start3A_373 = tpu.memref_slice %arg9[%dma_start3A_371, %dma_start3A_372] : memref<10240x128xf32, #tpu.memory_space<vmem_shared>> -> memref<10240x128xf32, #tpu.memory_space<vmem_shared>>
      tpu.enqueue_indirect_dma source(%arg7 : memref<128x128xf32, #tpu.memory_space<vmem>>) target(%dma_start3A_373 : memref<10240x128xf32, #tpu.memory_space<vmem_shared>>) offsets(%dma_start3A_370 : memref<128xi32, #tpu.memory_space<vmem>>) semaphore(%arg14 : memref<!tpu.dma_semaphore, #tpu.memory_space<semaphore_mem>>) {add = true}
      %dma_wait3A_374 = arith.constant 0 : i32
      %dma_wait3A_375 = arith.constant 7 : i32
      %dma_wait3A_376 = arith.constant 0 : i32
      %dma_wait3A_377 = tpu.memref_slice %arg5[%dma_wait3A_374, %dma_wait3A_375, %dma_wait3A_376] : memref<2x8x128xi32, #tpu.memory_space<vmem>> -> memref<1x1x128xi32, #tpu.memory_space<vmem>>
      %dma_wait3A_378 = tpu.memref_squeeze %dma_wait3A_377 : memref<1x1x128xi32, #tpu.memory_space<vmem>> -> memref<128xi32, #tpu.memory_space<vmem>>
      %dma_wait3A_379 = arith.constant 0 : i32
      %dma_wait3A_380 = arith.constant 0 : i32
      %dma_wait3A_381 = tpu.memref_slice %arg2[%dma_wait3A_379, %dma_wait3A_380] : memref<10240x128xf32, #tpu.memory_space<hbm>> -> memref<10240x128xf32, #tpu.memory_space<hbm>>
      tpu.wait_indirect_dma semaphore(%arg11 : memref<!tpu.dma_semaphore, #tpu.memory_space<semaphore_mem>>) src(%dma_wait3A_381 : memref<10240x128xf32, #tpu.memory_space<hbm>>) dst(%arg8 : memref<128x128xf32, #tpu.memory_space<vmem>>)
      %dma_start3A_382 = arith.constant 1 : i32
      %dma_start3A_383 = arith.constant 7 : i32
      %dma_start3A_384 = arith.constant 0 : i32
      %dma_start3A_385 = tpu.memref_slice %arg5[%dma_start3A_382, %dma_start3A_383, %dma_start3A_384] : memref<2x8x128xi32, #tpu.memory_space<vmem>> -> memref<1x1x128xi32, #tpu.memory_space<vmem>>
      %dma_start3A_386 = tpu.memref_squeeze %dma_start3A_385 : memref<1x1x128xi32, #tpu.memory_space<vmem>> -> memref<128xi32, #tpu.memory_space<vmem>>
      %dma_start3A_387 = arith.constant 0 : i32
      %dma_start3A_388 = arith.constant 0 : i32
      %dma_start3A_389 = tpu.memref_slice %arg9[%dma_start3A_387, %dma_start3A_388] : memref<10240x128xf32, #tpu.memory_space<vmem_shared>> -> memref<10240x128xf32, #tpu.memory_space<vmem_shared>>
      tpu.enqueue_indirect_dma source(%arg8 : memref<128x128xf32, #tpu.memory_space<vmem>>) target(%dma_start3A_389 : memref<10240x128xf32, #tpu.memory_space<vmem_shared>>) offsets(%dma_start3A_386 : memref<128xi32, #tpu.memory_space<vmem>>) semaphore(%arg15 : memref<!tpu.dma_semaphore, #tpu.memory_space<semaphore_mem>>) {add = true}
      %dma_wait3A_390 = arith.constant 0 : i32
      %dma_wait3A_391 = arith.constant 0 : i32
      %dma_wait3A_392 = arith.constant 0 : i32
      %dma_wait3A_393 = tpu.memref_slice %arg3[%dma_wait3A_390, %dma_wait3A_391, %dma_wait3A_392] : memref<2x5120x128xi32, #tpu.memory_space<hbm>> -> memref<2x8x128xi32, #tpu.memory_space<hbm>>
      %dma_wait3A_394 = arith.constant 0 : i32
      %dma_wait3A_395 = arith.constant 0 : i32
      %dma_wait3A_396 = arith.constant 0 : i32
      %dma_wait3A_397 = tpu.memref_slice %arg3[%dma_wait3A_394, %dma_wait3A_395, %dma_wait3A_396] : memref<2x5120x128xi32, #tpu.memory_space<hbm>> -> memref<2x8x128xi32, #tpu.memory_space<hbm>>
      tpu.wait_dma2 semaphore(%arg13 : memref<!tpu.dma_semaphore, #tpu.memory_space<semaphore_mem>>) src(%dma_wait3A_397 : memref<2x8x128xi32, #tpu.memory_space<hbm>>) dst(%arg6 : memref<2x8x128xi32, #tpu.memory_space<vmem>>)
      %dma_start3A_398 = arith.constant 0 : i32
      %dma_start3A_399 = arith.constant 0 : i32
      %dma_start3A_400 = tpu.memref_slice %arg3[%dma_start3A_398, %multiple_of3A_127, %dma_start3A_399] : memref<2x5120x128xi32, #tpu.memory_space<hbm>> -> memref<2x8x128xi32, #tpu.memory_space<hbm>>
      %dma_start3A_401 = arith.constant 0 : i32
      %dma_start3A_402 = arith.constant 0 : i32
      %dma_start3A_403 = tpu.memref_slice %arg3[%dma_start3A_401, %multiple_of3A_127, %dma_start3A_402] : memref<2x5120x128xi32, #tpu.memory_space<hbm>> -> memref<2x8x128xi32, #tpu.memory_space<hbm>>
      tpu.enqueue_dma source(%dma_start3A_403 : memref<2x8x128xi32, #tpu.memory_space<hbm>>) target(%arg5 : memref<2x8x128xi32, #tpu.memory_space<vmem>>) target_semaphore(%arg12 : memref<!tpu.dma_semaphore, #tpu.memory_space<semaphore_mem>>)
      %dma_wait3A_404 = arith.constant 1 : i32
      %dma_wait3A_405 = arith.constant 0 : i32
      %dma_wait3A_406 = arith.constant 0 : i32
      %dma_wait3A_407 = tpu.memref_slice %arg5[%dma_wait3A_404, %dma_wait3A_405, %dma_wait3A_406] : memref<2x8x128xi32, #tpu.memory_space<vmem>> -> memref<1x1x128xi32, #tpu.memory_space<vmem>>
      %dma_wait3A_408 = tpu.memref_squeeze %dma_wait3A_407 : memref<1x1x128xi32, #tpu.memory_space<vmem>> -> memref<128xi32, #tpu.memory_space<vmem>>
      %dma_wait3A_409 = arith.constant 0 : i32
      %dma_wait3A_410 = arith.constant 0 : i32
      %dma_wait3A_411 = tpu.memref_slice %arg9[%dma_wait3A_409, %dma_wait3A_410] : memref<10240x128xf32, #tpu.memory_space<vmem_shared>> -> memref<10240x128xf32, #tpu.memory_space<vmem_shared>>
      tpu.wait_indirect_dma semaphore(%arg14 : memref<!tpu.dma_semaphore, #tpu.memory_space<semaphore_mem>>) src(%arg7 : memref<128x128xf32, #tpu.memory_space<vmem>>) dst(%dma_wait3A_411 : memref<10240x128xf32, #tpu.memory_space<vmem_shared>>)
      %dma_start3A_412 = arith.constant 0 : i32
      %dma_start3A_413 = arith.constant 0 : i32
      %dma_start3A_414 = arith.constant 0 : i32
      %dma_start3A_415 = tpu.memref_slice %arg6[%dma_start3A_412, %dma_start3A_413, %dma_start3A_414] : memref<2x8x128xi32, #tpu.memory_space<vmem>> -> memref<1x1x128xi32, #tpu.memory_space<vmem>>
      %dma_start3A_416 = tpu.memref_squeeze %dma_start3A_415 : memref<1x1x128xi32, #tpu.memory_space<vmem>> -> memref<128xi32, #tpu.memory_space<vmem>>
      %dma_start3A_417 = arith.constant 0 : i32
      %dma_start3A_418 = arith.constant 0 : i32
      %dma_start3A_419 = tpu.memref_slice %arg2[%dma_start3A_417, %dma_start3A_418] : memref<10240x128xf32, #tpu.memory_space<hbm>> -> memref<10240x128xf32, #tpu.memory_space<hbm>>
      tpu.enqueue_indirect_dma source(%dma_start3A_419 : memref<10240x128xf32, #tpu.memory_space<hbm>>) target(%arg7 : memref<128x128xf32, #tpu.memory_space<vmem>>) offsets(%dma_start3A_416 : memref<128xi32, #tpu.memory_space<vmem>>) semaphore(%arg10 : memref<!tpu.dma_semaphore, #tpu.memory_space<semaphore_mem>>)
      %dma_wait3A_420 = arith.constant 1 : i32
      %dma_wait3A_421 = arith.constant 0 : i32
      %dma_wait3A_422 = arith.constant 0 : i32
      %dma_wait3A_423 = tpu.memref_slice %arg5[%dma_wait3A_420, %dma_wait3A_421, %dma_wait3A_422] : memref<2x8x128xi32, #tpu.memory_space<vmem>> -> memref<1x1x128xi32, #tpu.memory_space<vmem>>
      %dma_wait3A_424 = tpu.memref_squeeze %dma_wait3A_423 : memref<1x1x128xi32, #tpu.memory_space<vmem>> -> memref<128xi32, #tpu.memory_space<vmem>>
      %dma_wait3A_425 = arith.constant 0 : i32
      %dma_wait3A_426 = arith.constant 0 : i32
      %dma_wait3A_427 = tpu.memref_slice %arg9[%dma_wait3A_425, %dma_wait3A_426] : memref<10240x128xf32, #tpu.memory_space<vmem_shared>> -> memref<10240x128xf32, #tpu.memory_space<vmem_shared>>
      tpu.wait_indirect_dma semaphore(%arg15 : memref<!tpu.dma_semaphore, #tpu.memory_space<semaphore_mem>>) src(%arg8 : memref<128x128xf32, #tpu.memory_space<vmem>>) dst(%dma_wait3A_427 : memref<10240x128xf32, #tpu.memory_space<vmem_shared>>)
      %dma_start3A_428 = arith.constant 0 : i32
      %dma_start3A_429 = arith.constant 1 : i32
      %dma_start3A_430 = arith.constant 0 : i32
      %dma_start3A_431 = tpu.memref_slice %arg6[%dma_start3A_428, %dma_start3A_429, %dma_start3A_430] : memref<2x8x128xi32, #tpu.memory_space<vmem>> -> memref<1x1x128xi32, #tpu.memory_space<vmem>>
      %dma_start3A_432 = tpu.memref_squeeze %dma_start3A_431 : memref<1x1x128xi32, #tpu.memory_space<vmem>> -> memref<128xi32, #tpu.memory_space<vmem>>
      %dma_start3A_433 = arith.constant 0 : i32
      %dma_start3A_434 = arith.constant 0 : i32
      %dma_start3A_435 = tpu.memref_slice %arg2[%dma_start3A_433, %dma_start3A_434] : memref<10240x128xf32, #tpu.memory_space<hbm>> -> memref<10240x128xf32, #tpu.memory_space<hbm>>
      tpu.enqueue_indirect_dma source(%dma_start3A_435 : memref<10240x128xf32, #tpu.memory_space<hbm>>) target(%arg8 : memref<128x128xf32, #tpu.memory_space<vmem>>) offsets(%dma_start3A_432 : memref<128xi32, #tpu.memory_space<vmem>>) semaphore(%arg11 : memref<!tpu.dma_semaphore, #tpu.memory_space<semaphore_mem>>)
      %dma_wait3A_436 = arith.constant 0 : i32
      %dma_wait3A_437 = arith.constant 0 : i32
      %dma_wait3A_438 = arith.constant 0 : i32
      %dma_wait3A_439 = tpu.memref_slice %arg6[%dma_wait3A_436, %dma_wait3A_437, %dma_wait3A_438] : memref<2x8x128xi32, #tpu.memory_space<vmem>> -> memref<1x1x128xi32, #tpu.memory_space<vmem>>
      %dma_wait3A_440 = tpu.memref_squeeze %dma_wait3A_439 : memref<1x1x128xi32, #tpu.memory_space<vmem>> -> memref<128xi32, #tpu.memory_space<vmem>>
      %dma_wait3A_441 = arith.constant 0 : i32
      %dma_wait3A_442 = arith.constant 0 : i32
      %dma_wait3A_443 = tpu.memref_slice %arg2[%dma_wait3A_441, %dma_wait3A_442] : memref<10240x128xf32, #tpu.memory_space<hbm>> -> memref<10240x128xf32, #tpu.memory_space<hbm>>
      tpu.wait_indirect_dma semaphore(%arg10 : memref<!tpu.dma_semaphore, #tpu.memory_space<semaphore_mem>>) src(%dma_wait3A_443 : memref<10240x128xf32, #tpu.memory_space<hbm>>) dst(%arg7 : memref<128x128xf32, #tpu.memory_space<vmem>>)
      %dma_start3A_444 = arith.constant 1 : i32
      %dma_start3A_445 = arith.constant 0 : i32
      %dma_start3A_446 = arith.constant 0 : i32
      %dma_start3A_447 = tpu.memref_slice %arg6[%dma_start3A_444, %dma_start3A_445, %dma_start3A_446] : memref<2x8x128xi32, #tpu.memory_space<vmem>> -> memref<1x1x128xi32, #tpu.memory_space<vmem>>
      %dma_start3A_448 = tpu.memref_squeeze %dma_start3A_447 : memref<1x1x128xi32, #tpu.memory_space<vmem>> -> memref<128xi32, #tpu.memory_space<vmem>>
      %dma_start3A_449 = arith.constant 0 : i32
      %dma_start3A_450 = arith.constant 0 : i32
      %dma_start3A_451 = tpu.memref_slice %arg9[%dma_start3A_449, %dma_start3A_450] : memref<10240x128xf32, #tpu.memory_space<vmem_shared>> -> memref<10240x128xf32, #tpu.memory_space<vmem_shared>>
      tpu.enqueue_indirect_dma source(%arg7 : memref<128x128xf32, #tpu.memory_space<vmem>>) target(%dma_start3A_451 : memref<10240x128xf32, #tpu.memory_space<vmem_shared>>) offsets(%dma_start3A_448 : memref<128xi32, #tpu.memory_space<vmem>>) semaphore(%arg14 : memref<!tpu.dma_semaphore, #tpu.memory_space<semaphore_mem>>) {add = true}
      %dma_wait3A_452 = arith.constant 1 : i32
      %dma_wait3A_453 = arith.constant 0 : i32
      %dma_wait3A_454 = arith.constant 0 : i32
      %dma_wait3A_455 = tpu.memref_slice %arg5[%dma_wait3A_452, %dma_wait3A_453, %dma_wait3A_454] : memref<2x8x128xi32, #tpu.memory_space<vmem>> -> memref<1x1x128xi32, #tpu.memory_space<vmem>>
      %dma_wait3A_456 = tpu.memref_squeeze %dma_wait3A_455 : memref<1x1x128xi32, #tpu.memory_space<vmem>> -> memref<128xi32, #tpu.memory_space<vmem>>
      %dma_wait3A_457 = arith.constant 0 : i32
      %dma_wait3A_458 = arith.constant 0 : i32
      %dma_wait3A_459 = tpu.memref_slice %arg9[%dma_wait3A_457, %dma_wait3A_458] : memref<10240x128xf32, #tpu.memory_space<vmem_shared>> -> memref<10240x128xf32, #tpu.memory_space<vmem_shared>>
      tpu.wait_indirect_dma semaphore(%arg14 : memref<!tpu.dma_semaphore, #tpu.memory_space<semaphore_mem>>) src(%arg7 : memref<128x128xf32, #tpu.memory_space<vmem>>) dst(%dma_wait3A_459 : memref<10240x128xf32, #tpu.memory_space<vmem_shared>>)
      %dma_start3A_460 = arith.constant 0 : i32
      %dma_start3A_461 = arith.constant 2 : i32
      %dma_start3A_462 = arith.constant 0 : i32
      %dma_start3A_463 = tpu.memref_slice %arg6[%dma_start3A_460, %dma_start3A_461, %dma_start3A_462] : memref<2x8x128xi32, #tpu.memory_space<vmem>> -> memref<1x1x128xi32, #tpu.memory_space<vmem>>
      %dma_start3A_464 = tpu.memref_squeeze %dma_start3A_463 : memref<1x1x128xi32, #tpu.memory_space<vmem>> -> memref<128xi32, #tpu.memory_space<vmem>>
      %dma_start3A_465 = arith.constant 0 : i32
      %dma_start3A_466 = arith.constant 0 : i32
      %dma_start3A_467 = tpu.memref_slice %arg2[%dma_start3A_465, %dma_start3A_466] : memref<10240x128xf32, #tpu.memory_space<hbm>> -> memref<10240x128xf32, #tpu.memory_space<hbm>>
      tpu.enqueue_indirect_dma source(%dma_start3A_467 : memref<10240x128xf32, #tpu.memory_space<hbm>>) target(%arg7 : memref<128x128xf32, #tpu.memory_space<vmem>>) offsets(%dma_start3A_464 : memref<128xi32, #tpu.memory_space<vmem>>) semaphore(%arg10 : memref<!tpu.dma_semaphore, #tpu.memory_space<semaphore_mem>>)
      %dma_wait3A_468 = arith.constant 0 : i32
      %dma_wait3A_469 = arith.constant 1 : i32
      %dma_wait3A_470 = arith.constant 0 : i32
      %dma_wait3A_471 = tpu.memref_slice %arg6[%dma_wait3A_468, %dma_wait3A_469, %dma_wait3A_470] : memref<2x8x128xi32, #tpu.memory_space<vmem>> -> memref<1x1x128xi32, #tpu.memory_space<vmem>>
      %dma_wait3A_472 = tpu.memref_squeeze %dma_wait3A_471 : memref<1x1x128xi32, #tpu.memory_space<vmem>> -> memref<128xi32, #tpu.memory_space<vmem>>
      %dma_wait3A_473 = arith.constant 0 : i32
      %dma_wait3A_474 = arith.constant 0 : i32
      %dma_wait3A_475 = tpu.memref_slice %arg2[%dma_wait3A_473, %dma_wait3A_474] : memref<10240x128xf32, #tpu.memory_space<hbm>> -> memref<10240x128xf32, #tpu.memory_space<hbm>>
      tpu.wait_indirect_dma semaphore(%arg11 : memref<!tpu.dma_semaphore, #tpu.memory_space<semaphore_mem>>) src(%dma_wait3A_475 : memref<10240x128xf32, #tpu.memory_space<hbm>>) dst(%arg8 : memref<128x128xf32, #tpu.memory_space<vmem>>)
      %dma_start3A_476 = arith.constant 1 : i32
      %dma_start3A_477 = arith.constant 1 : i32
      %dma_start3A_478 = arith.constant 0 : i32
      %dma_start3A_479 = tpu.memref_slice %arg6[%dma_start3A_476, %dma_start3A_477, %dma_start3A_478] : memref<2x8x128xi32, #tpu.memory_space<vmem>> -> memref<1x1x128xi32, #tpu.memory_space<vmem>>
      %dma_start3A_480 = tpu.memref_squeeze %dma_start3A_479 : memref<1x1x128xi32, #tpu.memory_space<vmem>> -> memref<128xi32, #tpu.memory_space<vmem>>
      %dma_start3A_481 = arith.constant 0 : i32
      %dma_start3A_482 = arith.constant 0 : i32
      %dma_start3A_483 = tpu.memref_slice %arg9[%dma_start3A_481, %dma_start3A_482] : memref<10240x128xf32, #tpu.memory_space<vmem_shared>> -> memref<10240x128xf32, #tpu.memory_space<vmem_shared>>
      tpu.enqueue_indirect_dma source(%arg8 : memref<128x128xf32, #tpu.memory_space<vmem>>) target(%dma_start3A_483 : memref<10240x128xf32, #tpu.memory_space<vmem_shared>>) offsets(%dma_start3A_480 : memref<128xi32, #tpu.memory_space<vmem>>) semaphore(%arg15 : memref<!tpu.dma_semaphore, #tpu.memory_space<semaphore_mem>>) {add = true}
      %dma_wait3A_484 = arith.constant 1 : i32
      %dma_wait3A_485 = arith.constant 0 : i32
      %dma_wait3A_486 = arith.constant 0 : i32
      %dma_wait3A_487 = tpu.memref_slice %arg5[%dma_wait3A_484, %dma_wait3A_485, %dma_wait3A_486] : memref<2x8x128xi32, #tpu.memory_space<vmem>> -> memref<1x1x128xi32, #tpu.memory_space<vmem>>
      %dma_wait3A_488 = tpu.memref_squeeze %dma_wait3A_487 : memref<1x1x128xi32, #tpu.memory_space<vmem>> -> memref<128xi32, #tpu.memory_space<vmem>>
      %dma_wait3A_489 = arith.constant 0 : i32
      %dma_wait3A_490 = arith.constant 0 : i32
      %dma_wait3A_491 = tpu.memref_slice %arg9[%dma_wait3A_489, %dma_wait3A_490] : memref<10240x128xf32, #tpu.memory_space<vmem_shared>> -> memref<10240x128xf32, #tpu.memory_space<vmem_shared>>
      tpu.wait_indirect_dma semaphore(%arg15 : memref<!tpu.dma_semaphore, #tpu.memory_space<semaphore_mem>>) src(%arg8 : memref<128x128xf32, #tpu.memory_space<vmem>>) dst(%dma_wait3A_491 : memref<10240x128xf32, #tpu.memory_space<vmem_shared>>)
      %dma_start3A_492 = arith.constant 0 : i32
      %dma_start3A_493 = arith.constant 3 : i32
      %dma_start3A_494 = arith.constant 0 : i32
      %dma_start3A_495 = tpu.memref_slice %arg6[%dma_start3A_492, %dma_start3A_493, %dma_start3A_494] : memref<2x8x128xi32, #tpu.memory_space<vmem>> -> memref<1x1x128xi32, #tpu.memory_space<vmem>>
      %dma_start3A_496 = tpu.memref_squeeze %dma_start3A_495 : memref<1x1x128xi32, #tpu.memory_space<vmem>> -> memref<128xi32, #tpu.memory_space<vmem>>
      %dma_start3A_497 = arith.constant 0 : i32
      %dma_start3A_498 = arith.constant 0 : i32
      %dma_start3A_499 = tpu.memref_slice %arg2[%dma_start3A_497, %dma_start3A_498] : memref<10240x128xf32, #tpu.memory_space<hbm>> -> memref<10240x128xf32, #tpu.memory_space<hbm>>
      tpu.enqueue_indirect_dma source(%dma_start3A_499 : memref<10240x128xf32, #tpu.memory_space<hbm>>) target(%arg8 : memref<128x128xf32, #tpu.memory_space<vmem>>) offsets(%dma_start3A_496 : memref<128xi32, #tpu.memory_space<vmem>>) semaphore(%arg11 : memref<!tpu.dma_semaphore, #tpu.memory_space<semaphore_mem>>)
      %dma_wait3A_500 = arith.constant 0 : i32
      %dma_wait3A_501 = arith.constant 2 : i32
      %dma_wait3A_502 = arith.constant 0 : i32
      %dma_wait3A_503 = tpu.memref_slice %arg6[%dma_wait3A_500, %dma_wait3A_501, %dma_wait3A_502] : memref<2x8x128xi32, #tpu.memory_space<vmem>> -> memref<1x1x128xi32, #tpu.memory_space<vmem>>
      %dma_wait3A_504 = tpu.memref_squeeze %dma_wait3A_503 : memref<1x1x128xi32, #tpu.memory_space<vmem>> -> memref<128xi32, #tpu.memory_space<vmem>>
      %dma_wait3A_505 = arith.constant 0 : i32
      %dma_wait3A_506 = arith.constant 0 : i32
      %dma_wait3A_507 = tpu.memref_slice %arg2[%dma_wait3A_505, %dma_wait3A_506] : memref<10240x128xf32, #tpu.memory_space<hbm>> -> memref<10240x128xf32, #tpu.memory_space<hbm>>
      tpu.wait_indirect_dma semaphore(%arg10 : memref<!tpu.dma_semaphore, #tpu.memory_space<semaphore_mem>>) src(%dma_wait3A_507 : memref<10240x128xf32, #tpu.memory_space<hbm>>) dst(%arg7 : memref<128x128xf32, #tpu.memory_space<vmem>>)
      %dma_start3A_508 = arith.constant 1 : i32
      %dma_start3A_509 = arith.constant 2 : i32
      %dma_start3A_510 = arith.constant 0 : i32
      %dma_start3A_511 = tpu.memref_slice %arg6[%dma_start3A_508, %dma_start3A_509, %dma_start3A_510] : memref<2x8x128xi32, #tpu.memory_space<vmem>> -> memref<1x1x128xi32, #tpu.memory_space<vmem>>
      %dma_start3A_512 = tpu.memref_squeeze %dma_start3A_511 : memref<1x1x128xi32, #tpu.memory_space<vmem>> -> memref<128xi32, #tpu.memory_space<vmem>>
      %dma_start3A_513 = arith.constant 0 : i32
      %dma_start3A_514 = arith.constant 0 : i32
      %dma_start3A_515 = tpu.memref_slice %arg9[%dma_start3A_513, %dma_start3A_514] : memref<10240x128xf32, #tpu.memory_space<vmem_shared>> -> memref<10240x128xf32, #tpu.memory_space<vmem_shared>>
      tpu.enqueue_indirect_dma source(%arg7 : memref<128x128xf32, #tpu.memory_space<vmem>>) target(%dma_start3A_515 : memref<10240x128xf32, #tpu.memory_space<vmem_shared>>) offsets(%dma_start3A_512 : memref<128xi32, #tpu.memory_space<vmem>>) semaphore(%arg14 : memref<!tpu.dma_semaphore, #tpu.memory_space<semaphore_mem>>) {add = true}
      %dma_wait3A_516 = arith.constant 1 : i32
      %dma_wait3A_517 = arith.constant 0 : i32
      %dma_wait3A_518 = arith.constant 0 : i32
      %dma_wait3A_519 = tpu.memref_slice %arg5[%dma_wait3A_516, %dma_wait3A_517, %dma_wait3A_518] : memref<2x8x128xi32, #tpu.memory_space<vmem>> -> memref<1x1x128xi32, #tpu.memory_space<vmem>>
      %dma_wait3A_520 = tpu.memref_squeeze %dma_wait3A_519 : memref<1x1x128xi32, #tpu.memory_space<vmem>> -> memref<128xi32, #tpu.memory_space<vmem>>
      %dma_wait3A_521 = arith.constant 0 : i32
      %dma_wait3A_522 = arith.constant 0 : i32
      %dma_wait3A_523 = tpu.memref_slice %arg9[%dma_wait3A_521, %dma_wait3A_522] : memref<10240x128xf32, #tpu.memory_space<vmem_shared>> -> memref<10240x128xf32, #tpu.memory_space<vmem_shared>>
      tpu.wait_indirect_dma semaphore(%arg14 : memref<!tpu.dma_semaphore, #tpu.memory_space<semaphore_mem>>) src(%arg7 : memref<128x128xf32, #tpu.memory_space<vmem>>) dst(%dma_wait3A_523 : memref<10240x128xf32, #tpu.memory_space<vmem_shared>>)
      %dma_start3A_524 = arith.constant 0 : i32
      %dma_start3A_525 = arith.constant 4 : i32
      %dma_start3A_526 = arith.constant 0 : i32
      %dma_start3A_527 = tpu.memref_slice %arg6[%dma_start3A_524, %dma_start3A_525, %dma_start3A_526] : memref<2x8x128xi32, #tpu.memory_space<vmem>> -> memref<1x1x128xi32, #tpu.memory_space<vmem>>
      %dma_start3A_528 = tpu.memref_squeeze %dma_start3A_527 : memref<1x1x128xi32, #tpu.memory_space<vmem>> -> memref<128xi32, #tpu.memory_space<vmem>>
      %dma_start3A_529 = arith.constant 0 : i32
      %dma_start3A_530 = arith.constant 0 : i32
      %dma_start3A_531 = tpu.memref_slice %arg2[%dma_start3A_529, %dma_start3A_530] : memref<10240x128xf32, #tpu.memory_space<hbm>> -> memref<10240x128xf32, #tpu.memory_space<hbm>>
      tpu.enqueue_indirect_dma source(%dma_start3A_531 : memref<10240x128xf32, #tpu.memory_space<hbm>>) target(%arg7 : memref<128x128xf32, #tpu.memory_space<vmem>>) offsets(%dma_start3A_528 : memref<128xi32, #tpu.memory_space<vmem>>) semaphore(%arg10 : memref<!tpu.dma_semaphore, #tpu.memory_space<semaphore_mem>>)
      %dma_wait3A_532 = arith.constant 0 : i32
      %dma_wait3A_533 = arith.constant 3 : i32
      %dma_wait3A_534 = arith.constant 0 : i32
      %dma_wait3A_535 = tpu.memref_slice %arg6[%dma_wait3A_532, %dma_wait3A_533, %dma_wait3A_534] : memref<2x8x128xi32, #tpu.memory_space<vmem>> -> memref<1x1x128xi32, #tpu.memory_space<vmem>>
      %dma_wait3A_536 = tpu.memref_squeeze %dma_wait3A_535 : memref<1x1x128xi32, #tpu.memory_space<vmem>> -> memref<128xi32, #tpu.memory_space<vmem>>
      %dma_wait3A_537 = arith.constant 0 : i32
      %dma_wait3A_538 = arith.constant 0 : i32
      %dma_wait3A_539 = tpu.memref_slice %arg2[%dma_wait3A_537, %dma_wait3A_538] : memref<10240x128xf32, #tpu.memory_space<hbm>> -> memref<10240x128xf32, #tpu.memory_space<hbm>>
      tpu.wait_indirect_dma semaphore(%arg11 : memref<!tpu.dma_semaphore, #tpu.memory_space<semaphore_mem>>) src(%dma_wait3A_539 : memref<10240x128xf32, #tpu.memory_space<hbm>>) dst(%arg8 : memref<128x128xf32, #tpu.memory_space<vmem>>)
      %dma_start3A_540 = arith.constant 1 : i32
      %dma_start3A_541 = arith.constant 3 : i32
      %dma_start3A_542 = arith.constant 0 : i32
      %dma_start3A_543 = tpu.memref_slice %arg6[%dma_start3A_540, %dma_start3A_541, %dma_start3A_542] : memref<2x8x128xi32, #tpu.memory_space<vmem>> -> memref<1x1x128xi32, #tpu.memory_space<vmem>>
      %dma_start3A_544 = tpu.memref_squeeze %dma_start3A_543 : memref<1x1x128xi32, #tpu.memory_space<vmem>> -> memref<128xi32, #tpu.memory_space<vmem>>
      %dma_start3A_545 = arith.constant 0 : i32
      %dma_start3A_546 = arith.constant 0 : i32
      %dma_start3A_547 = tpu.memref_slice %arg9[%dma_start3A_545, %dma_start3A_546] : memref<10240x128xf32, #tpu.memory_space<vmem_shared>> -> memref<10240x128xf32, #tpu.memory_space<vmem_shared>>
      tpu.enqueue_indirect_dma source(%arg8 : memref<128x128xf32, #tpu.memory_space<vmem>>) target(%dma_start3A_547 : memref<10240x128xf32, #tpu.memory_space<vmem_shared>>) offsets(%dma_start3A_544 : memref<128xi32, #tpu.memory_space<vmem>>) semaphore(%arg15 : memref<!tpu.dma_semaphore, #tpu.memory_space<semaphore_mem>>) {add = true}
      %dma_wait3A_548 = arith.constant 1 : i32
      %dma_wait3A_549 = arith.constant 0 : i32
      %dma_wait3A_550 = arith.constant 0 : i32
      %dma_wait3A_551 = tpu.memref_slice %arg5[%dma_wait3A_548, %dma_wait3A_549, %dma_wait3A_550] : memref<2x8x128xi32, #tpu.memory_space<vmem>> -> memref<1x1x128xi32, #tpu.memory_space<vmem>>
      %dma_wait3A_552 = tpu.memref_squeeze %dma_wait3A_551 : memref<1x1x128xi32, #tpu.memory_space<vmem>> -> memref<128xi32, #tpu.memory_space<vmem>>
      %dma_wait3A_553 = arith.constant 0 : i32
      %dma_wait3A_554 = arith.constant 0 : i32
      %dma_wait3A_555 = tpu.memref_slice %arg9[%dma_wait3A_553, %dma_wait3A_554] : memref<10240x128xf32, #tpu.memory_space<vmem_shared>> -> memref<10240x128xf32, #tpu.memory_space<vmem_shared>>
      tpu.wait_indirect_dma semaphore(%arg15 : memref<!tpu.dma_semaphore, #tpu.memory_space<semaphore_mem>>) src(%arg8 : memref<128x128xf32, #tpu.memory_space<vmem>>) dst(%dma_wait3A_555 : memref<10240x128xf32, #tpu.memory_space<vmem_shared>>)
      %dma_start3A_556 = arith.constant 0 : i32
      %dma_start3A_557 = arith.constant 5 : i32
      %dma_start3A_558 = arith.constant 0 : i32
      %dma_start3A_559 = tpu.memref_slice %arg6[%dma_start3A_556, %dma_start3A_557, %dma_start3A_558] : memref<2x8x128xi32, #tpu.memory_space<vmem>> -> memref<1x1x128xi32, #tpu.memory_space<vmem>>
      %dma_start3A_560 = tpu.memref_squeeze %dma_start3A_559 : memref<1x1x128xi32, #tpu.memory_space<vmem>> -> memref<128xi32, #tpu.memory_space<vmem>>
      %dma_start3A_561 = arith.constant 0 : i32
      %dma_start3A_562 = arith.constant 0 : i32
      %dma_start3A_563 = tpu.memref_slice %arg2[%dma_start3A_561, %dma_start3A_562] : memref<10240x128xf32, #tpu.memory_space<hbm>> -> memref<10240x128xf32, #tpu.memory_space<hbm>>
      tpu.enqueue_indirect_dma source(%dma_start3A_563 : memref<10240x128xf32, #tpu.memory_space<hbm>>) target(%arg8 : memref<128x128xf32, #tpu.memory_space<vmem>>) offsets(%dma_start3A_560 : memref<128xi32, #tpu.memory_space<vmem>>) semaphore(%arg11 : memref<!tpu.dma_semaphore, #tpu.memory_space<semaphore_mem>>)
      %dma_wait3A_564 = arith.constant 0 : i32
      %dma_wait3A_565 = arith.constant 4 : i32
      %dma_wait3A_566 = arith.constant 0 : i32
      %dma_wait3A_567 = tpu.memref_slice %arg6[%dma_wait3A_564, %dma_wait3A_565, %dma_wait3A_566] : memref<2x8x128xi32, #tpu.memory_space<vmem>> -> memref<1x1x128xi32, #tpu.memory_space<vmem>>
      %dma_wait3A_568 = tpu.memref_squeeze %dma_wait3A_567 : memref<1x1x128xi32, #tpu.memory_space<vmem>> -> memref<128xi32, #tpu.memory_space<vmem>>
      %dma_wait3A_569 = arith.constant 0 : i32
      %dma_wait3A_570 = arith.constant 0 : i32
      %dma_wait3A_571 = tpu.memref_slice %arg2[%dma_wait3A_569, %dma_wait3A_570] : memref<10240x128xf32, #tpu.memory_space<hbm>> -> memref<10240x128xf32, #tpu.memory_space<hbm>>
      tpu.wait_indirect_dma semaphore(%arg10 : memref<!tpu.dma_semaphore, #tpu.memory_space<semaphore_mem>>) src(%dma_wait3A_571 : memref<10240x128xf32, #tpu.memory_space<hbm>>) dst(%arg7 : memref<128x128xf32, #tpu.memory_space<vmem>>)
      %dma_start3A_572 = arith.constant 1 : i32
      %dma_start3A_573 = arith.constant 4 : i32
      %dma_start3A_574 = arith.constant 0 : i32
      %dma_start3A_575 = tpu.memref_slice %arg6[%dma_start3A_572, %dma_start3A_573, %dma_start3A_574] : memref<2x8x128xi32, #tpu.memory_space<vmem>> -> memref<1x1x128xi32, #tpu.memory_space<vmem>>
      %dma_start3A_576 = tpu.memref_squeeze %dma_start3A_575 : memref<1x1x128xi32, #tpu.memory_space<vmem>> -> memref<128xi32, #tpu.memory_space<vmem>>
      %dma_start3A_577 = arith.constant 0 : i32
      %dma_start3A_578 = arith.constant 0 : i32
      %dma_start3A_579 = tpu.memref_slice %arg9[%dma_start3A_577, %dma_start3A_578] : memref<10240x128xf32, #tpu.memory_space<vmem_shared>> -> memref<10240x128xf32, #tpu.memory_space<vmem_shared>>
      tpu.enqueue_indirect_dma source(%arg7 : memref<128x128xf32, #tpu.memory_space<vmem>>) target(%dma_start3A_579 : memref<10240x128xf32, #tpu.memory_space<vmem_shared>>) offsets(%dma_start3A_576 : memref<128xi32, #tpu.memory_space<vmem>>) semaphore(%arg14 : memref<!tpu.dma_semaphore, #tpu.memory_space<semaphore_mem>>) {add = true}
      %dma_wait3A_580 = arith.constant 1 : i32
      %dma_wait3A_581 = arith.constant 0 : i32
      %dma_wait3A_582 = arith.constant 0 : i32
      %dma_wait3A_583 = tpu.memref_slice %arg5[%dma_wait3A_580, %dma_wait3A_581, %dma_wait3A_582] : memref<2x8x128xi32, #tpu.memory_space<vmem>> -> memref<1x1x128xi32, #tpu.memory_space<vmem>>
      %dma_wait3A_584 = tpu.memref_squeeze %dma_wait3A_583 : memref<1x1x128xi32, #tpu.memory_space<vmem>> -> memref<128xi32, #tpu.memory_space<vmem>>
      %dma_wait3A_585 = arith.constant 0 : i32
      %dma_wait3A_586 = arith.constant 0 : i32
      %dma_wait3A_587 = tpu.memref_slice %arg9[%dma_wait3A_585, %dma_wait3A_586] : memref<10240x128xf32, #tpu.memory_space<vmem_shared>> -> memref<10240x128xf32, #tpu.memory_space<vmem_shared>>
      tpu.wait_indirect_dma semaphore(%arg14 : memref<!tpu.dma_semaphore, #tpu.memory_space<semaphore_mem>>) src(%arg7 : memref<128x128xf32, #tpu.memory_space<vmem>>) dst(%dma_wait3A_587 : memref<10240x128xf32, #tpu.memory_space<vmem_shared>>)
      %dma_start3A_588 = arith.constant 0 : i32
      %dma_start3A_589 = arith.constant 6 : i32
      %dma_start3A_590 = arith.constant 0 : i32
      %dma_start3A_591 = tpu.memref_slice %arg6[%dma_start3A_588, %dma_start3A_589, %dma_start3A_590] : memref<2x8x128xi32, #tpu.memory_space<vmem>> -> memref<1x1x128xi32, #tpu.memory_space<vmem>>
      %dma_start3A_592 = tpu.memref_squeeze %dma_start3A_591 : memref<1x1x128xi32, #tpu.memory_space<vmem>> -> memref<128xi32, #tpu.memory_space<vmem>>
      %dma_start3A_593 = arith.constant 0 : i32
      %dma_start3A_594 = arith.constant 0 : i32
      %dma_start3A_595 = tpu.memref_slice %arg2[%dma_start3A_593, %dma_start3A_594] : memref<10240x128xf32, #tpu.memory_space<hbm>> -> memref<10240x128xf32, #tpu.memory_space<hbm>>
      tpu.enqueue_indirect_dma source(%dma_start3A_595 : memref<10240x128xf32, #tpu.memory_space<hbm>>) target(%arg7 : memref<128x128xf32, #tpu.memory_space<vmem>>) offsets(%dma_start3A_592 : memref<128xi32, #tpu.memory_space<vmem>>) semaphore(%arg10 : memref<!tpu.dma_semaphore, #tpu.memory_space<semaphore_mem>>)
      %dma_wait3A_596 = arith.constant 0 : i32
      %dma_wait3A_597 = arith.constant 5 : i32
      %dma_wait3A_598 = arith.constant 0 : i32
      %dma_wait3A_599 = tpu.memref_slice %arg6[%dma_wait3A_596, %dma_wait3A_597, %dma_wait3A_598] : memref<2x8x128xi32, #tpu.memory_space<vmem>> -> memref<1x1x128xi32, #tpu.memory_space<vmem>>
      %dma_wait3A_600 = tpu.memref_squeeze %dma_wait3A_599 : memref<1x1x128xi32, #tpu.memory_space<vmem>> -> memref<128xi32, #tpu.memory_space<vmem>>
      %dma_wait3A_601 = arith.constant 0 : i32
      %dma_wait3A_602 = arith.constant 0 : i32
      %dma_wait3A_603 = tpu.memref_slice %arg2[%dma_wait3A_601, %dma_wait3A_602] : memref<10240x128xf32, #tpu.memory_space<hbm>> -> memref<10240x128xf32, #tpu.memory_space<hbm>>
      tpu.wait_indirect_dma semaphore(%arg11 : memref<!tpu.dma_semaphore, #tpu.memory_space<semaphore_mem>>) src(%dma_wait3A_603 : memref<10240x128xf32, #tpu.memory_space<hbm>>) dst(%arg8 : memref<128x128xf32, #tpu.memory_space<vmem>>)
      %dma_start3A_604 = arith.constant 1 : i32
      %dma_start3A_605 = arith.constant 5 : i32
      %dma_start3A_606 = arith.constant 0 : i32
      %dma_start3A_607 = tpu.memref_slice %arg6[%dma_start3A_604, %dma_start3A_605, %dma_start3A_606] : memref<2x8x128xi32, #tpu.memory_space<vmem>> -> memref<1x1x128xi32, #tpu.memory_space<vmem>>
      %dma_start3A_608 = tpu.memref_squeeze %dma_start3A_607 : memref<1x1x128xi32, #tpu.memory_space<vmem>> -> memref<128xi32, #tpu.memory_space<vmem>>
      %dma_start3A_609 = arith.constant 0 : i32
      %dma_start3A_610 = arith.constant 0 : i32
      %dma_start3A_611 = tpu.memref_slice %arg9[%dma_start3A_609, %dma_start3A_610] : memref<10240x128xf32, #tpu.memory_space<vmem_shared>> -> memref<10240x128xf32, #tpu.memory_space<vmem_shared>>
      tpu.enqueue_indirect_dma source(%arg8 : memref<128x128xf32, #tpu.memory_space<vmem>>) target(%dma_start3A_611 : memref<10240x128xf32, #tpu.memory_space<vmem_shared>>) offsets(%dma_start3A_608 : memref<128xi32, #tpu.memory_space<vmem>>) semaphore(%arg15 : memref<!tpu.dma_semaphore, #tpu.memory_space<semaphore_mem>>) {add = true}
      %dma_wait3A_612 = arith.constant 1 : i32
      %dma_wait3A_613 = arith.constant 0 : i32
      %dma_wait3A_614 = arith.constant 0 : i32
      %dma_wait3A_615 = tpu.memref_slice %arg5[%dma_wait3A_612, %dma_wait3A_613, %dma_wait3A_614] : memref<2x8x128xi32, #tpu.memory_space<vmem>> -> memref<1x1x128xi32, #tpu.memory_space<vmem>>
      %dma_wait3A_616 = tpu.memref_squeeze %dma_wait3A_615 : memref<1x1x128xi32, #tpu.memory_space<vmem>> -> memref<128xi32, #tpu.memory_space<vmem>>
      %dma_wait3A_617 = arith.constant 0 : i32
      %dma_wait3A_618 = arith.constant 0 : i32
      %dma_wait3A_619 = tpu.memref_slice %arg9[%dma_wait3A_617, %dma_wait3A_618] : memref<10240x128xf32, #tpu.memory_space<vmem_shared>> -> memref<10240x128xf32, #tpu.memory_space<vmem_shared>>
      tpu.wait_indirect_dma semaphore(%arg15 : memref<!tpu.dma_semaphore, #tpu.memory_space<semaphore_mem>>) src(%arg8 : memref<128x128xf32, #tpu.memory_space<vmem>>) dst(%dma_wait3A_619 : memref<10240x128xf32, #tpu.memory_space<vmem_shared>>)
      %dma_start3A_620 = arith.constant 0 : i32
      %dma_start3A_621 = arith.constant 7 : i32
      %dma_start3A_622 = arith.constant 0 : i32
      %dma_start3A_623 = tpu.memref_slice %arg6[%dma_start3A_620, %dma_start3A_621, %dma_start3A_622] : memref<2x8x128xi32, #tpu.memory_space<vmem>> -> memref<1x1x128xi32, #tpu.memory_space<vmem>>
      %dma_start3A_624 = tpu.memref_squeeze %dma_start3A_623 : memref<1x1x128xi32, #tpu.memory_space<vmem>> -> memref<128xi32, #tpu.memory_space<vmem>>
      %dma_start3A_625 = arith.constant 0 : i32
      %dma_start3A_626 = arith.constant 0 : i32
      %dma_start3A_627 = tpu.memref_slice %arg2[%dma_start3A_625, %dma_start3A_626] : memref<10240x128xf32, #tpu.memory_space<hbm>> -> memref<10240x128xf32, #tpu.memory_space<hbm>>
      tpu.enqueue_indirect_dma source(%dma_start3A_627 : memref<10240x128xf32, #tpu.memory_space<hbm>>) target(%arg8 : memref<128x128xf32, #tpu.memory_space<vmem>>) offsets(%dma_start3A_624 : memref<128xi32, #tpu.memory_space<vmem>>) semaphore(%arg11 : memref<!tpu.dma_semaphore, #tpu.memory_space<semaphore_mem>>)
      %dma_wait3A_628 = arith.constant 0 : i32
      %dma_wait3A_629 = arith.constant 6 : i32
      %dma_wait3A_630 = arith.constant 0 : i32
      %dma_wait3A_631 = tpu.memref_slice %arg6[%dma_wait3A_628, %dma_wait3A_629, %dma_wait3A_630] : memref<2x8x128xi32, #tpu.memory_space<vmem>> -> memref<1x1x128xi32, #tpu.memory_space<vmem>>
      %dma_wait3A_632 = tpu.memref_squeeze %dma_wait3A_631 : memref<1x1x128xi32, #tpu.memory_space<vmem>> -> memref<128xi32, #tpu.memory_space<vmem>>
      %dma_wait3A_633 = arith.constant 0 : i32
      %dma_wait3A_634 = arith.constant 0 : i32
      %dma_wait3A_635 = tpu.memref_slice %arg2[%dma_wait3A_633, %dma_wait3A_634] : memref<10240x128xf32, #tpu.memory_space<hbm>> -> memref<10240x128xf32, #tpu.memory_space<hbm>>
      tpu.wait_indirect_dma semaphore(%arg10 : memref<!tpu.dma_semaphore, #tpu.memory_space<semaphore_mem>>) src(%dma_wait3A_635 : memref<10240x128xf32, #tpu.memory_space<hbm>>) dst(%arg7 : memref<128x128xf32, #tpu.memory_space<vmem>>)
      %dma_start3A_636 = arith.constant 1 : i32
      %dma_start3A_637 = arith.constant 6 : i32
      %dma_start3A_638 = arith.constant 0 : i32
      %dma_start3A_639 = tpu.memref_slice %arg6[%dma_start3A_636, %dma_start3A_637, %dma_start3A_638] : memref<2x8x128xi32, #tpu.memory_space<vmem>> -> memref<1x1x128xi32, #tpu.memory_space<vmem>>
      %dma_start3A_640 = tpu.memref_squeeze %dma_start3A_639 : memref<1x1x128xi32, #tpu.memory_space<vmem>> -> memref<128xi32, #tpu.memory_space<vmem>>
      %dma_start3A_641 = arith.constant 0 : i32
      %dma_start3A_642 = arith.constant 0 : i32
      %dma_start3A_643 = tpu.memref_slice %arg9[%dma_start3A_641, %dma_start3A_642] : memref<10240x128xf32, #tpu.memory_space<vmem_shared>> -> memref<10240x128xf32, #tpu.memory_space<vmem_shared>>
      tpu.enqueue_indirect_dma source(%arg7 : memref<128x128xf32, #tpu.memory_space<vmem>>) target(%dma_start3A_643 : memref<10240x128xf32, #tpu.memory_space<vmem_shared>>) offsets(%dma_start3A_640 : memref<128xi32, #tpu.memory_space<vmem>>) semaphore(%arg14 : memref<!tpu.dma_semaphore, #tpu.memory_space<semaphore_mem>>) {add = true}
      %dma_wait3A_644 = arith.constant 0 : i32
      %dma_wait3A_645 = arith.constant 7 : i32
      %dma_wait3A_646 = arith.constant 0 : i32
      %dma_wait3A_647 = tpu.memref_slice %arg6[%dma_wait3A_644, %dma_wait3A_645, %dma_wait3A_646] : memref<2x8x128xi32, #tpu.memory_space<vmem>> -> memref<1x1x128xi32, #tpu.memory_space<vmem>>
      %dma_wait3A_648 = tpu.memref_squeeze %dma_wait3A_647 : memref<1x1x128xi32, #tpu.memory_space<vmem>> -> memref<128xi32, #tpu.memory_space<vmem>>
      %dma_wait3A_649 = arith.constant 0 : i32
      %dma_wait3A_650 = arith.constant 0 : i32
      %dma_wait3A_651 = tpu.memref_slice %arg2[%dma_wait3A_649, %dma_wait3A_650] : memref<10240x128xf32, #tpu.memory_space<hbm>> -> memref<10240x128xf32, #tpu.memory_space<hbm>>
      tpu.wait_indirect_dma semaphore(%arg11 : memref<!tpu.dma_semaphore, #tpu.memory_space<semaphore_mem>>) src(%dma_wait3A_651 : memref<10240x128xf32, #tpu.memory_space<hbm>>) dst(%arg8 : memref<128x128xf32, #tpu.memory_space<vmem>>)
      %dma_start3A_652 = arith.constant 1 : i32
      %dma_start3A_653 = arith.constant 7 : i32
      %dma_start3A_654 = arith.constant 0 : i32
      %dma_start3A_655 = tpu.memref_slice %arg6[%dma_start3A_652, %dma_start3A_653, %dma_start3A_654] : memref<2x8x128xi32, #tpu.memory_space<vmem>> -> memref<1x1x128xi32, #tpu.memory_space<vmem>>
      %dma_start3A_656 = tpu.memref_squeeze %dma_start3A_655 : memref<1x1x128xi32, #tpu.memory_space<vmem>> -> memref<128xi32, #tpu.memory_space<vmem>>
      %dma_start3A_657 = arith.constant 0 : i32
      %dma_start3A_658 = arith.constant 0 : i32
      %dma_start3A_659 = tpu.memref_slice %arg9[%dma_start3A_657, %dma_start3A_658] : memref<10240x128xf32, #tpu.memory_space<vmem_shared>> -> memref<10240x128xf32, #tpu.memory_space<vmem_shared>>
      tpu.enqueue_indirect_dma source(%arg8 : memref<128x128xf32, #tpu.memory_space<vmem>>) target(%dma_start3A_659 : memref<10240x128xf32, #tpu.memory_space<vmem_shared>>) offsets(%dma_start3A_656 : memref<128xi32, #tpu.memory_space<vmem>>) semaphore(%arg15 : memref<!tpu.dma_semaphore, #tpu.memory_space<semaphore_mem>>) {add = true}
      %dma_wait3A_660 = arith.constant 0 : i32
      %dma_wait3A_661 = arith.constant 0 : i32
      %dma_wait3A_662 = arith.constant 0 : i32
      %dma_wait3A_663 = tpu.memref_slice %arg3[%dma_wait3A_660, %dma_wait3A_661, %dma_wait3A_662] : memref<2x5120x128xi32, #tpu.memory_space<hbm>> -> memref<2x8x128xi32, #tpu.memory_space<hbm>>
      %dma_wait3A_664 = arith.constant 0 : i32
      %dma_wait3A_665 = arith.constant 0 : i32
      %dma_wait3A_666 = arith.constant 0 : i32
      %dma_wait3A_667 = tpu.memref_slice %arg3[%dma_wait3A_664, %dma_wait3A_665, %dma_wait3A_666] : memref<2x5120x128xi32, #tpu.memory_space<hbm>> -> memref<2x8x128xi32, #tpu.memory_space<hbm>>
      tpu.wait_dma2 semaphore(%arg12 : memref<!tpu.dma_semaphore, #tpu.memory_space<semaphore_mem>>) src(%dma_wait3A_667 : memref<2x8x128xi32, #tpu.memory_space<hbm>>) dst(%arg5 : memref<2x8x128xi32, #tpu.memory_space<vmem>>)
      %while3A_668 = arith.constant 0 : i32
      scf.yield %while3A_668 : i32
    }
    %dma_wait3A_80 = arith.constant 1 : i32
    %dma_wait3A_81 = arith.constant 0 : i32
    %dma_wait3A_82 = arith.constant 0 : i32
    %dma_wait3A_83 = tpu.memref_slice %arg5[%dma_wait3A_80, %dma_wait3A_81, %dma_wait3A_82] : memref<2x8x128xi32, #tpu.memory_space<vmem>> -> memref<1x1x128xi32, #tpu.memory_space<vmem>>
    %dma_wait3A_84 = tpu.memref_squeeze %dma_wait3A_83 : memref<1x1x128xi32, #tpu.memory_space<vmem>> -> memref<128xi32, #tpu.memory_space<vmem>>
    %dma_wait3A_85 = arith.constant 0 : i32
    %dma_wait3A_86 = arith.constant 0 : i32
    %dma_wait3A_87 = tpu.memref_slice %arg9[%dma_wait3A_85, %dma_wait3A_86] : memref<10240x128xf32, #tpu.memory_space<vmem_shared>> -> memref<10240x128xf32, #tpu.memory_space<vmem_shared>>
    tpu.wait_indirect_dma semaphore(%arg14 : memref<!tpu.dma_semaphore, #tpu.memory_space<semaphore_mem>>) src(%arg7 : memref<128x128xf32, #tpu.memory_space<vmem>>) dst(%dma_wait3A_87 : memref<10240x128xf32, #tpu.memory_space<vmem_shared>>)
    %dma_wait3A_88 = arith.constant 1 : i32
    %dma_wait3A_89 = arith.constant 0 : i32
    %dma_wait3A_90 = arith.constant 0 : i32
    %dma_wait3A_91 = tpu.memref_slice %arg5[%dma_wait3A_88, %dma_wait3A_89, %dma_wait3A_90] : memref<2x8x128xi32, #tpu.memory_space<vmem>> -> memref<1x1x128xi32, #tpu.memory_space<vmem>>
    %dma_wait3A_92 = tpu.memref_squeeze %dma_wait3A_91 : memref<1x1x128xi32, #tpu.memory_space<vmem>> -> memref<128xi32, #tpu.memory_space<vmem>>
    %dma_wait3A_93 = arith.constant 0 : i32
    %dma_wait3A_94 = arith.constant 0 : i32
    %dma_wait3A_95 = tpu.memref_slice %arg9[%dma_wait3A_93, %dma_wait3A_94] : memref<10240x128xf32, #tpu.memory_space<vmem_shared>> -> memref<10240x128xf32, #tpu.memory_space<vmem_shared>>
    tpu.wait_indirect_dma semaphore(%arg15 : memref<!tpu.dma_semaphore, #tpu.memory_space<semaphore_mem>>) src(%arg8 : memref<128x128xf32, #tpu.memory_space<vmem>>) dst(%dma_wait3A_95 : memref<10240x128xf32, #tpu.memory_space<vmem_shared>>)
    %barrier3A_96 = arith.constant 0 : index
    tpu.barrier barrier_id(%barrier3A_96)
    %add3A_97 = arith.constant 0 : i32
    %add3A_98 = arith.addi %mul3A_17, %add3A_97 : i32
    "tpu.region"() ({
      %run_scoped3A = tpu.sem_alloc : memref<!tpu.dma_semaphore, #tpu.memory_space<semaphore_mem>>
      %dma_start3A_107 = arith.constant 0 : i32
      %dma_start3A_108 = tpu.memref_slice %arg4[%arg0, %add3A_98, %dma_start3A_107] : memref<2x10240x128xf32, #tpu.memory_space<hbm>> -> memref<1x128x128xf32, #tpu.memory_space<hbm>>
      %dma_start3A_109 = tpu.memref_squeeze %dma_start3A_108 : memref<1x128x128xf32, #tpu.memory_space<hbm>> -> memref<128x128xf32, #tpu.memory_space<hbm>>
      %dma_start3A_110 = arith.constant 0 : i32
      %dma_start3A_111 = tpu.memref_slice %arg9[%add3A_98, %dma_start3A_110] : memref<10240x128xf32, #tpu.memory_space<vmem_shared>> -> memref<128x128xf32, #tpu.memory_space<vmem_shared>>
      tpu.enqueue_dma source(%dma_start3A_111 : memref<128x128xf32, #tpu.memory_space<vmem_shared>>) target(%dma_start3A_109 : memref<128x128xf32, #tpu.memory_space<hbm>>) target_semaphore(%run_scoped3A : memref<!tpu.dma_semaphore, #tpu.memory_space<semaphore_mem>>)
      %dma_wait3A_112 = arith.constant 0 : i32
      %dma_wait3A_113 = tpu.memref_slice %arg4[%arg0, %add3A_98, %dma_wait3A_112] : memref<2x10240x128xf32, #tpu.memory_space<hbm>> -> memref<1x128x128xf32, #tpu.memory_space<hbm>>
      %dma_wait3A_114 = tpu.memref_squeeze %dma_wait3A_113 : memref<1x128x128xf32, #tpu.memory_space<hbm>> -> memref<128x128xf32, #tpu.memory_space<hbm>>
      %dma_wait3A_115 = arith.constant 0 : i32
      %dma_wait3A_116 = tpu.memref_slice %arg9[%add3A_98, %dma_wait3A_115] : memref<10240x128xf32, #tpu.memory_space<vmem_shared>> -> memref<128x128xf32, #tpu.memory_space<vmem_shared>>
      tpu.wait_dma2 semaphore(%run_scoped3A : memref<!tpu.dma_semaphore, #tpu.memory_space<semaphore_mem>>) src(%dma_wait3A_116 : memref<128x128xf32, #tpu.memory_space<vmem_shared>>) dst(%dma_wait3A_114 : memref<128x128xf32, #tpu.memory_space<hbm>>)
      tpu.yield
    }) : () -> ()
    %add3A_99 = arith.constant 128 : i32
    %add3A_100 = arith.addi %mul3A_17, %add3A_99 : i32
    "tpu.region"() ({
      %run_scoped3A = tpu.sem_alloc : memref<!tpu.dma_semaphore, #tpu.memory_space<semaphore_mem>>
      %dma_start3A_107 = arith.constant 0 : i32
      %dma_start3A_108 = tpu.memref_slice %arg4[%arg0, %add3A_100, %dma_start3A_107] : memref<2x10240x128xf32, #tpu.memory_space<hbm>> -> memref<1x128x128xf32, #tpu.memory_space<hbm>>
      %dma_start3A_109 = tpu.memref_squeeze %dma_start3A_108 : memref<1x128x128xf32, #tpu.memory_space<hbm>> -> memref<128x128xf32, #tpu.memory_space<hbm>>
      %dma_start3A_110 = arith.constant 0 : i32
      %dma_start3A_111 = tpu.memref_slice %arg9[%add3A_100, %dma_start3A_110] : memref<10240x128xf32, #tpu.memory_space<vmem_shared>> -> memref<128x128xf32, #tpu.memory_space<vmem_shared>>
      tpu.enqueue_dma source(%dma_start3A_111 : memref<128x128xf32, #tpu.memory_space<vmem_shared>>) target(%dma_start3A_109 : memref<128x128xf32, #tpu.memory_space<hbm>>) target_semaphore(%run_scoped3A : memref<!tpu.dma_semaphore, #tpu.memory_space<semaphore_mem>>)
      %dma_wait3A_112 = arith.constant 0 : i32
      %dma_wait3A_113 = tpu.memref_slice %arg4[%arg0, %add3A_100, %dma_wait3A_112] : memref<2x10240x128xf32, #tpu.memory_space<hbm>> -> memref<1x128x128xf32, #tpu.memory_space<hbm>>
      %dma_wait3A_114 = tpu.memref_squeeze %dma_wait3A_113 : memref<1x128x128xf32, #tpu.memory_space<hbm>> -> memref<128x128xf32, #tpu.memory_space<hbm>>
      %dma_wait3A_115 = arith.constant 0 : i32
      %dma_wait3A_116 = tpu.memref_slice %arg9[%add3A_100, %dma_wait3A_115] : memref<10240x128xf32, #tpu.memory_space<vmem_shared>> -> memref<128x128xf32, #tpu.memory_space<vmem_shared>>
      tpu.wait_dma2 semaphore(%run_scoped3A : memref<!tpu.dma_semaphore, #tpu.memory_space<semaphore_mem>>) src(%dma_wait3A_116 : memref<128x128xf32, #tpu.memory_space<vmem_shared>>) dst(%dma_wait3A_114 : memref<128x128xf32, #tpu.memory_space<hbm>>)
      tpu.yield
    }) : () -> ()
    %add3A_101 = arith.constant 256 : i32
    %add3A_102 = arith.addi %mul3A_17, %add3A_101 : i32
    "tpu.region"() ({
      %run_scoped3A = tpu.sem_alloc : memref<!tpu.dma_semaphore, #tpu.memory_space<semaphore_mem>>
      %dma_start3A_107 = arith.constant 0 : i32
      %dma_start3A_108 = tpu.memref_slice %arg4[%arg0, %add3A_102, %dma_start3A_107] : memref<2x10240x128xf32, #tpu.memory_space<hbm>> -> memref<1x128x128xf32, #tpu.memory_space<hbm>>
      %dma_start3A_109 = tpu.memref_squeeze %dma_start3A_108 : memref<1x128x128xf32, #tpu.memory_space<hbm>> -> memref<128x128xf32, #tpu.memory_space<hbm>>
      %dma_start3A_110 = arith.constant 0 : i32
      %dma_start3A_111 = tpu.memref_slice %arg9[%add3A_102, %dma_start3A_110] : memref<10240x128xf32, #tpu.memory_space<vmem_shared>> -> memref<128x128xf32, #tpu.memory_space<vmem_shared>>
      tpu.enqueue_dma source(%dma_start3A_111 : memref<128x128xf32, #tpu.memory_space<vmem_shared>>) target(%dma_start3A_109 : memref<128x128xf32, #tpu.memory_space<hbm>>) target_semaphore(%run_scoped3A : memref<!tpu.dma_semaphore, #tpu.memory_space<semaphore_mem>>)
      %dma_wait3A_112 = arith.constant 0 : i32
      %dma_wait3A_113 = tpu.memref_slice %arg4[%arg0, %add3A_102, %dma_wait3A_112] : memref<2x10240x128xf32, #tpu.memory_space<hbm>> -> memref<1x128x128xf32, #tpu.memory_space<hbm>>
      %dma_wait3A_114 = tpu.memref_squeeze %dma_wait3A_113 : memref<1x128x128xf32, #tpu.memory_space<hbm>> -> memref<128x128xf32, #tpu.memory_space<hbm>>
      %dma_wait3A_115 = arith.constant 0 : i32
      %dma_wait3A_116 = tpu.memref_slice %arg9[%add3A_102, %dma_wait3A_115] : memref<10240x128xf32, #tpu.memory_space<vmem_shared>> -> memref<128x128xf32, #tpu.memory_space<vmem_shared>>
      tpu.wait_dma2 semaphore(%run_scoped3A : memref<!tpu.dma_semaphore, #tpu.memory_space<semaphore_mem>>) src(%dma_wait3A_116 : memref<128x128xf32, #tpu.memory_space<vmem_shared>>) dst(%dma_wait3A_114 : memref<128x128xf32, #tpu.memory_space<hbm>>)
      tpu.yield
    }) : () -> ()
    %add3A_103 = arith.constant 384 : i32
    %add3A_104 = arith.addi %mul3A_17, %add3A_103 : i32
    "tpu.region"() ({
      %run_scoped3A = tpu.sem_alloc : memref<!tpu.dma_semaphore, #tpu.memory_space<semaphore_mem>>
      %dma_start3A_107 = arith.constant 0 : i32
      %dma_start3A_108 = tpu.memref_slice %arg4[%arg0, %add3A_104, %dma_start3A_107] : memref<2x10240x128xf32, #tpu.memory_space<hbm>> -> memref<1x128x128xf32, #tpu.memory_space<hbm>>
      %dma_start3A_109 = tpu.memref_squeeze %dma_start3A_108 : memref<1x128x128xf32, #tpu.memory_space<hbm>> -> memref<128x128xf32, #tpu.memory_space<hbm>>
      %dma_start3A_110 = arith.constant 0 : i32
      %dma_start3A_111 = tpu.memref_slice %arg9[%add3A_104, %dma_start3A_110] : memref<10240x128xf32, #tpu.memory_space<vmem_shared>> -> memref<128x128xf32, #tpu.memory_space<vmem_shared>>
      tpu.enqueue_dma source(%dma_start3A_111 : memref<128x128xf32, #tpu.memory_space<vmem_shared>>) target(%dma_start3A_109 : memref<128x128xf32, #tpu.memory_space<hbm>>) target_semaphore(%run_scoped3A : memref<!tpu.dma_semaphore, #tpu.memory_space<semaphore_mem>>)
      %dma_wait3A_112 = arith.constant 0 : i32
      %dma_wait3A_113 = tpu.memref_slice %arg4[%arg0, %add3A_104, %dma_wait3A_112] : memref<2x10240x128xf32, #tpu.memory_space<hbm>> -> memref<1x128x128xf32, #tpu.memory_space<hbm>>
      %dma_wait3A_114 = tpu.memref_squeeze %dma_wait3A_113 : memref<1x128x128xf32, #tpu.memory_space<hbm>> -> memref<128x128xf32, #tpu.memory_space<hbm>>
      %dma_wait3A_115 = arith.constant 0 : i32
      %dma_wait3A_116 = tpu.memref_slice %arg9[%add3A_104, %dma_wait3A_115] : memref<10240x128xf32, #tpu.memory_space<vmem_shared>> -> memref<128x128xf32, #tpu.memory_space<vmem_shared>>
      tpu.wait_dma2 semaphore(%run_scoped3A : memref<!tpu.dma_semaphore, #tpu.memory_space<semaphore_mem>>) src(%dma_wait3A_116 : memref<128x128xf32, #tpu.memory_space<vmem_shared>>) dst(%dma_wait3A_114 : memref<128x128xf32, #tpu.memory_space<hbm>>)
      tpu.yield
    }) : () -> ()
    %add3A_105 = arith.constant 512 : i32
    %add3A_106 = arith.addi %mul3A_17, %add3A_105 : i32
    "tpu.region"() ({
      %run_scoped3A = tpu.sem_alloc : memref<!tpu.dma_semaphore, #tpu.memory_space<semaphore_mem>>
      %dma_start3A_107 = arith.constant 0 : i32
      %dma_start3A_108 = tpu.memref_slice %arg4[%arg0, %add3A_106, %dma_start3A_107] : memref<2x10240x128xf32, #tpu.memory_space<hbm>> -> memref<1x128x128xf32, #tpu.memory_space<hbm>>
      %dma_start3A_109 = tpu.memref_squeeze %dma_start3A_108 : memref<1x128x128xf32, #tpu.memory_space<hbm>> -> memref<128x128xf32, #tpu.memory_space<hbm>>
      %dma_start3A_110 = arith.constant 0 : i32
      %dma_start3A_111 = tpu.memref_slice %arg9[%add3A_106, %dma_start3A_110] : memref<10240x128xf32, #tpu.memory_space<vmem_shared>> -> memref<128x128xf32, #tpu.memory_space<vmem_shared>>
      tpu.enqueue_dma source(%dma_start3A_111 : memref<128x128xf32, #tpu.memory_space<vmem_shared>>) target(%dma_start3A_109 : memref<128x128xf32, #tpu.memory_space<hbm>>) target_semaphore(%run_scoped3A : memref<!tpu.dma_semaphore, #tpu.memory_space<semaphore_mem>>)
      %dma_wait3A_112 = arith.constant 0 : i32
      %dma_wait3A_113 = tpu.memref_slice %arg4[%arg0, %add3A_106, %dma_wait3A_112] : memref<2x10240x128xf32, #tpu.memory_space<hbm>> -> memref<1x128x128xf32, #tpu.memory_space<hbm>>
      %dma_wait3A_114 = tpu.memref_squeeze %dma_wait3A_113 : memref<1x128x128xf32, #tpu.memory_space<hbm>> -> memref<128x128xf32, #tpu.memory_space<hbm>>
      %dma_wait3A_115 = arith.constant 0 : i32
      %dma_wait3A_116 = tpu.memref_slice %arg9[%add3A_106, %dma_wait3A_115] : memref<10240x128xf32, #tpu.memory_space<vmem_shared>> -> memref<128x128xf32, #tpu.memory_space<vmem_shared>>
      tpu.wait_dma2 semaphore(%run_scoped3A : memref<!tpu.dma_semaphore, #tpu.memory_space<semaphore_mem>>) src(%dma_wait3A_116 : memref<128x128xf32, #tpu.memory_space<vmem_shared>>) dst(%dma_wait3A_114 : memref<128x128xf32, #tpu.memory_space<hbm>>)
      tpu.yield
    }) : () -> ()
    return
  }
}

module attributes {stable_mosaic.version = 14 : i64} {
  func.func @_pre_body(%arg0: i32, %arg1: memref<1280x128xf32, #tpu.memory_space<vmem>>, %arg2: memref<128x128xf32, #tpu.memory_space<vmem>>, %arg3: memref<1x128xf32, #tpu.memory_space<vmem>>, %arg4: memref<1x128xf32, #tpu.memory_space<vmem>>, %arg5: memref<1280x128xf32, #tpu.memory_space<vmem>>) attributes {dimension_semantics = [#tpu.dimension_semantics<arbitrary>], iteration_bounds = array<i64: 8>, scalar_prefetch = 0 : i64, scratch_operands = 0 : i64, tpu.core_type = #tpu.core_type<tc>, window_params = [{transform_indices = @transform_0, window_bounds = array<i64: 1280, 128>}, {pipeline_mode = #tpu.pipeline_mode<synchronous>, transform_indices = @transform_1, window_bounds = array<i64: 128, 128>}, {pipeline_mode = #tpu.pipeline_mode<synchronous>, transform_indices = @transform_2, window_bounds = array<i64: 1, 128>}, {pipeline_mode = #tpu.pipeline_mode<synchronous>, transform_indices = @transform_3, window_bounds = array<i64: 1, 128>}, {transform_indices = @transform_4, window_bounds = array<i64: 1280, 128>}]} {
    %get3A = arith.constant 0 : index
    %get3A_0 = arith.constant 0 : index
    %get3A_1 = vector.load %arg1[%get3A, %get3A_0] : memref<1280x128xf32, #tpu.memory_space<vmem>>, vector<1280x128xf32>
    %get3A_2 = arith.constant 0 : index
    %get3A_3 = arith.constant 0 : index
    %get3A_4 = vector.load %arg2[%get3A_2, %get3A_3] : memref<128x128xf32, #tpu.memory_space<vmem>>, vector<128x128xf32>
    %dot_general3A = arith.constant dense<0.000000e+00> : vector<1280x128xf32>
    %dot_general3A_5 = tpu.matmul %get3A_1, %get3A_4, %dot_general3A {dimension_numbers = #tpu.dot_dimension_numbers<[1], [0], [0], [1], [0, 0, 1, 1], [], []>, transpose_lhs_hint = false} : vector<1280x128xf32>, vector<128x128xf32>, vector<1280x128xf32> -> vector<1280x128xf32>
    %get3A_6 = arith.constant 0 : index
    %get3A_7 = arith.constant 0 : index
    %get3A_8 = vector.load %arg3[%get3A_6, %get3A_7] : memref<1x128xf32, #tpu.memory_space<vmem>>, vector<1x128xf32>
    %add3A = vector.broadcast %get3A_8 : vector<1x128xf32> to vector<1280x128xf32>
    %add3A_9 = arith.addf %dot_general3A_5, %add3A : vector<1280x128xf32>
    %get3A_10 = arith.constant 0 : index
    %get3A_11 = arith.constant 0 : index
    %get3A_12 = vector.load %arg4[%get3A_10, %get3A_11] : memref<1x128xf32, #tpu.memory_space<vmem>>, vector<1x128xf32>
    %ge3A = arith.constant 0.000000e+00 : f32
    %ge3A_13 = vector.broadcast %ge3A : f32 to vector<1280x128xf32>
    %ge3A_14 = arith.cmpf oge, %add3A_9, %ge3A_13 : vector<1280x128xf32>
    %mul3A = vector.broadcast %get3A_12 : vector<1x128xf32> to vector<1280x128xf32>
    %mul3A_15 = arith.mulf %mul3A, %add3A_9 : vector<1280x128xf32>
    %select_n3A = arith.select %ge3A_14, %add3A_9, %mul3A_15 : vector<1280x128xi1>, vector<1280x128xf32>
    %iota3A = tpu.iota {dimensions = array<i32: 0>} : vector<1280x128xi32>
    %mul3A_16 = arith.constant 1280 : i32
    %mul3A_17 = arith.muli %arg0, %mul3A_16 : i32
    %add3A_18 = vector.broadcast %mul3A_17 : i32 to vector<1280x128xi32>
    %add3A_19 = arith.addi %iota3A, %add3A_18 : vector<1280x128xi32>
    %lt3A = arith.constant 10000 : i32
    %lt3A_20 = vector.broadcast %lt3A : i32 to vector<1280x128xi32>
    %lt3A_21 = arith.cmpi slt, %add3A_19, %lt3A_20 : vector<1280x128xi32>
    %jit3A = arith.constant 0.000000e+00 : f32
    %broadcast_in_dim3A = vector.broadcast %jit3A : f32 to vector<1280x128xf32>
    %select_n3A_22 = arith.select %lt3A_21, %select_n3A, %broadcast_in_dim3A : vector<1280x128xi1>, vector<1280x128xf32>
    %swap3A = arith.constant 0 : index
    %swap3A_23 = arith.constant 0 : index
    %swap3A_24 = vector.load %arg5[%swap3A, %swap3A_23] : memref<1280x128xf32, #tpu.memory_space<vmem>>, vector<1280x128xf32>
    tpu.vector_store %arg5[%swap3A, %swap3A_23], %select_n3A_22 {strides = array<i32>} : memref<1280x128xf32, #tpu.memory_space<vmem>>, vector<1280x128xf32>,
    return
  }
  func.func @transform_0(%arg0: i32) -> (i32, i32) {
    %c0_i32 = arith.constant 0 : i32
    %c0_i32_0 = arith.constant 0 : i32
    return %arg0, %c0_i32 : i32, i32
  }
  func.func @transform_1(%arg0: i32) -> (i32, i32) {
    %c0_i32 = arith.constant 0 : i32
    %c0_i32_0 = arith.constant 0 : i32
    %c0_i32_1 = arith.constant 0 : i32
    return %c0_i32, %c0_i32_0 : i32, i32
  }
  func.func @transform_2(%arg0: i32) -> (i32, i32) {
    %c0_i32 = arith.constant 0 : i32
    %c0_i32_0 = arith.constant 0 : i32
    %c0_i32_1 = arith.constant 0 : i32
    return %c0_i32, %c0_i32_0 : i32, i32
  }
  func.func @transform_3(%arg0: i32) -> (i32, i32) {
    %c0_i32 = arith.constant 0 : i32
    %c0_i32_0 = arith.constant 0 : i32
    %c0_i32_1 = arith.constant 0 : i32
    return %c0_i32, %c0_i32_0 : i32, i32
  }
  func.func @transform_4(%arg0: i32) -> (i32, i32) {
    %c0_i32 = arith.constant 0 : i32
    %c0_i32_0 = arith.constant 0 : i32
    return %arg0, %c0_i32 : i32, i32
  }
}

module attributes {stable_mosaic.version = 14 : i64} {
  func.func @_combine_body(%arg0: i32, %arg1: memref<2x1280x128xf32, #tpu.memory_space<vmem>>, %arg2: memref<1280x128xf32, #tpu.memory_space<vmem>>, %arg3: memref<128x128xf32, #tpu.memory_space<vmem>>, %arg4: memref<1x128xf32, #tpu.memory_space<vmem>>, %arg5: memref<128x128xf32, #tpu.memory_space<vmem>>, %arg6: memref<1x128xf32, #tpu.memory_space<vmem>>, %arg7: memref<1280x128xf32, #tpu.memory_space<vmem>>) attributes {dimension_semantics = [#tpu.dimension_semantics<arbitrary>], iteration_bounds = array<i64: 8>, scalar_prefetch = 0 : i64, scratch_operands = 0 : i64, tpu.core_type = #tpu.core_type<tc>, window_params = [{transform_indices = @transform_0, window_bounds = array<i64: 2, 1280, 128>}, {transform_indices = @transform_1, window_bounds = array<i64: 1280, 128>}, {pipeline_mode = #tpu.pipeline_mode<synchronous>, transform_indices = @transform_2, window_bounds = array<i64: 128, 128>}, {pipeline_mode = #tpu.pipeline_mode<synchronous>, transform_indices = @transform_3, window_bounds = array<i64: 1, 128>}, {pipeline_mode = #tpu.pipeline_mode<synchronous>, transform_indices = @transform_4, window_bounds = array<i64: 128, 128>}, {pipeline_mode = #tpu.pipeline_mode<synchronous>, transform_indices = @transform_5, window_bounds = array<i64: 1, 128>}, {transform_indices = @transform_6, window_bounds = array<i64: 1280, 128>}]} {
    %get3A = arith.constant 0 : index
    %get3A_0 = arith.constant 0 : index
    %get3A_1 = arith.constant 0 : index
    %get3A_2 = vector.load %arg1[%get3A, %get3A_0, %get3A_1] : memref<2x1280x128xf32, #tpu.memory_space<vmem>>, vector<1x1280x128xf32>
    %get3A_3 = vector.shape_cast %get3A_2 : vector<1x1280x128xf32> to vector<1280x128xf32>
    %get3A_4 = arith.constant 1 : index
    %get3A_5 = arith.constant 0 : index
    %get3A_6 = arith.constant 0 : index
    %get3A_7 = vector.load %arg1[%get3A_4, %get3A_5, %get3A_6] : memref<2x1280x128xf32, #tpu.memory_space<vmem>>, vector<1x1280x128xf32>
    %get3A_8 = vector.shape_cast %get3A_7 : vector<1x1280x128xf32> to vector<1280x128xf32>
    %add3A = arith.addf %get3A_3, %get3A_8 : vector<1280x128xf32>
    %get3A_9 = arith.constant 0 : index
    %get3A_10 = arith.constant 0 : index
    %get3A_11 = vector.load %arg3[%get3A_9, %get3A_10] : memref<128x128xf32, #tpu.memory_space<vmem>>, vector<128x128xf32>
    %dot_general3A = arith.constant dense<0.000000e+00> : vector<1280x128xf32>
    %dot_general3A_12 = tpu.matmul %add3A, %get3A_11, %dot_general3A {dimension_numbers = #tpu.dot_dimension_numbers<[1], [0], [0], [1], [0, 0, 1, 1], [], []>, transpose_lhs_hint = false} : vector<1280x128xf32>, vector<128x128xf32>, vector<1280x128xf32> -> vector<1280x128xf32>
    %get3A_13 = arith.constant 0 : index
    %get3A_14 = arith.constant 0 : index
    %get3A_15 = vector.load %arg2[%get3A_13, %get3A_14] : memref<1280x128xf32, #tpu.memory_space<vmem>>, vector<1280x128xf32>
    %get3A_16 = arith.constant 0 : index
    %get3A_17 = arith.constant 0 : index
    %get3A_18 = vector.load %arg5[%get3A_16, %get3A_17] : memref<128x128xf32, #tpu.memory_space<vmem>>, vector<128x128xf32>
    %dot_general3A_19 = arith.constant dense<0.000000e+00> : vector<1280x128xf32>
    %dot_general3A_20 = tpu.matmul %get3A_15, %get3A_18, %dot_general3A_19 {dimension_numbers = #tpu.dot_dimension_numbers<[1], [0], [0], [1], [0, 0, 1, 1], [], []>, transpose_lhs_hint = false} : vector<1280x128xf32>, vector<128x128xf32>, vector<1280x128xf32> -> vector<1280x128xf32>
    %add3A_21 = arith.addf %dot_general3A_12, %dot_general3A_20 : vector<1280x128xf32>
    %get3A_22 = arith.constant 0 : index
    %get3A_23 = arith.constant 0 : index
    %get3A_24 = vector.load %arg4[%get3A_22, %get3A_23] : memref<1x128xf32, #tpu.memory_space<vmem>>, vector<1x128xf32>
    %add3A_25 = vector.broadcast %get3A_24 : vector<1x128xf32> to vector<1280x128xf32>
    %add3A_26 = arith.addf %add3A_21, %add3A_25 : vector<1280x128xf32>
    %get3A_27 = arith.constant 0 : index
    %get3A_28 = arith.constant 0 : index
    %get3A_29 = vector.load %arg6[%get3A_27, %get3A_28] : memref<1x128xf32, #tpu.memory_space<vmem>>, vector<1x128xf32>
    %ge3A = arith.constant 0.000000e+00 : f32
    %ge3A_30 = vector.broadcast %ge3A : f32 to vector<1280x128xf32>
    %ge3A_31 = arith.cmpf oge, %add3A_26, %ge3A_30 : vector<1280x128xf32>
    %mul3A = vector.broadcast %get3A_29 : vector<1x128xf32> to vector<1280x128xf32>
    %mul3A_32 = arith.mulf %mul3A, %add3A_26 : vector<1280x128xf32>
    %select_n3A = arith.select %ge3A_31, %add3A_26, %mul3A_32 : vector<1280x128xi1>, vector<1280x128xf32>
    %iota3A = tpu.iota {dimensions = array<i32: 0>} : vector<1280x128xi32>
    %mul3A_33 = arith.constant 1280 : i32
    %mul3A_34 = arith.muli %arg0, %mul3A_33 : i32
    %add3A_35 = vector.broadcast %mul3A_34 : i32 to vector<1280x128xi32>
    %add3A_36 = arith.addi %iota3A, %add3A_35 : vector<1280x128xi32>
    %lt3A = arith.constant 10000 : i32
    %lt3A_37 = vector.broadcast %lt3A : i32 to vector<1280x128xi32>
    %lt3A_38 = arith.cmpi slt, %add3A_36, %lt3A_37 : vector<1280x128xi32>
    %jit3A = arith.constant 0.000000e+00 : f32
    %broadcast_in_dim3A = vector.broadcast %jit3A : f32 to vector<1280x128xf32>
    %select_n3A_39 = arith.select %lt3A_38, %select_n3A, %broadcast_in_dim3A : vector<1280x128xi1>, vector<1280x128xf32>
    %swap3A = arith.constant 0 : index
    %swap3A_40 = arith.constant 0 : index
    %swap3A_41 = vector.load %arg7[%swap3A, %swap3A_40] : memref<1280x128xf32, #tpu.memory_space<vmem>>, vector<1280x128xf32>
    tpu.vector_store %arg7[%swap3A, %swap3A_40], %select_n3A_39 {strides = array<i32>} : memref<1280x128xf32, #tpu.memory_space<vmem>>, vector<1280x128xf32>,
    return
  }
  func.func @transform_0(%arg0: i32) -> (i32, i32, i32) {
    %c0_i32 = arith.constant 0 : i32
    %c0_i32_0 = arith.constant 0 : i32
    %c0_i32_1 = arith.constant 0 : i32
    return %c0_i32, %arg0, %c0_i32_0 : i32, i32, i32
  }
  func.func @transform_1(%arg0: i32) -> (i32, i32) {
    %c0_i32 = arith.constant 0 : i32
    %c0_i32_0 = arith.constant 0 : i32
    return %arg0, %c0_i32 : i32, i32
  }
  func.func @transform_2(%arg0: i32) -> (i32, i32) {
    %c0_i32 = arith.constant 0 : i32
    %c0_i32_0 = arith.constant 0 : i32
    %c0_i32_1 = arith.constant 0 : i32
    return %c0_i32, %c0_i32_0 : i32, i32
  }
  func.func @transform_3(%arg0: i32) -> (i32, i32) {
    %c0_i32 = arith.constant 0 : i32
    %c0_i32_0 = arith.constant 0 : i32
    %c0_i32_1 = arith.constant 0 : i32
    return %c0_i32, %c0_i32_0 : i32, i32
  }
  func.func @transform_4(%arg0: i32) -> (i32, i32) {
    %c0_i32 = arith.constant 0 : i32
    %c0_i32_0 = arith.constant 0 : i32
    %c0_i32_1 = arith.constant 0 : i32
    return %c0_i32, %c0_i32_0 : i32, i32
  }
  func.func @transform_5(%arg0: i32) -> (i32, i32) {
    %c0_i32 = arith.constant 0 : i32
    %c0_i32_0 = arith.constant 0 : i32
    %c0_i32_1 = arith.constant 0 : i32
    return %c0_i32, %c0_i32_0 : i32, i32
  }
  func.func @transform_6(%arg0: i32) -> (i32, i32) {
    %c0_i32 = arith.constant 0 : i32
    %c0_i32_0 = arith.constant 0 : i32
    return %arg0, %c0_i32 : i32, i32
  }
}

module attributes {stable_mosaic.version = 14 : i64} {
  func.func @_tail_body(%arg0: i32, %arg1: memref<1280x128xf32, #tpu.memory_space<vmem>>, %arg2: memref<1x1280xi32, #tpu.memory_space<vmem>>, %arg3: memref<128x2048xf32, #tpu.memory_space<vmem>>, %arg4: memref<2048x128xf32, #tpu.memory_space<vmem>>, %arg5: memref<1x128xf32, #tpu.memory_space<vmem>>, %arg6: memref<1x128xf32, #tpu.memory_space<vmem>>, %arg7: memref<128x128xf32, #tpu.memory_space<vmem>>, %arg8: memref<128x128xf32, #tpu.memory_space<vmem>>, %arg9: memref<1x128xf32, #tpu.memory_space<vmem>>, %arg10: memref<128x128xf32, #tpu.memory_space<vmem>>, %arg11: memref<128x128xf32, #tpu.memory_space<vmem>>, %arg12: memref<128x128xf32, #tpu.memory_space<vmem>>) attributes {dimension_semantics = [#tpu.dimension_semantics<arbitrary>], iteration_bounds = array<i64: 8>, scalar_prefetch = 0 : i64, scratch_operands = 2 : i64, tpu.core_type = #tpu.core_type<tc>, window_params = [{transform_indices = @transform_0, window_bounds = array<i64: 1280, 128>}, {transform_indices = @transform_1, window_bounds = array<i64: 1, 1280>}, {pipeline_mode = #tpu.pipeline_mode<synchronous>, transform_indices = @transform_2, window_bounds = array<i64: 128, 2048>}, {pipeline_mode = #tpu.pipeline_mode<synchronous>, transform_indices = @transform_3, window_bounds = array<i64: 2048, 128>}, {pipeline_mode = #tpu.pipeline_mode<synchronous>, transform_indices = @transform_4, window_bounds = array<i64: 1, 128>}, {pipeline_mode = #tpu.pipeline_mode<synchronous>, transform_indices = @transform_5, window_bounds = array<i64: 1, 128>}, {pipeline_mode = #tpu.pipeline_mode<synchronous>, transform_indices = @transform_6, window_bounds = array<i64: 128, 128>}, {pipeline_mode = #tpu.pipeline_mode<synchronous>, transform_indices = @transform_7, window_bounds = array<i64: 128, 128>}, {pipeline_mode = #tpu.pipeline_mode<synchronous>, transform_indices = @transform_8, window_bounds = array<i64: 1, 128>}, {pipeline_mode = #tpu.pipeline_mode<synchronous>, transform_indices = @transform_9, window_bounds = array<i64: 128, 128>}]} {
    %eq3A = arith.constant 0 : i32
    %eq3A_0 = arith.cmpi eq, %arg0, %eq3A : i32
    %convert_element_type3A = arith.extui %eq3A_0 : i1 to i32
    %cond3A = arith.constant 0 : i32
    %cond3A_1 = arith.cmpi ne, %convert_element_type3A, %cond3A : i32
    scf.if %cond3A_1 {
      %broadcast_in_dim3A_34 = arith.constant 0.000000e+00 : f32
      %broadcast_in_dim3A_35 = vector.broadcast %broadcast_in_dim3A_34 : f32 to vector<128x128xf32>
      %swap3A_36 = arith.constant 0 : index
      %swap3A_37 = arith.constant 0 : index
      %swap3A_38 = vector.load %arg11[%swap3A_36, %swap3A_37] : memref<128x128xf32, #tpu.memory_space<vmem>>, vector<128x128xf32>
      tpu.vector_store %arg11[%swap3A_36, %swap3A_37], %broadcast_in_dim3A_35 {strides = array<i32>} : memref<128x128xf32, #tpu.memory_space<vmem>>, vector<128x128xf32>,
      %broadcast_in_dim3A_39 = arith.constant 0.000000e+00 : f32
      %broadcast_in_dim3A_40 = vector.broadcast %broadcast_in_dim3A_39 : f32 to vector<128x128xf32>
      %swap3A_41 = arith.constant 0 : index
      %swap3A_42 = arith.constant 0 : index
      %swap3A_43 = vector.load %arg12[%swap3A_41, %swap3A_42] : memref<128x128xf32, #tpu.memory_space<vmem>>, vector<128x128xf32>
      tpu.vector_store %arg12[%swap3A_41, %swap3A_42], %broadcast_in_dim3A_40 {strides = array<i32>} : memref<128x128xf32, #tpu.memory_space<vmem>>, vector<128x128xf32>,
    } else {
    }
    %get3A = arith.constant 0 : index
    %get3A_2 = arith.constant 0 : index
    %get3A_3 = vector.load %arg2[%get3A, %get3A_2] : memref<1x1280xi32, #tpu.memory_space<vmem>>, vector<1x1280xi32>
    %get3A_4 = vector.shape_cast %get3A_3 : vector<1x1280xi32> to vector<1280xi32>
    %broadcast_in_dim3A = vector.shape_cast %get3A_4 : vector<1280xi32> to vector<1x1280xi32>
    %iota3A = tpu.iota {dimensions = array<i32: 0>} : vector<128x1280xi32>
    %eq3A_5 = vector.broadcast %broadcast_in_dim3A : vector<1x1280xi32> to vector<128x1280xi32>
    %eq3A_6 = arith.cmpi eq, %eq3A_5, %iota3A : vector<128x1280xi32>
    %convert_element_type3A_7 = arith.extui %eq3A_6 : vector<128x1280xi1> to vector<128x1280xi32>
    %convert_element_type3A_8 = arith.sitofp %convert_element_type3A_7 : vector<128x1280xi32> to vector<128x1280xf32>
    %get3A_9 = arith.constant 0 : index
    %get3A_10 = arith.constant 0 : index
    %get3A_11 = vector.load %arg11[%get3A_9, %get3A_10] : memref<128x128xf32, #tpu.memory_space<vmem>>, vector<128x128xf32>
    %get3A_12 = arith.constant 0 : index
    %get3A_13 = arith.constant 0 : index
    %get3A_14 = vector.load %arg1[%get3A_12, %get3A_13] : memref<1280x128xf32, #tpu.memory_space<vmem>>, vector<1280x128xf32>
    %dot_general3A = arith.constant dense<0.000000e+00> : vector<128x128xf32>
    %dot_general3A_15 = tpu.matmul %convert_element_type3A_8, %get3A_14, %dot_general3A {dimension_numbers = #tpu.dot_dimension_numbers<[1], [0], [0], [1], [0, 0, 1, 1], [], []>, transpose_lhs_hint = false} : vector<128x1280xf32>, vector<1280x128xf32>, vector<128x128xf32> -> vector<128x128xf32>
    %add3A = arith.addf %get3A_11, %dot_general3A_15 : vector<128x128xf32>
    %swap3A = arith.constant 0 : index
    %swap3A_16 = arith.constant 0 : index
    %swap3A_17 = vector.load %arg11[%swap3A, %swap3A_16] : memref<128x128xf32, #tpu.memory_space<vmem>>, vector<128x128xf32>
    tpu.vector_store %arg11[%swap3A, %swap3A_16], %add3A {strides = array<i32>} : memref<128x128xf32, #tpu.memory_space<vmem>>, vector<128x128xf32>,
    %get3A_18 = arith.constant 0 : index
    %get3A_19 = arith.constant 0 : index
    %get3A_20 = vector.load %arg12[%get3A_18, %get3A_19] : memref<128x128xf32, #tpu.memory_space<vmem>>, vector<128x128xf32>
    %broadcast_in_dim3A_21 = arith.constant 1.000000e+00 : f32
    %broadcast_in_dim3A_22 = vector.broadcast %broadcast_in_dim3A_21 : f32 to vector<1280x128xf32>
    %dot_general3A_23 = arith.constant dense<0.000000e+00> : vector<128x128xf32>
    %dot_general3A_24 = tpu.matmul %convert_element_type3A_8, %broadcast_in_dim3A_22, %dot_general3A_23 {dimension_numbers = #tpu.dot_dimension_numbers<[1], [0], [0], [1], [0, 0, 1, 1], [], []>, transpose_lhs_hint = false} : vector<128x1280xf32>, vector<1280x128xf32>, vector<128x128xf32> -> vector<128x128xf32>
    %add3A_25 = arith.addf %get3A_20, %dot_general3A_24 : vector<128x128xf32>
    %swap3A_26 = arith.constant 0 : index
    %swap3A_27 = arith.constant 0 : index
    %swap3A_28 = vector.load %arg12[%swap3A_26, %swap3A_27] : memref<128x128xf32, #tpu.memory_space<vmem>>, vector<128x128xf32>
    tpu.vector_store %arg12[%swap3A_26, %swap3A_27], %add3A_25 {strides = array<i32>} : memref<128x128xf32, #tpu.memory_space<vmem>>, vector<128x128xf32>,
    %eq3A_29 = arith.constant 7 : i32
    %eq3A_30 = arith.cmpi eq, %arg0, %eq3A_29 : i32
    %convert_element_type3A_31 = arith.extui %eq3A_30 : i1 to i32
    %cond3A_32 = arith.constant 0 : i32
    %cond3A_33 = arith.cmpi ne, %convert_element_type3A_31, %cond3A_32 : i32
    scf.if %cond3A_33 {
      %get3A_34 = arith.constant 0 : index
      %get3A_35 = arith.constant 0 : index
      %get3A_36 = vector.load %arg11[%get3A_34, %get3A_35] : memref<128x128xf32, #tpu.memory_space<vmem>>, vector<128x128xf32>
      %get3A_37 = arith.constant 0 : index
      %get3A_38 = arith.constant 0 : index
      %get3A_39 = vector.load %arg12[%get3A_37, %get3A_38] : memref<128x128xf32, #tpu.memory_space<vmem>>, vector<128x128xf32>
      %max3A = arith.constant 1.000000e+00 : f32
      %max3A_40 = vector.broadcast %max3A : f32 to vector<128x128xf32>
      %max3A_41 = arith.maximumf %get3A_39, %max3A_40 : vector<128x128xf32>
      %div3A = arith.divf %get3A_36, %max3A_41 : vector<128x128xf32>
      %get3A_42 = arith.constant 0 : index
      %get3A_43 = arith.constant 0 : index
      %get3A_44 = vector.load %arg3[%get3A_42, %get3A_43] : memref<128x2048xf32, #tpu.memory_space<vmem>>, vector<128x2048xf32>
      %get3A_45 = arith.constant 0 : index
      %get3A_46 = arith.constant 0 : index
      %get3A_47 = vector.load %arg4[%get3A_45, %get3A_46] : memref<2048x128xf32, #tpu.memory_space<vmem>>, vector<2048x128xf32>
      %dot_general3A_48 = arith.constant dense<0.000000e+00> : vector<128x128xf32>
      %dot_general3A_49 = tpu.matmul %get3A_44, %get3A_47, %dot_general3A_48 {dimension_numbers = #tpu.dot_dimension_numbers<[1], [0], [0], [1], [0, 0, 1, 1], [], []>, transpose_lhs_hint = false} : vector<128x2048xf32>, vector<2048x128xf32>, vector<128x128xf32> -> vector<128x128xf32>
      %get3A_50 = arith.constant 0 : index
      %get3A_51 = arith.constant 0 : index
      %get3A_52 = vector.load %arg5[%get3A_50, %get3A_51] : memref<1x128xf32, #tpu.memory_space<vmem>>, vector<1x128xf32>
      %add3A_53 = vector.broadcast %get3A_52 : vector<1x128xf32> to vector<128x128xf32>
      %add3A_54 = arith.addf %dot_general3A_49, %add3A_53 : vector<128x128xf32>
      %get3A_55 = arith.constant 0 : index
      %get3A_56 = arith.constant 0 : index
      %get3A_57 = vector.load %arg6[%get3A_55, %get3A_56] : memref<1x128xf32, #tpu.memory_space<vmem>>, vector<1x128xf32>
      %ge3A = arith.constant 0.000000e+00 : f32
      %ge3A_58 = vector.broadcast %ge3A : f32 to vector<128x128xf32>
      %ge3A_59 = arith.cmpf oge, %add3A_54, %ge3A_58 : vector<128x128xf32>
      %mul3A = vector.broadcast %get3A_57 : vector<1x128xf32> to vector<128x128xf32>
      %mul3A_60 = arith.mulf %mul3A, %add3A_54 : vector<128x128xf32>
      %select_n3A = arith.select %ge3A_59, %add3A_54, %mul3A_60 : vector<128x128xi1>, vector<128x128xf32>
      %get3A_61 = arith.constant 0 : index
      %get3A_62 = arith.constant 0 : index
      %get3A_63 = vector.load %arg7[%get3A_61, %get3A_62] : memref<128x128xf32, #tpu.memory_space<vmem>>, vector<128x128xf32>
      %dot_general3A_64 = arith.constant dense<0.000000e+00> : vector<128x128xf32>
      %dot_general3A_65 = tpu.matmul %div3A, %get3A_63, %dot_general3A_64 {dimension_numbers = #tpu.dot_dimension_numbers<[1], [0], [0], [1], [0, 0, 1, 1], [], []>, transpose_lhs_hint = false} : vector<128x128xf32>, vector<128x128xf32>, vector<128x128xf32> -> vector<128x128xf32>
      %get3A_66 = arith.constant 0 : index
      %get3A_67 = arith.constant 0 : index
      %get3A_68 = vector.load %arg8[%get3A_66, %get3A_67] : memref<128x128xf32, #tpu.memory_space<vmem>>, vector<128x128xf32>
      %dot_general3A_69 = arith.constant dense<0.000000e+00> : vector<128x128xf32>
      %dot_general3A_70 = tpu.matmul %select_n3A, %get3A_68, %dot_general3A_69 {dimension_numbers = #tpu.dot_dimension_numbers<[1], [0], [0], [1], [0, 0, 1, 1], [], []>, transpose_lhs_hint = false} : vector<128x128xf32>, vector<128x128xf32>, vector<128x128xf32> -> vector<128x128xf32>
      %add3A_71 = arith.addf %dot_general3A_65, %dot_general3A_70 : vector<128x128xf32>
      %get3A_72 = arith.constant 0 : index
      %get3A_73 = arith.constant 0 : index
      %get3A_74 = vector.load %arg9[%get3A_72, %get3A_73] : memref<1x128xf32, #tpu.memory_space<vmem>>, vector<1x128xf32>
      %add3A_75 = vector.broadcast %get3A_74 : vector<1x128xf32> to vector<128x128xf32>
      %add3A_76 = arith.addf %add3A_71, %add3A_75 : vector<128x128xf32>
      %swap3A_77 = arith.constant 0 : index
      %swap3A_78 = arith.constant 0 : index
      %swap3A_79 = vector.load %arg10[%swap3A_77, %swap3A_78] : memref<128x128xf32, #tpu.memory_space<vmem>>, vector<128x128xf32>
      tpu.vector_store %arg10[%swap3A_77, %swap3A_78], %add3A_76 {strides = array<i32>} : memref<128x128xf32, #tpu.memory_space<vmem>>, vector<128x128xf32>,
    } else {
    }
    return
  }
  func.func @transform_0(%arg0: i32) -> (i32, i32) {
    %c0_i32 = arith.constant 0 : i32
    %c0_i32_0 = arith.constant 0 : i32
    return %arg0, %c0_i32 : i32, i32
  }
  func.func @transform_1(%arg0: i32) -> (i32, i32) {
    %c0_i32 = arith.constant 0 : i32
    %c0_i32_0 = arith.constant 0 : i32
    return %c0_i32, %arg0 : i32, i32
  }
  func.func @transform_2(%arg0: i32) -> (i32, i32) {
    %c0_i32 = arith.constant 0 : i32
    %c0_i32_0 = arith.constant 0 : i32
    %c0_i32_1 = arith.constant 0 : i32
    return %c0_i32, %c0_i32_0 : i32, i32
  }
  func.func @transform_3(%arg0: i32) -> (i32, i32) {
    %c0_i32 = arith.constant 0 : i32
    %c0_i32_0 = arith.constant 0 : i32
    %c0_i32_1 = arith.constant 0 : i32
    return %c0_i32, %c0_i32_0 : i32, i32
  }
  func.func @transform_4(%arg0: i32) -> (i32, i32) {
    %c0_i32 = arith.constant 0 : i32
    %c0_i32_0 = arith.constant 0 : i32
    %c0_i32_1 = arith.constant 0 : i32
    return %c0_i32, %c0_i32_0 : i32, i32
  }
  func.func @transform_5(%arg0: i32) -> (i32, i32) {
    %c0_i32 = arith.constant 0 : i32
    %c0_i32_0 = arith.constant 0 : i32
    %c0_i32_1 = arith.constant 0 : i32
    return %c0_i32, %c0_i32_0 : i32, i32
  }
  func.func @transform_6(%arg0: i32) -> (i32, i32) {
    %c0_i32 = arith.constant 0 : i32
    %c0_i32_0 = arith.constant 0 : i32
    %c0_i32_1 = arith.constant 0 : i32
    return %c0_i32, %c0_i32_0 : i32, i32
  }
  func.func @transform_7(%arg0: i32) -> (i32, i32) {
    %c0_i32 = arith.constant 0 : i32
    %c0_i32_0 = arith.constant 0 : i32
    %c0_i32_1 = arith.constant 0 : i32
    return %c0_i32, %c0_i32_0 : i32, i32
  }
  func.func @transform_8(%arg0: i32) -> (i32, i32) {
    %c0_i32 = arith.constant 0 : i32
    %c0_i32_0 = arith.constant 0 : i32
    %c0_i32_1 = arith.constant 0 : i32
    return %c0_i32, %c0_i32_0 : i32, i32
  }
  func.func @transform_9(%arg0: i32) -> (i32, i32) {
    %c0_i32 = arith.constant 0 : i32
    %c0_i32_0 = arith.constant 0 : i32
    %c0_i32_1 = arith.constant 0 : i32
    return %c0_i32, %c0_i32_0 : i32, i32
  }
}

</mosaic_0001>

<sc_bundles>
// kernel: kernel.11.cloned.1.call-start
scs
__scs_entry_jumppad:
0x0: {  	(pc) =	sbr.rel $0x88, $3  }
0x1: {  	(tag) =	ssettag $0x0;
	lr =	simm.s32 $0x1  }
0x2: {  	[smem:$0x3F8D] =	sst lr;
	_ =	strace $0xD0000000  }
0x3: {  	_ = 	snop  }
0x4: {  	_ = 	snop  }
0x5: {  	_ = 	snop  }
0x6: {  	_ = 	snop  }
0x7: {  	_ = 	snop  }
__scs_overlays_trampoline_lowered:
0x8: {  	[smem:$0x3F9C] =	sst s0  }
0x9: {  	[smem:$0x3F9D] =	sst s1  }
0xa: {  	[smem:$0x3F9E] =	sst s2  }
0xb: {  	[smem:$0x3F9F] =	sst s3  }
0xc: {  	[smem:$0x3FA0] =	sst s4  }
0xd: {  	[smem:$0x3FA1] =	sst s5  }
0xe: {  	[smem:$0x3FA2] =	sst s6  }
0xf: {  	[smem:$0x3FA3] =	sst s7  }
0x10: {  	[smem:$0x3FA4] =	sst s8  }
0x11: {  	[smem:$0x3FA5] =	sst s9;
	s0 =	simm.s32 @!p0 $0x0  }
0x12: {  	s1 =	sld [smem:$0x3F8B];
	s0 =	simm.s32 @p0 $0x1  }
0x13: {  	[smem:$0x3FA6] =	sst s0;
	s0 =	simm.s32 @!p1 $0x0  }
0x14: {  	s2 =	sld [smem:$0x3F8A];
	s0 =	simm.s32 @p1 $0x1  }
0x15: {  	[smem:$0x3FA7] =	sst s0;
	s0 =	simm.s32 @!p2 $0x0  }
0x16: {  	s3 =	sld [smem:$0x3FDB];
	s0 =	simm.s32 @p2 $0x1  }
0x17: {  	s4 =	simm.s32 $0x1BF5;
	[smem:$0x3FA9] =	sst s0  }
0x18: {  	s0 =	sld [smem:$0x3F8C];
	_ =	swait.ge [sflag:s4], $0x0  }
0x19: {  	s7 =	sld [smem:$0x3F8D]  }
0x1a: {  	s8 =	sadd.s32 $0xFFFFE003, lr  }
0x1b: {  	s9 =	sadd.s32 $0xFFFFFEF7, lr;
	s5 =	simm.s32 $0xFFFFFFFF;
	p2 =	slt.u32 s8, $0xFFFFF086  }
0x1c: {  	p1 =	slt.u32 s9, $0xF7A;
	s5 =	simm.s32 @!p2 $0x0  }
0x1d: {  	s5 =	simm.s32 @p1 $0x1;
	p0 =	seq.s32 s7, s2  }
0x1e: {  	s7 =	smul.u32 @!p0 $0xF7A, s2;
	p2 =	seq.s32 @!p0 s5, $0x0  }
0x1f: {  	s9 =	smul.u32 $0xF7A, s1;
	s8 =	simm.s32 @!p0 $0x1BF5;
	p2 =	por !p2, p0  }
0x20: {  	[sflag:s8] =	ssyncset.s32 @!p0 $0xFFFFF086;
	s6 =	sadd.s32 @!p0 s3, s7;
	s7 =	simm.s32 @!p0 $0x108  }
0x21: {  	s3 =	sadd.s32 s3, s9;
	s6 =	sadd.s32 @!p0 $0x88, s6;
	s7 =	simm.s32 @p2 $0x1082  }
0x22: {  	[simem:s7], [sflag:s8] =	dma.local @!p0 [hbm:s6], $0xF7A  }
0x23: {  	s9 =	sor.u32 $0xD0000000, s2;
	s6 =	simm.s32 $0x108;
	_ =	swait.ge @!p0 [sflag:s8], $0x0  }
0x24: {  	s3 =	sadd.s32 $0x88, s3;
	s6 =	simm.s32 @!p1 $0x1082;
	[sflag:s4] =	ssyncset.s32 $0xFFFFF086  }
0x25: {  	[simem:s6], [sflag:s4] =	dma.local [hbm:s3], $0xF7A  }
0x26: {  	[smem:$0x3F8D] =	sst s1;
	(tag) =	ssettag s2;
	_ =	strace s9  }
0x27: {  	s1 =	sld [smem:$0x3F9D]  }
0x28: {  	s2 =	sld [smem:$0x3F9E]  }
0x29: {  	s4 =	sld [smem:$0x3FA0]  }
0x2a: {  	p0 =	seq.s32 s5, $0x0;
	s5 =	sld [smem:$0x3FA1]  }
0x2b: {  	s6 =	sld [smem:$0x3FA2]  }
0x2c: {  	s7 =	sld [smem:$0x3FA3]  }
0x2d: {  	s3 =	simm.s32 $0x108;
	s8 =	sld [smem:$0x3FA4]  }
0x2e: {  	s3 =	simm.s32 @!p0 $0x1082;
	s9 =	sld [smem:$0x3FA5]  }
0x2f: {  	lr =	sadd.s32 s0, s3;
	s0 =	sld [smem:$0x3F9C]  }
0x30: {  	s3 =	sld [smem:$0x3F9F]  }
0x31: {  	[smem:$0x3FA8] =	sst s10  }
0x32: {  	s10 =	sld [smem:$0x3FA6];
	_ =	sdelay $0x3  }
0x33: {  	p0 =	seq.s32 s10, $0x1;
	s10 =	sld [smem:$0x3FA8];
	_ =	sdelay $0x3  }
0x34: {  	[smem:$0x3FA8] =	sst s10  }
0x35: {  	s10 =	sld [smem:$0x3FA7];
	_ =	sdelay $0x3  }
0x36: {  	p1 =	seq.s32 s10, $0x1;
	s10 =	sld [smem:$0x3FA8];
	_ =	sdelay $0x3  }
0x37: {  	[smem:$0x3FA8] =	sst s10  }
0x38: {  	s10 =	sld [smem:$0x3FA9]  }
0x39: {  	_ = 	snop;
	(pc) =	sbr.ind lr, $3  }
0x3a: {  	_ = 	snop  }
0x3b: {  	_ = 	snop  }
0x3c: {  	p2 =	seq.s32 s10, $0x1;
	s10 =	sld [smem:$0x3FA8]  }
0x3d: {  	_ =	shalt  }
0x3e: {  	_ =	shalt  }
0x3f: {  	_ =	shalt  }
0x40: {  	_ =	shalt  }
0x41: {  	_ =	shalt  }
0x42: {  	_ =	shalt  }
0x43: {  	_ =	shalt  }
0x44: {  	_ =	shalt  }
0x45: {  	_ =	shalt  }
0x46: {  	_ =	shalt  }
0x47: {  	_ =	shalt  }
0x48: {  	_ =	shalt  }
0x49: {  	_ =	shalt  }
0x4a: {  	_ =	shalt  }
0x4b: {  	_ =	shalt  }
0x4c: {  	_ =	shalt  }
0x4d: {  	_ =	shalt  }
0x4e: {  	_ =	shalt  }
0x4f: {  	_ =	shalt  }
0x50: {  	_ =	shalt  }
0x51: {  	_ =	shalt  }
0x52: {  	_ =	shalt  }
0x53: {  	_ =	shalt  }
0x54: {  	_ =	shalt  }
0x55: {  	_ =	shalt  }
0x56: {  	_ =	shalt  }
0x57: {  	_ =	shalt  }
0x58: {  	_ =	shalt  }
0x59: {  	_ =	shalt  }
0x5a: {  	_ =	shalt  }
0x5b: {  	_ =	shalt  }
0x5c: {  	_ =	shalt  }
0x5d: {  	_ =	shalt  }
0x5e: {  	_ =	shalt  }
0x5f: {  	_ =	shalt  }
0x60: {  	_ =	shalt  }
0x61: {  	_ =	shalt  }
0x62: {  	_ =	shalt  }
0x63: {  	_ =	shalt  }
0x64: {  	_ =	shalt  }
0x65: {  	_ =	shalt  }
0x66: {  	_ =	shalt  }
0x67: {  	_ =	shalt  }
0x68: {  	_ =	shalt  }
0x69: {  	_ =	shalt  }
0x6a: {  	_ =	shalt  }
0x6b: {  	_ =	shalt  }
0x6c: {  	_ =	shalt  }
0x6d: {  	_ =	shalt  }
0x6e: {  	_ =	shalt  }
0x6f: {  	_ =	shalt  }
0x70: {  	_ =	shalt  }
0x71: {  	_ =	shalt  }
0x72: {  	_ =	shalt  }
0x73: {  	_ =	shalt  }
0x74: {  	_ =	shalt  }
0x75: {  	_ =	shalt  }
0x76: {  	_ =	shalt  }
0x77: {  	_ =	shalt  }
0x78: {  	_ =	shalt  }
0x79: {  	_ =	shalt  }
0x7a: {  	_ =	shalt  }
0x7b: {  	_ =	shalt  }
0x7c: {  	_ =	shalt  }
0x7d: {  	_ =	shalt  }
0x7e: {  	_ =	shalt  }
0x7f: {  	_ =	shalt  }
0x80: {  	_ =	shalt  }
0x81: {  	_ =	shalt  }
0x82: {  	_ =	shalt  }
0x83: {  	_ =	shalt  }
0x84: {  	_ =	shalt  }
0x85: {  	_ =	shalt  }
0x86: {  	_ =	shalt  }
0x87: {  	_ =	shalt  }
.Lfunc_end0:
.L_simem_size_0:
called_computation.1_lowered:
.L_overlay_start_0:
0x88: {  	s2 =	sld [smem:$0x3FD9]  }
0x89: {  	s3 =	sld [smem:$0x3FFE];
	_ =	sdelay $0x1  }
0x8a: {  	s1 =	srdreg.scid  }
0x8b: {  	s0 =	sand.u32 $0x1, s1  }
0x8c: {  	s16 =	sshll.u32 s0, $0xA;
	s2 =	sadd.s32 s3, s2  }
0x8d: {  	s2 =	sadd.s32 s2, s16  }
0x8e: {  	[smem:$0x3FB4] =	sst s2  }
0x8f: {  	_ = 	snop  }
0x90: {  	(tm) =	ssettm $0x1  }
0x91: {  	s17 =	sld [smem:$0x3FFB];
	_ =	sdelay $0x3  }
0x92: {  	_ =	strace s17  }
0x93: {  	s2 =	sld [smem:$0x3FFC];
	_ =	sdelay $0x3  }
0x94: {  	_ =	strace s2  }
0x95: {  	s2 =	sld [smem:$0x3FFD];
	_ =	sdelay $0x3  }
0x96: {  	_ =	strace s2  }
0x97: {  	_ =	strace $0x8FFFFFFF  }
0x98: {  	s18 =	sld [smem:$0x3FDB];
	_ =	sdelay $0x1  }
0x99: {  	s19 =	simm.s32 $_scs_section_size  }
0x9a: {  	s4 =	simm.s32 $_size__tile_overlayer_lowered;
	s5 =	simm.s32 $_tile_overlayer_lowered  }
0x9b: {  	s22 =	simm.s32 $0x1BFF;
	s21 =	sshll.u32 s5, $0x1;
	s2 =	sadd.s32 s19, s18  }
0x9c: {  	s6 =	simm.s32 $0x0;
	s20 =	sshll.u32 s4, $0x1;
	s4 =	sadd.s32 s21, s2  }
0x9d: {  	[timem:s6], [sflag:s22] =	dma.local [hbm:s4], s20  }
0x9e: {  	_ =	swait.ge [sflag:s22], s20  }
0x9f: {  	s3 =	ssub.s32 $0x0, s20;
	[sflag:s22] =	ssyncset.done $0x0  }
0xa0: {  	[sflag:s22] =	ssyncadd.s32 s3;
	_ =	sdelay $0x1  }
0xa1: {  	s23 =	simm.s32 $0x1B8B  }
0xa2: {  	_ =	swait.ge [sflag:s23], $0x1  }
0xa3: {  	[sflag:s23] =	ssyncset.done $0x0  }
0xa4: {  	s25 =	simm.s32 $0x1B8E;
	s24 =	sld [smem:$0x3FFE];
	[sflag:s23] =	ssyncadd.s32 $0xFFFFFFFF  }
0xa5: {  	s26 =	simm.s32 $execute0_lowered;
	[smem:$0x3FD2] =	sst s25  }
0xa6: {  	s4 =	sshll.u32 s26, $0x1;
	_ =	strace $0x80000049;
	[dreg:$0x1] =	wrdreg $0xFFFFFFFF  }
0xa7: {  	s28 =	simm.s32 $_size_execute0_lowered;
	s2 =	sadd.s32 s2, s4;
	[dreg:$0x0] =	wrdreg $0x0  }
0xa8: {  	s4 =	sshll.u32 s28, $0x1;
	[dreg:$0x2] =	wrdreg s2  }
0xa9: {  	[dreg:$0x3] =	wrdreg s4  }
0xaa: {  	[dreg:$0x4] =	wrdreg $0xC0  }
0xab: {  	_ =	task [dreg:s6], $0x5FFFF  }
0xac: {  	[dreg:$0x1] =	wrdreg $0xFFFFFFFF  }
0xad: {  	[dreg:$0x0] =	wrdreg $0x60  }
0xae: {  	[dreg:$0x2] =	wrdreg s24  }
0xaf: {  	[dreg:$0x3] =	wrdreg $0x90000  }
0xb0: {  	[dreg:$0x4] =	wrdreg $0x9  }
0xb1: {  	_ =	task.clear_ibuf [dreg:s6], $0x5FFFF;
	_ =	strace $0x90000049  }
0xb2: {  	s29 =	simm.s32 $0x9;
	_ =	strace $0x8000004B  }
0xb3: {  	_ =	swait.ge [sflag:s29], $0x1  }
0xb4: {  	[sflag:s29] =	ssyncadd.s32 $0xFFFFFFFF  }
0xb5: {  	_ =	strace $0x9000004B  }
0xb6: {  	_ =	sfence  }
0xb7: {  	s30 =	sld [smem:$0x0];
	_ =	sdelay $0x2  }
0xb8: {  	s31 =	sshll.u32 s1, $0xD;
	s1 =	sshrl.u32 s1, $0x2  }
0xb9: {  	s3 =	sand.u32 $0x4000, s31;
	s1 =	sadd.s32 s1, s30  }
0xba: {  	s0 =	sor.u32 s3, s0;
	s1 =	sshll.u32 s1, $0x11  }
0xbb: {  	s0 =	sor.u32 s1, s0  }
0xbc: {  	s0 =	sadd.s32 $0x8F2B, s0  }
0xbd: {  	[sflag:s0] =	ssyncadd.remote.s32 $0x1  }
0xbe: {  	_ =	sfence.sel $0xFFFF  }
0xbf: {  	[dreg:$0x0] =	wrdreg $0xFFFFFFFF;
	(pc) =	sbr.abs _section_cstart, $3  }
0xc0: {  	[dreg:$0x1] =	wrdreg $0xFFFFFFFF  }
0xc1: {  	_ =	task.clear_ibuf [dreg:s6], $0x2FFFF;
	_ =	strace $0x9FFFFFFF  }
0xc2: {  	(tm) =	ssettm $0x7FFFFFFF  }
0xc3: {  	_ =	shalt  }
tec
execute0_lowered:
.L_overlay_start_1:
0x0: {  	(tag) =	ssettag $0x1  }
0x1: {  	s2 =	rddreg [dreg:$0x0]  }
0x2: {  	s1 =	rddreg [dreg:$0x1]  }
0x3: {  	s3 =	simm.s32 $0x0;
	s0 =	srdreg.scid;
	s14 =	stileid.u32  }
0x4: {  	s16 =	simm.s32 $0x100;
	s17 =	simm.s32 $0x480;
	s18 =	simm.s32 $0x180  }
0x5: {  	s20 =	simm.s32 $0x500;
	s21 =	simm.s32 $0x200;
	s28 =	simm.s32 $0x800  }
0x6: {  	s29 =	simm.s32 $0x5;
	s30 =	simm.s32 $0x6;
	s31 =	simm.s32 $0x1  }
0x7: {  	[smem:$0x7FF] =	sst s3;
	s0 =	sand.u32 $0x1, s0;
	s4 =	sadd.s32 $0x2C400, s2  }
0x8: {  	s7 =	smul.u32 $0xA0, s14;
	_ =	strace $0x8000004A;
	[dreg:$0x3] =	wrdreg s16  }
0x9: {  	s5 =	sadd.s32 $0x4400, s2;
	s9 =	smul.u32 $0x50000, s14;
	[dreg:$0x4] =	wrdreg s17  }
0xa: {  	s2 =	sadd.s32 $0x54400, s2;
	s11 =	smul.u32 $0x14000, s14;
	[dreg:$0x5] =	wrdreg s18  }
0xb: {  	s6 =	smul.u32 $0xA00, s0;
	s8 =	ssub.s32 $0x2, s0;
	[dreg:$0x6] =	wrdreg s20  }
0xc: {  	[dreg:$0x7] =	wrdreg s21;
	s16 =	simm.s32 $0x780;
	s17 =	smul.u32 $0xA00, s14  }
0xd: {  	s18 =	simm.s32 $0x880;
	s20 =	simm.s32 $0xC00;
	s21 =	simm.s32 $0x900  }
0xe: {  	s14 =	simm.s32 $0xB00;
	s10 =	sshrl.u32 s8, $0x1;
	[dreg:$0xf] =	wrdreg s16  }
0xf: {  	s9 =	sshrl.u32 s9, $0x2;
	s22 =	sadd.s32 $0x4000, s11;
	[dreg:$0x10] =	wrdreg s18  }
0x10: {  	s23 =	sadd.s32 $0x8000, s11;
	s25 =	sadd.s32 $0xC000, s11;
	[dreg:$0x11] =	wrdreg s20  }
0x11: {  	s26 =	sadd.s32 $0x10000, s11;
	[dreg:$0x12] =	wrdreg s21;
	s20 =	simm.s32 $0x400  }
0x12: {  	s21 =	simm.s32 $0xA0000;
	s16 =	simm.s32 $0xB80;
	s18 =	simm.s32 $0xF80  }
0x13: {  	s6 =	sadd.s32 s7, s6;
	s8 =	ssub.s32 s8, s10;
	s12 =	sadd.s32 s22, s1  }
0x14: {  	s19 =	sadd.s32 s9, s1;
	s24 =	sadd.s32 s23, s1;
	[dreg:$0x19] =	wrdreg s12  }
0x15: {  	s10 =	smul.u32 $0x140000, s0;
	s13 =	sadd.s32 s25, s1;
	[dreg:$0x1a] =	wrdreg s24  }
0x16: {  	s15 =	sadd.s32 s26, s1;
	s0 =	smul.u32 $0xA000, s0;
	[dreg:$0x1b] =	wrdreg s13  }
0x17: {  	s7 =	sshll.u32 s6, $0x4;
	[dreg:$0x1c] =	wrdreg s15;
	s24 =	simm.s32 $0x280  }
0x18: {  	s12 =	simm.s32 $0x380;
	s13 =	smax.u32 s8, $0x1;
	s15 =	simm.s32 $0x700  }
0x19: {  	s8 =	simm.s32 $0x0;
	s7 =	sadd.s32 s5, s7;
	[dreg:$0x9] =	wrdreg s24  }
0x1a: {  	s11 =	sadd.s32 s11, s10;
	s9 =	sadd.s32 s10, s23;
	[smem:$0x7FC] =	sst s13  }
0x1b: {  	s23 =	simm.s32 $0x580;
	s26 =	sadd.s32 s10, s26;
	[dreg:$0xd] =	wrdreg s12  }
0x1c: {  	[dreg:$0xe] =	wrdreg s15;
	s0 =	sadd.s32 s0, s5;
	s24 =	simm.s32 $0xD00  }
0x1d: {  	s13 =	simm.s32 $0xE00;
	s15 =	simm.s32 $0xE80;
	[dreg:$0x18] =	wrdreg s7  }
0x1e: {  	s11 =	sshrl.u32 s11, $0x3;
	s7 =	sadd.s32 s10, s22;
	[dreg:$0x8] =	wrdreg s23  }
0x1f: {  	s22 =	sadd.s32 s10, s25;
	s25 =	simm.s32 $0x600;
	[dreg:$0x15] =	wrdreg s24  }
0x20: {  	s9 =	sshrl.u32 s9, $0x3;
	s10 =	simm.s32 $0x300;
	[dreg:$0xa] =	wrdreg s25  }
0x21: {  	s0 =	sadd.s32 s17, s0;
	s23 =	simm.s32 $0x980;
	[dreg:$0xb] =	wrdreg s10  }
0x22: {  	s24 =	simm.s32 $0x3;
	s11 =	sadd.s32 s2, s11;
	[dreg:$0x14] =	wrdreg s23  }
0x23: {  	s17 =	simm.s32 $0xF00;
	s9 =	sadd.s32 s2, s9;
	[dreg:$0x1d] =	wrdreg s11  }
0x24: {  	s7 =	sshrl.u32 s7, $0x3;
	s0 =	sadd.s32 $0x80, s0;
	[dreg:$0x1f] =	wrdreg s9  }
0x25: {  	s25 =	simm.s32 $0xA00;
	s23 =	simm.s32 $0x7;
	[smem:$0x7FD] =	sst s0  }
0x26: {  	s7 =	sadd.s32 s2, s7;
	s9 =	sshrl.u32 s22, $0x3;
	[dreg:$0x16] =	wrdreg s25  }
0x27: {  	s11 =	simm.s32 $0x680;
	s22 =	simm.s32 $0xC80;
	[dreg:$0x1e] =	wrdreg s7  }
0x28: {  	s25 =	simm.s32 $0x80;
	s0 =	simm.s32 $0x2;
	[dreg:$0xc] =	wrdreg s11  }
0x29: {  	s9 =	sadd.s32 s2, s9;
	[dreg:$0x13] =	wrdreg s22;
	s22 =	simm.s32 $0x1000  }
0x2a: {  	[smem:$0x7FA] =	sst s9;
	s9 =	sshrl.u32 s26, $0x3;
	s26 =	simm.s32 $0xD80  }
0x2b: {  	s7 =	simm.s32 $0xA80;
	s2 =	sadd.s32 s2, s9;
	[dreg:$0x17] =	wrdreg s26  }
0x2c: {  	v0 =	vimm.f32 $0.0e+00;
	s26 =	simm.s32 $0x5000;
	[smem:$0x7FB] =	sst s2;
	s2 =	simm.s32 $0x4  }
.LBB2_1:
0x2d: {  	s10 =	rddreg [dreg:$0x18]  }
0x2e: {  	[tilespmem:s3], [sflag:$0x3] =	stream.strided.gather [hbm4b:s10+s20], $0x800, s21, s20, $0x38;
	[tilespmem:$0x1D000] =	vst v63  }
0x2f: {  	s11 =	simm.s32 $0x200;
	s10 =	simm.s32 $0x0  }
.LBB2_2:
0x30: {  	p0 =	sne.s32 s11, $0xFE00;
	[tilespmem:s10+$0x5070] =	vst v0  }
0x31: {  	[tilespmem:s10+$0x1000] =	vst v0  }
0x32: {  	[tilespmem:s10+$0x5000] =	vst v0  }
0x33: {  	[tilespmem:s10+$0x1010] =	vst v0  }
0x34: {  	[tilespmem:s10+$0x5010] =	vst v0  }
0x35: {  	[tilespmem:s10+$0x1020] =	vst v0  }
0x36: {  	[tilespmem:s10+$0x5020] =	vst v0  }
0x37: {  	[tilespmem:s10+$0x1030] =	vst v0  }
0x38: {  	[tilespmem:s10+$0x5030] =	vst v0  }
0x39: {  	[tilespmem:s10+$0x1040] =	vst v0  }
0x3a: {  	[tilespmem:s10+$0x5040] =	vst v0  }
.Ltmp0:
0x3b: {  	[tilespmem:s10+$0x1050] =	vst v0;
	(pc) =	sbr.rel @p0 .LBB2_2-.Ltmp0, $4  }
0x3c: {  	[tilespmem:s10+$0x5050] =	vst v0  }
0x3d: {  	[tilespmem:s10+$0x1060] =	vst v0  }
0x3e: {  	[tilespmem:s10+$0x5060] =	vst v0  }
0x3f: {  	[tilespmem:s10+$0x1070] =	vst v0;
	s10 =	sshra.s32 s11, $0x2;
	s11 =	sadd.s32 $0x200, s11  }
0x40: {  	[tilespmem:s10+$0x5070] =	vst v0  }
0x41: {  	[tilespmem:s10+$0x1000] =	vst v0  }
0x42: {  	[tilespmem:s10+$0x5000] =	vst v0  }
0x43: {  	[tilespmem:s10+$0x1010] =	vst v0  }
0x44: {  	[tilespmem:s10+$0x5010] =	vst v0  }
0x45: {  	[tilespmem:s10+$0x1020] =	vst v0  }
0x46: {  	[tilespmem:s10+$0x5020] =	vst v0  }
0x47: {  	[tilespmem:s10+$0x1030] =	vst v0  }
0x48: {  	[tilespmem:s10+$0x5030] =	vst v0  }
0x49: {  	[tilespmem:s10+$0x1040] =	vst v0  }
0x4a: {  	[tilespmem:s10+$0x5040] =	vst v0  }
0x4b: {  	[tilespmem:s10+$0x1050] =	vst v0  }
0x4c: {  	[tilespmem:s10+$0x5050] =	vst v0  }
0x4d: {  	[tilespmem:s10+$0x1060] =	vst v0  }
0x4e: {  	[tilespmem:s10+$0x5060] =	vst v0  }
0x4f: {  	[tilespmem:s10+$0x1070] =	vst v0  }
0x50: {  	[spmem:s19] =	stream.linear.scatter [tilespmem:s22], [sflag:$0x7], $0x4000, $0x38;
	[tilespmem:$0x1D000] =	vst v63  }
0x51: {  	_ =	swait.ge [sflag:s23], $0x4000  }
0x52: {  	[sflag:s23] =	ssyncset.done $0x0  }
0x53: {  	s11 =	rddreg [dreg:$0x19];
	[sflag:s23] =	ssyncadd.s32 $0xFFFFC000  }
0x54: {  	[spmem:s11] =	stream.linear.scatter [tilespmem:s22], [sflag:$0x7], $0x4000, $0x38;
	[tilespmem:$0x1D000] =	vst v63  }
0x55: {  	_ =	swait.ge [sflag:s23], $0x4000  }
0x56: {  	[sflag:s23] =	ssyncset.done $0x0  }
0x57: {  	s12 =	rddreg [dreg:$0x1a];
	[sflag:s23] =	ssyncadd.s32 $0xFFFFC000  }
0x58: {  	[spmem:s12] =	stream.linear.scatter [tilespmem:s22], [sflag:$0x7], $0x4000, $0x38;
	[tilespmem:$0x1D000] =	vst v63  }
0x59: {  	_ =	swait.ge [sflag:s23], $0x4000  }
0x5a: {  	[sflag:s23] =	ssyncset.done $0x0  }
0x5b: {  	s9 =	smov.u32 s19;
	s19 =	rddreg [dreg:$0x1b];
	[sflag:s23] =	ssyncadd.s32 $0xFFFFC000  }
0x5c: {  	[spmem:s19] =	stream.linear.scatter [tilespmem:s22], [sflag:$0x7], $0x4000, $0x38;
	[tilespmem:$0x1D000] =	vst v63  }
0x5d: {  	_ =	swait.ge [sflag:s23], $0x4000  }
0x5e: {  	[sflag:s23] =	ssyncset.done $0x0  }
0x5f: {  	s11 =	rddreg [dreg:$0x1c];
	[sflag:s23] =	ssyncadd.s32 $0xFFFFC000  }
0x60: {  	[spmem:s11] =	stream.linear.scatter [tilespmem:s22], [sflag:$0x7], $0x4000, $0x38;
	[tilespmem:$0x1D000] =	vst v63  }
0x61: {  	_ =	swait.ge [sflag:s23], $0x4000  }
0x62: {  	[sflag:s23] =	ssyncset.done $0x0  }
0x63: {  	[sflag:s23] =	ssyncadd.s32 $0xFFFFC000  }
0x64: {  	[bflag:$0x0] =	sbarrier.arrive $0xFFFF  }
0x65: {  	_ =	swait.ge [sflag:s24], $0x800  }
0x66: {  	[sflag:s24] =	ssyncset.done $0x0  }
0x67: {  	[sflag:s24] =	ssyncadd.s32 $0xFFFFF800  }
0x68: {  	[spmem:s1] =	stream.indirect.scatter.add.f32 [tilespmem:s22], [sflag:$0x5], $0x80, s20, s25, $0xb8;
	[tilespmem:$0x1D000] =	vst v63  }
0x69: {  	s19 =	sld [smem:$0x7FD]  }
0x6a: {  	[spmem:s1] =	stream.indirect.scatter.add.f32 [tilespmem:s26], [sflag:$0x6], $0x80, s20, s25, $0xb8;
	[tilespmem:$0x1D000] =	vst v63  }
0x6b: {  	_ = 	snop  }
0x6c: {  	[tilespmem:s28], [sflag:$0x4] =	stream.strided.gather [hbm4b:s19+s20], $0x800, s21, s20, $0x38;
	[tilespmem:$0x1D000] =	vst v63  }
0x6d: {  	_ =	swait.ge [sflag:s29], $0x4000  }
0x6e: {  	[sflag:s29] =	ssyncset.done $0x0  }
0x6f: {  	[sflag:s29] =	ssyncadd.s32 $0xFFFFC000  }
0x70: {  	[tilespmem:s22], [sflag:$0x1] =	stream.indirect.gather [hbm4b:s4+s25], $0x80, s3, s25, $0xb8;
	[tilespmem:$0x1D000] =	vst v63  }
0x71: {  	_ =	swait.ge [sflag:s30], $0x4000  }
0x72: {  	[sflag:s30] =	ssyncset.done $0x0  }
0x73: {  	[sflag:s30] =	ssyncadd.s32 $0xFFFFC000  }
0x74: {  	[tilespmem:s26], [sflag:$0x2] =	stream.indirect.gather [hbm4b:s4+s25], $0x80, s25, s25, $0xb8;
	[tilespmem:$0x1D000] =	vst v63  }
0x75: {  	_ =	swait.ge [sflag:s31], $0x4000  }
0x76: {  	[sflag:s31] =	ssyncset.done $0x0  }
0x77: {  	[sflag:s31] =	ssyncadd.s32 $0xFFFFC000  }
0x78: {  	[spmem:s1] =	stream.indirect.scatter.add.f32 [tilespmem:s22], [sflag:$0x5], $0x80, s20, s25, $0xb8;
	[tilespmem:$0x1D000] =	vst v63  }
0x79: {  	_ =	swait.ge [sflag:s29], $0x4000  }
0x7a: {  	[sflag:s29] =	ssyncset.done $0x0  }
0x7b: {  	s12 =	rddreg [dreg:$0x3];
	[sflag:s29] =	ssyncadd.s32 $0xFFFFC000  }
0x7c: {  	[tilespmem:s22], [sflag:$0x1] =	stream.indirect.gather [hbm4b:s4+s25], $0x80, s12, s25, $0xb8;
	[tilespmem:$0x1D000] =	vst v63  }
0x7d: {  	_ =	swait.ge [sflag:s0], $0x4000  }
0x7e: {  	[sflag:s0] =	ssyncset.done $0x0  }
0x7f: {  	s11 =	rddreg [dreg:$0x4];
	[sflag:s0] =	ssyncadd.s32 $0xFFFFC000  }
0x80: {  	[spmem:s1] =	stream.indirect.scatter.add.f32 [tilespmem:s26], [sflag:$0x6], $0x80, s11, s25, $0xb8;
	[tilespmem:$0x1D000] =	vst v63  }
0x81: {  	_ =	swait.ge [sflag:s30], $0x4000  }
0x82: {  	[sflag:s30] =	ssyncset.done $0x0  }
0x83: {  	s12 =	rddreg [dreg:$0x5];
	[sflag:s30] =	ssyncadd.s32 $0xFFFFC000  }
0x84: {  	[tilespmem:s26], [sflag:$0x2] =	stream.indirect.gather [hbm4b:s4+s25], $0x80, s12, s25, $0xb8;
	[tilespmem:$0x1D000] =	vst v63  }
0x85: {  	_ =	swait.ge [sflag:s31], $0x4000  }
0x86: {  	[sflag:s31] =	ssyncset.done $0x0  }
0x87: {  	s11 =	rddreg [dreg:$0x6];
	[sflag:s31] =	ssyncadd.s32 $0xFFFFC000  }
0x88: {  	[spmem:s1] =	stream.indirect.scatter.add.f32 [tilespmem:s22], [sflag:$0x5], $0x80, s11, s25, $0xb8;
	[tilespmem:$0x1D000] =	vst v63  }
0x89: {  	_ =	swait.ge [sflag:s29], $0x4000  }
0x8a: {  	[sflag:s29] =	ssyncset.done $0x0  }
0x8b: {  	s12 =	rddreg [dreg:$0x7];
	[sflag:s29] =	ssyncadd.s32 $0xFFFFC000  }
0x8c: {  	[tilespmem:s22], [sflag:$0x1] =	stream.indirect.gather [hbm4b:s4+s25], $0x80, s12, s25, $0xb8;
	[tilespmem:$0x1D000] =	vst v63  }
0x8d: {  	_ =	swait.ge [sflag:s0], $0x4000  }
0x8e: {  	[sflag:s0] =	ssyncset.done $0x0  }
0x8f: {  	s11 =	rddreg [dreg:$0x8];
	[sflag:s0] =	ssyncadd.s32 $0xFFFFC000  }
0x90: {  	[spmem:s1] =	stream.indirect.scatter.add.f32 [tilespmem:s26], [sflag:$0x6], $0x80, s11, s25, $0xb8;
	[tilespmem:$0x1D000] =	vst v63  }
0x91: {  	_ =	swait.ge [sflag:s30], $0x4000  }
0x92: {  	[sflag:s30] =	ssyncset.done $0x0  }
0x93: {  	s12 =	rddreg [dreg:$0x9];
	[sflag:s30] =	ssyncadd.s32 $0xFFFFC000  }
0x94: {  	[tilespmem:s26], [sflag:$0x2] =	stream.indirect.gather [hbm4b:s4+s25], $0x80, s12, s25, $0xb8;
	[tilespmem:$0x1D000] =	vst v63  }
0x95: {  	_ =	swait.ge [sflag:s31], $0x4000  }
0x96: {  	[sflag:s31] =	ssyncset.done $0x0  }
0x97: {  	s11 =	rddreg [dreg:$0xa];
	[sflag:s31] =	ssyncadd.s32 $0xFFFFC000  }
0x98: {  	[spmem:s1] =	stream.indirect.scatter.add.f32 [tilespmem:s22], [sflag:$0x5], $0x80, s11, s25, $0xb8;
	[tilespmem:$0x1D000] =	vst v63  }
0x99: {  	_ =	swait.ge [sflag:s29], $0x4000  }
0x9a: {  	[sflag:s29] =	ssyncset.done $0x0  }
0x9b: {  	s12 =	rddreg [dreg:$0xb];
	[sflag:s29] =	ssyncadd.s32 $0xFFFFC000  }
0x9c: {  	[tilespmem:s22], [sflag:$0x1] =	stream.indirect.gather [hbm4b:s4+s25], $0x80, s12, s25, $0xb8;
	[tilespmem:$0x1D000] =	vst v63  }
0x9d: {  	_ =	swait.ge [sflag:s0], $0x4000  }
0x9e: {  	[sflag:s0] =	ssyncset.done $0x0  }
0x9f: {  	s11 =	rddreg [dreg:$0xc];
	[sflag:s0] =	ssyncadd.s32 $0xFFFFC000  }
0xa0: {  	[spmem:s1] =	stream.indirect.scatter.add.f32 [tilespmem:s26], [sflag:$0x6], $0x80, s11, s25, $0xb8;
	[tilespmem:$0x1D000] =	vst v63  }
0xa1: {  	_ =	swait.ge [sflag:s30], $0x4000  }
0xa2: {  	[sflag:s30] =	ssyncset.done $0x0  }
0xa3: {  	s12 =	rddreg [dreg:$0xd];
	[sflag:s30] =	ssyncadd.s32 $0xFFFFC000  }
0xa4: {  	[tilespmem:s26], [sflag:$0x2] =	stream.indirect.gather [hbm4b:s4+s25], $0x80, s12, s25, $0xb8;
	[tilespmem:$0x1D000] =	vst v63  }
0xa5: {  	_ =	swait.ge [sflag:s31], $0x4000  }
0xa6: {  	[sflag:s31] =	ssyncset.done $0x0  }
0xa7: {  	s11 =	rddreg [dreg:$0xe];
	[sflag:s31] =	ssyncadd.s32 $0xFFFFC000  }
0xa8: {  	[spmem:s1] =	stream.indirect.scatter.add.f32 [tilespmem:s22], [sflag:$0x5], $0x80, s11, s25, $0xb8;
	[tilespmem:$0x1D000] =	vst v63  }
0xa9: {  	_ =	swait.ge [sflag:s0], $0x4000  }
0xaa: {  	p0 =	por $0x0, $0x0;
	s11 =	simm.s32 $0x10;
	[sflag:s0] =	ssyncset.done $0x0  }
0xab: {  	s11 =	simm.s32 @p0 $0x0;
	s12 =	rddreg [dreg:$0xf];
	[sflag:s0] =	ssyncadd.s32 $0xFFFFC000  }
0xac: {  	[spmem:s1] =	stream.indirect.scatter.add.f32 [tilespmem:s26], [sflag:$0x6], $0x80, s12, s25, $0xb8;
	[tilespmem:$0x1D000] =	vst v63  }
0xad: {  	s12 =	sadd.s32 s6, s11;
	_ =	swait.ge [sflag:s2], $0x800  }
0xae: {  	s10 =	sshll.u32 s12, $0x4;
	[sflag:s2] =	ssyncset.done $0x0  }
0xaf: {  	s10 =	sadd.s32 s5, s10;
	[sflag:s2] =	ssyncadd.s32 $0xFFFFF800  }
0xb0: {  	[tilespmem:s3], [sflag:$0x3] =	stream.strided.gather [hbm4b:s10+s20], $0x800, s21, s20, $0x38;
	[tilespmem:$0x1D000] =	vst v63  }
0xb1: {  	_ =	swait.ge [sflag:s29], $0x4000  }
0xb2: {  	[sflag:s29] =	ssyncset.done $0x0  }
0xb3: {  	[sflag:s29] =	ssyncadd.s32 $0xFFFFC000  }
0xb4: {  	[tilespmem:s22], [sflag:$0x1] =	stream.indirect.gather [hbm4b:s4+s25], $0x80, s28, s25, $0xb8;
	[tilespmem:$0x1D000] =	vst v63  }
0xb5: {  	_ =	swait.ge [sflag:s30], $0x4000  }
0xb6: {  	[sflag:s30] =	ssyncset.done $0x0  }
0xb7: {  	s11 =	rddreg [dreg:$0x10];
	[sflag:s30] =	ssyncadd.s32 $0xFFFFC000  }
0xb8: {  	[tilespmem:s26], [sflag:$0x2] =	stream.indirect.gather [hbm4b:s4+s25], $0x80, s11, s25, $0xb8;
	[tilespmem:$0x1D000] =	vst v63  }
0xb9: {  	_ =	swait.ge [sflag:s31], $0x4000  }
0xba: {  	[sflag:s31] =	ssyncset.done $0x0  }
0xbb: {  	s12 =	rddreg [dreg:$0x11];
	[sflag:s31] =	ssyncadd.s32 $0xFFFFC000  }
0xbc: {  	[spmem:s1] =	stream.indirect.scatter.add.f32 [tilespmem:s22], [sflag:$0x5], $0x80, s12, s25, $0xb8;
	[tilespmem:$0x1D000] =	vst v63  }
0xbd: {  	_ =	swait.ge [sflag:s29], $0x4000  }
0xbe: {  	[sflag:s29] =	ssyncset.done $0x0  }
0xbf: {  	s11 =	rddreg [dreg:$0x12];
	[sflag:s29] =	ssyncadd.s32 $0xFFFFC000  }
0xc0: {  	[tilespmem:s22], [sflag:$0x1] =	stream.indirect.gather [hbm4b:s4+s25], $0x80, s11, s25, $0xb8;
	[tilespmem:$0x1D000] =	vst v63  }
0xc1: {  	_ =	swait.ge [sflag:s0], $0x4000  }
0xc2: {  	[sflag:s0] =	ssyncset.done $0x0  }
0xc3: {  	s12 =	rddreg [dreg:$0x13];
	[sflag:s0] =	ssyncadd.s32 $0xFFFFC000  }
0xc4: {  	[spmem:s1] =	stream.indirect.scatter.add.f32 [tilespmem:s26], [sflag:$0x6], $0x80, s12, s25, $0xb8;
	[tilespmem:$0x1D000] =	vst v63  }
0xc5: {  	_ =	swait.ge [sflag:s30], $0x4000  }
0xc6: {  	[sflag:s30] =	ssyncset.done $0x0  }
0xc7: {  	s11 =	rddreg [dreg:$0x14];
	[sflag:s30] =	ssyncadd.s32 $0xFFFFC000  }
0xc8: {  	[tilespmem:s26], [sflag:$0x2] =	stream.indirect.gather [hbm4b:s4+s25], $0x80, s11, s25, $0xb8;
	[tilespmem:$0x1D000] =	vst v63  }
0xc9: {  	_ =	swait.ge [sflag:s31], $0x4000  }
0xca: {  	[sflag:s31] =	ssyncset.done $0x0  }
0xcb: {  	s12 =	rddreg [dreg:$0x15];
	[sflag:s31] =	ssyncadd.s32 $0xFFFFC000  }
0xcc: {  	[spmem:s1] =	stream.indirect.scatter.add.f32 [tilespmem:s22], [sflag:$0x5], $0x80, s12, s25, $0xb8;
	[tilespmem:$0x1D000] =	vst v63  }
0xcd: {  	_ =	swait.ge [sflag:s29], $0x4000  }
0xce: {  	[sflag:s29] =	ssyncset.done $0x0  }
0xcf: {  	s11 =	rddreg [dreg:$0x16];
	[sflag:s29] =	ssyncadd.s32 $0xFFFFC000  }
0xd0: {  	[tilespmem:s22], [sflag:$0x1] =	stream.indirect.gather [hbm4b:s4+s25], $0x80, s11, s25, $0xb8;
	[tilespmem:$0x1D000] =	vst v63  }
0xd1: {  	_ =	swait.ge [sflag:s0], $0x4000  }
0xd2: {  	[sflag:s0] =	ssyncset.done $0x0  }
0xd3: {  	s12 =	rddreg [dreg:$0x17];
	[sflag:s0] =	ssyncadd.s32 $0xFFFFC000  }
0xd4: {  	[spmem:s1] =	stream.indirect.scatter.add.f32 [tilespmem:s26], [sflag:$0x6], $0x80, s12, s25, $0xb8;
	[tilespmem:$0x1D000] =	vst v63  }
0xd5: {  	_ =	swait.ge [sflag:s30], $0x4000  }
0xd6: {  	[sflag:s30] =	ssyncset.done $0x0  }
0xd7: {  	[sflag:s30] =	ssyncadd.s32 $0xFFFFC000  }
0xd8: {  	[tilespmem:s26], [sflag:$0x2] =	stream.indirect.gather [hbm4b:s4+s25], $0x80, s7, s25, $0xb8;
	[tilespmem:$0x1D000] =	vst v63  }
0xd9: {  	_ =	swait.ge [sflag:s31], $0x4000  }
0xda: {  	[sflag:s31] =	ssyncset.done $0x0  }
0xdb: {  	[sflag:s31] =	ssyncadd.s32 $0xFFFFC000  }
0xdc: {  	[spmem:s1] =	stream.indirect.scatter.add.f32 [tilespmem:s22], [sflag:$0x5], $0x80, s13, s25, $0xb8;
	[tilespmem:$0x1D000] =	vst v63  }
0xdd: {  	_ =	swait.ge [sflag:s29], $0x4000  }
0xde: {  	[sflag:s29] =	ssyncset.done $0x0  }
0xdf: {  	[sflag:s29] =	ssyncadd.s32 $0xFFFFC000  }
0xe0: {  	[tilespmem:s22], [sflag:$0x1] =	stream.indirect.gather [hbm4b:s4+s25], $0x80, s14, s25, $0xb8;
	[tilespmem:$0x1D000] =	vst v63  }
0xe1: {  	_ =	swait.ge [sflag:s0], $0x4000  }
0xe2: {  	[sflag:s0] =	ssyncset.done $0x0  }
0xe3: {  	[sflag:s0] =	ssyncadd.s32 $0xFFFFC000  }
0xe4: {  	[spmem:s1] =	stream.indirect.scatter.add.f32 [tilespmem:s26], [sflag:$0x6], $0x80, s15, s25, $0xb8;
	[tilespmem:$0x1D000] =	vst v63  }
0xe5: {  	_ =	swait.ge [sflag:s30], $0x4000  }
0xe6: {  	[sflag:s30] =	ssyncset.done $0x0  }
0xe7: {  	[sflag:s30] =	ssyncadd.s32 $0xFFFFC000  }
0xe8: {  	[tilespmem:s26], [sflag:$0x2] =	stream.indirect.gather [hbm4b:s4+s25], $0x80, s16, s25, $0xb8;
	[tilespmem:$0x1D000] =	vst v63  }
0xe9: {  	_ =	swait.ge [sflag:s31], $0x4000  }
0xea: {  	[sflag:s31] =	ssyncset.done $0x0  }
0xeb: {  	[sflag:s31] =	ssyncadd.s32 $0xFFFFC000  }
0xec: {  	[spmem:s1] =	stream.indirect.scatter.add.f32 [tilespmem:s22], [sflag:$0x5], $0x80, s17, s25, $0xb8;
	[tilespmem:$0x1D000] =	vst v63  }
0xed: {  	_ =	swait.ge [sflag:s0], $0x4000  }
0xee: {  	[sflag:s0] =	ssyncset.done $0x0  }
0xef: {  	[sflag:s0] =	ssyncadd.s32 $0xFFFFC000  }
0xf0: {  	[spmem:s1] =	stream.indirect.scatter.add.f32 [tilespmem:s26], [sflag:$0x6], $0x80, s18, s25, $0xb8;
	[tilespmem:$0x1D000] =	vst v63  }
0xf1: {  	s10 =	simm.s32 $0x20;
	_ =	swait.ge [sflag:s24], $0x800  }
.LBB2_4:
0xf2: {  	[sflag:s24] =	ssyncset.done $0x0  }
0xf3: {  	s19 =	sadd.s32 $0x100, s19;
	[sflag:s24] =	ssyncadd.s32 $0xFFFFF800  }
0xf4: {  	[tilespmem:s28], [sflag:$0x4] =	stream.strided.gather [hbm4b:s19+s20], $0x800, s21, s20, $0x38;
	[tilespmem:$0x1D000] =	vst v63  }
0xf5: {  	_ =	swait.ge [sflag:s29], $0x4000  }
0xf6: {  	[sflag:s29] =	ssyncset.done $0x0  }
0xf7: {  	[sflag:s29] =	ssyncadd.s32 $0xFFFFC000  }
0xf8: {  	[tilespmem:s22], [sflag:$0x1] =	stream.indirect.gather [hbm4b:s4+s25], $0x80, s3, s25, $0xb8;
	[tilespmem:$0x1D000] =	vst v63  }
0xf9: {  	_ =	swait.ge [sflag:s30], $0x4000  }
0xfa: {  	[sflag:s30] =	ssyncset.done $0x0  }
0xfb: {  	[sflag:s30] =	ssyncadd.s32 $0xFFFFC000  }
0xfc: {  	[tilespmem:s26], [sflag:$0x2] =	stream.indirect.gather [hbm4b:s4+s25], $0x80, s25, s25, $0xb8;
	[tilespmem:$0x1D000] =	vst v63  }
0xfd: {  	_ =	swait.ge [sflag:s31], $0x4000  }
0xfe: {  	[sflag:s31] =	ssyncset.done $0x0  }
0xff: {  	[sflag:s31] =	ssyncadd.s32 $0xFFFFC000  }
0x100: {  	[spmem:s1] =	stream.indirect.scatter.add.f32 [tilespmem:s22], [sflag:$0x5], $0x80, s20, s25, $0xb8;
	[tilespmem:$0x1D000] =	vst v63  }
0x101: {  	_ =	swait.ge [sflag:s29], $0x4000  }
0x102: {  	s11 =	smov.u32 s10;
	s12 =	sadd.s32 $0x10, s10;
	[sflag:s29] =	ssyncset.done $0x0  }
0x103: {  	p0 =	sne.s32 s10, $0xA0;
	s10 =	rddreg [dreg:$0x3];
	[sflag:s29] =	ssyncadd.s32 $0xFFFFC000  }
0x104: {  	[tilespmem:s22], [sflag:$0x1] =	stream.indirect.gather [hbm4b:s4+s25], $0x80, s10, s25, $0xb8;
	[tilespmem:$0x1D000] =	vst v63  }
0x105: {  	_ =	swait.ge [sflag:s0], $0x4000  }
0x106: {  	[sflag:s0] =	ssyncset.done $0x0  }
0x107: {  	s10 =	rddreg [dreg:$0x4];
	[sflag:s0] =	ssyncadd.s32 $0xFFFFC000  }
0x108: {  	[spmem:s1] =	stream.indirect.scatter.add.f32 [tilespmem:s26], [sflag:$0x6], $0x80, s10, s25, $0xb8;
	[tilespmem:$0x1D000] =	vst v63  }
0x109: {  	_ =	swait.ge [sflag:s30], $0x4000  }
0x10a: {  	[sflag:s30] =	ssyncset.done $0x0  }
0x10b: {  	s10 =	rddreg [dreg:$0x5];
	[sflag:s30] =	ssyncadd.s32 $0xFFFFC000  }
0x10c: {  	[tilespmem:s26], [sflag:$0x2] =	stream.indirect.gather [hbm4b:s4+s25], $0x80, s10, s25, $0xb8;
	[tilespmem:$0x1D000] =	vst v63  }
0x10d: {  	_ =	swait.ge [sflag:s31], $0x4000  }
0x10e: {  	[sflag:s31] =	ssyncset.done $0x0  }
0x10f: {  	s10 =	rddreg [dreg:$0x6];
	[sflag:s31] =	ssyncadd.s32 $0xFFFFC000  }
0x110: {  	[spmem:s1] =	stream.indirect.scatter.add.f32 [tilespmem:s22], [sflag:$0x5], $0x80, s10, s25, $0xb8;
	[tilespmem:$0x1D000] =	vst v63  }
0x111: {  	_ =	swait.ge [sflag:s29], $0x4000  }
0x112: {  	[sflag:s29] =	ssyncset.done $0x0  }
0x113: {  	s10 =	rddreg [dreg:$0x7];
	[sflag:s29] =	ssyncadd.s32 $0xFFFFC000  }
0x114: {  	[tilespmem:s22], [sflag:$0x1] =	stream.indirect.gather [hbm4b:s4+s25], $0x80, s10, s25, $0xb8;
	[tilespmem:$0x1D000] =	vst v63  }
0x115: {  	_ =	swait.ge [sflag:s0], $0x4000  }
0x116: {  	[sflag:s0] =	ssyncset.done $0x0  }
0x117: {  	s10 =	rddreg [dreg:$0x8];
	[sflag:s0] =	ssyncadd.s32 $0xFFFFC000  }
0x118: {  	[spmem:s1] =	stream.indirect.scatter.add.f32 [tilespmem:s26], [sflag:$0x6], $0x80, s10, s25, $0xb8;
	[tilespmem:$0x1D000] =	vst v63  }
0x119: {  	_ =	swait.ge [sflag:s30], $0x4000  }
0x11a: {  	[sflag:s30] =	ssyncset.done $0x0  }
0x11b: {  	s10 =	rddreg [dreg:$0x9];
	[sflag:s30] =	ssyncadd.s32 $0xFFFFC000  }
0x11c: {  	[tilespmem:s26], [sflag:$0x2] =	stream.indirect.gather [hbm4b:s4+s25], $0x80, s10, s25, $0xb8;
	[tilespmem:$0x1D000] =	vst v63  }
0x11d: {  	_ =	swait.ge [sflag:s31], $0x4000  }
0x11e: {  	[sflag:s31] =	ssyncset.done $0x0  }
0x11f: {  	s10 =	rddreg [dreg:$0xa];
	[sflag:s31] =	ssyncadd.s32 $0xFFFFC000  }
0x120: {  	[spmem:s1] =	stream.indirect.scatter.add.f32 [tilespmem:s22], [sflag:$0x5], $0x80, s10, s25, $0xb8;
	[tilespmem:$0x1D000] =	vst v63  }
0x121: {  	_ =	swait.ge [sflag:s29], $0x4000  }
0x122: {  	[sflag:s29] =	ssyncset.done $0x0  }
0x123: {  	s10 =	rddreg [dreg:$0xb];
	[sflag:s29] =	ssyncadd.s32 $0xFFFFC000  }
0x124: {  	[tilespmem:s22], [sflag:$0x1] =	stream.indirect.gather [hbm4b:s4+s25], $0x80, s10, s25, $0xb8;
	[tilespmem:$0x1D000] =	vst v63  }
0x125: {  	_ =	swait.ge [sflag:s0], $0x4000  }
0x126: {  	[sflag:s0] =	ssyncset.done $0x0  }
0x127: {  	s10 =	rddreg [dreg:$0xc];
	[sflag:s0] =	ssyncadd.s32 $0xFFFFC000  }
0x128: {  	[spmem:s1] =	stream.indirect.scatter.add.f32 [tilespmem:s26], [sflag:$0x6], $0x80, s10, s25, $0xb8;
	[tilespmem:$0x1D000] =	vst v63  }
0x129: {  	_ =	swait.ge [sflag:s30], $0x4000  }
0x12a: {  	[sflag:s30] =	ssyncset.done $0x0  }
0x12b: {  	s10 =	rddreg [dreg:$0xd];
	[sflag:s30] =	ssyncadd.s32 $0xFFFFC000  }
0x12c: {  	[tilespmem:s26], [sflag:$0x2] =	stream.indirect.gather [hbm4b:s4+s25], $0x80, s10, s25, $0xb8;
	[tilespmem:$0x1D000] =	vst v63  }
0x12d: {  	_ =	swait.ge [sflag:s31], $0x4000  }
0x12e: {  	[sflag:s31] =	ssyncset.done $0x0  }
0x12f: {  	s10 =	rddreg [dreg:$0xe];
	[sflag:s31] =	ssyncadd.s32 $0xFFFFC000  }
0x130: {  	[spmem:s1] =	stream.indirect.scatter.add.f32 [tilespmem:s22], [sflag:$0x5], $0x80, s10, s25, $0xb8;
	[tilespmem:$0x1D000] =	vst v63  }
0x131: {  	_ =	swait.ge [sflag:s0], $0x4000  }
0x132: {  	p1 =	seq.s32 s11, $0xA0;
	[sflag:s0] =	ssyncset.done $0x0  }
0x133: {  	s11 =	simm.s32 @p1 $0x0;
	s10 =	rddreg [dreg:$0xf];
	[sflag:s0] =	ssyncadd.s32 $0xFFFFC000  }
0x134: {  	[spmem:s1] =	stream.indirect.scatter.add.f32 [tilespmem:s26], [sflag:$0x6], $0x80, s10, s25, $0xb8;
	[tilespmem:$0x1D000] =	vst v63  }
0x135: {  	s11 =	sadd.s32 s6, s11;
	_ =	swait.ge [sflag:s2], $0x800  }
0x136: {  	s10 =	sshll.u32 s11, $0x4;
	[sflag:s2] =	ssyncset.done $0x0  }
0x137: {  	s10 =	sadd.s32 s5, s10;
	[sflag:s2] =	ssyncadd.s32 $0xFFFFF800  }
0x138: {  	[tilespmem:s3], [sflag:$0x3] =	stream.strided.gather [hbm4b:s10+s20], $0x800, s21, s20, $0x38;
	[tilespmem:$0x1D000] =	vst v63  }
0x139: {  	_ =	swait.ge [sflag:s29], $0x4000  }
0x13a: {  	[sflag:s29] =	ssyncset.done $0x0  }
0x13b: {  	[sflag:s29] =	ssyncadd.s32 $0xFFFFC000  }
0x13c: {  	[tilespmem:s22], [sflag:$0x1] =	stream.indirect.gather [hbm4b:s4+s25], $0x80, s28, s25, $0xb8;
	[tilespmem:$0x1D000] =	vst v63  }
0x13d: {  	_ =	swait.ge [sflag:s30], $0x4000  }
0x13e: {  	[sflag:s30] =	ssyncset.done $0x0  }
0x13f: {  	s11 =	rddreg [dreg:$0x10];
	[sflag:s30] =	ssyncadd.s32 $0xFFFFC000  }
0x140: {  	[tilespmem:s26], [sflag:$0x2] =	stream.indirect.gather [hbm4b:s4+s25], $0x80, s11, s25, $0xb8;
	[tilespmem:$0x1D000] =	vst v63  }
0x141: {  	_ =	swait.ge [sflag:s31], $0x4000  }
0x142: {  	[sflag:s31] =	ssyncset.done $0x0  }
0x143: {  	s11 =	rddreg [dreg:$0x11];
	[sflag:s31] =	ssyncadd.s32 $0xFFFFC000  }
0x144: {  	[spmem:s1] =	stream.indirect.scatter.add.f32 [tilespmem:s22], [sflag:$0x5], $0x80, s11, s25, $0xb8;
	[tilespmem:$0x1D000] =	vst v63  }
0x145: {  	_ =	swait.ge [sflag:s29], $0x4000  }
0x146: {  	[sflag:s29] =	ssyncset.done $0x0  }
0x147: {  	s11 =	rddreg [dreg:$0x12];
	[sflag:s29] =	ssyncadd.s32 $0xFFFFC000  }
0x148: {  	[tilespmem:s22], [sflag:$0x1] =	stream.indirect.gather [hbm4b:s4+s25], $0x80, s11, s25, $0xb8;
	[tilespmem:$0x1D000] =	vst v63  }
0x149: {  	_ =	swait.ge [sflag:s0], $0x4000  }
0x14a: {  	[sflag:s0] =	ssyncset.done $0x0  }
0x14b: {  	s11 =	rddreg [dreg:$0x13];
	[sflag:s0] =	ssyncadd.s32 $0xFFFFC000  }
0x14c: {  	[spmem:s1] =	stream.indirect.scatter.add.f32 [tilespmem:s26], [sflag:$0x6], $0x80, s11, s25, $0xb8;
	[tilespmem:$0x1D000] =	vst v63  }
0x14d: {  	_ =	swait.ge [sflag:s30], $0x4000  }
0x14e: {  	[sflag:s30] =	ssyncset.done $0x0  }
0x14f: {  	s11 =	rddreg [dreg:$0x14];
	[sflag:s30] =	ssyncadd.s32 $0xFFFFC000  }
0x150: {  	[tilespmem:s26], [sflag:$0x2] =	stream.indirect.gather [hbm4b:s4+s25], $0x80, s11, s25, $0xb8;
	[tilespmem:$0x1D000] =	vst v63  }
0x151: {  	_ =	swait.ge [sflag:s31], $0x4000  }
0x152: {  	[sflag:s31] =	ssyncset.done $0x0  }
0x153: {  	s11 =	rddreg [dreg:$0x15];
	[sflag:s31] =	ssyncadd.s32 $0xFFFFC000  }
0x154: {  	[spmem:s1] =	stream.indirect.scatter.add.f32 [tilespmem:s22], [sflag:$0x5], $0x80, s11, s25, $0xb8;
	[tilespmem:$0x1D000] =	vst v63  }
0x155: {  	_ =	swait.ge [sflag:s29], $0x4000  }
0x156: {  	[sflag:s29] =	ssyncset.done $0x0  }
0x157: {  	s11 =	rddreg [dreg:$0x16];
	[sflag:s29] =	ssyncadd.s32 $0xFFFFC000  }
0x158: {  	[tilespmem:s22], [sflag:$0x1] =	stream.indirect.gather [hbm4b:s4+s25], $0x80, s11, s25, $0xb8;
	[tilespmem:$0x1D000] =	vst v63  }
0x159: {  	_ =	swait.ge [sflag:s0], $0x4000  }
0x15a: {  	[sflag:s0] =	ssyncset.done $0x0  }
0x15b: {  	s11 =	rddreg [dreg:$0x17];
	[sflag:s0] =	ssyncadd.s32 $0xFFFFC000  }
0x15c: {  	[spmem:s1] =	stream.indirect.scatter.add.f32 [tilespmem:s26], [sflag:$0x6], $0x80, s11, s25, $0xb8;
	[tilespmem:$0x1D000] =	vst v63  }
0x15d: {  	_ =	swait.ge [sflag:s30], $0x4000  }
0x15e: {  	[sflag:s30] =	ssyncset.done $0x0  }
0x15f: {  	[sflag:s30] =	ssyncadd.s32 $0xFFFFC000  }
0x160: {  	[tilespmem:s26], [sflag:$0x2] =	stream.indirect.gather [hbm4b:s4+s25], $0x80, s7, s25, $0xb8;
	[tilespmem:$0x1D000] =	vst v63  }
0x161: {  	_ =	swait.ge [sflag:s31], $0x4000  }
0x162: {  	[sflag:s31] =	ssyncset.done $0x0  }
0x163: {  	[sflag:s31] =	ssyncadd.s32 $0xFFFFC000  }
0x164: {  	[spmem:s1] =	stream.indirect.scatter.add.f32 [tilespmem:s22], [sflag:$0x5], $0x80, s13, s25, $0xb8;
	[tilespmem:$0x1D000] =	vst v63  }
0x165: {  	_ =	swait.ge [sflag:s29], $0x4000  }
0x166: {  	[sflag:s29] =	ssyncset.done $0x0  }
0x167: {  	[sflag:s29] =	ssyncadd.s32 $0xFFFFC000  }
0x168: {  	[tilespmem:s22], [sflag:$0x1] =	stream.indirect.gather [hbm4b:s4+s25], $0x80, s14, s25, $0xb8;
	[tilespmem:$0x1D000] =	vst v63  }
0x169: {  	_ =	swait.ge [sflag:s0], $0x4000  }
0x16a: {  	[sflag:s0] =	ssyncset.done $0x0  }
0x16b: {  	[sflag:s0] =	ssyncadd.s32 $0xFFFFC000  }
0x16c: {  	[spmem:s1] =	stream.indirect.scatter.add.f32 [tilespmem:s26], [sflag:$0x6], $0x80, s15, s25, $0xb8;
	[tilespmem:$0x1D000] =	vst v63  }
0x16d: {  	_ =	swait.ge [sflag:s30], $0x4000  }
0x16e: {  	[sflag:s30] =	ssyncset.done $0x0  }
0x16f: {  	[sflag:s30] =	ssyncadd.s32 $0xFFFFC000  }
0x170: {  	[tilespmem:s26], [sflag:$0x2] =	stream.indirect.gather [hbm4b:s4+s25], $0x80, s16, s25, $0xb8;
	[tilespmem:$0x1D000] =	vst v63  }
0x171: {  	_ =	swait.ge [sflag:s31], $0x4000  }
0x172: {  	[sflag:s31] =	ssyncset.done $0x0  }
0x173: {  	[sflag:s31] =	ssyncadd.s32 $0xFFFFC000  }
0x174: {  	[spmem:s1] =	stream.indirect.scatter.add.f32 [tilespmem:s22], [sflag:$0x5], $0x80, s17, s25, $0xb8;
	[tilespmem:$0x1D000] =	vst v63  }
.Ltmp1:
0x175: {  	_ =	swait.ge [sflag:s0], $0x4000;
	(pc) =	sbr.rel @p0 .LBB2_4-.Ltmp1, $4  }
0x176: {  	[sflag:s0] =	ssyncset.done $0x0  }
0x177: {  	[sflag:s0] =	ssyncadd.s32 $0xFFFFC000  }
0x178: {  	[spmem:s1] =	stream.indirect.scatter.add.f32 [tilespmem:s26], [sflag:$0x6], $0x80, s18, s25, $0xb8;
	[tilespmem:$0x1D000] =	vst v63  }
0x179: {  	s10 =	smov.u32 s12;
	_ =	swait.ge [sflag:s24], $0x800  }
0x17a: {  	[sflag:s24] =	ssyncset.done $0x0  }
0x17b: {  	[sflag:s24] =	ssyncadd.s32 $0xFFFFF800  }
0x17c: {  	_ =	swait.ge [sflag:s29], $0x4000  }
0x17d: {  	[sflag:s29] =	ssyncset.done $0x0  }
0x17e: {  	[sflag:s29] =	ssyncadd.s32 $0xFFFFC000  }
0x17f: {  	_ =	swait.ge [sflag:s30], $0x4000  }
0x180: {  	[sflag:s30] =	ssyncset.done $0x0  }
0x181: {  	s10 =	stileid.u32;
	[sflag:s30] =	ssyncadd.s32 $0xFFFFC000  }
0x182: {  	s10 =	sshll.u32 s10, $0x6;
	[bflag:$0x0] =	sbarrier.arrive $0xFFFF  }
0x183: {  	s11 =	sshrl.u32 s9, $0x3;
	s10 =	sor.u32 $0x1C07, s10;
	s12 =	rddreg [dreg:$0x1d]  }
0x184: {  	[hbm:s12], [sflag:s10] =	dma.local [spmem:s11], $0x800  }
0x185: {  	_ =	swait.ge [sflag:s23], $0x800  }
0x186: {  	s19 =	smov.u32 s9;
	[sflag:s23] =	ssyncset.done $0x0;
	s12 =	rddreg [dreg:$0x19]  }
0x187: {  	[sflag:s23] =	ssyncadd.s32 $0xFFFFF800;
	s9 =	sshrl.u32 s12, $0x3;
	s12 =	rddreg [dreg:$0x1e]  }
0x188: {  	[hbm:s12], [sflag:s10] =	dma.local [spmem:s9], $0x800  }
0x189: {  	_ =	swait.ge [sflag:s23], $0x800  }
0x18a: {  	[sflag:s23] =	ssyncset.done $0x0;
	s12 =	rddreg [dreg:$0x1a]  }
0x18b: {  	[sflag:s23] =	ssyncadd.s32 $0xFFFFF800;
	s9 =	sshrl.u32 s12, $0x3;
	s12 =	rddreg [dreg:$0x1f]  }
0x18c: {  	[hbm:s12], [sflag:s10] =	dma.local [spmem:s9], $0x800  }
0x18d: {  	_ =	swait.ge [sflag:s23], $0x800  }
0x18e: {  	s12 =	rddreg [dreg:$0x1b]  }
0x18f: {  	s9 =	sshrl.u32 s12, $0x3;
	s12 =	sld [smem:$0x7FA]  }
0x190: {  	[sflag:s23] =	ssyncset.done $0x0  }
0x191: {  	[sflag:s23] =	ssyncadd.s32 $0xFFFFF800  }
0x192: {  	[hbm:s12], [sflag:s10] =	dma.local [spmem:s9], $0x800  }
0x193: {  	_ =	swait.ge [sflag:s23], $0x800  }
0x194: {  	s12 =	rddreg [dreg:$0x1c]  }
0x195: {  	s9 =	sshrl.u32 s12, $0x3;
	s12 =	sld [smem:$0x7FB]  }
0x196: {  	[sflag:s23] =	ssyncset.done $0x0  }
0x197: {  	[sflag:s23] =	ssyncadd.s32 $0xFFFFF800  }
0x198: {  	[hbm:s12], [sflag:s10] =	dma.local [spmem:s9], $0x800  }
0x199: {  	_ =	swait.ge [sflag:s23], $0x800  }
0x19a: {  	s12 =	sld [smem:$0x7FC];
	_ =	sdelay $0x1  }
0x19b: {  	s8 =	sadd.s32 $0x1, s8  }
0x19c: {  	p0 =	sne.s32 s8, s12  }
.Ltmp2:
0x19d: {  	_ = 	snop;
	(pc) =	sbr.rel @p0 .LBB2_1-.Ltmp2, $3  }
0x19e: {  	_ =	sdelay $0x1  }
0x19f: {  	[sflag:s23] =	ssyncset.done $0x0  }
0x1a0: {  	[sflag:s23] =	ssyncadd.s32 $0xFFFFF800  }
0x1a1: {  	_ =	sfence.sel $0x180000  }
0x1a2: {  	[bflag:$0x0] =	sbarrier.arrive $0xFFFF  }
0x1a3: {  	_ =	strace $0x9000004A  }
0x1a4: {  	s0 =	stileid.u32;
	[bflag:$0x2] =	sbarrier.arrive $0xFFFF  }
0x1a5: {  	p0 =	sne.s32 s0, $0x0;
	s0 =	rddreg [dreg:$0x2]  }
0x1a6: {  	s0 =	sadd.s32 @!p0 $0x100000, s0  }
0x1a7: {  	[sflag:s0] =	ssyncadd.tile.s32 @!p0 $0x1;
	_ =	shalt  }
.Lfunc_end2:
_tile_overlayer_lowered:
.L_overlay_start_2:
0x1a8: {  	(tag) =	ssettag $0x2  }
0x1a9: {  	s0 =	rddreg [dreg:$0x0];
	s2 =	stileid.u32  }
0x1aa: {  	s1 =	rddreg [dreg:$0x1];
	p0 =	sne.s32 s2, $0x0  }
0x1ab: {  	s3 =	rddreg [dreg:$0x2];
	[bflag:$0x3] =	sbarrier.arrive $0xFFFF;
	s2 =	simm.s32 @!p0 $0x1C07  }
0x1ac: {  	[timem:s3], [sflag:s2] =	dma.local @!p0 [hbm:s0], s1  }
0x1ad: {  	s0 =	simm.s32 @!p0 $0x7  }
0x1ae: {  	_ =	swait.ge @!p0 [sflag:s0], s1  }
0x1af: {  	s1 =	ssub.s32 @!p0 $0x0, s1;
	[sflag:s0] =	ssyncset.done @!p0 $0x0  }
0x1b0: {  	[sflag:s0] =	ssyncadd.s32 @!p0 s1  }
0x1b1: {  	[bflag:$0x3] =	sbarrier.arrive $0xFFFF  }
0x1b2: {  	_ =	shalt  }

// kernel: kernel.8.cloned.1.call-start
scs
__scs_entry_jumppad:
0x0: {  	(pc) =	sbr.rel $0x88, $3  }
0x1: {  	(tag) =	ssettag $0x0;
	lr =	simm.s32 $0x1  }
0x2: {  	[smem:$0x3F8D] =	sst lr;
	_ =	strace $0xD0000000  }
0x3: {  	_ = 	snop  }
0x4: {  	_ = 	snop  }
0x5: {  	_ = 	snop  }
0x6: {  	_ = 	snop  }
0x7: {  	_ = 	snop  }
__scs_overlays_trampoline_lowered:
0x8: {  	[smem:$0x3F9C] =	sst s0  }
0x9: {  	[smem:$0x3F9D] =	sst s1  }
0xa: {  	[smem:$0x3F9E] =	sst s2  }
0xb: {  	[smem:$0x3F9F] =	sst s3  }
0xc: {  	[smem:$0x3FA0] =	sst s4  }
0xd: {  	[smem:$0x3FA1] =	sst s5  }
0xe: {  	[smem:$0x3FA2] =	sst s6  }
0xf: {  	[smem:$0x3FA3] =	sst s7  }
0x10: {  	[smem:$0x3FA4] =	sst s8  }
0x11: {  	[smem:$0x3FA5] =	sst s9;
	s0 =	simm.s32 @!p0 $0x0  }
0x12: {  	s1 =	sld [smem:$0x3F8B];
	s0 =	simm.s32 @p0 $0x1  }
0x13: {  	[smem:$0x3FA6] =	sst s0;
	s0 =	simm.s32 @!p1 $0x0  }
0x14: {  	s2 =	sld [smem:$0x3F8A];
	s0 =	simm.s32 @p1 $0x1  }
0x15: {  	[smem:$0x3FA7] =	sst s0;
	s0 =	simm.s32 @!p2 $0x0  }
0x16: {  	s3 =	sld [smem:$0x3FDB];
	s0 =	simm.s32 @p2 $0x1  }
0x17: {  	s4 =	simm.s32 $0x1BF5;
	[smem:$0x3FA9] =	sst s0  }
0x18: {  	s0 =	sld [smem:$0x3F8C];
	_ =	swait.ge [sflag:s4], $0x0  }
0x19: {  	s7 =	sld [smem:$0x3F8D]  }
0x1a: {  	s8 =	sadd.s32 $0xFFFFE003, lr  }
0x1b: {  	s9 =	sadd.s32 $0xFFFFFEF7, lr;
	s5 =	simm.s32 $0xFFFFFFFF;
	p2 =	slt.u32 s8, $0xFFFFF086  }
0x1c: {  	p1 =	slt.u32 s9, $0xF7A;
	s5 =	simm.s32 @!p2 $0x0  }
0x1d: {  	s5 =	simm.s32 @p1 $0x1;
	p0 =	seq.s32 s7, s2  }
0x1e: {  	s7 =	smul.u32 @!p0 $0xF7A, s2;
	p2 =	seq.s32 @!p0 s5, $0x0  }
0x1f: {  	s9 =	smul.u32 $0xF7A, s1;
	s8 =	simm.s32 @!p0 $0x1BF5;
	p2 =	por !p2, p0  }
0x20: {  	[sflag:s8] =	ssyncset.s32 @!p0 $0xFFFFF086;
	s6 =	sadd.s32 @!p0 s3, s7;
	s7 =	simm.s32 @!p0 $0x108  }
0x21: {  	s3 =	sadd.s32 s3, s9;
	s6 =	sadd.s32 @!p0 $0x88, s6;
	s7 =	simm.s32 @p2 $0x1082  }
0x22: {  	[simem:s7], [sflag:s8] =	dma.local @!p0 [hbm:s6], $0xF7A  }
0x23: {  	s9 =	sor.u32 $0xD0000000, s2;
	s6 =	simm.s32 $0x108;
	_ =	swait.ge @!p0 [sflag:s8], $0x0  }
0x24: {  	s3 =	sadd.s32 $0x88, s3;
	s6 =	simm.s32 @!p1 $0x1082;
	[sflag:s4] =	ssyncset.s32 $0xFFFFF086  }
0x25: {  	[simem:s6], [sflag:s4] =	dma.local [hbm:s3], $0xF7A  }
0x26: {  	[smem:$0x3F8D] =	sst s1;
	(tag) =	ssettag s2;
	_ =	strace s9  }
0x27: {  	s1 =	sld [smem:$0x3F9D]  }
0x28: {  	s2 =	sld [smem:$0x3F9E]  }
0x29: {  	s4 =	sld [smem:$0x3FA0]  }
0x2a: {  	p0 =	seq.s32 s5, $0x0;
	s5 =	sld [smem:$0x3FA1]  }
0x2b: {  	s6 =	sld [smem:$0x3FA2]  }
0x2c: {  	s7 =	sld [smem:$0x3FA3]  }
0x2d: {  	s3 =	simm.s32 $0x108;
	s8 =	sld [smem:$0x3FA4]  }
0x2e: {  	s3 =	simm.s32 @!p0 $0x1082;
	s9 =	sld [smem:$0x3FA5]  }
0x2f: {  	lr =	sadd.s32 s0, s3;
	s0 =	sld [smem:$0x3F9C]  }
0x30: {  	s3 =	sld [smem:$0x3F9F]  }
0x31: {  	[smem:$0x3FA8] =	sst s10  }
0x32: {  	s10 =	sld [smem:$0x3FA6];
	_ =	sdelay $0x3  }
0x33: {  	p0 =	seq.s32 s10, $0x1;
	s10 =	sld [smem:$0x3FA8];
	_ =	sdelay $0x3  }
0x34: {  	[smem:$0x3FA8] =	sst s10  }
0x35: {  	s10 =	sld [smem:$0x3FA7];
	_ =	sdelay $0x3  }
0x36: {  	p1 =	seq.s32 s10, $0x1;
	s10 =	sld [smem:$0x3FA8];
	_ =	sdelay $0x3  }
0x37: {  	[smem:$0x3FA8] =	sst s10  }
0x38: {  	s10 =	sld [smem:$0x3FA9]  }
0x39: {  	_ = 	snop;
	(pc) =	sbr.ind lr, $3  }
0x3a: {  	_ = 	snop  }
0x3b: {  	_ = 	snop  }
0x3c: {  	p2 =	seq.s32 s10, $0x1;
	s10 =	sld [smem:$0x3FA8]  }
0x3d: {  	_ =	shalt  }
0x3e: {  	_ =	shalt  }
0x3f: {  	_ =	shalt  }
0x40: {  	_ =	shalt  }
0x41: {  	_ =	shalt  }
0x42: {  	_ =	shalt  }
0x43: {  	_ =	shalt  }
0x44: {  	_ =	shalt  }
0x45: {  	_ =	shalt  }
0x46: {  	_ =	shalt  }
0x47: {  	_ =	shalt  }
0x48: {  	_ =	shalt  }
0x49: {  	_ =	shalt  }
0x4a: {  	_ =	shalt  }
0x4b: {  	_ =	shalt  }
0x4c: {  	_ =	shalt  }
0x4d: {  	_ =	shalt  }
0x4e: {  	_ =	shalt  }
0x4f: {  	_ =	shalt  }
0x50: {  	_ =	shalt  }
0x51: {  	_ =	shalt  }
0x52: {  	_ =	shalt  }
0x53: {  	_ =	shalt  }
0x54: {  	_ =	shalt  }
0x55: {  	_ =	shalt  }
0x56: {  	_ =	shalt  }
0x57: {  	_ =	shalt  }
0x58: {  	_ =	shalt  }
0x59: {  	_ =	shalt  }
0x5a: {  	_ =	shalt  }
0x5b: {  	_ =	shalt  }
0x5c: {  	_ =	shalt  }
0x5d: {  	_ =	shalt  }
0x5e: {  	_ =	shalt  }
0x5f: {  	_ =	shalt  }
0x60: {  	_ =	shalt  }
0x61: {  	_ =	shalt  }
0x62: {  	_ =	shalt  }
0x63: {  	_ =	shalt  }
0x64: {  	_ =	shalt  }
0x65: {  	_ =	shalt  }
0x66: {  	_ =	shalt  }
0x67: {  	_ =	shalt  }
0x68: {  	_ =	shalt  }
0x69: {  	_ =	shalt  }
0x6a: {  	_ =	shalt  }
0x6b: {  	_ =	shalt  }
0x6c: {  	_ =	shalt  }
0x6d: {  	_ =	shalt  }
0x6e: {  	_ =	shalt  }
0x6f: {  	_ =	shalt  }
0x70: {  	_ =	shalt  }
0x71: {  	_ =	shalt  }
0x72: {  	_ =	shalt  }
0x73: {  	_ =	shalt  }
0x74: {  	_ =	shalt  }
0x75: {  	_ =	shalt  }
0x76: {  	_ =	shalt  }
0x77: {  	_ =	shalt  }
0x78: {  	_ =	shalt  }
0x79: {  	_ =	shalt  }
0x7a: {  	_ =	shalt  }
0x7b: {  	_ =	shalt  }
0x7c: {  	_ =	shalt  }
0x7d: {  	_ =	shalt  }
0x7e: {  	_ =	shalt  }
0x7f: {  	_ =	shalt  }
0x80: {  	_ =	shalt  }
0x81: {  	_ =	shalt  }
0x82: {  	_ =	shalt  }
0x83: {  	_ =	shalt  }
0x84: {  	_ =	shalt  }
0x85: {  	_ =	shalt  }
0x86: {  	_ =	shalt  }
0x87: {  	_ =	shalt  }
.Lfunc_end0:
.L_simem_size_0:
called_computation_lowered:
.L_overlay_start_0:
0x88: {  	s2 =	sld [smem:$0x3FD9]  }
0x89: {  	s3 =	sld [smem:$0x3FFE];
	_ =	sdelay $0x1  }
0x8a: {  	s1 =	srdreg.scid  }
0x8b: {  	s0 =	sand.u32 $0x1, s1  }
0x8c: {  	s16 =	sshll.u32 s0, $0xA;
	s2 =	sadd.s32 s3, s2  }
0x8d: {  	s2 =	sadd.s32 s2, s16  }
0x8e: {  	[smem:$0x3FB4] =	sst s2  }
0x8f: {  	_ = 	snop  }
0x90: {  	(tm) =	ssettm $0x1  }
0x91: {  	s17 =	sld [smem:$0x3FFB];
	_ =	sdelay $0x3  }
0x92: {  	_ =	strace s17  }
0x93: {  	s2 =	sld [smem:$0x3FFC];
	_ =	sdelay $0x3  }
0x94: {  	_ =	strace s2  }
0x95: {  	s2 =	sld [smem:$0x3FFD];
	_ =	sdelay $0x3  }
0x96: {  	_ =	strace s2  }
0x97: {  	_ =	strace $0x8FFFFFFF  }
0x98: {  	s18 =	sld [smem:$0x3FDB];
	_ =	sdelay $0x1  }
0x99: {  	s19 =	simm.s32 $_scs_section_size  }
0x9a: {  	s4 =	simm.s32 $_size__tile_overlayer_lowered;
	s5 =	simm.s32 $_tile_overlayer_lowered  }
0x9b: {  	s22 =	simm.s32 $0x1BFF;
	s21 =	sshll.u32 s5, $0x1;
	s2 =	sadd.s32 s19, s18  }
0x9c: {  	s6 =	simm.s32 $0x0;
	s20 =	sshll.u32 s4, $0x1;
	s4 =	sadd.s32 s21, s2  }
0x9d: {  	[timem:s6], [sflag:s22] =	dma.local [hbm:s4], s20  }
0x9e: {  	_ =	swait.ge [sflag:s22], s20  }
0x9f: {  	s3 =	ssub.s32 $0x0, s20;
	[sflag:s22] =	ssyncset.done $0x0  }
0xa0: {  	[sflag:s22] =	ssyncadd.s32 s3;
	_ =	sdelay $0x1  }
0xa1: {  	s23 =	simm.s32 $0x1B8B  }
0xa2: {  	_ =	swait.ge [sflag:s23], $0x1  }
0xa3: {  	[sflag:s23] =	ssyncset.done $0x0  }
0xa4: {  	s25 =	simm.s32 $0x1B8E;
	s24 =	sld [smem:$0x3FFE];
	[sflag:s23] =	ssyncadd.s32 $0xFFFFFFFF  }
0xa5: {  	s26 =	simm.s32 $execute0_lowered;
	[smem:$0x3FD2] =	sst s25  }
0xa6: {  	s4 =	sshll.u32 s26, $0x1;
	_ =	strace $0x80000046;
	[dreg:$0x1] =	wrdreg $0xFFFFFFFF  }
0xa7: {  	s28 =	simm.s32 $_size_execute0_lowered;
	s2 =	sadd.s32 s2, s4;
	[dreg:$0x0] =	wrdreg $0x0  }
0xa8: {  	s4 =	sshll.u32 s28, $0x1;
	[dreg:$0x2] =	wrdreg s2  }
0xa9: {  	[dreg:$0x3] =	wrdreg s4  }
0xaa: {  	[dreg:$0x4] =	wrdreg $0xC0  }
0xab: {  	_ =	task [dreg:s6], $0x5FFFF  }
0xac: {  	[dreg:$0x1] =	wrdreg $0xFFFFFFFF  }
0xad: {  	[dreg:$0x0] =	wrdreg $0x60  }
0xae: {  	[dreg:$0x2] =	wrdreg s24  }
0xaf: {  	[dreg:$0x3] =	wrdreg $0x90000  }
0xb0: {  	[dreg:$0x4] =	wrdreg $0x9  }
0xb1: {  	_ =	task.clear_ibuf [dreg:s6], $0x5FFFF;
	_ =	strace $0x90000046  }
0xb2: {  	s29 =	simm.s32 $0x9;
	_ =	strace $0x80000048  }
0xb3: {  	_ =	swait.ge [sflag:s29], $0x1  }
0xb4: {  	[sflag:s29] =	ssyncadd.s32 $0xFFFFFFFF  }
0xb5: {  	_ =	strace $0x90000048  }
0xb6: {  	_ =	sfence  }
0xb7: {  	s30 =	sld [smem:$0x0];
	_ =	sdelay $0x2  }
0xb8: {  	s31 =	sshll.u32 s1, $0xD;
	s1 =	sshrl.u32 s1, $0x2  }
0xb9: {  	s3 =	sand.u32 $0x4000, s31;
	s1 =	sadd.s32 s1, s30  }
0xba: {  	s0 =	sor.u32 s3, s0;
	s1 =	sshll.u32 s1, $0x11  }
0xbb: {  	s0 =	sor.u32 s1, s0  }
0xbc: {  	s0 =	sadd.s32 $0x8F2B, s0  }
0xbd: {  	[sflag:s0] =	ssyncadd.remote.s32 $0x1  }
0xbe: {  	_ =	sfence.sel $0xFFFF  }
0xbf: {  	[dreg:$0x0] =	wrdreg $0xFFFFFFFF;
	(pc) =	sbr.abs _section_cstart, $3  }
0xc0: {  	[dreg:$0x1] =	wrdreg $0xFFFFFFFF  }
0xc1: {  	_ =	task.clear_ibuf [dreg:s6], $0x2FFFF;
	_ =	strace $0x9FFFFFFF  }
0xc2: {  	(tm) =	ssettm $0x7FFFFFFF  }
0xc3: {  	_ =	shalt  }
tec
execute0_lowered:
.L_overlay_start_1:
0x0: {  	(tag) =	ssettag $0x1  }
0x1: {  	s2 =	rddreg [dreg:$0x0]  }
0x2: {  	s1 =	rddreg [dreg:$0x1]  }
0x3: {  	s3 =	simm.s32 $0x0;
	s0 =	srdreg.scid;
	s14 =	stileid.u32  }
0x4: {  	s16 =	simm.s32 $0x100;
	s17 =	simm.s32 $0x480;
	s18 =	simm.s32 $0x180  }
0x5: {  	s20 =	simm.s32 $0x500;
	s21 =	simm.s32 $0x200;
	s28 =	simm.s32 $0x800  }
0x6: {  	s29 =	simm.s32 $0x5;
	s30 =	simm.s32 $0x6;
	s31 =	simm.s32 $0x1  }
0x7: {  	[smem:$0x7FF] =	sst s3;
	s0 =	sand.u32 $0x1, s0;
	s4 =	sadd.s32 $0x2C400, s2  }
0x8: {  	s7 =	smul.u32 $0xA0, s14;
	_ =	strace $0x80000047;
	[dreg:$0x3] =	wrdreg s16  }
0x9: {  	s5 =	sadd.s32 $0x4400, s2;
	s9 =	smul.u32 $0x50000, s14;
	[dreg:$0x4] =	wrdreg s17  }
0xa: {  	s2 =	sadd.s32 $0x54400, s2;
	s11 =	smul.u32 $0x14000, s14;
	[dreg:$0x5] =	wrdreg s18  }
0xb: {  	s6 =	smul.u32 $0xA00, s0;
	s8 =	ssub.s32 $0x2, s0;
	[dreg:$0x6] =	wrdreg s20  }
0xc: {  	[dreg:$0x7] =	wrdreg s21;
	s16 =	simm.s32 $0x780;
	s17 =	smul.u32 $0xA00, s14  }
0xd: {  	s18 =	simm.s32 $0x880;
	s20 =	simm.s32 $0xC00;
	s21 =	simm.s32 $0x900  }
0xe: {  	s14 =	simm.s32 $0xB00;
	s10 =	sshrl.u32 s8, $0x1;
	[dreg:$0xf] =	wrdreg s16  }
0xf: {  	s9 =	sshrl.u32 s9, $0x2;
	s22 =	sadd.s32 $0x4000, s11;
	[dreg:$0x10] =	wrdreg s18  }
0x10: {  	s23 =	sadd.s32 $0x8000, s11;
	s25 =	sadd.s32 $0xC000, s11;
	[dreg:$0x11] =	wrdreg s20  }
0x11: {  	s26 =	sadd.s32 $0x10000, s11;
	[dreg:$0x12] =	wrdreg s21;
	s20 =	simm.s32 $0x400  }
0x12: {  	s21 =	simm.s32 $0xA0000;
	s16 =	simm.s32 $0xB80;
	s18 =	simm.s32 $0xF80  }
0x13: {  	s6 =	sadd.s32 s7, s6;
	s8 =	ssub.s32 s8, s10;
	s12 =	sadd.s32 s22, s1  }
0x14: {  	s19 =	sadd.s32 s9, s1;
	s24 =	sadd.s32 s23, s1;
	[dreg:$0x19] =	wrdreg s12  }
0x15: {  	s10 =	smul.u32 $0x140000, s0;
	s13 =	sadd.s32 s25, s1;
	[dreg:$0x1a] =	wrdreg s24  }
0x16: {  	s15 =	sadd.s32 s26, s1;
	s0 =	smul.u32 $0xA000, s0;
	[dreg:$0x1b] =	wrdreg s13  }
0x17: {  	s7 =	sshll.u32 s6, $0x4;
	[dreg:$0x1c] =	wrdreg s15;
	s24 =	simm.s32 $0x280  }
0x18: {  	s12 =	simm.s32 $0x380;
	s13 =	smax.u32 s8, $0x1;
	s15 =	simm.s32 $0x700  }
0x19: {  	s8 =	simm.s32 $0x0;
	s7 =	sadd.s32 s5, s7;
	[dreg:$0x9] =	wrdreg s24  }
0x1a: {  	s11 =	sadd.s32 s11, s10;
	s9 =	sadd.s32 s10, s23;
	[smem:$0x7FC] =	sst s13  }
0x1b: {  	s23 =	simm.s32 $0x580;
	s26 =	sadd.s32 s10, s26;
	[dreg:$0xd] =	wrdreg s12  }
0x1c: {  	[dreg:$0xe] =	wrdreg s15;
	s0 =	sadd.s32 s0, s5;
	s24 =	simm.s32 $0xD00  }
0x1d: {  	s13 =	simm.s32 $0xE00;
	s15 =	simm.s32 $0xE80;
	[dreg:$0x18] =	wrdreg s7  }
0x1e: {  	s11 =	sshrl.u32 s11, $0x3;
	s7 =	sadd.s32 s10, s22;
	[dreg:$0x8] =	wrdreg s23  }
0x1f: {  	s22 =	sadd.s32 s10, s25;
	s25 =	simm.s32 $0x600;
	[dreg:$0x15] =	wrdreg s24  }
0x20: {  	s9 =	sshrl.u32 s9, $0x3;
	s10 =	simm.s32 $0x300;
	[dreg:$0xa] =	wrdreg s25  }
0x21: {  	s0 =	sadd.s32 s17, s0;
	s23 =	simm.s32 $0x980;
	[dreg:$0xb] =	wrdreg s10  }
0x22: {  	s24 =	simm.s32 $0x3;
	s11 =	sadd.s32 s2, s11;
	[dreg:$0x14] =	wrdreg s23  }
0x23: {  	s17 =	simm.s32 $0xF00;
	s9 =	sadd.s32 s2, s9;
	[dreg:$0x1d] =	wrdreg s11  }
0x24: {  	s7 =	sshrl.u32 s7, $0x3;
	s0 =	sadd.s32 $0x80, s0;
	[dreg:$0x1f] =	wrdreg s9  }
0x25: {  	s25 =	simm.s32 $0xA00;
	s23 =	simm.s32 $0x7;
	[smem:$0x7FD] =	sst s0  }
0x26: {  	s7 =	sadd.s32 s2, s7;
	s9 =	sshrl.u32 s22, $0x3;
	[dreg:$0x16] =	wrdreg s25  }
0x27: {  	s11 =	simm.s32 $0x680;
	s22 =	simm.s32 $0xC80;
	[dreg:$0x1e] =	wrdreg s7  }
0x28: {  	s25 =	simm.s32 $0x80;
	s0 =	simm.s32 $0x2;
	[dreg:$0xc] =	wrdreg s11  }
0x29: {  	s9 =	sadd.s32 s2, s9;
	[dreg:$0x13] =	wrdreg s22;
	s22 =	simm.s32 $0x1000  }
0x2a: {  	[smem:$0x7FA] =	sst s9;
	s9 =	sshrl.u32 s26, $0x3;
	s26 =	simm.s32 $0xD80  }
0x2b: {  	s7 =	simm.s32 $0xA80;
	s2 =	sadd.s32 s2, s9;
	[dreg:$0x17] =	wrdreg s26  }
0x2c: {  	v0 =	vimm.f32 $0.0e+00;
	s26 =	simm.s32 $0x5000;
	[smem:$0x7FB] =	sst s2;
	s2 =	simm.s32 $0x4  }
.LBB2_1:
0x2d: {  	s10 =	rddreg [dreg:$0x18]  }
0x2e: {  	[tilespmem:s3], [sflag:$0x3] =	stream.strided.gather [hbm4b:s10+s20], $0x800, s21, s20, $0x38;
	[tilespmem:$0x1D000] =	vst v63  }
0x2f: {  	s11 =	simm.s32 $0x200;
	s10 =	simm.s32 $0x0  }
.LBB2_2:
0x30: {  	p0 =	sne.s32 s11, $0xFE00;
	[tilespmem:s10+$0x5070] =	vst v0  }
0x31: {  	[tilespmem:s10+$0x1000] =	vst v0  }
0x32: {  	[tilespmem:s10+$0x5000] =	vst v0  }
0x33: {  	[tilespmem:s10+$0x1010] =	vst v0  }
0x34: {  	[tilespmem:s10+$0x5010] =	vst v0  }
0x35: {  	[tilespmem:s10+$0x1020] =	vst v0  }
0x36: {  	[tilespmem:s10+$0x5020] =	vst v0  }
0x37: {  	[tilespmem:s10+$0x1030] =	vst v0  }
0x38: {  	[tilespmem:s10+$0x5030] =	vst v0  }
0x39: {  	[tilespmem:s10+$0x1040] =	vst v0  }
0x3a: {  	[tilespmem:s10+$0x5040] =	vst v0  }
.Ltmp0:
0x3b: {  	[tilespmem:s10+$0x1050] =	vst v0;
	(pc) =	sbr.rel @p0 .LBB2_2-.Ltmp0, $4  }
0x3c: {  	[tilespmem:s10+$0x5050] =	vst v0  }
0x3d: {  	[tilespmem:s10+$0x1060] =	vst v0  }
0x3e: {  	[tilespmem:s10+$0x5060] =	vst v0  }
0x3f: {  	[tilespmem:s10+$0x1070] =	vst v0;
	s10 =	sshra.s32 s11, $0x2;
	s11 =	sadd.s32 $0x200, s11  }
0x40: {  	[tilespmem:s10+$0x5070] =	vst v0  }
0x41: {  	[tilespmem:s10+$0x1000] =	vst v0  }
0x42: {  	[tilespmem:s10+$0x5000] =	vst v0  }
0x43: {  	[tilespmem:s10+$0x1010] =	vst v0  }
0x44: {  	[tilespmem:s10+$0x5010] =	vst v0  }
0x45: {  	[tilespmem:s10+$0x1020] =	vst v0  }
0x46: {  	[tilespmem:s10+$0x5020] =	vst v0  }
0x47: {  	[tilespmem:s10+$0x1030] =	vst v0  }
0x48: {  	[tilespmem:s10+$0x5030] =	vst v0  }
0x49: {  	[tilespmem:s10+$0x1040] =	vst v0  }
0x4a: {  	[tilespmem:s10+$0x5040] =	vst v0  }
0x4b: {  	[tilespmem:s10+$0x1050] =	vst v0  }
0x4c: {  	[tilespmem:s10+$0x5050] =	vst v0  }
0x4d: {  	[tilespmem:s10+$0x1060] =	vst v0  }
0x4e: {  	[tilespmem:s10+$0x5060] =	vst v0  }
0x4f: {  	[tilespmem:s10+$0x1070] =	vst v0  }
0x50: {  	[spmem:s19] =	stream.linear.scatter [tilespmem:s22], [sflag:$0x7], $0x4000, $0x38;
	[tilespmem:$0x1D000] =	vst v63  }
0x51: {  	_ =	swait.ge [sflag:s23], $0x4000  }
0x52: {  	[sflag:s23] =	ssyncset.done $0x0  }
0x53: {  	s11 =	rddreg [dreg:$0x19];
	[sflag:s23] =	ssyncadd.s32 $0xFFFFC000  }
0x54: {  	[spmem:s11] =	stream.linear.scatter [tilespmem:s22], [sflag:$0x7], $0x4000, $0x38;
	[tilespmem:$0x1D000] =	vst v63  }
0x55: {  	_ =	swait.ge [sflag:s23], $0x4000  }
0x56: {  	[sflag:s23] =	ssyncset.done $0x0  }
0x57: {  	s12 =	rddreg [dreg:$0x1a];
	[sflag:s23] =	ssyncadd.s32 $0xFFFFC000  }
0x58: {  	[spmem:s12] =	stream.linear.scatter [tilespmem:s22], [sflag:$0x7], $0x4000, $0x38;
	[tilespmem:$0x1D000] =	vst v63  }
0x59: {  	_ =	swait.ge [sflag:s23], $0x4000  }
0x5a: {  	[sflag:s23] =	ssyncset.done $0x0  }
0x5b: {  	s9 =	smov.u32 s19;
	s19 =	rddreg [dreg:$0x1b];
	[sflag:s23] =	ssyncadd.s32 $0xFFFFC000  }
0x5c: {  	[spmem:s19] =	stream.linear.scatter [tilespmem:s22], [sflag:$0x7], $0x4000, $0x38;
	[tilespmem:$0x1D000] =	vst v63  }
0x5d: {  	_ =	swait.ge [sflag:s23], $0x4000  }
0x5e: {  	[sflag:s23] =	ssyncset.done $0x0  }
0x5f: {  	s11 =	rddreg [dreg:$0x1c];
	[sflag:s23] =	ssyncadd.s32 $0xFFFFC000  }
0x60: {  	[spmem:s11] =	stream.linear.scatter [tilespmem:s22], [sflag:$0x7], $0x4000, $0x38;
	[tilespmem:$0x1D000] =	vst v63  }
0x61: {  	_ =	swait.ge [sflag:s23], $0x4000  }
0x62: {  	[sflag:s23] =	ssyncset.done $0x0  }
0x63: {  	[sflag:s23] =	ssyncadd.s32 $0xFFFFC000  }
0x64: {  	[bflag:$0x0] =	sbarrier.arrive $0xFFFF  }
0x65: {  	_ =	swait.ge [sflag:s24], $0x800  }
0x66: {  	[sflag:s24] =	ssyncset.done $0x0  }
0x67: {  	[sflag:s24] =	ssyncadd.s32 $0xFFFFF800  }
0x68: {  	[spmem:s1] =	stream.indirect.scatter.add.f32 [tilespmem:s22], [sflag:$0x5], $0x80, s20, s25, $0xb8;
	[tilespmem:$0x1D000] =	vst v63  }
0x69: {  	s19 =	sld [smem:$0x7FD]  }
0x6a: {  	[spmem:s1] =	stream.indirect.scatter.add.f32 [tilespmem:s26], [sflag:$0x6], $0x80, s20, s25, $0xb8;
	[tilespmem:$0x1D000] =	vst v63  }
0x6b: {  	_ = 	snop  }
0x6c: {  	[tilespmem:s28], [sflag:$0x4] =	stream.strided.gather [hbm4b:s19+s20], $0x800, s21, s20, $0x38;
	[tilespmem:$0x1D000] =	vst v63  }
0x6d: {  	_ =	swait.ge [sflag:s29], $0x4000  }
0x6e: {  	[sflag:s29] =	ssyncset.done $0x0  }
0x6f: {  	[sflag:s29] =	ssyncadd.s32 $0xFFFFC000  }
0x70: {  	[tilespmem:s22], [sflag:$0x1] =	stream.indirect.gather [hbm4b:s4+s25], $0x80, s3, s25, $0xb8;
	[tilespmem:$0x1D000] =	vst v63  }
0x71: {  	_ =	swait.ge [sflag:s30], $0x4000  }
0x72: {  	[sflag:s30] =	ssyncset.done $0x0  }
0x73: {  	[sflag:s30] =	ssyncadd.s32 $0xFFFFC000  }
0x74: {  	[tilespmem:s26], [sflag:$0x2] =	stream.indirect.gather [hbm4b:s4+s25], $0x80, s25, s25, $0xb8;
	[tilespmem:$0x1D000] =	vst v63  }
0x75: {  	_ =	swait.ge [sflag:s31], $0x4000  }
0x76: {  	[sflag:s31] =	ssyncset.done $0x0  }
0x77: {  	[sflag:s31] =	ssyncadd.s32 $0xFFFFC000  }
0x78: {  	[spmem:s1] =	stream.indirect.scatter.add.f32 [tilespmem:s22], [sflag:$0x5], $0x80, s20, s25, $0xb8;
	[tilespmem:$0x1D000] =	vst v63  }
0x79: {  	_ =	swait.ge [sflag:s29], $0x4000  }
0x7a: {  	[sflag:s29] =	ssyncset.done $0x0  }
0x7b: {  	s12 =	rddreg [dreg:$0x3];
	[sflag:s29] =	ssyncadd.s32 $0xFFFFC000  }
0x7c: {  	[tilespmem:s22], [sflag:$0x1] =	stream.indirect.gather [hbm4b:s4+s25], $0x80, s12, s25, $0xb8;
	[tilespmem:$0x1D000] =	vst v63  }
0x7d: {  	_ =	swait.ge [sflag:s0], $0x4000  }
0x7e: {  	[sflag:s0] =	ssyncset.done $0x0  }
0x7f: {  	s11 =	rddreg [dreg:$0x4];
	[sflag:s0] =	ssyncadd.s32 $0xFFFFC000  }
0x80: {  	[spmem:s1] =	stream.indirect.scatter.add.f32 [tilespmem:s26], [sflag:$0x6], $0x80, s11, s25, $0xb8;
	[tilespmem:$0x1D000] =	vst v63  }
0x81: {  	_ =	swait.ge [sflag:s30], $0x4000  }
0x82: {  	[sflag:s30] =	ssyncset.done $0x0  }
0x83: {  	s12 =	rddreg [dreg:$0x5];
	[sflag:s30] =	ssyncadd.s32 $0xFFFFC000  }
0x84: {  	[tilespmem:s26], [sflag:$0x2] =	stream.indirect.gather [hbm4b:s4+s25], $0x80, s12, s25, $0xb8;
	[tilespmem:$0x1D000] =	vst v63  }
0x85: {  	_ =	swait.ge [sflag:s31], $0x4000  }
0x86: {  	[sflag:s31] =	ssyncset.done $0x0  }
0x87: {  	s11 =	rddreg [dreg:$0x6];
	[sflag:s31] =	ssyncadd.s32 $0xFFFFC000  }
0x88: {  	[spmem:s1] =	stream.indirect.scatter.add.f32 [tilespmem:s22], [sflag:$0x5], $0x80, s11, s25, $0xb8;
	[tilespmem:$0x1D000] =	vst v63  }
0x89: {  	_ =	swait.ge [sflag:s29], $0x4000  }
0x8a: {  	[sflag:s29] =	ssyncset.done $0x0  }
0x8b: {  	s12 =	rddreg [dreg:$0x7];
	[sflag:s29] =	ssyncadd.s32 $0xFFFFC000  }
0x8c: {  	[tilespmem:s22], [sflag:$0x1] =	stream.indirect.gather [hbm4b:s4+s25], $0x80, s12, s25, $0xb8;
	[tilespmem:$0x1D000] =	vst v63  }
0x8d: {  	_ =	swait.ge [sflag:s0], $0x4000  }
0x8e: {  	[sflag:s0] =	ssyncset.done $0x0  }
0x8f: {  	s11 =	rddreg [dreg:$0x8];
	[sflag:s0] =	ssyncadd.s32 $0xFFFFC000  }
0x90: {  	[spmem:s1] =	stream.indirect.scatter.add.f32 [tilespmem:s26], [sflag:$0x6], $0x80, s11, s25, $0xb8;
	[tilespmem:$0x1D000] =	vst v63  }
0x91: {  	_ =	swait.ge [sflag:s30], $0x4000  }
0x92: {  	[sflag:s30] =	ssyncset.done $0x0  }
0x93: {  	s12 =	rddreg [dreg:$0x9];
	[sflag:s30] =	ssyncadd.s32 $0xFFFFC000  }
0x94: {  	[tilespmem:s26], [sflag:$0x2] =	stream.indirect.gather [hbm4b:s4+s25], $0x80, s12, s25, $0xb8;
	[tilespmem:$0x1D000] =	vst v63  }
0x95: {  	_ =	swait.ge [sflag:s31], $0x4000  }
0x96: {  	[sflag:s31] =	ssyncset.done $0x0  }
0x97: {  	s11 =	rddreg [dreg:$0xa];
	[sflag:s31] =	ssyncadd.s32 $0xFFFFC000  }
0x98: {  	[spmem:s1] =	stream.indirect.scatter.add.f32 [tilespmem:s22], [sflag:$0x5], $0x80, s11, s25, $0xb8;
	[tilespmem:$0x1D000] =	vst v63  }
0x99: {  	_ =	swait.ge [sflag:s29], $0x4000  }
0x9a: {  	[sflag:s29] =	ssyncset.done $0x0  }
0x9b: {  	s12 =	rddreg [dreg:$0xb];
	[sflag:s29] =	ssyncadd.s32 $0xFFFFC000  }
0x9c: {  	[tilespmem:s22], [sflag:$0x1] =	stream.indirect.gather [hbm4b:s4+s25], $0x80, s12, s25, $0xb8;
	[tilespmem:$0x1D000] =	vst v63  }
0x9d: {  	_ =	swait.ge [sflag:s0], $0x4000  }
0x9e: {  	[sflag:s0] =	ssyncset.done $0x0  }
0x9f: {  	s11 =	rddreg [dreg:$0xc];
	[sflag:s0] =	ssyncadd.s32 $0xFFFFC000  }
0xa0: {  	[spmem:s1] =	stream.indirect.scatter.add.f32 [tilespmem:s26], [sflag:$0x6], $0x80, s11, s25, $0xb8;
	[tilespmem:$0x1D000] =	vst v63  }
0xa1: {  	_ =	swait.ge [sflag:s30], $0x4000  }
0xa2: {  	[sflag:s30] =	ssyncset.done $0x0  }
0xa3: {  	s12 =	rddreg [dreg:$0xd];
	[sflag:s30] =	ssyncadd.s32 $0xFFFFC000  }
0xa4: {  	[tilespmem:s26], [sflag:$0x2] =	stream.indirect.gather [hbm4b:s4+s25], $0x80, s12, s25, $0xb8;
	[tilespmem:$0x1D000] =	vst v63  }
0xa5: {  	_ =	swait.ge [sflag:s31], $0x4000  }
0xa6: {  	[sflag:s31] =	ssyncset.done $0x0  }
0xa7: {  	s11 =	rddreg [dreg:$0xe];
	[sflag:s31] =	ssyncadd.s32 $0xFFFFC000  }
0xa8: {  	[spmem:s1] =	stream.indirect.scatter.add.f32 [tilespmem:s22], [sflag:$0x5], $0x80, s11, s25, $0xb8;
	[tilespmem:$0x1D000] =	vst v63  }
0xa9: {  	_ =	swait.ge [sflag:s0], $0x4000  }
0xaa: {  	p0 =	por $0x0, $0x0;
	s11 =	simm.s32 $0x10;
	[sflag:s0] =	ssyncset.done $0x0  }
0xab: {  	s11 =	simm.s32 @p0 $0x0;
	s12 =	rddreg [dreg:$0xf];
	[sflag:s0] =	ssyncadd.s32 $0xFFFFC000  }
0xac: {  	[spmem:s1] =	stream.indirect.scatter.add.f32 [tilespmem:s26], [sflag:$0x6], $0x80, s12, s25, $0xb8;
	[tilespmem:$0x1D000] =	vst v63  }
0xad: {  	s12 =	sadd.s32 s6, s11;
	_ =	swait.ge [sflag:s2], $0x800  }
0xae: {  	s10 =	sshll.u32 s12, $0x4;
	[sflag:s2] =	ssyncset.done $0x0  }
0xaf: {  	s10 =	sadd.s32 s5, s10;
	[sflag:s2] =	ssyncadd.s32 $0xFFFFF800  }
0xb0: {  	[tilespmem:s3], [sflag:$0x3] =	stream.strided.gather [hbm4b:s10+s20], $0x800, s21, s20, $0x38;
	[tilespmem:$0x1D000] =	vst v63  }
0xb1: {  	_ =	swait.ge [sflag:s29], $0x4000  }
0xb2: {  	[sflag:s29] =	ssyncset.done $0x0  }
0xb3: {  	[sflag:s29] =	ssyncadd.s32 $0xFFFFC000  }
0xb4: {  	[tilespmem:s22], [sflag:$0x1] =	stream.indirect.gather [hbm4b:s4+s25], $0x80, s28, s25, $0xb8;
	[tilespmem:$0x1D000] =	vst v63  }
0xb5: {  	_ =	swait.ge [sflag:s30], $0x4000  }
0xb6: {  	[sflag:s30] =	ssyncset.done $0x0  }
0xb7: {  	s11 =	rddreg [dreg:$0x10];
	[sflag:s30] =	ssyncadd.s32 $0xFFFFC000  }
0xb8: {  	[tilespmem:s26], [sflag:$0x2] =	stream.indirect.gather [hbm4b:s4+s25], $0x80, s11, s25, $0xb8;
	[tilespmem:$0x1D000] =	vst v63  }
0xb9: {  	_ =	swait.ge [sflag:s31], $0x4000  }
0xba: {  	[sflag:s31] =	ssyncset.done $0x0  }
0xbb: {  	s12 =	rddreg [dreg:$0x11];
	[sflag:s31] =	ssyncadd.s32 $0xFFFFC000  }
0xbc: {  	[spmem:s1] =	stream.indirect.scatter.add.f32 [tilespmem:s22], [sflag:$0x5], $0x80, s12, s25, $0xb8;
	[tilespmem:$0x1D000] =	vst v63  }
0xbd: {  	_ =	swait.ge [sflag:s29], $0x4000  }
0xbe: {  	[sflag:s29] =	ssyncset.done $0x0  }
0xbf: {  	s11 =	rddreg [dreg:$0x12];
	[sflag:s29] =	ssyncadd.s32 $0xFFFFC000  }
0xc0: {  	[tilespmem:s22], [sflag:$0x1] =	stream.indirect.gather [hbm4b:s4+s25], $0x80, s11, s25, $0xb8;
	[tilespmem:$0x1D000] =	vst v63  }
0xc1: {  	_ =	swait.ge [sflag:s0], $0x4000  }
0xc2: {  	[sflag:s0] =	ssyncset.done $0x0  }
0xc3: {  	s12 =	rddreg [dreg:$0x13];
	[sflag:s0] =	ssyncadd.s32 $0xFFFFC000  }
0xc4: {  	[spmem:s1] =	stream.indirect.scatter.add.f32 [tilespmem:s26], [sflag:$0x6], $0x80, s12, s25, $0xb8;
	[tilespmem:$0x1D000] =	vst v63  }
0xc5: {  	_ =	swait.ge [sflag:s30], $0x4000  }
0xc6: {  	[sflag:s30] =	ssyncset.done $0x0  }
0xc7: {  	s11 =	rddreg [dreg:$0x14];
	[sflag:s30] =	ssyncadd.s32 $0xFFFFC000  }
0xc8: {  	[tilespmem:s26], [sflag:$0x2] =	stream.indirect.gather [hbm4b:s4+s25], $0x80, s11, s25, $0xb8;
	[tilespmem:$0x1D000] =	vst v63  }
0xc9: {  	_ =	swait.ge [sflag:s31], $0x4000  }
0xca: {  	[sflag:s31] =	ssyncset.done $0x0  }
0xcb: {  	s12 =	rddreg [dreg:$0x15];
	[sflag:s31] =	ssyncadd.s32 $0xFFFFC000  }
0xcc: {  	[spmem:s1] =	stream.indirect.scatter.add.f32 [tilespmem:s22], [sflag:$0x5], $0x80, s12, s25, $0xb8;
	[tilespmem:$0x1D000] =	vst v63  }
0xcd: {  	_ =	swait.ge [sflag:s29], $0x4000  }
0xce: {  	[sflag:s29] =	ssyncset.done $0x0  }
0xcf: {  	s11 =	rddreg [dreg:$0x16];
	[sflag:s29] =	ssyncadd.s32 $0xFFFFC000  }
0xd0: {  	[tilespmem:s22], [sflag:$0x1] =	stream.indirect.gather [hbm4b:s4+s25], $0x80, s11, s25, $0xb8;
	[tilespmem:$0x1D000] =	vst v63  }
0xd1: {  	_ =	swait.ge [sflag:s0], $0x4000  }
0xd2: {  	[sflag:s0] =	ssyncset.done $0x0  }
0xd3: {  	s12 =	rddreg [dreg:$0x17];
	[sflag:s0] =	ssyncadd.s32 $0xFFFFC000  }
0xd4: {  	[spmem:s1] =	stream.indirect.scatter.add.f32 [tilespmem:s26], [sflag:$0x6], $0x80, s12, s25, $0xb8;
	[tilespmem:$0x1D000] =	vst v63  }
0xd5: {  	_ =	swait.ge [sflag:s30], $0x4000  }
0xd6: {  	[sflag:s30] =	ssyncset.done $0x0  }
0xd7: {  	[sflag:s30] =	ssyncadd.s32 $0xFFFFC000  }
0xd8: {  	[tilespmem:s26], [sflag:$0x2] =	stream.indirect.gather [hbm4b:s4+s25], $0x80, s7, s25, $0xb8;
	[tilespmem:$0x1D000] =	vst v63  }
0xd9: {  	_ =	swait.ge [sflag:s31], $0x4000  }
0xda: {  	[sflag:s31] =	ssyncset.done $0x0  }
0xdb: {  	[sflag:s31] =	ssyncadd.s32 $0xFFFFC000  }
0xdc: {  	[spmem:s1] =	stream.indirect.scatter.add.f32 [tilespmem:s22], [sflag:$0x5], $0x80, s13, s25, $0xb8;
	[tilespmem:$0x1D000] =	vst v63  }
0xdd: {  	_ =	swait.ge [sflag:s29], $0x4000  }
0xde: {  	[sflag:s29] =	ssyncset.done $0x0  }
0xdf: {  	[sflag:s29] =	ssyncadd.s32 $0xFFFFC000  }
0xe0: {  	[tilespmem:s22], [sflag:$0x1] =	stream.indirect.gather [hbm4b:s4+s25], $0x80, s14, s25, $0xb8;
	[tilespmem:$0x1D000] =	vst v63  }
0xe1: {  	_ =	swait.ge [sflag:s0], $0x4000  }
0xe2: {  	[sflag:s0] =	ssyncset.done $0x0  }
0xe3: {  	[sflag:s0] =	ssyncadd.s32 $0xFFFFC000  }
0xe4: {  	[spmem:s1] =	stream.indirect.scatter.add.f32 [tilespmem:s26], [sflag:$0x6], $0x80, s15, s25, $0xb8;
	[tilespmem:$0x1D000] =	vst v63  }
0xe5: {  	_ =	swait.ge [sflag:s30], $0x4000  }
0xe6: {  	[sflag:s30] =	ssyncset.done $0x0  }
0xe7: {  	[sflag:s30] =	ssyncadd.s32 $0xFFFFC000  }
0xe8: {  	[tilespmem:s26], [sflag:$0x2] =	stream.indirect.gather [hbm4b:s4+s25], $0x80, s16, s25, $0xb8;
	[tilespmem:$0x1D000] =	vst v63  }
0xe9: {  	_ =	swait.ge [sflag:s31], $0x4000  }
0xea: {  	[sflag:s31] =	ssyncset.done $0x0  }
0xeb: {  	[sflag:s31] =	ssyncadd.s32 $0xFFFFC000  }
0xec: {  	[spmem:s1] =	stream.indirect.scatter.add.f32 [tilespmem:s22], [sflag:$0x5], $0x80, s17, s25, $0xb8;
	[tilespmem:$0x1D000] =	vst v63  }
0xed: {  	_ =	swait.ge [sflag:s0], $0x4000  }
0xee: {  	[sflag:s0] =	ssyncset.done $0x0  }
0xef: {  	[sflag:s0] =	ssyncadd.s32 $0xFFFFC000  }
0xf0: {  	[spmem:s1] =	stream.indirect.scatter.add.f32 [tilespmem:s26], [sflag:$0x6], $0x80, s18, s25, $0xb8;
	[tilespmem:$0x1D000] =	vst v63  }
0xf1: {  	s10 =	simm.s32 $0x20;
	_ =	swait.ge [sflag:s24], $0x800  }
.LBB2_4:
0xf2: {  	[sflag:s24] =	ssyncset.done $0x0  }
0xf3: {  	s19 =	sadd.s32 $0x100, s19;
	[sflag:s24] =	ssyncadd.s32 $0xFFFFF800  }
0xf4: {  	[tilespmem:s28], [sflag:$0x4] =	stream.strided.gather [hbm4b:s19+s20], $0x800, s21, s20, $0x38;
	[tilespmem:$0x1D000] =	vst v63  }
0xf5: {  	_ =	swait.ge [sflag:s29], $0x4000  }
0xf6: {  	[sflag:s29] =	ssyncset.done $0x0  }
0xf7: {  	[sflag:s29] =	ssyncadd.s32 $0xFFFFC000  }
0xf8: {  	[tilespmem:s22], [sflag:$0x1] =	stream.indirect.gather [hbm4b:s4+s25], $0x80, s3, s25, $0xb8;
	[tilespmem:$0x1D000] =	vst v63  }
0xf9: {  	_ =	swait.ge [sflag:s30], $0x4000  }
0xfa: {  	[sflag:s30] =	ssyncset.done $0x0  }
0xfb: {  	[sflag:s30] =	ssyncadd.s32 $0xFFFFC000  }
0xfc: {  	[tilespmem:s26], [sflag:$0x2] =	stream.indirect.gather [hbm4b:s4+s25], $0x80, s25, s25, $0xb8;
	[tilespmem:$0x1D000] =	vst v63  }
0xfd: {  	_ =	swait.ge [sflag:s31], $0x4000  }
0xfe: {  	[sflag:s31] =	ssyncset.done $0x0  }
0xff: {  	[sflag:s31] =	ssyncadd.s32 $0xFFFFC000  }
0x100: {  	[spmem:s1] =	stream.indirect.scatter.add.f32 [tilespmem:s22], [sflag:$0x5], $0x80, s20, s25, $0xb8;
	[tilespmem:$0x1D000] =	vst v63  }
0x101: {  	_ =	swait.ge [sflag:s29], $0x4000  }
0x102: {  	s11 =	smov.u32 s10;
	s12 =	sadd.s32 $0x10, s10;
	[sflag:s29] =	ssyncset.done $0x0  }
0x103: {  	p0 =	sne.s32 s10, $0xA0;
	s10 =	rddreg [dreg:$0x3];
	[sflag:s29] =	ssyncadd.s32 $0xFFFFC000  }
0x104: {  	[tilespmem:s22], [sflag:$0x1] =	stream.indirect.gather [hbm4b:s4+s25], $0x80, s10, s25, $0xb8;
	[tilespmem:$0x1D000] =	vst v63  }
0x105: {  	_ =	swait.ge [sflag:s0], $0x4000  }
0x106: {  	[sflag:s0] =	ssyncset.done $0x0  }
0x107: {  	s10 =	rddreg [dreg:$0x4];
	[sflag:s0] =	ssyncadd.s32 $0xFFFFC000  }
0x108: {  	[spmem:s1] =	stream.indirect.scatter.add.f32 [tilespmem:s26], [sflag:$0x6], $0x80, s10, s25, $0xb8;
	[tilespmem:$0x1D000] =	vst v63  }
0x109: {  	_ =	swait.ge [sflag:s30], $0x4000  }
0x10a: {  	[sflag:s30] =	ssyncset.done $0x0  }
0x10b: {  	s10 =	rddreg [dreg:$0x5];
	[sflag:s30] =	ssyncadd.s32 $0xFFFFC000  }
0x10c: {  	[tilespmem:s26], [sflag:$0x2] =	stream.indirect.gather [hbm4b:s4+s25], $0x80, s10, s25, $0xb8;
	[tilespmem:$0x1D000] =	vst v63  }
0x10d: {  	_ =	swait.ge [sflag:s31], $0x4000  }
0x10e: {  	[sflag:s31] =	ssyncset.done $0x0  }
0x10f: {  	s10 =	rddreg [dreg:$0x6];
	[sflag:s31] =	ssyncadd.s32 $0xFFFFC000  }
0x110: {  	[spmem:s1] =	stream.indirect.scatter.add.f32 [tilespmem:s22], [sflag:$0x5], $0x80, s10, s25, $0xb8;
	[tilespmem:$0x1D000] =	vst v63  }
0x111: {  	_ =	swait.ge [sflag:s29], $0x4000  }
0x112: {  	[sflag:s29] =	ssyncset.done $0x0  }
0x113: {  	s10 =	rddreg [dreg:$0x7];
	[sflag:s29] =	ssyncadd.s32 $0xFFFFC000  }
0x114: {  	[tilespmem:s22], [sflag:$0x1] =	stream.indirect.gather [hbm4b:s4+s25], $0x80, s10, s25, $0xb8;
	[tilespmem:$0x1D000] =	vst v63  }
0x115: {  	_ =	swait.ge [sflag:s0], $0x4000  }
0x116: {  	[sflag:s0] =	ssyncset.done $0x0  }
0x117: {  	s10 =	rddreg [dreg:$0x8];
	[sflag:s0] =	ssyncadd.s32 $0xFFFFC000  }
0x118: {  	[spmem:s1] =	stream.indirect.scatter.add.f32 [tilespmem:s26], [sflag:$0x6], $0x80, s10, s25, $0xb8;
	[tilespmem:$0x1D000] =	vst v63  }
0x119: {  	_ =	swait.ge [sflag:s30], $0x4000  }
0x11a: {  	[sflag:s30] =	ssyncset.done $0x0  }
0x11b: {  	s10 =	rddreg [dreg:$0x9];
	[sflag:s30] =	ssyncadd.s32 $0xFFFFC000  }
0x11c: {  	[tilespmem:s26], [sflag:$0x2] =	stream.indirect.gather [hbm4b:s4+s25], $0x80, s10, s25, $0xb8;
	[tilespmem:$0x1D000] =	vst v63  }
0x11d: {  	_ =	swait.ge [sflag:s31], $0x4000  }
0x11e: {  	[sflag:s31] =	ssyncset.done $0x0  }
0x11f: {  	s10 =	rddreg [dreg:$0xa];
	[sflag:s31] =	ssyncadd.s32 $0xFFFFC000  }
0x120: {  	[spmem:s1] =	stream.indirect.scatter.add.f32 [tilespmem:s22], [sflag:$0x5], $0x80, s10, s25, $0xb8;
	[tilespmem:$0x1D000] =	vst v63  }
0x121: {  	_ =	swait.ge [sflag:s29], $0x4000  }
0x122: {  	[sflag:s29] =	ssyncset.done $0x0  }
0x123: {  	s10 =	rddreg [dreg:$0xb];
	[sflag:s29] =	ssyncadd.s32 $0xFFFFC000  }
0x124: {  	[tilespmem:s22], [sflag:$0x1] =	stream.indirect.gather [hbm4b:s4+s25], $0x80, s10, s25, $0xb8;
	[tilespmem:$0x1D000] =	vst v63  }
0x125: {  	_ =	swait.ge [sflag:s0], $0x4000  }
0x126: {  	[sflag:s0] =	ssyncset.done $0x0  }
0x127: {  	s10 =	rddreg [dreg:$0xc];
	[sflag:s0] =	ssyncadd.s32 $0xFFFFC000  }
0x128: {  	[spmem:s1] =	stream.indirect.scatter.add.f32 [tilespmem:s26], [sflag:$0x6], $0x80, s10, s25, $0xb8;
	[tilespmem:$0x1D000] =	vst v63  }
0x129: {  	_ =	swait.ge [sflag:s30], $0x4000  }
0x12a: {  	[sflag:s30] =	ssyncset.done $0x0  }
0x12b: {  	s10 =	rddreg [dreg:$0xd];
	[sflag:s30] =	ssyncadd.s32 $0xFFFFC000  }
0x12c: {  	[tilespmem:s26], [sflag:$0x2] =	stream.indirect.gather [hbm4b:s4+s25], $0x80, s10, s25, $0xb8;
	[tilespmem:$0x1D000] =	vst v63  }
0x12d: {  	_ =	swait.ge [sflag:s31], $0x4000  }
0x12e: {  	[sflag:s31] =	ssyncset.done $0x0  }
0x12f: {  	s10 =	rddreg [dreg:$0xe];
	[sflag:s31] =	ssyncadd.s32 $0xFFFFC000  }
0x130: {  	[spmem:s1] =	stream.indirect.scatter.add.f32 [tilespmem:s22], [sflag:$0x5], $0x80, s10, s25, $0xb8;
	[tilespmem:$0x1D000] =	vst v63  }
0x131: {  	_ =	swait.ge [sflag:s0], $0x4000  }
0x132: {  	p1 =	seq.s32 s11, $0xA0;
	[sflag:s0] =	ssyncset.done $0x0  }
0x133: {  	s11 =	simm.s32 @p1 $0x0;
	s10 =	rddreg [dreg:$0xf];
	[sflag:s0] =	ssyncadd.s32 $0xFFFFC000  }
0x134: {  	[spmem:s1] =	stream.indirect.scatter.add.f32 [tilespmem:s26], [sflag:$0x6], $0x80, s10, s25, $0xb8;
	[tilespmem:$0x1D000] =	vst v63  }
0x135: {  	s11 =	sadd.s32 s6, s11;
	_ =	swait.ge [sflag:s2], $0x800  }
0x136: {  	s10 =	sshll.u32 s11, $0x4;
	[sflag:s2] =	ssyncset.done $0x0  }
0x137: {  	s10 =	sadd.s32 s5, s10;
	[sflag:s2] =	ssyncadd.s32 $0xFFFFF800  }
0x138: {  	[tilespmem:s3], [sflag:$0x3] =	stream.strided.gather [hbm4b:s10+s20], $0x800, s21, s20, $0x38;
	[tilespmem:$0x1D000] =	vst v63  }
0x139: {  	_ =	swait.ge [sflag:s29], $0x4000  }
0x13a: {  	[sflag:s29] =	ssyncset.done $0x0  }
0x13b: {  	[sflag:s29] =	ssyncadd.s32 $0xFFFFC000  }
0x13c: {  	[tilespmem:s22], [sflag:$0x1] =	stream.indirect.gather [hbm4b:s4+s25], $0x80, s28, s25, $0xb8;
	[tilespmem:$0x1D000] =	vst v63  }
0x13d: {  	_ =	swait.ge [sflag:s30], $0x4000  }
0x13e: {  	[sflag:s30] =	ssyncset.done $0x0  }
0x13f: {  	s11 =	rddreg [dreg:$0x10];
	[sflag:s30] =	ssyncadd.s32 $0xFFFFC000  }
0x140: {  	[tilespmem:s26], [sflag:$0x2] =	stream.indirect.gather [hbm4b:s4+s25], $0x80, s11, s25, $0xb8;
	[tilespmem:$0x1D000] =	vst v63  }
0x141: {  	_ =	swait.ge [sflag:s31], $0x4000  }
0x142: {  	[sflag:s31] =	ssyncset.done $0x0  }
0x143: {  	s11 =	rddreg [dreg:$0x11];
	[sflag:s31] =	ssyncadd.s32 $0xFFFFC000  }
0x144: {  	[spmem:s1] =	stream.indirect.scatter.add.f32 [tilespmem:s22], [sflag:$0x5], $0x80, s11, s25, $0xb8;
	[tilespmem:$0x1D000] =	vst v63  }
0x145: {  	_ =	swait.ge [sflag:s29], $0x4000  }
0x146: {  	[sflag:s29] =	ssyncset.done $0x0  }
0x147: {  	s11 =	rddreg [dreg:$0x12];
	[sflag:s29] =	ssyncadd.s32 $0xFFFFC000  }
0x148: {  	[tilespmem:s22], [sflag:$0x1] =	stream.indirect.gather [hbm4b:s4+s25], $0x80, s11, s25, $0xb8;
	[tilespmem:$0x1D000] =	vst v63  }
0x149: {  	_ =	swait.ge [sflag:s0], $0x4000  }
0x14a: {  	[sflag:s0] =	ssyncset.done $0x0  }
0x14b: {  	s11 =	rddreg [dreg:$0x13];
	[sflag:s0] =	ssyncadd.s32 $0xFFFFC000  }
0x14c: {  	[spmem:s1] =	stream.indirect.scatter.add.f32 [tilespmem:s26], [sflag:$0x6], $0x80, s11, s25, $0xb8;
	[tilespmem:$0x1D000] =	vst v63  }
0x14d: {  	_ =	swait.ge [sflag:s30], $0x4000  }
0x14e: {  	[sflag:s30] =	ssyncset.done $0x0  }
0x14f: {  	s11 =	rddreg [dreg:$0x14];
	[sflag:s30] =	ssyncadd.s32 $0xFFFFC000  }
0x150: {  	[tilespmem:s26], [sflag:$0x2] =	stream.indirect.gather [hbm4b:s4+s25], $0x80, s11, s25, $0xb8;
	[tilespmem:$0x1D000] =	vst v63  }
0x151: {  	_ =	swait.ge [sflag:s31], $0x4000  }
0x152: {  	[sflag:s31] =	ssyncset.done $0x0  }
0x153: {  	s11 =	rddreg [dreg:$0x15];
	[sflag:s31] =	ssyncadd.s32 $0xFFFFC000  }
0x154: {  	[spmem:s1] =	stream.indirect.scatter.add.f32 [tilespmem:s22], [sflag:$0x5], $0x80, s11, s25, $0xb8;
	[tilespmem:$0x1D000] =	vst v63  }
0x155: {  	_ =	swait.ge [sflag:s29], $0x4000  }
0x156: {  	[sflag:s29] =	ssyncset.done $0x0  }
0x157: {  	s11 =	rddreg [dreg:$0x16];
	[sflag:s29] =	ssyncadd.s32 $0xFFFFC000  }
0x158: {  	[tilespmem:s22], [sflag:$0x1] =	stream.indirect.gather [hbm4b:s4+s25], $0x80, s11, s25, $0xb8;
	[tilespmem:$0x1D000] =	vst v63  }
0x159: {  	_ =	swait.ge [sflag:s0], $0x4000  }
0x15a: {  	[sflag:s0] =	ssyncset.done $0x0  }
0x15b: {  	s11 =	rddreg [dreg:$0x17];
	[sflag:s0] =	ssyncadd.s32 $0xFFFFC000  }
0x15c: {  	[spmem:s1] =	stream.indirect.scatter.add.f32 [tilespmem:s26], [sflag:$0x6], $0x80, s11, s25, $0xb8;
	[tilespmem:$0x1D000] =	vst v63  }
0x15d: {  	_ =	swait.ge [sflag:s30], $0x4000  }
0x15e: {  	[sflag:s30] =	ssyncset.done $0x0  }
0x15f: {  	[sflag:s30] =	ssyncadd.s32 $0xFFFFC000  }
0x160: {  	[tilespmem:s26], [sflag:$0x2] =	stream.indirect.gather [hbm4b:s4+s25], $0x80, s7, s25, $0xb8;
	[tilespmem:$0x1D000] =	vst v63  }
0x161: {  	_ =	swait.ge [sflag:s31], $0x4000  }
0x162: {  	[sflag:s31] =	ssyncset.done $0x0  }
0x163: {  	[sflag:s31] =	ssyncadd.s32 $0xFFFFC000  }
0x164: {  	[spmem:s1] =	stream.indirect.scatter.add.f32 [tilespmem:s22], [sflag:$0x5], $0x80, s13, s25, $0xb8;
	[tilespmem:$0x1D000] =	vst v63  }
0x165: {  	_ =	swait.ge [sflag:s29], $0x4000  }
0x166: {  	[sflag:s29] =	ssyncset.done $0x0  }
0x167: {  	[sflag:s29] =	ssyncadd.s32 $0xFFFFC000  }
0x168: {  	[tilespmem:s22], [sflag:$0x1] =	stream.indirect.gather [hbm4b:s4+s25], $0x80, s14, s25, $0xb8;
	[tilespmem:$0x1D000] =	vst v63  }
0x169: {  	_ =	swait.ge [sflag:s0], $0x4000  }
0x16a: {  	[sflag:s0] =	ssyncset.done $0x0  }
0x16b: {  	[sflag:s0] =	ssyncadd.s32 $0xFFFFC000  }
0x16c: {  	[spmem:s1] =	stream.indirect.scatter.add.f32 [tilespmem:s26], [sflag:$0x6], $0x80, s15, s25, $0xb8;
	[tilespmem:$0x1D000] =	vst v63  }
0x16d: {  	_ =	swait.ge [sflag:s30], $0x4000  }
0x16e: {  	[sflag:s30] =	ssyncset.done $0x0  }
0x16f: {  	[sflag:s30] =	ssyncadd.s32 $0xFFFFC000  }
0x170: {  	[tilespmem:s26], [sflag:$0x2] =	stream.indirect.gather [hbm4b:s4+s25], $0x80, s16, s25, $0xb8;
	[tilespmem:$0x1D000] =	vst v63  }
0x171: {  	_ =	swait.ge [sflag:s31], $0x4000  }
0x172: {  	[sflag:s31] =	ssyncset.done $0x0  }
0x173: {  	[sflag:s31] =	ssyncadd.s32 $0xFFFFC000  }
0x174: {  	[spmem:s1] =	stream.indirect.scatter.add.f32 [tilespmem:s22], [sflag:$0x5], $0x80, s17, s25, $0xb8;
	[tilespmem:$0x1D000] =	vst v63  }
.Ltmp1:
0x175: {  	_ =	swait.ge [sflag:s0], $0x4000;
	(pc) =	sbr.rel @p0 .LBB2_4-.Ltmp1, $4  }
0x176: {  	[sflag:s0] =	ssyncset.done $0x0  }
0x177: {  	[sflag:s0] =	ssyncadd.s32 $0xFFFFC000  }
0x178: {  	[spmem:s1] =	stream.indirect.scatter.add.f32 [tilespmem:s26], [sflag:$0x6], $0x80, s18, s25, $0xb8;
	[tilespmem:$0x1D000] =	vst v63  }
0x179: {  	s10 =	smov.u32 s12;
	_ =	swait.ge [sflag:s24], $0x800  }
0x17a: {  	[sflag:s24] =	ssyncset.done $0x0  }
0x17b: {  	[sflag:s24] =	ssyncadd.s32 $0xFFFFF800  }
0x17c: {  	_ =	swait.ge [sflag:s29], $0x4000  }
0x17d: {  	[sflag:s29] =	ssyncset.done $0x0  }
0x17e: {  	[sflag:s29] =	ssyncadd.s32 $0xFFFFC000  }
0x17f: {  	_ =	swait.ge [sflag:s30], $0x4000  }
0x180: {  	[sflag:s30] =	ssyncset.done $0x0  }
0x181: {  	s10 =	stileid.u32;
	[sflag:s30] =	ssyncadd.s32 $0xFFFFC000  }
0x182: {  	s10 =	sshll.u32 s10, $0x6;
	[bflag:$0x0] =	sbarrier.arrive $0xFFFF  }
0x183: {  	s11 =	sshrl.u32 s9, $0x3;
	s10 =	sor.u32 $0x1C07, s10;
	s12 =	rddreg [dreg:$0x1d]  }
0x184: {  	[hbm:s12], [sflag:s10] =	dma.local [spmem:s11], $0x800  }
0x185: {  	_ =	swait.ge [sflag:s23], $0x800  }
0x186: {  	s19 =	smov.u32 s9;
	[sflag:s23] =	ssyncset.done $0x0;
	s12 =	rddreg [dreg:$0x19]  }
0x187: {  	[sflag:s23] =	ssyncadd.s32 $0xFFFFF800;
	s9 =	sshrl.u32 s12, $0x3;
	s12 =	rddreg [dreg:$0x1e]  }
0x188: {  	[hbm:s12], [sflag:s10] =	dma.local [spmem:s9], $0x800  }
0x189: {  	_ =	swait.ge [sflag:s23], $0x800  }
0x18a: {  	[sflag:s23] =	ssyncset.done $0x0;
	s12 =	rddreg [dreg:$0x1a]  }
0x18b: {  	[sflag:s23] =	ssyncadd.s32 $0xFFFFF800;
	s9 =	sshrl.u32 s12, $0x3;
	s12 =	rddreg [dreg:$0x1f]  }
0x18c: {  	[hbm:s12], [sflag:s10] =	dma.local [spmem:s9], $0x800  }
0x18d: {  	_ =	swait.ge [sflag:s23], $0x800  }
0x18e: {  	s12 =	rddreg [dreg:$0x1b]  }
0x18f: {  	s9 =	sshrl.u32 s12, $0x3;
	s12 =	sld [smem:$0x7FA]  }
0x190: {  	[sflag:s23] =	ssyncset.done $0x0  }
0x191: {  	[sflag:s23] =	ssyncadd.s32 $0xFFFFF800  }
0x192: {  	[hbm:s12], [sflag:s10] =	dma.local [spmem:s9], $0x800  }
0x193: {  	_ =	swait.ge [sflag:s23], $0x800  }
0x194: {  	s12 =	rddreg [dreg:$0x1c]  }
0x195: {  	s9 =	sshrl.u32 s12, $0x3;
	s12 =	sld [smem:$0x7FB]  }
0x196: {  	[sflag:s23] =	ssyncset.done $0x0  }
0x197: {  	[sflag:s23] =	ssyncadd.s32 $0xFFFFF800  }
0x198: {  	[hbm:s12], [sflag:s10] =	dma.local [spmem:s9], $0x800  }
0x199: {  	_ =	swait.ge [sflag:s23], $0x800  }
0x19a: {  	s12 =	sld [smem:$0x7FC];
	_ =	sdelay $0x1  }
0x19b: {  	s8 =	sadd.s32 $0x1, s8  }
0x19c: {  	p0 =	sne.s32 s8, s12  }
.Ltmp2:
0x19d: {  	_ = 	snop;
	(pc) =	sbr.rel @p0 .LBB2_1-.Ltmp2, $3  }
0x19e: {  	_ =	sdelay $0x1  }
0x19f: {  	[sflag:s23] =	ssyncset.done $0x0  }
0x1a0: {  	[sflag:s23] =	ssyncadd.s32 $0xFFFFF800  }
0x1a1: {  	_ =	sfence.sel $0x180000  }
0x1a2: {  	[bflag:$0x0] =	sbarrier.arrive $0xFFFF  }
0x1a3: {  	_ =	strace $0x90000047  }
0x1a4: {  	s0 =	stileid.u32;
	[bflag:$0x2] =	sbarrier.arrive $0xFFFF  }
0x1a5: {  	p0 =	sne.s32 s0, $0x0;
	s0 =	rddreg [dreg:$0x2]  }
0x1a6: {  	s0 =	sadd.s32 @!p0 $0x100000, s0  }
0x1a7: {  	[sflag:s0] =	ssyncadd.tile.s32 @!p0 $0x1;
	_ =	shalt  }
.Lfunc_end2:
_tile_overlayer_lowered:
.L_overlay_start_2:
0x1a8: {  	(tag) =	ssettag $0x2  }
0x1a9: {  	s0 =	rddreg [dreg:$0x0];
	s2 =	stileid.u32  }
0x1aa: {  	s1 =	rddreg [dreg:$0x1];
	p0 =	sne.s32 s2, $0x0  }
0x1ab: {  	s3 =	rddreg [dreg:$0x2];
	[bflag:$0x3] =	sbarrier.arrive $0xFFFF;
	s2 =	simm.s32 @!p0 $0x1C07  }
0x1ac: {  	[timem:s3], [sflag:s2] =	dma.local @!p0 [hbm:s0], s1  }
0x1ad: {  	s0 =	simm.s32 @!p0 $0x7  }
0x1ae: {  	_ =	swait.ge @!p0 [sflag:s0], s1  }
0x1af: {  	s1 =	ssub.s32 @!p0 $0x0, s1;
	[sflag:s0] =	ssyncset.done @!p0 $0x0  }
0x1b0: {  	[sflag:s0] =	ssyncadd.s32 @!p0 s1  }
0x1b1: {  	[bflag:$0x3] =	sbarrier.arrive $0xFFFF  }
0x1b2: {  	_ =	shalt  }

</sc_bundles>
